<compile_context>
chip_gen: v7x
topology: tpu7x:2x2x1
jax: 0.10.2.dev20260603
libtpu: 0.0.44.dev20260713+nightly
codegen_flags: <defaults>
</compile_context>

<pallas_src>
import functools

import jax
import jax.numpy as jnp
from jax import lax
from jax.experimental import pallas as pl
from jax.experimental.pallas import tpu as pltpu
from jax.experimental.pallas import tpu_sc as plsc

_B = 1024
_V = 100000
_R = 2048
_NR = (_V + _R - 1) // _R
_L = 16
_NB = _V // 8


def _sublane_sum(e):
    return jnp.sum(e.reshape(e.shape[0] // 8, 8, _B), axis=0)


def _stream_body(x_ref, acc_ref):
    j = pl.program_id(0)
    xb = x_ref[...]

    @pl.when(j == 0)
    def _init():
        acc_ref[...] = jnp.zeros_like(acc_ref)

    @pl.when(j < _NR - 1)
    def _full_block():
        acc_ref[...] += _sublane_sum(jnp.exp(xb))

    @pl.when(j == _NR - 1)
    def _last_block():
        riota = jax.lax.broadcasted_iota(jnp.int32, (_R, _B), 0)
        e = jnp.where(riota < _V - j * _R, jnp.exp(xb), 0.0)
        acc_ref[...] += _sublane_sum(e)


def _bcast_lane(vec, lane):
    dnums = lax.GatherDimensionNumbers(
        offset_dims=(), collapsed_slice_dims=(0,), start_index_map=(0,)
    )
    idx = jnp.full((_L, 1), lane, jnp.int32)
    return lax.gather(
        vec, idx, dnums, slice_sizes=(1,),
        mode=lax.GatherScatterMode.PROMISE_IN_BOUNDS,
    )


@functools.partial(
    pl.kernel,
    mesh=plsc.VectorSubcoreMesh(core_axis_name="c", subcore_axis_name="s"),
    out_type=jax.ShapeDtypeStruct((32, _L), jnp.float32),
    scratch_types=[
        pltpu.VMEM((32,), jnp.int32),
        pltpu.VMEM((32,), jnp.int32),
        pltpu.VMEM((8, 8, _B), jnp.float32),
        pltpu.VMEM((_L,), jnp.float32),
        pltpu.SemaphoreType.DMA,
    ],
)
def _sc_gather_sum(x3_hbm, t_hbm, out_hbm, tv, bv, buf, ov, sem):
    wid = lax.axis_index("s") * 2 + lax.axis_index("c")
    r0 = wid * 32

    pltpu.sync_copy(t_hbm.at[pl.ds(r0, 32)], tv)

    def mk_idx(k, carry):
        t16 = tv[pl.ds(k * _L, _L)]
        bv[pl.ds(k * _L, _L)] = lax.shift_right_logical(t16, 3)
        return carry

    lax.fori_loop(0, 2, mk_idx, 0)

    t_lo = tv[pl.ds(0, _L)]
    t_hi = tv[pl.ds(_L, _L)]
    iota = lax.iota(jnp.int32, _L)

    acc = jnp.zeros((_L,), jnp.float32)
    for c in range(4):
        pltpu.async_copy(x3_hbm.at[bv.at[pl.ds(c * 8, 8)]], buf, sem).wait()
        for r in range(8):
            gr = c * 8 + r
            i = r0 + gr
            c0 = (i // _L) * _L
            lane = i - c0
            tvec = _bcast_lane(t_lo if gr < _L else t_hi, gr % _L)
            smod = lax.bitwise_and(tvec, 7)
            key = smod * _L + iota
            for sub in range(8):
                v = buf[r, sub, pl.ds(c0, _L)]
                acc = acc + jnp.where(key == sub * _L + lane, v, 0.0)

    ov[...] = acc
    pltpu.sync_copy(ov, out_hbm.at[wid])


def _final_body(acc_ref, g_ref, out_ref):
    s = jnp.sum(acc_ref[...], axis=0, keepdims=True)
    total = jnp.sum(jnp.log(s), axis=1, keepdims=True)
    out_ref[...] = (total - jnp.sum(g_ref[...])) * (1.0 / _B)


def kernel(input, target):
    xt = input.T
    tgt = target.astype(jnp.int32)
    g = _sc_gather_sum(xt.reshape(_NB, 8, _B), tgt)
    acc = pl.pallas_call(
        _stream_body,
        grid=(_NR,),
        in_specs=[pl.BlockSpec((_R, _B), lambda j: (j, 0))],
        out_specs=pl.BlockSpec((8, _B), lambda j: (0, 0)),
        out_shape=jax.ShapeDtypeStruct((8, _B), jnp.float32),
        compiler_params=pltpu.CompilerParams(
            dimension_semantics=("arbitrary",),
        ),
    )(xt)
    out = pl.pallas_call(
        _final_body,
        out_shape=jax.ShapeDtypeStruct((1, 1), jnp.float32),
    )(acc, g.reshape(4, 128))
    return out[0, 0]

# --- scband reference (transcript-rebuilt; emitter-appended) ---
"""Pipeline reference for scband-ohemloss-48696339202079 (READ-ONLY COPY).

The authoritative reference and input builder live on the scoring server;
editing this copy changes nothing except your own understanding.
"""

import jax, jax.numpy as jnp
import numpy as np

B = 1024
V = 100000

def setup_inputs(seed: int = 0) -> dict:
    key = jax.random.key(seed)
    k1, k2 = jax.random.split(key)
    inp = jax.random.normal(k1, (B, V), dtype=jnp.float32)
    target = jax.random.randint(k2, (B,), 0, V, dtype=jnp.int64 if jax.config.jax_enable_x64 else jnp.int32)
    return {"input": inp, "target": target}

def reference(input, target):
    # OHEMLoss with loss=CrossEntropyLoss(reduction='none'); at init rate == 1.0,
    # so forward returns mean(value). The top-k OHEM branch (rate < 1 after step())
    # would be: rets = jax.lax.top_k(value, int(rate * B))[0]; mean(rets).
    logp = jax.nn.log_softmax(input, axis=-1)
    value = -jnp.take_along_axis(logp, target[:, None].astype(jnp.int32), axis=-1)[:, 0]
    rate = 1.0
    if rate == 1:
        return jnp.mean(value)
    else:
        k = int(rate * value.shape[0])
        rets, _ = jax.lax.top_k(value, k)
        return jnp.mean(rets)

if __name__ == "__main__":
    import jax
    _d = setup_inputs()
    print(jax.jit(kernel)(*tuple(_d.values())))

</pallas_src>

<mosaic_0001>
#map = affine_map<(d0, d1) -> (0, 0, 0)>
#map1 = affine_map<(d0, d1) -> (0)>
#map2 = affine_map<(d0, d1) -> (0, 0)>
module attributes {stable_mosaic.version = 14 : i64} {
  func.func @_sc_gather_sum(%arg0: i32, %arg1: i32, %arg2: memref<12500x8x1024xf32, #tpu.memory_space<hbm>>, %arg3: memref<1024xi32, #tpu.memory_space<hbm>>, %arg4: memref<32x16xf32, #tpu.memory_space<hbm>>, %arg5: memref<32xi32, #tpu.memory_space<vmem>>, %arg6: memref<32xi32, #tpu.memory_space<vmem>>, %arg7: memref<8x8x1024xf32, #tpu.memory_space<vmem>>, %arg8: memref<16xf32, #tpu.memory_space<vmem>>, %arg9: memref<!tpu.dma_semaphore, #tpu.memory_space<semaphore_mem>>) attributes {dimension_semantics = [#tpu.dimension_semantics<core_parallel>, #tpu.dimension_semantics<subcore_parallel>], iteration_bounds = array<i64: 2, 16>, scalar_prefetch = 0 : i64, scratch_operands = 5 : i64, tpu.core_type = #tpu.core_type<sc_vector_subcore>, window_params = [{transform_indices = #map}, {transform_indices = #map1}, {transform_indices = #map2}]} {
    %mul3A = arith.constant 2 : i32
    %mul3A_0 = arith.muli %arg1, %mul3A : i32
    %add3A = arith.addi %mul3A_0, %arg0 : i32
    %mul3A_1 = arith.constant 32 : i32
    %mul3A_2 = arith.muli %add3A, %mul3A_1 : i32
    "tpu.region"() ({
      %run_scoped3A = tpu.sem_alloc : memref<!tpu.dma_semaphore, #tpu.memory_space<semaphore_mem>>
      %dma_start3A_5173 = tpu.memref_slice %arg3[%mul3A_2] : memref<1024xi32, #tpu.memory_space<hbm>> -> memref<32xi32, #tpu.memory_space<hbm>>
      %dma_start3A_5174 = tpu.memref_slice %arg3[%mul3A_2] : memref<1024xi32, #tpu.memory_space<hbm>> -> memref<32xi32, #tpu.memory_space<hbm>>
      tpu.enqueue_dma source(%dma_start3A_5174 : memref<32xi32, #tpu.memory_space<hbm>>) target(%arg5 : memref<32xi32, #tpu.memory_space<vmem>>) target_semaphore(%run_scoped3A : memref<!tpu.dma_semaphore, #tpu.memory_space<semaphore_mem>>)
      %dma_wait3A_5175 = tpu.memref_slice %arg3[%mul3A_2] : memref<1024xi32, #tpu.memory_space<hbm>> -> memref<32xi32, #tpu.memory_space<hbm>>
      %dma_wait3A_5176 = tpu.memref_slice %arg3[%mul3A_2] : memref<1024xi32, #tpu.memory_space<hbm>> -> memref<32xi32, #tpu.memory_space<hbm>>
      tpu.wait_dma2 semaphore(%run_scoped3A : memref<!tpu.dma_semaphore, #tpu.memory_space<semaphore_mem>>) src(%dma_wait3A_5176 : memref<32xi32, #tpu.memory_space<hbm>>) dst(%arg5 : memref<32xi32, #tpu.memory_space<vmem>>)
      tpu.yield
    }) : () -> ()
    %scan3A = arith.constant 0 : i32
    %scan3A_3 = arith.constant 0 : i32
    %scan3A_4 = arith.constant 2 : i32
    %scan3A_5 = arith.addi %scan3A_3, %scan3A_4 : i32
    %scan3A_6 = arith.constant 1 : i32
    scf.for %scan3A_5173 = %scan3A_3 to %scan3A_5 step %scan3A_6  : i32 {
      %mul3A_5174 = arith.constant 16 : i32
      %mul3A_5175 = arith.muli %scan3A_5173, %mul3A_5174 : i32
      %get3A_5176 = arith.index_cast %mul3A_5175 : i32 to index
      %get3A_5177 = tpu.vector_load %arg5[%get3A_5176] {strides = array<i32>} : memref<32xi32, #tpu.memory_space<vmem>>, vector<16xi32>,
      %get3A_5178 = vector.shape_cast %get3A_5177 : vector<16xi32> to vector<16xi32>
      %shift_right_logical3A = arith.constant 3 : i32
      %shift_right_logical3A_5179 = vector.broadcast %shift_right_logical3A : i32 to vector<16xi32>
      %shift_right_logical3A_5180 = arith.shrui %get3A_5178, %shift_right_logical3A_5179 : vector<16xi32>
      %mul3A_5181 = arith.constant 16 : i32
      %mul3A_5182 = arith.muli %scan3A_5173, %mul3A_5181 : i32
      %swap3A_5183 = arith.index_cast %mul3A_5182 : i32 to index
      %swap3A_5184 = tpu.vector_load %arg6[%swap3A_5183] {strides = array<i32>} : memref<32xi32, #tpu.memory_space<vmem>>, vector<16xi32>,
      %swap3A_5185 = vector.shape_cast %swap3A_5184 : vector<16xi32> to vector<16xi32>
      %swap3A_5186 = vector.shape_cast %shift_right_logical3A_5180 : vector<16xi32> to vector<16xi32>
      tpu.vector_store %arg6[%swap3A_5183], %swap3A_5186 {strides = array<i32>} : memref<32xi32, #tpu.memory_space<vmem>>, vector<16xi32>,
    }
    %scan3A_7 = arith.constant 2 : i32
    %get3A = arith.constant 0 : index
    %get3A_8 = tpu.vector_load %arg5[%get3A] {strides = array<i32>} : memref<32xi32, #tpu.memory_space<vmem>>, vector<16xi32>,
    %get3A_9 = vector.shape_cast %get3A_8 : vector<16xi32> to vector<16xi32>
    %get3A_10 = arith.constant 16 : index
    %get3A_11 = tpu.vector_load %arg5[%get3A_10] {strides = array<i32>} : memref<32xi32, #tpu.memory_space<vmem>>, vector<16xi32>,
    %get3A_12 = vector.shape_cast %get3A_11 : vector<16xi32> to vector<16xi32>
    %iota3A = tpu.iota {dimensions = array<i32: 0>} : vector<16xi32>
    %broadcast_in_dim3A = arith.constant 0.000000e+00 : f32
    %broadcast_in_dim3A_13 = vector.broadcast %broadcast_in_dim3A : f32 to vector<16xf32>
    %dma_start3A = arith.constant 0 : i32
    %dma_start3A_14 = tpu.memref_slice %arg6[%dma_start3A] : memref<32xi32, #tpu.memory_space<vmem>> -> memref<8xi32, #tpu.memory_space<vmem>>
    %dma_start3A_15 = arith.constant 0 : i32
    %dma_start3A_16 = arith.constant 0 : i32
    %dma_start3A_17 = arith.constant 0 : i32
    %dma_start3A_18 = tpu.memref_slice %arg2[%dma_start3A_15, %dma_start3A_16, %dma_start3A_17] : memref<12500x8x1024xf32, #tpu.memory_space<hbm>> -> memref<12500x8x1024xf32, #tpu.memory_space<hbm>>
    tpu.enqueue_indirect_dma source(%dma_start3A_18 : memref<12500x8x1024xf32, #tpu.memory_space<hbm>>) target(%arg7 : memref<8x8x1024xf32, #tpu.memory_space<vmem>>) offsets(%dma_start3A_14 : memref<8xi32, #tpu.memory_space<vmem>>) semaphore(%arg9 : memref<!tpu.dma_semaphore, #tpu.memory_space<semaphore_mem>>)
    %dma_wait3A = arith.constant 0 : i32
    %dma_wait3A_19 = tpu.memref_slice %arg6[%dma_wait3A] : memref<32xi32, #tpu.memory_space<vmem>> -> memref<8xi32, #tpu.memory_space<vmem>>
    %dma_wait3A_20 = arith.constant 0 : i32
    %dma_wait3A_21 = arith.constant 0 : i32
    %dma_wait3A_22 = arith.constant 0 : i32
    %dma_wait3A_23 = tpu.memref_slice %arg2[%dma_wait3A_20, %dma_wait3A_21, %dma_wait3A_22] : memref<12500x8x1024xf32, #tpu.memory_space<hbm>> -> memref<12500x8x1024xf32, #tpu.memory_space<hbm>>
    tpu.wait_indirect_dma semaphore(%arg9 : memref<!tpu.dma_semaphore, #tpu.memory_space<semaphore_mem>>) src(%dma_wait3A_23 : memref<12500x8x1024xf32, #tpu.memory_space<hbm>>) dst(%arg7 : memref<8x8x1024xf32, #tpu.memory_space<vmem>>)
    %add3A_24 = arith.constant 0 : i32
    %add3A_25 = arith.addi %mul3A_2, %add3A_24 : i32
    %jit3A = arith.constant 16 : i32
    %div3A = arith.divsi %add3A_25, %jit3A : i32
    %sign3A = arith.constant 0 : i32
    %sign3A_26 = arith.cmpi sgt, %add3A_25, %sign3A : i32
    %sign3A_27 = arith.extui %sign3A_26 : i1 to i32
    %sign3A_28 = arith.constant 0 : i32
    %sign3A_29 = arith.cmpi slt, %add3A_25, %sign3A_28 : i32
    %sign3A_30 = arith.extui %sign3A_29 : i1 to i32
    %sign3A_31 = arith.subi %sign3A_27, %sign3A_30 : i32
    %sign3A_32 = arith.constant 0 : i32
    %sign3A_33 = arith.cmpi sgt, %jit3A, %sign3A_32 : i32
    %sign3A_34 = arith.extui %sign3A_33 : i1 to i32
    %sign3A_35 = arith.constant 0 : i32
    %sign3A_36 = arith.cmpi slt, %jit3A, %sign3A_35 : i32
    %sign3A_37 = arith.extui %sign3A_36 : i1 to i32
    %sign3A_38 = arith.subi %sign3A_34, %sign3A_37 : i32
    %ne3A = arith.cmpi ne, %sign3A_31, %sign3A_38 : i32
    %rem3A = arith.remsi %add3A_25, %jit3A : i32
    %ne3A_39 = arith.constant 0 : i32
    %ne3A_40 = arith.cmpi ne, %rem3A, %ne3A_39 : i32
    %and3A = arith.andi %ne3A, %ne3A_40 : i1
    %sub3A = arith.constant 1 : i32
    %sub3A_41 = arith.subi %div3A, %sub3A : i32
    %select_n3A = arith.select %and3A, %sub3A_41, %div3A : i32
    %mul3A_42 = arith.constant 16 : i32
    %mul3A_43 = arith.muli %select_n3A, %mul3A_42 : i32
    %sub3A_44 = arith.subi %add3A_25, %mul3A_43 : i32
    %broadcast_in_dim3A_45 = arith.constant 0 : i32
    %broadcast_in_dim3A_46 = vector.broadcast %broadcast_in_dim3A_45 : i32 to vector<16x1xi32>
    %gather3A = vector.shape_cast %broadcast_in_dim3A_46 : vector<16x1xi32> to vector<16xi32>
    %gather3A_47 = tpu.dynamic_gather %get3A_9[%gather3A] in [0] : vector<16xi32>, vector<16xi32> -> vector<16xi32>
    %and3A_48 = arith.constant 7 : i32
    %and3A_49 = vector.broadcast %and3A_48 : i32 to vector<16xi32>
    %and3A_50 = arith.andi %gather3A_47, %and3A_49 : vector<16xi32>
    %mul3A_51 = arith.constant 16 : i32
    %mul3A_52 = vector.broadcast %mul3A_51 : i32 to vector<16xi32>
    %mul3A_53 = arith.muli %and3A_50, %mul3A_52 : vector<16xi32>
    %add3A_54 = arith.addi %mul3A_53, %iota3A : vector<16xi32>
    %get3A_55 = arith.constant 0 : i32
    %get3A_56 = arith.constant 0 : i32
    %get3A_57 = arith.index_cast %get3A_55 : i32 to index
    %get3A_58 = arith.index_cast %get3A_56 : i32 to index
    %get3A_59 = arith.index_cast %mul3A_43 : i32 to index
    %get3A_60 = tpu.vector_load %arg7[%get3A_57, %get3A_58, %get3A_59] {strides = array<i32>} : memref<8x8x1024xf32, #tpu.memory_space<vmem>>, vector<1x1x16xf32>,
    %get3A_61 = vector.shape_cast %get3A_60 : vector<1x1x16xf32> to vector<16xf32>
    %add3A_62 = arith.constant 0 : i32
    %add3A_63 = arith.addi %add3A_62, %sub3A_44 : i32
    %eq3A = vector.broadcast %add3A_63 : i32 to vector<16xi32>
    %eq3A_64 = arith.cmpi eq, %add3A_54, %eq3A : vector<16xi32>
    %jit3A_65 = arith.constant 0.000000e+00 : f32
    %broadcast_in_dim3A_66 = vector.broadcast %jit3A_65 : f32 to vector<16xf32>
    %select_n3A_67 = arith.select %eq3A_64, %get3A_61, %broadcast_in_dim3A_66 : vector<16xi1>, vector<16xf32>
    %add3A_68 = arith.addf %broadcast_in_dim3A_13, %select_n3A_67 : vector<16xf32>
    %get3A_69 = arith.constant 0 : i32
    %get3A_70 = arith.constant 1 : i32
    %get3A_71 = arith.index_cast %get3A_69 : i32 to index
    %get3A_72 = arith.index_cast %get3A_70 : i32 to index
    %get3A_73 = arith.index_cast %mul3A_43 : i32 to index
    %get3A_74 = tpu.vector_load %arg7[%get3A_71, %get3A_72, %get3A_73] {strides = array<i32>} : memref<8x8x1024xf32, #tpu.memory_space<vmem>>, vector<1x1x16xf32>,
    %get3A_75 = vector.shape_cast %get3A_74 : vector<1x1x16xf32> to vector<16xf32>
    %add3A_76 = arith.constant 16 : i32
    %add3A_77 = arith.addi %add3A_76, %sub3A_44 : i32
    %eq3A_78 = vector.broadcast %add3A_77 : i32 to vector<16xi32>
    %eq3A_79 = arith.cmpi eq, %add3A_54, %eq3A_78 : vector<16xi32>
    %jit3A_80 = arith.constant 0.000000e+00 : f32
    %broadcast_in_dim3A_81 = vector.broadcast %jit3A_80 : f32 to vector<16xf32>
    %select_n3A_82 = arith.select %eq3A_79, %get3A_75, %broadcast_in_dim3A_81 : vector<16xi1>, vector<16xf32>
    %add3A_83 = arith.addf %add3A_68, %select_n3A_82 : vector<16xf32>
    %get3A_84 = arith.constant 0 : i32
    %get3A_85 = arith.constant 2 : i32
    %get3A_86 = arith.index_cast %get3A_84 : i32 to index
    %get3A_87 = arith.index_cast %get3A_85 : i32 to index
    %get3A_88 = arith.index_cast %mul3A_43 : i32 to index
    %get3A_89 = tpu.vector_load %arg7[%get3A_86, %get3A_87, %get3A_88] {strides = array<i32>} : memref<8x8x1024xf32, #tpu.memory_space<vmem>>, vector<1x1x16xf32>,
    %get3A_90 = vector.shape_cast %get3A_89 : vector<1x1x16xf32> to vector<16xf32>
    %add3A_91 = arith.constant 32 : i32
    %add3A_92 = arith.addi %add3A_91, %sub3A_44 : i32
    %eq3A_93 = vector.broadcast %add3A_92 : i32 to vector<16xi32>
    %eq3A_94 = arith.cmpi eq, %add3A_54, %eq3A_93 : vector<16xi32>
    %jit3A_95 = arith.constant 0.000000e+00 : f32
    %broadcast_in_dim3A_96 = vector.broadcast %jit3A_95 : f32 to vector<16xf32>
    %select_n3A_97 = arith.select %eq3A_94, %get3A_90, %broadcast_in_dim3A_96 : vector<16xi1>, vector<16xf32>
    %add3A_98 = arith.addf %add3A_83, %select_n3A_97 : vector<16xf32>
    %get3A_99 = arith.constant 0 : i32
    %get3A_100 = arith.constant 3 : i32
    %get3A_101 = arith.index_cast %get3A_99 : i32 to index
    %get3A_102 = arith.index_cast %get3A_100 : i32 to index
    %get3A_103 = arith.index_cast %mul3A_43 : i32 to index
    %get3A_104 = tpu.vector_load %arg7[%get3A_101, %get3A_102, %get3A_103] {strides = array<i32>} : memref<8x8x1024xf32, #tpu.memory_space<vmem>>, vector<1x1x16xf32>,
    %get3A_105 = vector.shape_cast %get3A_104 : vector<1x1x16xf32> to vector<16xf32>
    %add3A_106 = arith.constant 48 : i32
    %add3A_107 = arith.addi %add3A_106, %sub3A_44 : i32
    %eq3A_108 = vector.broadcast %add3A_107 : i32 to vector<16xi32>
    %eq3A_109 = arith.cmpi eq, %add3A_54, %eq3A_108 : vector<16xi32>
    %jit3A_110 = arith.constant 0.000000e+00 : f32
    %broadcast_in_dim3A_111 = vector.broadcast %jit3A_110 : f32 to vector<16xf32>
    %select_n3A_112 = arith.select %eq3A_109, %get3A_105, %broadcast_in_dim3A_111 : vector<16xi1>, vector<16xf32>
    %add3A_113 = arith.addf %add3A_98, %select_n3A_112 : vector<16xf32>
    %get3A_114 = arith.constant 0 : i32
    %get3A_115 = arith.constant 4 : i32
    %get3A_116 = arith.index_cast %get3A_114 : i32 to index
    %get3A_117 = arith.index_cast %get3A_115 : i32 to index
    %get3A_118 = arith.index_cast %mul3A_43 : i32 to index
    %get3A_119 = tpu.vector_load %arg7[%get3A_116, %get3A_117, %get3A_118] {strides = array<i32>} : memref<8x8x1024xf32, #tpu.memory_space<vmem>>, vector<1x1x16xf32>,
    %get3A_120 = vector.shape_cast %get3A_119 : vector<1x1x16xf32> to vector<16xf32>
    %add3A_121 = arith.constant 64 : i32
    %add3A_122 = arith.addi %add3A_121, %sub3A_44 : i32
    %eq3A_123 = vector.broadcast %add3A_122 : i32 to vector<16xi32>
    %eq3A_124 = arith.cmpi eq, %add3A_54, %eq3A_123 : vector<16xi32>
    %jit3A_125 = arith.constant 0.000000e+00 : f32
    %broadcast_in_dim3A_126 = vector.broadcast %jit3A_125 : f32 to vector<16xf32>
    %select_n3A_127 = arith.select %eq3A_124, %get3A_120, %broadcast_in_dim3A_126 : vector<16xi1>, vector<16xf32>
    %add3A_128 = arith.addf %add3A_113, %select_n3A_127 : vector<16xf32>
    %get3A_129 = arith.constant 0 : i32
    %get3A_130 = arith.constant 5 : i32
    %get3A_131 = arith.index_cast %get3A_129 : i32 to index
    %get3A_132 = arith.index_cast %get3A_130 : i32 to index
    %get3A_133 = arith.index_cast %mul3A_43 : i32 to index
    %get3A_134 = tpu.vector_load %arg7[%get3A_131, %get3A_132, %get3A_133] {strides = array<i32>} : memref<8x8x1024xf32, #tpu.memory_space<vmem>>, vector<1x1x16xf32>,
    %get3A_135 = vector.shape_cast %get3A_134 : vector<1x1x16xf32> to vector<16xf32>
    %add3A_136 = arith.constant 80 : i32
    %add3A_137 = arith.addi %add3A_136, %sub3A_44 : i32
    %eq3A_138 = vector.broadcast %add3A_137 : i32 to vector<16xi32>
    %eq3A_139 = arith.cmpi eq, %add3A_54, %eq3A_138 : vector<16xi32>
    %jit3A_140 = arith.constant 0.000000e+00 : f32
    %broadcast_in_dim3A_141 = vector.broadcast %jit3A_140 : f32 to vector<16xf32>
    %select_n3A_142 = arith.select %eq3A_139, %get3A_135, %broadcast_in_dim3A_141 : vector<16xi1>, vector<16xf32>
    %add3A_143 = arith.addf %add3A_128, %select_n3A_142 : vector<16xf32>
    %get3A_144 = arith.constant 0 : i32
    %get3A_145 = arith.constant 6 : i32
    %get3A_146 = arith.index_cast %get3A_144 : i32 to index
    %get3A_147 = arith.index_cast %get3A_145 : i32 to index
    %get3A_148 = arith.index_cast %mul3A_43 : i32 to index
    %get3A_149 = tpu.vector_load %arg7[%get3A_146, %get3A_147, %get3A_148] {strides = array<i32>} : memref<8x8x1024xf32, #tpu.memory_space<vmem>>, vector<1x1x16xf32>,
    %get3A_150 = vector.shape_cast %get3A_149 : vector<1x1x16xf32> to vector<16xf32>
    %add3A_151 = arith.constant 96 : i32
    %add3A_152 = arith.addi %add3A_151, %sub3A_44 : i32
    %eq3A_153 = vector.broadcast %add3A_152 : i32 to vector<16xi32>
    %eq3A_154 = arith.cmpi eq, %add3A_54, %eq3A_153 : vector<16xi32>
    %jit3A_155 = arith.constant 0.000000e+00 : f32
    %broadcast_in_dim3A_156 = vector.broadcast %jit3A_155 : f32 to vector<16xf32>
    %select_n3A_157 = arith.select %eq3A_154, %get3A_150, %broadcast_in_dim3A_156 : vector<16xi1>, vector<16xf32>
    %add3A_158 = arith.addf %add3A_143, %select_n3A_157 : vector<16xf32>
    %get3A_159 = arith.constant 0 : i32
    %get3A_160 = arith.constant 7 : i32
    %get3A_161 = arith.index_cast %get3A_159 : i32 to index
    %get3A_162 = arith.index_cast %get3A_160 : i32 to index
    %get3A_163 = arith.index_cast %mul3A_43 : i32 to index
    %get3A_164 = tpu.vector_load %arg7[%get3A_161, %get3A_162, %get3A_163] {strides = array<i32>} : memref<8x8x1024xf32, #tpu.memory_space<vmem>>, vector<1x1x16xf32>,
    %get3A_165 = vector.shape_cast %get3A_164 : vector<1x1x16xf32> to vector<16xf32>
    %add3A_166 = arith.constant 112 : i32
    %add3A_167 = arith.addi %add3A_166, %sub3A_44 : i32
    %eq3A_168 = vector.broadcast %add3A_167 : i32 to vector<16xi32>
    %eq3A_169 = arith.cmpi eq, %add3A_54, %eq3A_168 : vector<16xi32>
    %jit3A_170 = arith.constant 0.000000e+00 : f32
    %broadcast_in_dim3A_171 = vector.broadcast %jit3A_170 : f32 to vector<16xf32>
    %select_n3A_172 = arith.select %eq3A_169, %get3A_165, %broadcast_in_dim3A_171 : vector<16xi1>, vector<16xf32>
    %add3A_173 = arith.addf %add3A_158, %select_n3A_172 : vector<16xf32>
    %add3A_174 = arith.constant 1 : i32
    %add3A_175 = arith.addi %mul3A_2, %add3A_174 : i32
    %jit3A_176 = arith.constant 16 : i32
    %div3A_177 = arith.divsi %add3A_175, %jit3A_176 : i32
    %sign3A_178 = arith.constant 0 : i32
    %sign3A_179 = arith.cmpi sgt, %add3A_175, %sign3A_178 : i32
    %sign3A_180 = arith.extui %sign3A_179 : i1 to i32
    %sign3A_181 = arith.constant 0 : i32
    %sign3A_182 = arith.cmpi slt, %add3A_175, %sign3A_181 : i32
    %sign3A_183 = arith.extui %sign3A_182 : i1 to i32
    %sign3A_184 = arith.subi %sign3A_180, %sign3A_183 : i32
    %sign3A_185 = arith.constant 0 : i32
    %sign3A_186 = arith.cmpi sgt, %jit3A_176, %sign3A_185 : i32
    %sign3A_187 = arith.extui %sign3A_186 : i1 to i32
    %sign3A_188 = arith.constant 0 : i32
    %sign3A_189 = arith.cmpi slt, %jit3A_176, %sign3A_188 : i32
    %sign3A_190 = arith.extui %sign3A_189 : i1 to i32
    %sign3A_191 = arith.subi %sign3A_187, %sign3A_190 : i32
    %ne3A_192 = arith.cmpi ne, %sign3A_184, %sign3A_191 : i32
    %rem3A_193 = arith.remsi %add3A_175, %jit3A_176 : i32
    %ne3A_194 = arith.constant 0 : i32
    %ne3A_195 = arith.cmpi ne, %rem3A_193, %ne3A_194 : i32
    %and3A_196 = arith.andi %ne3A_192, %ne3A_195 : i1
    %sub3A_197 = arith.constant 1 : i32
    %sub3A_198 = arith.subi %div3A_177, %sub3A_197 : i32
    %select_n3A_199 = arith.select %and3A_196, %sub3A_198, %div3A_177 : i32
    %mul3A_200 = arith.constant 16 : i32
    %mul3A_201 = arith.muli %select_n3A_199, %mul3A_200 : i32
    %sub3A_202 = arith.subi %add3A_175, %mul3A_201 : i32
    %broadcast_in_dim3A_203 = arith.constant 1 : i32
    %broadcast_in_dim3A_204 = vector.broadcast %broadcast_in_dim3A_203 : i32 to vector<16x1xi32>
    %gather3A_205 = vector.shape_cast %broadcast_in_dim3A_204 : vector<16x1xi32> to vector<16xi32>
    %gather3A_206 = tpu.dynamic_gather %get3A_9[%gather3A_205] in [0] : vector<16xi32>, vector<16xi32> -> vector<16xi32>
    %and3A_207 = arith.constant 7 : i32
    %and3A_208 = vector.broadcast %and3A_207 : i32 to vector<16xi32>
    %and3A_209 = arith.andi %gather3A_206, %and3A_208 : vector<16xi32>
    %mul3A_210 = arith.constant 16 : i32
    %mul3A_211 = vector.broadcast %mul3A_210 : i32 to vector<16xi32>
    %mul3A_212 = arith.muli %and3A_209, %mul3A_211 : vector<16xi32>
    %add3A_213 = arith.addi %mul3A_212, %iota3A : vector<16xi32>
    %get3A_214 = arith.constant 1 : i32
    %get3A_215 = arith.constant 0 : i32
    %get3A_216 = arith.index_cast %get3A_214 : i32 to index
    %get3A_217 = arith.index_cast %get3A_215 : i32 to index
    %get3A_218 = arith.index_cast %mul3A_201 : i32 to index
    %get3A_219 = tpu.vector_load %arg7[%get3A_216, %get3A_217, %get3A_218] {strides = array<i32>} : memref<8x8x1024xf32, #tpu.memory_space<vmem>>, vector<1x1x16xf32>,
    %get3A_220 = vector.shape_cast %get3A_219 : vector<1x1x16xf32> to vector<16xf32>
    %add3A_221 = arith.constant 0 : i32
    %add3A_222 = arith.addi %add3A_221, %sub3A_202 : i32
    %eq3A_223 = vector.broadcast %add3A_222 : i32 to vector<16xi32>
    %eq3A_224 = arith.cmpi eq, %add3A_213, %eq3A_223 : vector<16xi32>
    %jit3A_225 = arith.constant 0.000000e+00 : f32
    %broadcast_in_dim3A_226 = vector.broadcast %jit3A_225 : f32 to vector<16xf32>
    %select_n3A_227 = arith.select %eq3A_224, %get3A_220, %broadcast_in_dim3A_226 : vector<16xi1>, vector<16xf32>
    %add3A_228 = arith.addf %add3A_173, %select_n3A_227 : vector<16xf32>
    %get3A_229 = arith.constant 1 : i32
    %get3A_230 = arith.constant 1 : i32
    %get3A_231 = arith.index_cast %get3A_229 : i32 to index
    %get3A_232 = arith.index_cast %get3A_230 : i32 to index
    %get3A_233 = arith.index_cast %mul3A_201 : i32 to index
    %get3A_234 = tpu.vector_load %arg7[%get3A_231, %get3A_232, %get3A_233] {strides = array<i32>} : memref<8x8x1024xf32, #tpu.memory_space<vmem>>, vector<1x1x16xf32>,
    %get3A_235 = vector.shape_cast %get3A_234 : vector<1x1x16xf32> to vector<16xf32>
    %add3A_236 = arith.constant 16 : i32
    %add3A_237 = arith.addi %add3A_236, %sub3A_202 : i32
    %eq3A_238 = vector.broadcast %add3A_237 : i32 to vector<16xi32>
    %eq3A_239 = arith.cmpi eq, %add3A_213, %eq3A_238 : vector<16xi32>
    %jit3A_240 = arith.constant 0.000000e+00 : f32
    %broadcast_in_dim3A_241 = vector.broadcast %jit3A_240 : f32 to vector<16xf32>
    %select_n3A_242 = arith.select %eq3A_239, %get3A_235, %broadcast_in_dim3A_241 : vector<16xi1>, vector<16xf32>
    %add3A_243 = arith.addf %add3A_228, %select_n3A_242 : vector<16xf32>
    %get3A_244 = arith.constant 1 : i32
    %get3A_245 = arith.constant 2 : i32
    %get3A_246 = arith.index_cast %get3A_244 : i32 to index
    %get3A_247 = arith.index_cast %get3A_245 : i32 to index
    %get3A_248 = arith.index_cast %mul3A_201 : i32 to index
    %get3A_249 = tpu.vector_load %arg7[%get3A_246, %get3A_247, %get3A_248] {strides = array<i32>} : memref<8x8x1024xf32, #tpu.memory_space<vmem>>, vector<1x1x16xf32>,
    %get3A_250 = vector.shape_cast %get3A_249 : vector<1x1x16xf32> to vector<16xf32>
    %add3A_251 = arith.constant 32 : i32
    %add3A_252 = arith.addi %add3A_251, %sub3A_202 : i32
    %eq3A_253 = vector.broadcast %add3A_252 : i32 to vector<16xi32>
    %eq3A_254 = arith.cmpi eq, %add3A_213, %eq3A_253 : vector<16xi32>
    %jit3A_255 = arith.constant 0.000000e+00 : f32
    %broadcast_in_dim3A_256 = vector.broadcast %jit3A_255 : f32 to vector<16xf32>
    %select_n3A_257 = arith.select %eq3A_254, %get3A_250, %broadcast_in_dim3A_256 : vector<16xi1>, vector<16xf32>
    %add3A_258 = arith.addf %add3A_243, %select_n3A_257 : vector<16xf32>
    %get3A_259 = arith.constant 1 : i32
    %get3A_260 = arith.constant 3 : i32
    %get3A_261 = arith.index_cast %get3A_259 : i32 to index
    %get3A_262 = arith.index_cast %get3A_260 : i32 to index
    %get3A_263 = arith.index_cast %mul3A_201 : i32 to index
    %get3A_264 = tpu.vector_load %arg7[%get3A_261, %get3A_262, %get3A_263] {strides = array<i32>} : memref<8x8x1024xf32, #tpu.memory_space<vmem>>, vector<1x1x16xf32>,
    %get3A_265 = vector.shape_cast %get3A_264 : vector<1x1x16xf32> to vector<16xf32>
    %add3A_266 = arith.constant 48 : i32
    %add3A_267 = arith.addi %add3A_266, %sub3A_202 : i32
    %eq3A_268 = vector.broadcast %add3A_267 : i32 to vector<16xi32>
    %eq3A_269 = arith.cmpi eq, %add3A_213, %eq3A_268 : vector<16xi32>
    %jit3A_270 = arith.constant 0.000000e+00 : f32
    %broadcast_in_dim3A_271 = vector.broadcast %jit3A_270 : f32 to vector<16xf32>
    %select_n3A_272 = arith.select %eq3A_269, %get3A_265, %broadcast_in_dim3A_271 : vector<16xi1>, vector<16xf32>
    %add3A_273 = arith.addf %add3A_258, %select_n3A_272 : vector<16xf32>
    %get3A_274 = arith.constant 1 : i32
    %get3A_275 = arith.constant 4 : i32
    %get3A_276 = arith.index_cast %get3A_274 : i32 to index
    %get3A_277 = arith.index_cast %get3A_275 : i32 to index
    %get3A_278 = arith.index_cast %mul3A_201 : i32 to index
    %get3A_279 = tpu.vector_load %arg7[%get3A_276, %get3A_277, %get3A_278] {strides = array<i32>} : memref<8x8x1024xf32, #tpu.memory_space<vmem>>, vector<1x1x16xf32>,
    %get3A_280 = vector.shape_cast %get3A_279 : vector<1x1x16xf32> to vector<16xf32>
    %add3A_281 = arith.constant 64 : i32
    %add3A_282 = arith.addi %add3A_281, %sub3A_202 : i32
    %eq3A_283 = vector.broadcast %add3A_282 : i32 to vector<16xi32>
    %eq3A_284 = arith.cmpi eq, %add3A_213, %eq3A_283 : vector<16xi32>
    %jit3A_285 = arith.constant 0.000000e+00 : f32
    %broadcast_in_dim3A_286 = vector.broadcast %jit3A_285 : f32 to vector<16xf32>
    %select_n3A_287 = arith.select %eq3A_284, %get3A_280, %broadcast_in_dim3A_286 : vector<16xi1>, vector<16xf32>
    %add3A_288 = arith.addf %add3A_273, %select_n3A_287 : vector<16xf32>
    %get3A_289 = arith.constant 1 : i32
    %get3A_290 = arith.constant 5 : i32
    %get3A_291 = arith.index_cast %get3A_289 : i32 to index
    %get3A_292 = arith.index_cast %get3A_290 : i32 to index
    %get3A_293 = arith.index_cast %mul3A_201 : i32 to index
    %get3A_294 = tpu.vector_load %arg7[%get3A_291, %get3A_292, %get3A_293] {strides = array<i32>} : memref<8x8x1024xf32, #tpu.memory_space<vmem>>, vector<1x1x16xf32>,
    %get3A_295 = vector.shape_cast %get3A_294 : vector<1x1x16xf32> to vector<16xf32>
    %add3A_296 = arith.constant 80 : i32
    %add3A_297 = arith.addi %add3A_296, %sub3A_202 : i32
    %eq3A_298 = vector.broadcast %add3A_297 : i32 to vector<16xi32>
    %eq3A_299 = arith.cmpi eq, %add3A_213, %eq3A_298 : vector<16xi32>
    %jit3A_300 = arith.constant 0.000000e+00 : f32
    %broadcast_in_dim3A_301 = vector.broadcast %jit3A_300 : f32 to vector<16xf32>
    %select_n3A_302 = arith.select %eq3A_299, %get3A_295, %broadcast_in_dim3A_301 : vector<16xi1>, vector<16xf32>
    %add3A_303 = arith.addf %add3A_288, %select_n3A_302 : vector<16xf32>
    %get3A_304 = arith.constant 1 : i32
    %get3A_305 = arith.constant 6 : i32
    %get3A_306 = arith.index_cast %get3A_304 : i32 to index
    %get3A_307 = arith.index_cast %get3A_305 : i32 to index
    %get3A_308 = arith.index_cast %mul3A_201 : i32 to index
    %get3A_309 = tpu.vector_load %arg7[%get3A_306, %get3A_307, %get3A_308] {strides = array<i32>} : memref<8x8x1024xf32, #tpu.memory_space<vmem>>, vector<1x1x16xf32>,
    %get3A_310 = vector.shape_cast %get3A_309 : vector<1x1x16xf32> to vector<16xf32>
    %add3A_311 = arith.constant 96 : i32
    %add3A_312 = arith.addi %add3A_311, %sub3A_202 : i32
    %eq3A_313 = vector.broadcast %add3A_312 : i32 to vector<16xi32>
    %eq3A_314 = arith.cmpi eq, %add3A_213, %eq3A_313 : vector<16xi32>
    %jit3A_315 = arith.constant 0.000000e+00 : f32
    %broadcast_in_dim3A_316 = vector.broadcast %jit3A_315 : f32 to vector<16xf32>
    %select_n3A_317 = arith.select %eq3A_314, %get3A_310, %broadcast_in_dim3A_316 : vector<16xi1>, vector<16xf32>
    %add3A_318 = arith.addf %add3A_303, %select_n3A_317 : vector<16xf32>
    %get3A_319 = arith.constant 1 : i32
    %get3A_320 = arith.constant 7 : i32
    %get3A_321 = arith.index_cast %get3A_319 : i32 to index
    %get3A_322 = arith.index_cast %get3A_320 : i32 to index
    %get3A_323 = arith.index_cast %mul3A_201 : i32 to index
    %get3A_324 = tpu.vector_load %arg7[%get3A_321, %get3A_322, %get3A_323] {strides = array<i32>} : memref<8x8x1024xf32, #tpu.memory_space<vmem>>, vector<1x1x16xf32>,
    %get3A_325 = vector.shape_cast %get3A_324 : vector<1x1x16xf32> to vector<16xf32>
    %add3A_326 = arith.constant 112 : i32
    %add3A_327 = arith.addi %add3A_326, %sub3A_202 : i32
    %eq3A_328 = vector.broadcast %add3A_327 : i32 to vector<16xi32>
    %eq3A_329 = arith.cmpi eq, %add3A_213, %eq3A_328 : vector<16xi32>
    %jit3A_330 = arith.constant 0.000000e+00 : f32
    %broadcast_in_dim3A_331 = vector.broadcast %jit3A_330 : f32 to vector<16xf32>
    %select_n3A_332 = arith.select %eq3A_329, %get3A_325, %broadcast_in_dim3A_331 : vector<16xi1>, vector<16xf32>
    %add3A_333 = arith.addf %add3A_318, %select_n3A_332 : vector<16xf32>
    %add3A_334 = arith.constant 2 : i32
    %add3A_335 = arith.addi %mul3A_2, %add3A_334 : i32
    %jit3A_336 = arith.constant 16 : i32
    %div3A_337 = arith.divsi %add3A_335, %jit3A_336 : i32
    %sign3A_338 = arith.constant 0 : i32
    %sign3A_339 = arith.cmpi sgt, %add3A_335, %sign3A_338 : i32
    %sign3A_340 = arith.extui %sign3A_339 : i1 to i32
    %sign3A_341 = arith.constant 0 : i32
    %sign3A_342 = arith.cmpi slt, %add3A_335, %sign3A_341 : i32
    %sign3A_343 = arith.extui %sign3A_342 : i1 to i32
    %sign3A_344 = arith.subi %sign3A_340, %sign3A_343 : i32
    %sign3A_345 = arith.constant 0 : i32
    %sign3A_346 = arith.cmpi sgt, %jit3A_336, %sign3A_345 : i32
    %sign3A_347 = arith.extui %sign3A_346 : i1 to i32
    %sign3A_348 = arith.constant 0 : i32
    %sign3A_349 = arith.cmpi slt, %jit3A_336, %sign3A_348 : i32
    %sign3A_350 = arith.extui %sign3A_349 : i1 to i32
    %sign3A_351 = arith.subi %sign3A_347, %sign3A_350 : i32
    %ne3A_352 = arith.cmpi ne, %sign3A_344, %sign3A_351 : i32
    %rem3A_353 = arith.remsi %add3A_335, %jit3A_336 : i32
    %ne3A_354 = arith.constant 0 : i32
    %ne3A_355 = arith.cmpi ne, %rem3A_353, %ne3A_354 : i32
    %and3A_356 = arith.andi %ne3A_352, %ne3A_355 : i1
    %sub3A_357 = arith.constant 1 : i32
    %sub3A_358 = arith.subi %div3A_337, %sub3A_357 : i32
    %select_n3A_359 = arith.select %and3A_356, %sub3A_358, %div3A_337 : i32
    %mul3A_360 = arith.constant 16 : i32
    %mul3A_361 = arith.muli %select_n3A_359, %mul3A_360 : i32
    %sub3A_362 = arith.subi %add3A_335, %mul3A_361 : i32
    %broadcast_in_dim3A_363 = arith.constant 2 : i32
    %broadcast_in_dim3A_364 = vector.broadcast %broadcast_in_dim3A_363 : i32 to vector<16x1xi32>
    %gather3A_365 = vector.shape_cast %broadcast_in_dim3A_364 : vector<16x1xi32> to vector<16xi32>
    %gather3A_366 = tpu.dynamic_gather %get3A_9[%gather3A_365] in [0] : vector<16xi32>, vector<16xi32> -> vector<16xi32>
    %and3A_367 = arith.constant 7 : i32
    %and3A_368 = vector.broadcast %and3A_367 : i32 to vector<16xi32>
    %and3A_369 = arith.andi %gather3A_366, %and3A_368 : vector<16xi32>
    %mul3A_370 = arith.constant 16 : i32
    %mul3A_371 = vector.broadcast %mul3A_370 : i32 to vector<16xi32>
    %mul3A_372 = arith.muli %and3A_369, %mul3A_371 : vector<16xi32>
    %add3A_373 = arith.addi %mul3A_372, %iota3A : vector<16xi32>
    %get3A_374 = arith.constant 2 : i32
    %get3A_375 = arith.constant 0 : i32
    %get3A_376 = arith.index_cast %get3A_374 : i32 to index
    %get3A_377 = arith.index_cast %get3A_375 : i32 to index
    %get3A_378 = arith.index_cast %mul3A_361 : i32 to index
    %get3A_379 = tpu.vector_load %arg7[%get3A_376, %get3A_377, %get3A_378] {strides = array<i32>} : memref<8x8x1024xf32, #tpu.memory_space<vmem>>, vector<1x1x16xf32>,
    %get3A_380 = vector.shape_cast %get3A_379 : vector<1x1x16xf32> to vector<16xf32>
    %add3A_381 = arith.constant 0 : i32
    %add3A_382 = arith.addi %add3A_381, %sub3A_362 : i32
    %eq3A_383 = vector.broadcast %add3A_382 : i32 to vector<16xi32>
    %eq3A_384 = arith.cmpi eq, %add3A_373, %eq3A_383 : vector<16xi32>
    %jit3A_385 = arith.constant 0.000000e+00 : f32
    %broadcast_in_dim3A_386 = vector.broadcast %jit3A_385 : f32 to vector<16xf32>
    %select_n3A_387 = arith.select %eq3A_384, %get3A_380, %broadcast_in_dim3A_386 : vector<16xi1>, vector<16xf32>
    %add3A_388 = arith.addf %add3A_333, %select_n3A_387 : vector<16xf32>
    %get3A_389 = arith.constant 2 : i32
    %get3A_390 = arith.constant 1 : i32
    %get3A_391 = arith.index_cast %get3A_389 : i32 to index
    %get3A_392 = arith.index_cast %get3A_390 : i32 to index
    %get3A_393 = arith.index_cast %mul3A_361 : i32 to index
    %get3A_394 = tpu.vector_load %arg7[%get3A_391, %get3A_392, %get3A_393] {strides = array<i32>} : memref<8x8x1024xf32, #tpu.memory_space<vmem>>, vector<1x1x16xf32>,
    %get3A_395 = vector.shape_cast %get3A_394 : vector<1x1x16xf32> to vector<16xf32>
    %add3A_396 = arith.constant 16 : i32
    %add3A_397 = arith.addi %add3A_396, %sub3A_362 : i32
    %eq3A_398 = vector.broadcast %add3A_397 : i32 to vector<16xi32>
    %eq3A_399 = arith.cmpi eq, %add3A_373, %eq3A_398 : vector<16xi32>
    %jit3A_400 = arith.constant 0.000000e+00 : f32
    %broadcast_in_dim3A_401 = vector.broadcast %jit3A_400 : f32 to vector<16xf32>
    %select_n3A_402 = arith.select %eq3A_399, %get3A_395, %broadcast_in_dim3A_401 : vector<16xi1>, vector<16xf32>
    %add3A_403 = arith.addf %add3A_388, %select_n3A_402 : vector<16xf32>
    %get3A_404 = arith.constant 2 : i32
    %get3A_405 = arith.constant 2 : i32
    %get3A_406 = arith.index_cast %get3A_404 : i32 to index
    %get3A_407 = arith.index_cast %get3A_405 : i32 to index
    %get3A_408 = arith.index_cast %mul3A_361 : i32 to index
    %get3A_409 = tpu.vector_load %arg7[%get3A_406, %get3A_407, %get3A_408] {strides = array<i32>} : memref<8x8x1024xf32, #tpu.memory_space<vmem>>, vector<1x1x16xf32>,
    %get3A_410 = vector.shape_cast %get3A_409 : vector<1x1x16xf32> to vector<16xf32>
    %add3A_411 = arith.constant 32 : i32
    %add3A_412 = arith.addi %add3A_411, %sub3A_362 : i32
    %eq3A_413 = vector.broadcast %add3A_412 : i32 to vector<16xi32>
    %eq3A_414 = arith.cmpi eq, %add3A_373, %eq3A_413 : vector<16xi32>
    %jit3A_415 = arith.constant 0.000000e+00 : f32
    %broadcast_in_dim3A_416 = vector.broadcast %jit3A_415 : f32 to vector<16xf32>
    %select_n3A_417 = arith.select %eq3A_414, %get3A_410, %broadcast_in_dim3A_416 : vector<16xi1>, vector<16xf32>
    %add3A_418 = arith.addf %add3A_403, %select_n3A_417 : vector<16xf32>
    %get3A_419 = arith.constant 2 : i32
    %get3A_420 = arith.constant 3 : i32
    %get3A_421 = arith.index_cast %get3A_419 : i32 to index
    %get3A_422 = arith.index_cast %get3A_420 : i32 to index
    %get3A_423 = arith.index_cast %mul3A_361 : i32 to index
    %get3A_424 = tpu.vector_load %arg7[%get3A_421, %get3A_422, %get3A_423] {strides = array<i32>} : memref<8x8x1024xf32, #tpu.memory_space<vmem>>, vector<1x1x16xf32>,
    %get3A_425 = vector.shape_cast %get3A_424 : vector<1x1x16xf32> to vector<16xf32>
    %add3A_426 = arith.constant 48 : i32
    %add3A_427 = arith.addi %add3A_426, %sub3A_362 : i32
    %eq3A_428 = vector.broadcast %add3A_427 : i32 to vector<16xi32>
    %eq3A_429 = arith.cmpi eq, %add3A_373, %eq3A_428 : vector<16xi32>
    %jit3A_430 = arith.constant 0.000000e+00 : f32
    %broadcast_in_dim3A_431 = vector.broadcast %jit3A_430 : f32 to vector<16xf32>
    %select_n3A_432 = arith.select %eq3A_429, %get3A_425, %broadcast_in_dim3A_431 : vector<16xi1>, vector<16xf32>
    %add3A_433 = arith.addf %add3A_418, %select_n3A_432 : vector<16xf32>
    %get3A_434 = arith.constant 2 : i32
    %get3A_435 = arith.constant 4 : i32
    %get3A_436 = arith.index_cast %get3A_434 : i32 to index
    %get3A_437 = arith.index_cast %get3A_435 : i32 to index
    %get3A_438 = arith.index_cast %mul3A_361 : i32 to index
    %get3A_439 = tpu.vector_load %arg7[%get3A_436, %get3A_437, %get3A_438] {strides = array<i32>} : memref<8x8x1024xf32, #tpu.memory_space<vmem>>, vector<1x1x16xf32>,
    %get3A_440 = vector.shape_cast %get3A_439 : vector<1x1x16xf32> to vector<16xf32>
    %add3A_441 = arith.constant 64 : i32
    %add3A_442 = arith.addi %add3A_441, %sub3A_362 : i32
    %eq3A_443 = vector.broadcast %add3A_442 : i32 to vector<16xi32>
    %eq3A_444 = arith.cmpi eq, %add3A_373, %eq3A_443 : vector<16xi32>
    %jit3A_445 = arith.constant 0.000000e+00 : f32
    %broadcast_in_dim3A_446 = vector.broadcast %jit3A_445 : f32 to vector<16xf32>
    %select_n3A_447 = arith.select %eq3A_444, %get3A_440, %broadcast_in_dim3A_446 : vector<16xi1>, vector<16xf32>
    %add3A_448 = arith.addf %add3A_433, %select_n3A_447 : vector<16xf32>
    %get3A_449 = arith.constant 2 : i32
    %get3A_450 = arith.constant 5 : i32
    %get3A_451 = arith.index_cast %get3A_449 : i32 to index
    %get3A_452 = arith.index_cast %get3A_450 : i32 to index
    %get3A_453 = arith.index_cast %mul3A_361 : i32 to index
    %get3A_454 = tpu.vector_load %arg7[%get3A_451, %get3A_452, %get3A_453] {strides = array<i32>} : memref<8x8x1024xf32, #tpu.memory_space<vmem>>, vector<1x1x16xf32>,
    %get3A_455 = vector.shape_cast %get3A_454 : vector<1x1x16xf32> to vector<16xf32>
    %add3A_456 = arith.constant 80 : i32
    %add3A_457 = arith.addi %add3A_456, %sub3A_362 : i32
    %eq3A_458 = vector.broadcast %add3A_457 : i32 to vector<16xi32>
    %eq3A_459 = arith.cmpi eq, %add3A_373, %eq3A_458 : vector<16xi32>
    %jit3A_460 = arith.constant 0.000000e+00 : f32
    %broadcast_in_dim3A_461 = vector.broadcast %jit3A_460 : f32 to vector<16xf32>
    %select_n3A_462 = arith.select %eq3A_459, %get3A_455, %broadcast_in_dim3A_461 : vector<16xi1>, vector<16xf32>
    %add3A_463 = arith.addf %add3A_448, %select_n3A_462 : vector<16xf32>
    %get3A_464 = arith.constant 2 : i32
    %get3A_465 = arith.constant 6 : i32
    %get3A_466 = arith.index_cast %get3A_464 : i32 to index
    %get3A_467 = arith.index_cast %get3A_465 : i32 to index
    %get3A_468 = arith.index_cast %mul3A_361 : i32 to index
    %get3A_469 = tpu.vector_load %arg7[%get3A_466, %get3A_467, %get3A_468] {strides = array<i32>} : memref<8x8x1024xf32, #tpu.memory_space<vmem>>, vector<1x1x16xf32>,
    %get3A_470 = vector.shape_cast %get3A_469 : vector<1x1x16xf32> to vector<16xf32>
    %add3A_471 = arith.constant 96 : i32
    %add3A_472 = arith.addi %add3A_471, %sub3A_362 : i32
    %eq3A_473 = vector.broadcast %add3A_472 : i32 to vector<16xi32>
    %eq3A_474 = arith.cmpi eq, %add3A_373, %eq3A_473 : vector<16xi32>
    %jit3A_475 = arith.constant 0.000000e+00 : f32
    %broadcast_in_dim3A_476 = vector.broadcast %jit3A_475 : f32 to vector<16xf32>
    %select_n3A_477 = arith.select %eq3A_474, %get3A_470, %broadcast_in_dim3A_476 : vector<16xi1>, vector<16xf32>
    %add3A_478 = arith.addf %add3A_463, %select_n3A_477 : vector<16xf32>
    %get3A_479 = arith.constant 2 : i32
    %get3A_480 = arith.constant 7 : i32
    %get3A_481 = arith.index_cast %get3A_479 : i32 to index
    %get3A_482 = arith.index_cast %get3A_480 : i32 to index
    %get3A_483 = arith.index_cast %mul3A_361 : i32 to index
    %get3A_484 = tpu.vector_load %arg7[%get3A_481, %get3A_482, %get3A_483] {strides = array<i32>} : memref<8x8x1024xf32, #tpu.memory_space<vmem>>, vector<1x1x16xf32>,
    %get3A_485 = vector.shape_cast %get3A_484 : vector<1x1x16xf32> to vector<16xf32>
    %add3A_486 = arith.constant 112 : i32
    %add3A_487 = arith.addi %add3A_486, %sub3A_362 : i32
    %eq3A_488 = vector.broadcast %add3A_487 : i32 to vector<16xi32>
    %eq3A_489 = arith.cmpi eq, %add3A_373, %eq3A_488 : vector<16xi32>
    %jit3A_490 = arith.constant 0.000000e+00 : f32
    %broadcast_in_dim3A_491 = vector.broadcast %jit3A_490 : f32 to vector<16xf32>
    %select_n3A_492 = arith.select %eq3A_489, %get3A_485, %broadcast_in_dim3A_491 : vector<16xi1>, vector<16xf32>
    %add3A_493 = arith.addf %add3A_478, %select_n3A_492 : vector<16xf32>
    %add3A_494 = arith.constant 3 : i32
    %add3A_495 = arith.addi %mul3A_2, %add3A_494 : i32
    %jit3A_496 = arith.constant 16 : i32
    %div3A_497 = arith.divsi %add3A_495, %jit3A_496 : i32
    %sign3A_498 = arith.constant 0 : i32
    %sign3A_499 = arith.cmpi sgt, %add3A_495, %sign3A_498 : i32
    %sign3A_500 = arith.extui %sign3A_499 : i1 to i32
    %sign3A_501 = arith.constant 0 : i32
    %sign3A_502 = arith.cmpi slt, %add3A_495, %sign3A_501 : i32
    %sign3A_503 = arith.extui %sign3A_502 : i1 to i32
    %sign3A_504 = arith.subi %sign3A_500, %sign3A_503 : i32
    %sign3A_505 = arith.constant 0 : i32
    %sign3A_506 = arith.cmpi sgt, %jit3A_496, %sign3A_505 : i32
    %sign3A_507 = arith.extui %sign3A_506 : i1 to i32
    %sign3A_508 = arith.constant 0 : i32
    %sign3A_509 = arith.cmpi slt, %jit3A_496, %sign3A_508 : i32
    %sign3A_510 = arith.extui %sign3A_509 : i1 to i32
    %sign3A_511 = arith.subi %sign3A_507, %sign3A_510 : i32
    %ne3A_512 = arith.cmpi ne, %sign3A_504, %sign3A_511 : i32
    %rem3A_513 = arith.remsi %add3A_495, %jit3A_496 : i32
    %ne3A_514 = arith.constant 0 : i32
    %ne3A_515 = arith.cmpi ne, %rem3A_513, %ne3A_514 : i32
    %and3A_516 = arith.andi %ne3A_512, %ne3A_515 : i1
    %sub3A_517 = arith.constant 1 : i32
    %sub3A_518 = arith.subi %div3A_497, %sub3A_517 : i32
    %select_n3A_519 = arith.select %and3A_516, %sub3A_518, %div3A_497 : i32
    %mul3A_520 = arith.constant 16 : i32
    %mul3A_521 = arith.muli %select_n3A_519, %mul3A_520 : i32
    %sub3A_522 = arith.subi %add3A_495, %mul3A_521 : i32
    %broadcast_in_dim3A_523 = arith.constant 3 : i32
    %broadcast_in_dim3A_524 = vector.broadcast %broadcast_in_dim3A_523 : i32 to vector<16x1xi32>
    %gather3A_525 = vector.shape_cast %broadcast_in_dim3A_524 : vector<16x1xi32> to vector<16xi32>
    %gather3A_526 = tpu.dynamic_gather %get3A_9[%gather3A_525] in [0] : vector<16xi32>, vector<16xi32> -> vector<16xi32>
    %and3A_527 = arith.constant 7 : i32
    %and3A_528 = vector.broadcast %and3A_527 : i32 to vector<16xi32>
    %and3A_529 = arith.andi %gather3A_526, %and3A_528 : vector<16xi32>
    %mul3A_530 = arith.constant 16 : i32
    %mul3A_531 = vector.broadcast %mul3A_530 : i32 to vector<16xi32>
    %mul3A_532 = arith.muli %and3A_529, %mul3A_531 : vector<16xi32>
    %add3A_533 = arith.addi %mul3A_532, %iota3A : vector<16xi32>
    %get3A_534 = arith.constant 3 : i32
    %get3A_535 = arith.constant 0 : i32
    %get3A_536 = arith.index_cast %get3A_534 : i32 to index
    %get3A_537 = arith.index_cast %get3A_535 : i32 to index
    %get3A_538 = arith.index_cast %mul3A_521 : i32 to index
    %get3A_539 = tpu.vector_load %arg7[%get3A_536, %get3A_537, %get3A_538] {strides = array<i32>} : memref<8x8x1024xf32, #tpu.memory_space<vmem>>, vector<1x1x16xf32>,
    %get3A_540 = vector.shape_cast %get3A_539 : vector<1x1x16xf32> to vector<16xf32>
    %add3A_541 = arith.constant 0 : i32
    %add3A_542 = arith.addi %add3A_541, %sub3A_522 : i32
    %eq3A_543 = vector.broadcast %add3A_542 : i32 to vector<16xi32>
    %eq3A_544 = arith.cmpi eq, %add3A_533, %eq3A_543 : vector<16xi32>
    %jit3A_545 = arith.constant 0.000000e+00 : f32
    %broadcast_in_dim3A_546 = vector.broadcast %jit3A_545 : f32 to vector<16xf32>
    %select_n3A_547 = arith.select %eq3A_544, %get3A_540, %broadcast_in_dim3A_546 : vector<16xi1>, vector<16xf32>
    %add3A_548 = arith.addf %add3A_493, %select_n3A_547 : vector<16xf32>
    %get3A_549 = arith.constant 3 : i32
    %get3A_550 = arith.constant 1 : i32
    %get3A_551 = arith.index_cast %get3A_549 : i32 to index
    %get3A_552 = arith.index_cast %get3A_550 : i32 to index
    %get3A_553 = arith.index_cast %mul3A_521 : i32 to index
    %get3A_554 = tpu.vector_load %arg7[%get3A_551, %get3A_552, %get3A_553] {strides = array<i32>} : memref<8x8x1024xf32, #tpu.memory_space<vmem>>, vector<1x1x16xf32>,
    %get3A_555 = vector.shape_cast %get3A_554 : vector<1x1x16xf32> to vector<16xf32>
    %add3A_556 = arith.constant 16 : i32
    %add3A_557 = arith.addi %add3A_556, %sub3A_522 : i32
    %eq3A_558 = vector.broadcast %add3A_557 : i32 to vector<16xi32>
    %eq3A_559 = arith.cmpi eq, %add3A_533, %eq3A_558 : vector<16xi32>
    %jit3A_560 = arith.constant 0.000000e+00 : f32
    %broadcast_in_dim3A_561 = vector.broadcast %jit3A_560 : f32 to vector<16xf32>
    %select_n3A_562 = arith.select %eq3A_559, %get3A_555, %broadcast_in_dim3A_561 : vector<16xi1>, vector<16xf32>
    %add3A_563 = arith.addf %add3A_548, %select_n3A_562 : vector<16xf32>
    %get3A_564 = arith.constant 3 : i32
    %get3A_565 = arith.constant 2 : i32
    %get3A_566 = arith.index_cast %get3A_564 : i32 to index
    %get3A_567 = arith.index_cast %get3A_565 : i32 to index
    %get3A_568 = arith.index_cast %mul3A_521 : i32 to index
    %get3A_569 = tpu.vector_load %arg7[%get3A_566, %get3A_567, %get3A_568] {strides = array<i32>} : memref<8x8x1024xf32, #tpu.memory_space<vmem>>, vector<1x1x16xf32>,
    %get3A_570 = vector.shape_cast %get3A_569 : vector<1x1x16xf32> to vector<16xf32>
    %add3A_571 = arith.constant 32 : i32
    %add3A_572 = arith.addi %add3A_571, %sub3A_522 : i32
    %eq3A_573 = vector.broadcast %add3A_572 : i32 to vector<16xi32>
    %eq3A_574 = arith.cmpi eq, %add3A_533, %eq3A_573 : vector<16xi32>
    %jit3A_575 = arith.constant 0.000000e+00 : f32
    %broadcast_in_dim3A_576 = vector.broadcast %jit3A_575 : f32 to vector<16xf32>
    %select_n3A_577 = arith.select %eq3A_574, %get3A_570, %broadcast_in_dim3A_576 : vector<16xi1>, vector<16xf32>
    %add3A_578 = arith.addf %add3A_563, %select_n3A_577 : vector<16xf32>
    %get3A_579 = arith.constant 3 : i32
    %get3A_580 = arith.constant 3 : i32
    %get3A_581 = arith.index_cast %get3A_579 : i32 to index
    %get3A_582 = arith.index_cast %get3A_580 : i32 to index
    %get3A_583 = arith.index_cast %mul3A_521 : i32 to index
    %get3A_584 = tpu.vector_load %arg7[%get3A_581, %get3A_582, %get3A_583] {strides = array<i32>} : memref<8x8x1024xf32, #tpu.memory_space<vmem>>, vector<1x1x16xf32>,
    %get3A_585 = vector.shape_cast %get3A_584 : vector<1x1x16xf32> to vector<16xf32>
    %add3A_586 = arith.constant 48 : i32
    %add3A_587 = arith.addi %add3A_586, %sub3A_522 : i32
    %eq3A_588 = vector.broadcast %add3A_587 : i32 to vector<16xi32>
    %eq3A_589 = arith.cmpi eq, %add3A_533, %eq3A_588 : vector<16xi32>
    %jit3A_590 = arith.constant 0.000000e+00 : f32
    %broadcast_in_dim3A_591 = vector.broadcast %jit3A_590 : f32 to vector<16xf32>
    %select_n3A_592 = arith.select %eq3A_589, %get3A_585, %broadcast_in_dim3A_591 : vector<16xi1>, vector<16xf32>
    %add3A_593 = arith.addf %add3A_578, %select_n3A_592 : vector<16xf32>
    %get3A_594 = arith.constant 3 : i32
    %get3A_595 = arith.constant 4 : i32
    %get3A_596 = arith.index_cast %get3A_594 : i32 to index
    %get3A_597 = arith.index_cast %get3A_595 : i32 to index
    %get3A_598 = arith.index_cast %mul3A_521 : i32 to index
    %get3A_599 = tpu.vector_load %arg7[%get3A_596, %get3A_597, %get3A_598] {strides = array<i32>} : memref<8x8x1024xf32, #tpu.memory_space<vmem>>, vector<1x1x16xf32>,
    %get3A_600 = vector.shape_cast %get3A_599 : vector<1x1x16xf32> to vector<16xf32>
    %add3A_601 = arith.constant 64 : i32
    %add3A_602 = arith.addi %add3A_601, %sub3A_522 : i32
    %eq3A_603 = vector.broadcast %add3A_602 : i32 to vector<16xi32>
    %eq3A_604 = arith.cmpi eq, %add3A_533, %eq3A_603 : vector<16xi32>
    %jit3A_605 = arith.constant 0.000000e+00 : f32
    %broadcast_in_dim3A_606 = vector.broadcast %jit3A_605 : f32 to vector<16xf32>
    %select_n3A_607 = arith.select %eq3A_604, %get3A_600, %broadcast_in_dim3A_606 : vector<16xi1>, vector<16xf32>
    %add3A_608 = arith.addf %add3A_593, %select_n3A_607 : vector<16xf32>
    %get3A_609 = arith.constant 3 : i32
    %get3A_610 = arith.constant 5 : i32
    %get3A_611 = arith.index_cast %get3A_609 : i32 to index
    %get3A_612 = arith.index_cast %get3A_610 : i32 to index
    %get3A_613 = arith.index_cast %mul3A_521 : i32 to index
    %get3A_614 = tpu.vector_load %arg7[%get3A_611, %get3A_612, %get3A_613] {strides = array<i32>} : memref<8x8x1024xf32, #tpu.memory_space<vmem>>, vector<1x1x16xf32>,
    %get3A_615 = vector.shape_cast %get3A_614 : vector<1x1x16xf32> to vector<16xf32>
    %add3A_616 = arith.constant 80 : i32
    %add3A_617 = arith.addi %add3A_616, %sub3A_522 : i32
    %eq3A_618 = vector.broadcast %add3A_617 : i32 to vector<16xi32>
    %eq3A_619 = arith.cmpi eq, %add3A_533, %eq3A_618 : vector<16xi32>
    %jit3A_620 = arith.constant 0.000000e+00 : f32
    %broadcast_in_dim3A_621 = vector.broadcast %jit3A_620 : f32 to vector<16xf32>
    %select_n3A_622 = arith.select %eq3A_619, %get3A_615, %broadcast_in_dim3A_621 : vector<16xi1>, vector<16xf32>
    %add3A_623 = arith.addf %add3A_608, %select_n3A_622 : vector<16xf32>
    %get3A_624 = arith.constant 3 : i32
    %get3A_625 = arith.constant 6 : i32
    %get3A_626 = arith.index_cast %get3A_624 : i32 to index
    %get3A_627 = arith.index_cast %get3A_625 : i32 to index
    %get3A_628 = arith.index_cast %mul3A_521 : i32 to index
    %get3A_629 = tpu.vector_load %arg7[%get3A_626, %get3A_627, %get3A_628] {strides = array<i32>} : memref<8x8x1024xf32, #tpu.memory_space<vmem>>, vector<1x1x16xf32>,
    %get3A_630 = vector.shape_cast %get3A_629 : vector<1x1x16xf32> to vector<16xf32>
    %add3A_631 = arith.constant 96 : i32
    %add3A_632 = arith.addi %add3A_631, %sub3A_522 : i32
    %eq3A_633 = vector.broadcast %add3A_632 : i32 to vector<16xi32>
    %eq3A_634 = arith.cmpi eq, %add3A_533, %eq3A_633 : vector<16xi32>
    %jit3A_635 = arith.constant 0.000000e+00 : f32
    %broadcast_in_dim3A_636 = vector.broadcast %jit3A_635 : f32 to vector<16xf32>
    %select_n3A_637 = arith.select %eq3A_634, %get3A_630, %broadcast_in_dim3A_636 : vector<16xi1>, vector<16xf32>
    %add3A_638 = arith.addf %add3A_623, %select_n3A_637 : vector<16xf32>
    %get3A_639 = arith.constant 3 : i32
    %get3A_640 = arith.constant 7 : i32
    %get3A_641 = arith.index_cast %get3A_639 : i32 to index
    %get3A_642 = arith.index_cast %get3A_640 : i32 to index
    %get3A_643 = arith.index_cast %mul3A_521 : i32 to index
    %get3A_644 = tpu.vector_load %arg7[%get3A_641, %get3A_642, %get3A_643] {strides = array<i32>} : memref<8x8x1024xf32, #tpu.memory_space<vmem>>, vector<1x1x16xf32>,
    %get3A_645 = vector.shape_cast %get3A_644 : vector<1x1x16xf32> to vector<16xf32>
    %add3A_646 = arith.constant 112 : i32
    %add3A_647 = arith.addi %add3A_646, %sub3A_522 : i32
    %eq3A_648 = vector.broadcast %add3A_647 : i32 to vector<16xi32>
    %eq3A_649 = arith.cmpi eq, %add3A_533, %eq3A_648 : vector<16xi32>
    %jit3A_650 = arith.constant 0.000000e+00 : f32
    %broadcast_in_dim3A_651 = vector.broadcast %jit3A_650 : f32 to vector<16xf32>
    %select_n3A_652 = arith.select %eq3A_649, %get3A_645, %broadcast_in_dim3A_651 : vector<16xi1>, vector<16xf32>
    %add3A_653 = arith.addf %add3A_638, %select_n3A_652 : vector<16xf32>
    %add3A_654 = arith.constant 4 : i32
    %add3A_655 = arith.addi %mul3A_2, %add3A_654 : i32
    %jit3A_656 = arith.constant 16 : i32
    %div3A_657 = arith.divsi %add3A_655, %jit3A_656 : i32
    %sign3A_658 = arith.constant 0 : i32
    %sign3A_659 = arith.cmpi sgt, %add3A_655, %sign3A_658 : i32
    %sign3A_660 = arith.extui %sign3A_659 : i1 to i32
    %sign3A_661 = arith.constant 0 : i32
    %sign3A_662 = arith.cmpi slt, %add3A_655, %sign3A_661 : i32
    %sign3A_663 = arith.extui %sign3A_662 : i1 to i32
    %sign3A_664 = arith.subi %sign3A_660, %sign3A_663 : i32
    %sign3A_665 = arith.constant 0 : i32
    %sign3A_666 = arith.cmpi sgt, %jit3A_656, %sign3A_665 : i32
    %sign3A_667 = arith.extui %sign3A_666 : i1 to i32
    %sign3A_668 = arith.constant 0 : i32
    %sign3A_669 = arith.cmpi slt, %jit3A_656, %sign3A_668 : i32
    %sign3A_670 = arith.extui %sign3A_669 : i1 to i32
    %sign3A_671 = arith.subi %sign3A_667, %sign3A_670 : i32
    %ne3A_672 = arith.cmpi ne, %sign3A_664, %sign3A_671 : i32
    %rem3A_673 = arith.remsi %add3A_655, %jit3A_656 : i32
    %ne3A_674 = arith.constant 0 : i32
    %ne3A_675 = arith.cmpi ne, %rem3A_673, %ne3A_674 : i32
    %and3A_676 = arith.andi %ne3A_672, %ne3A_675 : i1
    %sub3A_677 = arith.constant 1 : i32
    %sub3A_678 = arith.subi %div3A_657, %sub3A_677 : i32
    %select_n3A_679 = arith.select %and3A_676, %sub3A_678, %div3A_657 : i32
    %mul3A_680 = arith.constant 16 : i32
    %mul3A_681 = arith.muli %select_n3A_679, %mul3A_680 : i32
    %sub3A_682 = arith.subi %add3A_655, %mul3A_681 : i32
    %broadcast_in_dim3A_683 = arith.constant 4 : i32
    %broadcast_in_dim3A_684 = vector.broadcast %broadcast_in_dim3A_683 : i32 to vector<16x1xi32>
    %gather3A_685 = vector.shape_cast %broadcast_in_dim3A_684 : vector<16x1xi32> to vector<16xi32>
    %gather3A_686 = tpu.dynamic_gather %get3A_9[%gather3A_685] in [0] : vector<16xi32>, vector<16xi32> -> vector<16xi32>
    %and3A_687 = arith.constant 7 : i32
    %and3A_688 = vector.broadcast %and3A_687 : i32 to vector<16xi32>
    %and3A_689 = arith.andi %gather3A_686, %and3A_688 : vector<16xi32>
    %mul3A_690 = arith.constant 16 : i32
    %mul3A_691 = vector.broadcast %mul3A_690 : i32 to vector<16xi32>
    %mul3A_692 = arith.muli %and3A_689, %mul3A_691 : vector<16xi32>
    %add3A_693 = arith.addi %mul3A_692, %iota3A : vector<16xi32>
    %get3A_694 = arith.constant 4 : i32
    %get3A_695 = arith.constant 0 : i32
    %get3A_696 = arith.index_cast %get3A_694 : i32 to index
    %get3A_697 = arith.index_cast %get3A_695 : i32 to index
    %get3A_698 = arith.index_cast %mul3A_681 : i32 to index
    %get3A_699 = tpu.vector_load %arg7[%get3A_696, %get3A_697, %get3A_698] {strides = array<i32>} : memref<8x8x1024xf32, #tpu.memory_space<vmem>>, vector<1x1x16xf32>,
    %get3A_700 = vector.shape_cast %get3A_699 : vector<1x1x16xf32> to vector<16xf32>
    %add3A_701 = arith.constant 0 : i32
    %add3A_702 = arith.addi %add3A_701, %sub3A_682 : i32
    %eq3A_703 = vector.broadcast %add3A_702 : i32 to vector<16xi32>
    %eq3A_704 = arith.cmpi eq, %add3A_693, %eq3A_703 : vector<16xi32>
    %jit3A_705 = arith.constant 0.000000e+00 : f32
    %broadcast_in_dim3A_706 = vector.broadcast %jit3A_705 : f32 to vector<16xf32>
    %select_n3A_707 = arith.select %eq3A_704, %get3A_700, %broadcast_in_dim3A_706 : vector<16xi1>, vector<16xf32>
    %add3A_708 = arith.addf %add3A_653, %select_n3A_707 : vector<16xf32>
    %get3A_709 = arith.constant 4 : i32
    %get3A_710 = arith.constant 1 : i32
    %get3A_711 = arith.index_cast %get3A_709 : i32 to index
    %get3A_712 = arith.index_cast %get3A_710 : i32 to index
    %get3A_713 = arith.index_cast %mul3A_681 : i32 to index
    %get3A_714 = tpu.vector_load %arg7[%get3A_711, %get3A_712, %get3A_713] {strides = array<i32>} : memref<8x8x1024xf32, #tpu.memory_space<vmem>>, vector<1x1x16xf32>,
    %get3A_715 = vector.shape_cast %get3A_714 : vector<1x1x16xf32> to vector<16xf32>
    %add3A_716 = arith.constant 16 : i32
    %add3A_717 = arith.addi %add3A_716, %sub3A_682 : i32
    %eq3A_718 = vector.broadcast %add3A_717 : i32 to vector<16xi32>
    %eq3A_719 = arith.cmpi eq, %add3A_693, %eq3A_718 : vector<16xi32>
    %jit3A_720 = arith.constant 0.000000e+00 : f32
    %broadcast_in_dim3A_721 = vector.broadcast %jit3A_720 : f32 to vector<16xf32>
    %select_n3A_722 = arith.select %eq3A_719, %get3A_715, %broadcast_in_dim3A_721 : vector<16xi1>, vector<16xf32>
    %add3A_723 = arith.addf %add3A_708, %select_n3A_722 : vector<16xf32>
    %get3A_724 = arith.constant 4 : i32
    %get3A_725 = arith.constant 2 : i32
    %get3A_726 = arith.index_cast %get3A_724 : i32 to index
    %get3A_727 = arith.index_cast %get3A_725 : i32 to index
    %get3A_728 = arith.index_cast %mul3A_681 : i32 to index
    %get3A_729 = tpu.vector_load %arg7[%get3A_726, %get3A_727, %get3A_728] {strides = array<i32>} : memref<8x8x1024xf32, #tpu.memory_space<vmem>>, vector<1x1x16xf32>,
    %get3A_730 = vector.shape_cast %get3A_729 : vector<1x1x16xf32> to vector<16xf32>
    %add3A_731 = arith.constant 32 : i32
    %add3A_732 = arith.addi %add3A_731, %sub3A_682 : i32
    %eq3A_733 = vector.broadcast %add3A_732 : i32 to vector<16xi32>
    %eq3A_734 = arith.cmpi eq, %add3A_693, %eq3A_733 : vector<16xi32>
    %jit3A_735 = arith.constant 0.000000e+00 : f32
    %broadcast_in_dim3A_736 = vector.broadcast %jit3A_735 : f32 to vector<16xf32>
    %select_n3A_737 = arith.select %eq3A_734, %get3A_730, %broadcast_in_dim3A_736 : vector<16xi1>, vector<16xf32>
    %add3A_738 = arith.addf %add3A_723, %select_n3A_737 : vector<16xf32>
    %get3A_739 = arith.constant 4 : i32
    %get3A_740 = arith.constant 3 : i32
    %get3A_741 = arith.index_cast %get3A_739 : i32 to index
    %get3A_742 = arith.index_cast %get3A_740 : i32 to index
    %get3A_743 = arith.index_cast %mul3A_681 : i32 to index
    %get3A_744 = tpu.vector_load %arg7[%get3A_741, %get3A_742, %get3A_743] {strides = array<i32>} : memref<8x8x1024xf32, #tpu.memory_space<vmem>>, vector<1x1x16xf32>,
    %get3A_745 = vector.shape_cast %get3A_744 : vector<1x1x16xf32> to vector<16xf32>
    %add3A_746 = arith.constant 48 : i32
    %add3A_747 = arith.addi %add3A_746, %sub3A_682 : i32
    %eq3A_748 = vector.broadcast %add3A_747 : i32 to vector<16xi32>
    %eq3A_749 = arith.cmpi eq, %add3A_693, %eq3A_748 : vector<16xi32>
    %jit3A_750 = arith.constant 0.000000e+00 : f32
    %broadcast_in_dim3A_751 = vector.broadcast %jit3A_750 : f32 to vector<16xf32>
    %select_n3A_752 = arith.select %eq3A_749, %get3A_745, %broadcast_in_dim3A_751 : vector<16xi1>, vector<16xf32>
    %add3A_753 = arith.addf %add3A_738, %select_n3A_752 : vector<16xf32>
    %get3A_754 = arith.constant 4 : i32
    %get3A_755 = arith.constant 4 : i32
    %get3A_756 = arith.index_cast %get3A_754 : i32 to index
    %get3A_757 = arith.index_cast %get3A_755 : i32 to index
    %get3A_758 = arith.index_cast %mul3A_681 : i32 to index
    %get3A_759 = tpu.vector_load %arg7[%get3A_756, %get3A_757, %get3A_758] {strides = array<i32>} : memref<8x8x1024xf32, #tpu.memory_space<vmem>>, vector<1x1x16xf32>,
    %get3A_760 = vector.shape_cast %get3A_759 : vector<1x1x16xf32> to vector<16xf32>
    %add3A_761 = arith.constant 64 : i32
    %add3A_762 = arith.addi %add3A_761, %sub3A_682 : i32
    %eq3A_763 = vector.broadcast %add3A_762 : i32 to vector<16xi32>
    %eq3A_764 = arith.cmpi eq, %add3A_693, %eq3A_763 : vector<16xi32>
    %jit3A_765 = arith.constant 0.000000e+00 : f32
    %broadcast_in_dim3A_766 = vector.broadcast %jit3A_765 : f32 to vector<16xf32>
    %select_n3A_767 = arith.select %eq3A_764, %get3A_760, %broadcast_in_dim3A_766 : vector<16xi1>, vector<16xf32>
    %add3A_768 = arith.addf %add3A_753, %select_n3A_767 : vector<16xf32>
    %get3A_769 = arith.constant 4 : i32
    %get3A_770 = arith.constant 5 : i32
    %get3A_771 = arith.index_cast %get3A_769 : i32 to index
    %get3A_772 = arith.index_cast %get3A_770 : i32 to index
    %get3A_773 = arith.index_cast %mul3A_681 : i32 to index
    %get3A_774 = tpu.vector_load %arg7[%get3A_771, %get3A_772, %get3A_773] {strides = array<i32>} : memref<8x8x1024xf32, #tpu.memory_space<vmem>>, vector<1x1x16xf32>,
    %get3A_775 = vector.shape_cast %get3A_774 : vector<1x1x16xf32> to vector<16xf32>
    %add3A_776 = arith.constant 80 : i32
    %add3A_777 = arith.addi %add3A_776, %sub3A_682 : i32
    %eq3A_778 = vector.broadcast %add3A_777 : i32 to vector<16xi32>
    %eq3A_779 = arith.cmpi eq, %add3A_693, %eq3A_778 : vector<16xi32>
    %jit3A_780 = arith.constant 0.000000e+00 : f32
    %broadcast_in_dim3A_781 = vector.broadcast %jit3A_780 : f32 to vector<16xf32>
    %select_n3A_782 = arith.select %eq3A_779, %get3A_775, %broadcast_in_dim3A_781 : vector<16xi1>, vector<16xf32>
    %add3A_783 = arith.addf %add3A_768, %select_n3A_782 : vector<16xf32>
    %get3A_784 = arith.constant 4 : i32
    %get3A_785 = arith.constant 6 : i32
    %get3A_786 = arith.index_cast %get3A_784 : i32 to index
    %get3A_787 = arith.index_cast %get3A_785 : i32 to index
    %get3A_788 = arith.index_cast %mul3A_681 : i32 to index
    %get3A_789 = tpu.vector_load %arg7[%get3A_786, %get3A_787, %get3A_788] {strides = array<i32>} : memref<8x8x1024xf32, #tpu.memory_space<vmem>>, vector<1x1x16xf32>,
    %get3A_790 = vector.shape_cast %get3A_789 : vector<1x1x16xf32> to vector<16xf32>
    %add3A_791 = arith.constant 96 : i32
    %add3A_792 = arith.addi %add3A_791, %sub3A_682 : i32
    %eq3A_793 = vector.broadcast %add3A_792 : i32 to vector<16xi32>
    %eq3A_794 = arith.cmpi eq, %add3A_693, %eq3A_793 : vector<16xi32>
    %jit3A_795 = arith.constant 0.000000e+00 : f32
    %broadcast_in_dim3A_796 = vector.broadcast %jit3A_795 : f32 to vector<16xf32>
    %select_n3A_797 = arith.select %eq3A_794, %get3A_790, %broadcast_in_dim3A_796 : vector<16xi1>, vector<16xf32>
    %add3A_798 = arith.addf %add3A_783, %select_n3A_797 : vector<16xf32>
    %get3A_799 = arith.constant 4 : i32
    %get3A_800 = arith.constant 7 : i32
    %get3A_801 = arith.index_cast %get3A_799 : i32 to index
    %get3A_802 = arith.index_cast %get3A_800 : i32 to index
    %get3A_803 = arith.index_cast %mul3A_681 : i32 to index
    %get3A_804 = tpu.vector_load %arg7[%get3A_801, %get3A_802, %get3A_803] {strides = array<i32>} : memref<8x8x1024xf32, #tpu.memory_space<vmem>>, vector<1x1x16xf32>,
    %get3A_805 = vector.shape_cast %get3A_804 : vector<1x1x16xf32> to vector<16xf32>
    %add3A_806 = arith.constant 112 : i32
    %add3A_807 = arith.addi %add3A_806, %sub3A_682 : i32
    %eq3A_808 = vector.broadcast %add3A_807 : i32 to vector<16xi32>
    %eq3A_809 = arith.cmpi eq, %add3A_693, %eq3A_808 : vector<16xi32>
    %jit3A_810 = arith.constant 0.000000e+00 : f32
    %broadcast_in_dim3A_811 = vector.broadcast %jit3A_810 : f32 to vector<16xf32>
    %select_n3A_812 = arith.select %eq3A_809, %get3A_805, %broadcast_in_dim3A_811 : vector<16xi1>, vector<16xf32>
    %add3A_813 = arith.addf %add3A_798, %select_n3A_812 : vector<16xf32>
    %add3A_814 = arith.constant 5 : i32
    %add3A_815 = arith.addi %mul3A_2, %add3A_814 : i32
    %jit3A_816 = arith.constant 16 : i32
    %div3A_817 = arith.divsi %add3A_815, %jit3A_816 : i32
    %sign3A_818 = arith.constant 0 : i32
    %sign3A_819 = arith.cmpi sgt, %add3A_815, %sign3A_818 : i32
    %sign3A_820 = arith.extui %sign3A_819 : i1 to i32
    %sign3A_821 = arith.constant 0 : i32
    %sign3A_822 = arith.cmpi slt, %add3A_815, %sign3A_821 : i32
    %sign3A_823 = arith.extui %sign3A_822 : i1 to i32
    %sign3A_824 = arith.subi %sign3A_820, %sign3A_823 : i32
    %sign3A_825 = arith.constant 0 : i32
    %sign3A_826 = arith.cmpi sgt, %jit3A_816, %sign3A_825 : i32
    %sign3A_827 = arith.extui %sign3A_826 : i1 to i32
    %sign3A_828 = arith.constant 0 : i32
    %sign3A_829 = arith.cmpi slt, %jit3A_816, %sign3A_828 : i32
    %sign3A_830 = arith.extui %sign3A_829 : i1 to i32
    %sign3A_831 = arith.subi %sign3A_827, %sign3A_830 : i32
    %ne3A_832 = arith.cmpi ne, %sign3A_824, %sign3A_831 : i32
    %rem3A_833 = arith.remsi %add3A_815, %jit3A_816 : i32
    %ne3A_834 = arith.constant 0 : i32
    %ne3A_835 = arith.cmpi ne, %rem3A_833, %ne3A_834 : i32
    %and3A_836 = arith.andi %ne3A_832, %ne3A_835 : i1
    %sub3A_837 = arith.constant 1 : i32
    %sub3A_838 = arith.subi %div3A_817, %sub3A_837 : i32
    %select_n3A_839 = arith.select %and3A_836, %sub3A_838, %div3A_817 : i32
    %mul3A_840 = arith.constant 16 : i32
    %mul3A_841 = arith.muli %select_n3A_839, %mul3A_840 : i32
    %sub3A_842 = arith.subi %add3A_815, %mul3A_841 : i32
    %broadcast_in_dim3A_843 = arith.constant 5 : i32
    %broadcast_in_dim3A_844 = vector.broadcast %broadcast_in_dim3A_843 : i32 to vector<16x1xi32>
    %gather3A_845 = vector.shape_cast %broadcast_in_dim3A_844 : vector<16x1xi32> to vector<16xi32>
    %gather3A_846 = tpu.dynamic_gather %get3A_9[%gather3A_845] in [0] : vector<16xi32>, vector<16xi32> -> vector<16xi32>
    %and3A_847 = arith.constant 7 : i32
    %and3A_848 = vector.broadcast %and3A_847 : i32 to vector<16xi32>
    %and3A_849 = arith.andi %gather3A_846, %and3A_848 : vector<16xi32>
    %mul3A_850 = arith.constant 16 : i32
    %mul3A_851 = vector.broadcast %mul3A_850 : i32 to vector<16xi32>
    %mul3A_852 = arith.muli %and3A_849, %mul3A_851 : vector<16xi32>
    %add3A_853 = arith.addi %mul3A_852, %iota3A : vector<16xi32>
    %get3A_854 = arith.constant 5 : i32
    %get3A_855 = arith.constant 0 : i32
    %get3A_856 = arith.index_cast %get3A_854 : i32 to index
    %get3A_857 = arith.index_cast %get3A_855 : i32 to index
    %get3A_858 = arith.index_cast %mul3A_841 : i32 to index
    %get3A_859 = tpu.vector_load %arg7[%get3A_856, %get3A_857, %get3A_858] {strides = array<i32>} : memref<8x8x1024xf32, #tpu.memory_space<vmem>>, vector<1x1x16xf32>,
    %get3A_860 = vector.shape_cast %get3A_859 : vector<1x1x16xf32> to vector<16xf32>
    %add3A_861 = arith.constant 0 : i32
    %add3A_862 = arith.addi %add3A_861, %sub3A_842 : i32
    %eq3A_863 = vector.broadcast %add3A_862 : i32 to vector<16xi32>
    %eq3A_864 = arith.cmpi eq, %add3A_853, %eq3A_863 : vector<16xi32>
    %jit3A_865 = arith.constant 0.000000e+00 : f32
    %broadcast_in_dim3A_866 = vector.broadcast %jit3A_865 : f32 to vector<16xf32>
    %select_n3A_867 = arith.select %eq3A_864, %get3A_860, %broadcast_in_dim3A_866 : vector<16xi1>, vector<16xf32>
    %add3A_868 = arith.addf %add3A_813, %select_n3A_867 : vector<16xf32>
    %get3A_869 = arith.constant 5 : i32
    %get3A_870 = arith.constant 1 : i32
    %get3A_871 = arith.index_cast %get3A_869 : i32 to index
    %get3A_872 = arith.index_cast %get3A_870 : i32 to index
    %get3A_873 = arith.index_cast %mul3A_841 : i32 to index
    %get3A_874 = tpu.vector_load %arg7[%get3A_871, %get3A_872, %get3A_873] {strides = array<i32>} : memref<8x8x1024xf32, #tpu.memory_space<vmem>>, vector<1x1x16xf32>,
    %get3A_875 = vector.shape_cast %get3A_874 : vector<1x1x16xf32> to vector<16xf32>
    %add3A_876 = arith.constant 16 : i32
    %add3A_877 = arith.addi %add3A_876, %sub3A_842 : i32
    %eq3A_878 = vector.broadcast %add3A_877 : i32 to vector<16xi32>
    %eq3A_879 = arith.cmpi eq, %add3A_853, %eq3A_878 : vector<16xi32>
    %jit3A_880 = arith.constant 0.000000e+00 : f32
    %broadcast_in_dim3A_881 = vector.broadcast %jit3A_880 : f32 to vector<16xf32>
    %select_n3A_882 = arith.select %eq3A_879, %get3A_875, %broadcast_in_dim3A_881 : vector<16xi1>, vector<16xf32>
    %add3A_883 = arith.addf %add3A_868, %select_n3A_882 : vector<16xf32>
    %get3A_884 = arith.constant 5 : i32
    %get3A_885 = arith.constant 2 : i32
    %get3A_886 = arith.index_cast %get3A_884 : i32 to index
    %get3A_887 = arith.index_cast %get3A_885 : i32 to index
    %get3A_888 = arith.index_cast %mul3A_841 : i32 to index
    %get3A_889 = tpu.vector_load %arg7[%get3A_886, %get3A_887, %get3A_888] {strides = array<i32>} : memref<8x8x1024xf32, #tpu.memory_space<vmem>>, vector<1x1x16xf32>,
    %get3A_890 = vector.shape_cast %get3A_889 : vector<1x1x16xf32> to vector<16xf32>
    %add3A_891 = arith.constant 32 : i32
    %add3A_892 = arith.addi %add3A_891, %sub3A_842 : i32
    %eq3A_893 = vector.broadcast %add3A_892 : i32 to vector<16xi32>
    %eq3A_894 = arith.cmpi eq, %add3A_853, %eq3A_893 : vector<16xi32>
    %jit3A_895 = arith.constant 0.000000e+00 : f32
    %broadcast_in_dim3A_896 = vector.broadcast %jit3A_895 : f32 to vector<16xf32>
    %select_n3A_897 = arith.select %eq3A_894, %get3A_890, %broadcast_in_dim3A_896 : vector<16xi1>, vector<16xf32>
    %add3A_898 = arith.addf %add3A_883, %select_n3A_897 : vector<16xf32>
    %get3A_899 = arith.constant 5 : i32
    %get3A_900 = arith.constant 3 : i32
    %get3A_901 = arith.index_cast %get3A_899 : i32 to index
    %get3A_902 = arith.index_cast %get3A_900 : i32 to index
    %get3A_903 = arith.index_cast %mul3A_841 : i32 to index
    %get3A_904 = tpu.vector_load %arg7[%get3A_901, %get3A_902, %get3A_903] {strides = array<i32>} : memref<8x8x1024xf32, #tpu.memory_space<vmem>>, vector<1x1x16xf32>,
    %get3A_905 = vector.shape_cast %get3A_904 : vector<1x1x16xf32> to vector<16xf32>
    %add3A_906 = arith.constant 48 : i32
    %add3A_907 = arith.addi %add3A_906, %sub3A_842 : i32
    %eq3A_908 = vector.broadcast %add3A_907 : i32 to vector<16xi32>
    %eq3A_909 = arith.cmpi eq, %add3A_853, %eq3A_908 : vector<16xi32>
    %jit3A_910 = arith.constant 0.000000e+00 : f32
    %broadcast_in_dim3A_911 = vector.broadcast %jit3A_910 : f32 to vector<16xf32>
    %select_n3A_912 = arith.select %eq3A_909, %get3A_905, %broadcast_in_dim3A_911 : vector<16xi1>, vector<16xf32>
    %add3A_913 = arith.addf %add3A_898, %select_n3A_912 : vector<16xf32>
    %get3A_914 = arith.constant 5 : i32
    %get3A_915 = arith.constant 4 : i32
    %get3A_916 = arith.index_cast %get3A_914 : i32 to index
    %get3A_917 = arith.index_cast %get3A_915 : i32 to index
    %get3A_918 = arith.index_cast %mul3A_841 : i32 to index
    %get3A_919 = tpu.vector_load %arg7[%get3A_916, %get3A_917, %get3A_918] {strides = array<i32>} : memref<8x8x1024xf32, #tpu.memory_space<vmem>>, vector<1x1x16xf32>,
    %get3A_920 = vector.shape_cast %get3A_919 : vector<1x1x16xf32> to vector<16xf32>
    %add3A_921 = arith.constant 64 : i32
    %add3A_922 = arith.addi %add3A_921, %sub3A_842 : i32
    %eq3A_923 = vector.broadcast %add3A_922 : i32 to vector<16xi32>
    %eq3A_924 = arith.cmpi eq, %add3A_853, %eq3A_923 : vector<16xi32>
    %jit3A_925 = arith.constant 0.000000e+00 : f32
    %broadcast_in_dim3A_926 = vector.broadcast %jit3A_925 : f32 to vector<16xf32>
    %select_n3A_927 = arith.select %eq3A_924, %get3A_920, %broadcast_in_dim3A_926 : vector<16xi1>, vector<16xf32>
    %add3A_928 = arith.addf %add3A_913, %select_n3A_927 : vector<16xf32>
    %get3A_929 = arith.constant 5 : i32
    %get3A_930 = arith.constant 5 : i32
    %get3A_931 = arith.index_cast %get3A_929 : i32 to index
    %get3A_932 = arith.index_cast %get3A_930 : i32 to index
    %get3A_933 = arith.index_cast %mul3A_841 : i32 to index
    %get3A_934 = tpu.vector_load %arg7[%get3A_931, %get3A_932, %get3A_933] {strides = array<i32>} : memref<8x8x1024xf32, #tpu.memory_space<vmem>>, vector<1x1x16xf32>,
    %get3A_935 = vector.shape_cast %get3A_934 : vector<1x1x16xf32> to vector<16xf32>
    %add3A_936 = arith.constant 80 : i32
    %add3A_937 = arith.addi %add3A_936, %sub3A_842 : i32
    %eq3A_938 = vector.broadcast %add3A_937 : i32 to vector<16xi32>
    %eq3A_939 = arith.cmpi eq, %add3A_853, %eq3A_938 : vector<16xi32>
    %jit3A_940 = arith.constant 0.000000e+00 : f32
    %broadcast_in_dim3A_941 = vector.broadcast %jit3A_940 : f32 to vector<16xf32>
    %select_n3A_942 = arith.select %eq3A_939, %get3A_935, %broadcast_in_dim3A_941 : vector<16xi1>, vector<16xf32>
    %add3A_943 = arith.addf %add3A_928, %select_n3A_942 : vector<16xf32>
    %get3A_944 = arith.constant 5 : i32
    %get3A_945 = arith.constant 6 : i32
    %get3A_946 = arith.index_cast %get3A_944 : i32 to index
    %get3A_947 = arith.index_cast %get3A_945 : i32 to index
    %get3A_948 = arith.index_cast %mul3A_841 : i32 to index
    %get3A_949 = tpu.vector_load %arg7[%get3A_946, %get3A_947, %get3A_948] {strides = array<i32>} : memref<8x8x1024xf32, #tpu.memory_space<vmem>>, vector<1x1x16xf32>,
    %get3A_950 = vector.shape_cast %get3A_949 : vector<1x1x16xf32> to vector<16xf32>
    %add3A_951 = arith.constant 96 : i32
    %add3A_952 = arith.addi %add3A_951, %sub3A_842 : i32
    %eq3A_953 = vector.broadcast %add3A_952 : i32 to vector<16xi32>
    %eq3A_954 = arith.cmpi eq, %add3A_853, %eq3A_953 : vector<16xi32>
    %jit3A_955 = arith.constant 0.000000e+00 : f32
    %broadcast_in_dim3A_956 = vector.broadcast %jit3A_955 : f32 to vector<16xf32>
    %select_n3A_957 = arith.select %eq3A_954, %get3A_950, %broadcast_in_dim3A_956 : vector<16xi1>, vector<16xf32>
    %add3A_958 = arith.addf %add3A_943, %select_n3A_957 : vector<16xf32>
    %get3A_959 = arith.constant 5 : i32
    %get3A_960 = arith.constant 7 : i32
    %get3A_961 = arith.index_cast %get3A_959 : i32 to index
    %get3A_962 = arith.index_cast %get3A_960 : i32 to index
    %get3A_963 = arith.index_cast %mul3A_841 : i32 to index
    %get3A_964 = tpu.vector_load %arg7[%get3A_961, %get3A_962, %get3A_963] {strides = array<i32>} : memref<8x8x1024xf32, #tpu.memory_space<vmem>>, vector<1x1x16xf32>,
    %get3A_965 = vector.shape_cast %get3A_964 : vector<1x1x16xf32> to vector<16xf32>
    %add3A_966 = arith.constant 112 : i32
    %add3A_967 = arith.addi %add3A_966, %sub3A_842 : i32
    %eq3A_968 = vector.broadcast %add3A_967 : i32 to vector<16xi32>
    %eq3A_969 = arith.cmpi eq, %add3A_853, %eq3A_968 : vector<16xi32>
    %jit3A_970 = arith.constant 0.000000e+00 : f32
    %broadcast_in_dim3A_971 = vector.broadcast %jit3A_970 : f32 to vector<16xf32>
    %select_n3A_972 = arith.select %eq3A_969, %get3A_965, %broadcast_in_dim3A_971 : vector<16xi1>, vector<16xf32>
    %add3A_973 = arith.addf %add3A_958, %select_n3A_972 : vector<16xf32>
    %add3A_974 = arith.constant 6 : i32
    %add3A_975 = arith.addi %mul3A_2, %add3A_974 : i32
    %jit3A_976 = arith.constant 16 : i32
    %div3A_977 = arith.divsi %add3A_975, %jit3A_976 : i32
    %sign3A_978 = arith.constant 0 : i32
    %sign3A_979 = arith.cmpi sgt, %add3A_975, %sign3A_978 : i32
    %sign3A_980 = arith.extui %sign3A_979 : i1 to i32
    %sign3A_981 = arith.constant 0 : i32
    %sign3A_982 = arith.cmpi slt, %add3A_975, %sign3A_981 : i32
    %sign3A_983 = arith.extui %sign3A_982 : i1 to i32
    %sign3A_984 = arith.subi %sign3A_980, %sign3A_983 : i32
    %sign3A_985 = arith.constant 0 : i32
    %sign3A_986 = arith.cmpi sgt, %jit3A_976, %sign3A_985 : i32
    %sign3A_987 = arith.extui %sign3A_986 : i1 to i32
    %sign3A_988 = arith.constant 0 : i32
    %sign3A_989 = arith.cmpi slt, %jit3A_976, %sign3A_988 : i32
    %sign3A_990 = arith.extui %sign3A_989 : i1 to i32
    %sign3A_991 = arith.subi %sign3A_987, %sign3A_990 : i32
    %ne3A_992 = arith.cmpi ne, %sign3A_984, %sign3A_991 : i32
    %rem3A_993 = arith.remsi %add3A_975, %jit3A_976 : i32
    %ne3A_994 = arith.constant 0 : i32
    %ne3A_995 = arith.cmpi ne, %rem3A_993, %ne3A_994 : i32
    %and3A_996 = arith.andi %ne3A_992, %ne3A_995 : i1
    %sub3A_997 = arith.constant 1 : i32
    %sub3A_998 = arith.subi %div3A_977, %sub3A_997 : i32
    %select_n3A_999 = arith.select %and3A_996, %sub3A_998, %div3A_977 : i32
    %mul3A_1000 = arith.constant 16 : i32
    %mul3A_1001 = arith.muli %select_n3A_999, %mul3A_1000 : i32
    %sub3A_1002 = arith.subi %add3A_975, %mul3A_1001 : i32
    %broadcast_in_dim3A_1003 = arith.constant 6 : i32
    %broadcast_in_dim3A_1004 = vector.broadcast %broadcast_in_dim3A_1003 : i32 to vector<16x1xi32>
    %gather3A_1005 = vector.shape_cast %broadcast_in_dim3A_1004 : vector<16x1xi32> to vector<16xi32>
    %gather3A_1006 = tpu.dynamic_gather %get3A_9[%gather3A_1005] in [0] : vector<16xi32>, vector<16xi32> -> vector<16xi32>
    %and3A_1007 = arith.constant 7 : i32
    %and3A_1008 = vector.broadcast %and3A_1007 : i32 to vector<16xi32>
    %and3A_1009 = arith.andi %gather3A_1006, %and3A_1008 : vector<16xi32>
    %mul3A_1010 = arith.constant 16 : i32
    %mul3A_1011 = vector.broadcast %mul3A_1010 : i32 to vector<16xi32>
    %mul3A_1012 = arith.muli %and3A_1009, %mul3A_1011 : vector<16xi32>
    %add3A_1013 = arith.addi %mul3A_1012, %iota3A : vector<16xi32>
    %get3A_1014 = arith.constant 6 : i32
    %get3A_1015 = arith.constant 0 : i32
    %get3A_1016 = arith.index_cast %get3A_1014 : i32 to index
    %get3A_1017 = arith.index_cast %get3A_1015 : i32 to index
    %get3A_1018 = arith.index_cast %mul3A_1001 : i32 to index
    %get3A_1019 = tpu.vector_load %arg7[%get3A_1016, %get3A_1017, %get3A_1018] {strides = array<i32>} : memref<8x8x1024xf32, #tpu.memory_space<vmem>>, vector<1x1x16xf32>,
    %get3A_1020 = vector.shape_cast %get3A_1019 : vector<1x1x16xf32> to vector<16xf32>
    %add3A_1021 = arith.constant 0 : i32
    %add3A_1022 = arith.addi %add3A_1021, %sub3A_1002 : i32
    %eq3A_1023 = vector.broadcast %add3A_1022 : i32 to vector<16xi32>
    %eq3A_1024 = arith.cmpi eq, %add3A_1013, %eq3A_1023 : vector<16xi32>
    %jit3A_1025 = arith.constant 0.000000e+00 : f32
    %broadcast_in_dim3A_1026 = vector.broadcast %jit3A_1025 : f32 to vector<16xf32>
    %select_n3A_1027 = arith.select %eq3A_1024, %get3A_1020, %broadcast_in_dim3A_1026 : vector<16xi1>, vector<16xf32>
    %add3A_1028 = arith.addf %add3A_973, %select_n3A_1027 : vector<16xf32>
    %get3A_1029 = arith.constant 6 : i32
    %get3A_1030 = arith.constant 1 : i32
    %get3A_1031 = arith.index_cast %get3A_1029 : i32 to index
    %get3A_1032 = arith.index_cast %get3A_1030 : i32 to index
    %get3A_1033 = arith.index_cast %mul3A_1001 : i32 to index
    %get3A_1034 = tpu.vector_load %arg7[%get3A_1031, %get3A_1032, %get3A_1033] {strides = array<i32>} : memref<8x8x1024xf32, #tpu.memory_space<vmem>>, vector<1x1x16xf32>,
    %get3A_1035 = vector.shape_cast %get3A_1034 : vector<1x1x16xf32> to vector<16xf32>
    %add3A_1036 = arith.constant 16 : i32
    %add3A_1037 = arith.addi %add3A_1036, %sub3A_1002 : i32
    %eq3A_1038 = vector.broadcast %add3A_1037 : i32 to vector<16xi32>
    %eq3A_1039 = arith.cmpi eq, %add3A_1013, %eq3A_1038 : vector<16xi32>
    %jit3A_1040 = arith.constant 0.000000e+00 : f32
    %broadcast_in_dim3A_1041 = vector.broadcast %jit3A_1040 : f32 to vector<16xf32>
    %select_n3A_1042 = arith.select %eq3A_1039, %get3A_1035, %broadcast_in_dim3A_1041 : vector<16xi1>, vector<16xf32>
    %add3A_1043 = arith.addf %add3A_1028, %select_n3A_1042 : vector<16xf32>
    %get3A_1044 = arith.constant 6 : i32
    %get3A_1045 = arith.constant 2 : i32
    %get3A_1046 = arith.index_cast %get3A_1044 : i32 to index
    %get3A_1047 = arith.index_cast %get3A_1045 : i32 to index
    %get3A_1048 = arith.index_cast %mul3A_1001 : i32 to index
    %get3A_1049 = tpu.vector_load %arg7[%get3A_1046, %get3A_1047, %get3A_1048] {strides = array<i32>} : memref<8x8x1024xf32, #tpu.memory_space<vmem>>, vector<1x1x16xf32>,
    %get3A_1050 = vector.shape_cast %get3A_1049 : vector<1x1x16xf32> to vector<16xf32>
    %add3A_1051 = arith.constant 32 : i32
    %add3A_1052 = arith.addi %add3A_1051, %sub3A_1002 : i32
    %eq3A_1053 = vector.broadcast %add3A_1052 : i32 to vector<16xi32>
    %eq3A_1054 = arith.cmpi eq, %add3A_1013, %eq3A_1053 : vector<16xi32>
    %jit3A_1055 = arith.constant 0.000000e+00 : f32
    %broadcast_in_dim3A_1056 = vector.broadcast %jit3A_1055 : f32 to vector<16xf32>
    %select_n3A_1057 = arith.select %eq3A_1054, %get3A_1050, %broadcast_in_dim3A_1056 : vector<16xi1>, vector<16xf32>
    %add3A_1058 = arith.addf %add3A_1043, %select_n3A_1057 : vector<16xf32>
    %get3A_1059 = arith.constant 6 : i32
    %get3A_1060 = arith.constant 3 : i32
    %get3A_1061 = arith.index_cast %get3A_1059 : i32 to index
    %get3A_1062 = arith.index_cast %get3A_1060 : i32 to index
    %get3A_1063 = arith.index_cast %mul3A_1001 : i32 to index
    %get3A_1064 = tpu.vector_load %arg7[%get3A_1061, %get3A_1062, %get3A_1063] {strides = array<i32>} : memref<8x8x1024xf32, #tpu.memory_space<vmem>>, vector<1x1x16xf32>,
    %get3A_1065 = vector.shape_cast %get3A_1064 : vector<1x1x16xf32> to vector<16xf32>
    %add3A_1066 = arith.constant 48 : i32
    %add3A_1067 = arith.addi %add3A_1066, %sub3A_1002 : i32
    %eq3A_1068 = vector.broadcast %add3A_1067 : i32 to vector<16xi32>
    %eq3A_1069 = arith.cmpi eq, %add3A_1013, %eq3A_1068 : vector<16xi32>
    %jit3A_1070 = arith.constant 0.000000e+00 : f32
    %broadcast_in_dim3A_1071 = vector.broadcast %jit3A_1070 : f32 to vector<16xf32>
    %select_n3A_1072 = arith.select %eq3A_1069, %get3A_1065, %broadcast_in_dim3A_1071 : vector<16xi1>, vector<16xf32>
    %add3A_1073 = arith.addf %add3A_1058, %select_n3A_1072 : vector<16xf32>
    %get3A_1074 = arith.constant 6 : i32
    %get3A_1075 = arith.constant 4 : i32
    %get3A_1076 = arith.index_cast %get3A_1074 : i32 to index
    %get3A_1077 = arith.index_cast %get3A_1075 : i32 to index
    %get3A_1078 = arith.index_cast %mul3A_1001 : i32 to index
    %get3A_1079 = tpu.vector_load %arg7[%get3A_1076, %get3A_1077, %get3A_1078] {strides = array<i32>} : memref<8x8x1024xf32, #tpu.memory_space<vmem>>, vector<1x1x16xf32>,
    %get3A_1080 = vector.shape_cast %get3A_1079 : vector<1x1x16xf32> to vector<16xf32>
    %add3A_1081 = arith.constant 64 : i32
    %add3A_1082 = arith.addi %add3A_1081, %sub3A_1002 : i32
    %eq3A_1083 = vector.broadcast %add3A_1082 : i32 to vector<16xi32>
    %eq3A_1084 = arith.cmpi eq, %add3A_1013, %eq3A_1083 : vector<16xi32>
    %jit3A_1085 = arith.constant 0.000000e+00 : f32
    %broadcast_in_dim3A_1086 = vector.broadcast %jit3A_1085 : f32 to vector<16xf32>
    %select_n3A_1087 = arith.select %eq3A_1084, %get3A_1080, %broadcast_in_dim3A_1086 : vector<16xi1>, vector<16xf32>
    %add3A_1088 = arith.addf %add3A_1073, %select_n3A_1087 : vector<16xf32>
    %get3A_1089 = arith.constant 6 : i32
    %get3A_1090 = arith.constant 5 : i32
    %get3A_1091 = arith.index_cast %get3A_1089 : i32 to index
    %get3A_1092 = arith.index_cast %get3A_1090 : i32 to index
    %get3A_1093 = arith.index_cast %mul3A_1001 : i32 to index
    %get3A_1094 = tpu.vector_load %arg7[%get3A_1091, %get3A_1092, %get3A_1093] {strides = array<i32>} : memref<8x8x1024xf32, #tpu.memory_space<vmem>>, vector<1x1x16xf32>,
    %get3A_1095 = vector.shape_cast %get3A_1094 : vector<1x1x16xf32> to vector<16xf32>
    %add3A_1096 = arith.constant 80 : i32
    %add3A_1097 = arith.addi %add3A_1096, %sub3A_1002 : i32
    %eq3A_1098 = vector.broadcast %add3A_1097 : i32 to vector<16xi32>
    %eq3A_1099 = arith.cmpi eq, %add3A_1013, %eq3A_1098 : vector<16xi32>
    %jit3A_1100 = arith.constant 0.000000e+00 : f32
    %broadcast_in_dim3A_1101 = vector.broadcast %jit3A_1100 : f32 to vector<16xf32>
    %select_n3A_1102 = arith.select %eq3A_1099, %get3A_1095, %broadcast_in_dim3A_1101 : vector<16xi1>, vector<16xf32>
    %add3A_1103 = arith.addf %add3A_1088, %select_n3A_1102 : vector<16xf32>
    %get3A_1104 = arith.constant 6 : i32
    %get3A_1105 = arith.constant 6 : i32
    %get3A_1106 = arith.index_cast %get3A_1104 : i32 to index
    %get3A_1107 = arith.index_cast %get3A_1105 : i32 to index
    %get3A_1108 = arith.index_cast %mul3A_1001 : i32 to index
    %get3A_1109 = tpu.vector_load %arg7[%get3A_1106, %get3A_1107, %get3A_1108] {strides = array<i32>} : memref<8x8x1024xf32, #tpu.memory_space<vmem>>, vector<1x1x16xf32>,
    %get3A_1110 = vector.shape_cast %get3A_1109 : vector<1x1x16xf32> to vector<16xf32>
    %add3A_1111 = arith.constant 96 : i32
    %add3A_1112 = arith.addi %add3A_1111, %sub3A_1002 : i32
    %eq3A_1113 = vector.broadcast %add3A_1112 : i32 to vector<16xi32>
    %eq3A_1114 = arith.cmpi eq, %add3A_1013, %eq3A_1113 : vector<16xi32>
    %jit3A_1115 = arith.constant 0.000000e+00 : f32
    %broadcast_in_dim3A_1116 = vector.broadcast %jit3A_1115 : f32 to vector<16xf32>
    %select_n3A_1117 = arith.select %eq3A_1114, %get3A_1110, %broadcast_in_dim3A_1116 : vector<16xi1>, vector<16xf32>
    %add3A_1118 = arith.addf %add3A_1103, %select_n3A_1117 : vector<16xf32>
    %get3A_1119 = arith.constant 6 : i32
    %get3A_1120 = arith.constant 7 : i32
    %get3A_1121 = arith.index_cast %get3A_1119 : i32 to index
    %get3A_1122 = arith.index_cast %get3A_1120 : i32 to index
    %get3A_1123 = arith.index_cast %mul3A_1001 : i32 to index
    %get3A_1124 = tpu.vector_load %arg7[%get3A_1121, %get3A_1122, %get3A_1123] {strides = array<i32>} : memref<8x8x1024xf32, #tpu.memory_space<vmem>>, vector<1x1x16xf32>,
    %get3A_1125 = vector.shape_cast %get3A_1124 : vector<1x1x16xf32> to vector<16xf32>
    %add3A_1126 = arith.constant 112 : i32
    %add3A_1127 = arith.addi %add3A_1126, %sub3A_1002 : i32
    %eq3A_1128 = vector.broadcast %add3A_1127 : i32 to vector<16xi32>
    %eq3A_1129 = arith.cmpi eq, %add3A_1013, %eq3A_1128 : vector<16xi32>
    %jit3A_1130 = arith.constant 0.000000e+00 : f32
    %broadcast_in_dim3A_1131 = vector.broadcast %jit3A_1130 : f32 to vector<16xf32>
    %select_n3A_1132 = arith.select %eq3A_1129, %get3A_1125, %broadcast_in_dim3A_1131 : vector<16xi1>, vector<16xf32>
    %add3A_1133 = arith.addf %add3A_1118, %select_n3A_1132 : vector<16xf32>
    %add3A_1134 = arith.constant 7 : i32
    %add3A_1135 = arith.addi %mul3A_2, %add3A_1134 : i32
    %jit3A_1136 = arith.constant 16 : i32
    %div3A_1137 = arith.divsi %add3A_1135, %jit3A_1136 : i32
    %sign3A_1138 = arith.constant 0 : i32
    %sign3A_1139 = arith.cmpi sgt, %add3A_1135, %sign3A_1138 : i32
    %sign3A_1140 = arith.extui %sign3A_1139 : i1 to i32
    %sign3A_1141 = arith.constant 0 : i32
    %sign3A_1142 = arith.cmpi slt, %add3A_1135, %sign3A_1141 : i32
    %sign3A_1143 = arith.extui %sign3A_1142 : i1 to i32
    %sign3A_1144 = arith.subi %sign3A_1140, %sign3A_1143 : i32
    %sign3A_1145 = arith.constant 0 : i32
    %sign3A_1146 = arith.cmpi sgt, %jit3A_1136, %sign3A_1145 : i32
    %sign3A_1147 = arith.extui %sign3A_1146 : i1 to i32
    %sign3A_1148 = arith.constant 0 : i32
    %sign3A_1149 = arith.cmpi slt, %jit3A_1136, %sign3A_1148 : i32
    %sign3A_1150 = arith.extui %sign3A_1149 : i1 to i32
    %sign3A_1151 = arith.subi %sign3A_1147, %sign3A_1150 : i32
    %ne3A_1152 = arith.cmpi ne, %sign3A_1144, %sign3A_1151 : i32
    %rem3A_1153 = arith.remsi %add3A_1135, %jit3A_1136 : i32
    %ne3A_1154 = arith.constant 0 : i32
    %ne3A_1155 = arith.cmpi ne, %rem3A_1153, %ne3A_1154 : i32
    %and3A_1156 = arith.andi %ne3A_1152, %ne3A_1155 : i1
    %sub3A_1157 = arith.constant 1 : i32
    %sub3A_1158 = arith.subi %div3A_1137, %sub3A_1157 : i32
    %select_n3A_1159 = arith.select %and3A_1156, %sub3A_1158, %div3A_1137 : i32
    %mul3A_1160 = arith.constant 16 : i32
    %mul3A_1161 = arith.muli %select_n3A_1159, %mul3A_1160 : i32
    %sub3A_1162 = arith.subi %add3A_1135, %mul3A_1161 : i32
    %broadcast_in_dim3A_1163 = arith.constant 7 : i32
    %broadcast_in_dim3A_1164 = vector.broadcast %broadcast_in_dim3A_1163 : i32 to vector<16x1xi32>
    %gather3A_1165 = vector.shape_cast %broadcast_in_dim3A_1164 : vector<16x1xi32> to vector<16xi32>
    %gather3A_1166 = tpu.dynamic_gather %get3A_9[%gather3A_1165] in [0] : vector<16xi32>, vector<16xi32> -> vector<16xi32>
    %and3A_1167 = arith.constant 7 : i32
    %and3A_1168 = vector.broadcast %and3A_1167 : i32 to vector<16xi32>
    %and3A_1169 = arith.andi %gather3A_1166, %and3A_1168 : vector<16xi32>
    %mul3A_1170 = arith.constant 16 : i32
    %mul3A_1171 = vector.broadcast %mul3A_1170 : i32 to vector<16xi32>
    %mul3A_1172 = arith.muli %and3A_1169, %mul3A_1171 : vector<16xi32>
    %add3A_1173 = arith.addi %mul3A_1172, %iota3A : vector<16xi32>
    %get3A_1174 = arith.constant 7 : i32
    %get3A_1175 = arith.constant 0 : i32
    %get3A_1176 = arith.index_cast %get3A_1174 : i32 to index
    %get3A_1177 = arith.index_cast %get3A_1175 : i32 to index
    %get3A_1178 = arith.index_cast %mul3A_1161 : i32 to index
    %get3A_1179 = tpu.vector_load %arg7[%get3A_1176, %get3A_1177, %get3A_1178] {strides = array<i32>} : memref<8x8x1024xf32, #tpu.memory_space<vmem>>, vector<1x1x16xf32>,
    %get3A_1180 = vector.shape_cast %get3A_1179 : vector<1x1x16xf32> to vector<16xf32>
    %add3A_1181 = arith.constant 0 : i32
    %add3A_1182 = arith.addi %add3A_1181, %sub3A_1162 : i32
    %eq3A_1183 = vector.broadcast %add3A_1182 : i32 to vector<16xi32>
    %eq3A_1184 = arith.cmpi eq, %add3A_1173, %eq3A_1183 : vector<16xi32>
    %jit3A_1185 = arith.constant 0.000000e+00 : f32
    %broadcast_in_dim3A_1186 = vector.broadcast %jit3A_1185 : f32 to vector<16xf32>
    %select_n3A_1187 = arith.select %eq3A_1184, %get3A_1180, %broadcast_in_dim3A_1186 : vector<16xi1>, vector<16xf32>
    %add3A_1188 = arith.addf %add3A_1133, %select_n3A_1187 : vector<16xf32>
    %get3A_1189 = arith.constant 7 : i32
    %get3A_1190 = arith.constant 1 : i32
    %get3A_1191 = arith.index_cast %get3A_1189 : i32 to index
    %get3A_1192 = arith.index_cast %get3A_1190 : i32 to index
    %get3A_1193 = arith.index_cast %mul3A_1161 : i32 to index
    %get3A_1194 = tpu.vector_load %arg7[%get3A_1191, %get3A_1192, %get3A_1193] {strides = array<i32>} : memref<8x8x1024xf32, #tpu.memory_space<vmem>>, vector<1x1x16xf32>,
    %get3A_1195 = vector.shape_cast %get3A_1194 : vector<1x1x16xf32> to vector<16xf32>
    %add3A_1196 = arith.constant 16 : i32
    %add3A_1197 = arith.addi %add3A_1196, %sub3A_1162 : i32
    %eq3A_1198 = vector.broadcast %add3A_1197 : i32 to vector<16xi32>
    %eq3A_1199 = arith.cmpi eq, %add3A_1173, %eq3A_1198 : vector<16xi32>
    %jit3A_1200 = arith.constant 0.000000e+00 : f32
    %broadcast_in_dim3A_1201 = vector.broadcast %jit3A_1200 : f32 to vector<16xf32>
    %select_n3A_1202 = arith.select %eq3A_1199, %get3A_1195, %broadcast_in_dim3A_1201 : vector<16xi1>, vector<16xf32>
    %add3A_1203 = arith.addf %add3A_1188, %select_n3A_1202 : vector<16xf32>
    %get3A_1204 = arith.constant 7 : i32
    %get3A_1205 = arith.constant 2 : i32
    %get3A_1206 = arith.index_cast %get3A_1204 : i32 to index
    %get3A_1207 = arith.index_cast %get3A_1205 : i32 to index
    %get3A_1208 = arith.index_cast %mul3A_1161 : i32 to index
    %get3A_1209 = tpu.vector_load %arg7[%get3A_1206, %get3A_1207, %get3A_1208] {strides = array<i32>} : memref<8x8x1024xf32, #tpu.memory_space<vmem>>, vector<1x1x16xf32>,
    %get3A_1210 = vector.shape_cast %get3A_1209 : vector<1x1x16xf32> to vector<16xf32>
    %add3A_1211 = arith.constant 32 : i32
    %add3A_1212 = arith.addi %add3A_1211, %sub3A_1162 : i32
    %eq3A_1213 = vector.broadcast %add3A_1212 : i32 to vector<16xi32>
    %eq3A_1214 = arith.cmpi eq, %add3A_1173, %eq3A_1213 : vector<16xi32>
    %jit3A_1215 = arith.constant 0.000000e+00 : f32
    %broadcast_in_dim3A_1216 = vector.broadcast %jit3A_1215 : f32 to vector<16xf32>
    %select_n3A_1217 = arith.select %eq3A_1214, %get3A_1210, %broadcast_in_dim3A_1216 : vector<16xi1>, vector<16xf32>
    %add3A_1218 = arith.addf %add3A_1203, %select_n3A_1217 : vector<16xf32>
    %get3A_1219 = arith.constant 7 : i32
    %get3A_1220 = arith.constant 3 : i32
    %get3A_1221 = arith.index_cast %get3A_1219 : i32 to index
    %get3A_1222 = arith.index_cast %get3A_1220 : i32 to index
    %get3A_1223 = arith.index_cast %mul3A_1161 : i32 to index
    %get3A_1224 = tpu.vector_load %arg7[%get3A_1221, %get3A_1222, %get3A_1223] {strides = array<i32>} : memref<8x8x1024xf32, #tpu.memory_space<vmem>>, vector<1x1x16xf32>,
    %get3A_1225 = vector.shape_cast %get3A_1224 : vector<1x1x16xf32> to vector<16xf32>
    %add3A_1226 = arith.constant 48 : i32
    %add3A_1227 = arith.addi %add3A_1226, %sub3A_1162 : i32
    %eq3A_1228 = vector.broadcast %add3A_1227 : i32 to vector<16xi32>
    %eq3A_1229 = arith.cmpi eq, %add3A_1173, %eq3A_1228 : vector<16xi32>
    %jit3A_1230 = arith.constant 0.000000e+00 : f32
    %broadcast_in_dim3A_1231 = vector.broadcast %jit3A_1230 : f32 to vector<16xf32>
    %select_n3A_1232 = arith.select %eq3A_1229, %get3A_1225, %broadcast_in_dim3A_1231 : vector<16xi1>, vector<16xf32>
    %add3A_1233 = arith.addf %add3A_1218, %select_n3A_1232 : vector<16xf32>
    %get3A_1234 = arith.constant 7 : i32
    %get3A_1235 = arith.constant 4 : i32
    %get3A_1236 = arith.index_cast %get3A_1234 : i32 to index
    %get3A_1237 = arith.index_cast %get3A_1235 : i32 to index
    %get3A_1238 = arith.index_cast %mul3A_1161 : i32 to index
    %get3A_1239 = tpu.vector_load %arg7[%get3A_1236, %get3A_1237, %get3A_1238] {strides = array<i32>} : memref<8x8x1024xf32, #tpu.memory_space<vmem>>, vector<1x1x16xf32>,
    %get3A_1240 = vector.shape_cast %get3A_1239 : vector<1x1x16xf32> to vector<16xf32>
    %add3A_1241 = arith.constant 64 : i32
    %add3A_1242 = arith.addi %add3A_1241, %sub3A_1162 : i32
    %eq3A_1243 = vector.broadcast %add3A_1242 : i32 to vector<16xi32>
    %eq3A_1244 = arith.cmpi eq, %add3A_1173, %eq3A_1243 : vector<16xi32>
    %jit3A_1245 = arith.constant 0.000000e+00 : f32
    %broadcast_in_dim3A_1246 = vector.broadcast %jit3A_1245 : f32 to vector<16xf32>
    %select_n3A_1247 = arith.select %eq3A_1244, %get3A_1240, %broadcast_in_dim3A_1246 : vector<16xi1>, vector<16xf32>
    %add3A_1248 = arith.addf %add3A_1233, %select_n3A_1247 : vector<16xf32>
    %get3A_1249 = arith.constant 7 : i32
    %get3A_1250 = arith.constant 5 : i32
    %get3A_1251 = arith.index_cast %get3A_1249 : i32 to index
    %get3A_1252 = arith.index_cast %get3A_1250 : i32 to index
    %get3A_1253 = arith.index_cast %mul3A_1161 : i32 to index
    %get3A_1254 = tpu.vector_load %arg7[%get3A_1251, %get3A_1252, %get3A_1253] {strides = array<i32>} : memref<8x8x1024xf32, #tpu.memory_space<vmem>>, vector<1x1x16xf32>,
    %get3A_1255 = vector.shape_cast %get3A_1254 : vector<1x1x16xf32> to vector<16xf32>
    %add3A_1256 = arith.constant 80 : i32
    %add3A_1257 = arith.addi %add3A_1256, %sub3A_1162 : i32
    %eq3A_1258 = vector.broadcast %add3A_1257 : i32 to vector<16xi32>
    %eq3A_1259 = arith.cmpi eq, %add3A_1173, %eq3A_1258 : vector<16xi32>
    %jit3A_1260 = arith.constant 0.000000e+00 : f32
    %broadcast_in_dim3A_1261 = vector.broadcast %jit3A_1260 : f32 to vector<16xf32>
    %select_n3A_1262 = arith.select %eq3A_1259, %get3A_1255, %broadcast_in_dim3A_1261 : vector<16xi1>, vector<16xf32>
    %add3A_1263 = arith.addf %add3A_1248, %select_n3A_1262 : vector<16xf32>
    %get3A_1264 = arith.constant 7 : i32
    %get3A_1265 = arith.constant 6 : i32
    %get3A_1266 = arith.index_cast %get3A_1264 : i32 to index
    %get3A_1267 = arith.index_cast %get3A_1265 : i32 to index
    %get3A_1268 = arith.index_cast %mul3A_1161 : i32 to index
    %get3A_1269 = tpu.vector_load %arg7[%get3A_1266, %get3A_1267, %get3A_1268] {strides = array<i32>} : memref<8x8x1024xf32, #tpu.memory_space<vmem>>, vector<1x1x16xf32>,
    %get3A_1270 = vector.shape_cast %get3A_1269 : vector<1x1x16xf32> to vector<16xf32>
    %add3A_1271 = arith.constant 96 : i32
    %add3A_1272 = arith.addi %add3A_1271, %sub3A_1162 : i32
    %eq3A_1273 = vector.broadcast %add3A_1272 : i32 to vector<16xi32>
    %eq3A_1274 = arith.cmpi eq, %add3A_1173, %eq3A_1273 : vector<16xi32>
    %jit3A_1275 = arith.constant 0.000000e+00 : f32
    %broadcast_in_dim3A_1276 = vector.broadcast %jit3A_1275 : f32 to vector<16xf32>
    %select_n3A_1277 = arith.select %eq3A_1274, %get3A_1270, %broadcast_in_dim3A_1276 : vector<16xi1>, vector<16xf32>
    %add3A_1278 = arith.addf %add3A_1263, %select_n3A_1277 : vector<16xf32>
    %get3A_1279 = arith.constant 7 : i32
    %get3A_1280 = arith.constant 7 : i32
    %get3A_1281 = arith.index_cast %get3A_1279 : i32 to index
    %get3A_1282 = arith.index_cast %get3A_1280 : i32 to index
    %get3A_1283 = arith.index_cast %mul3A_1161 : i32 to index
    %get3A_1284 = tpu.vector_load %arg7[%get3A_1281, %get3A_1282, %get3A_1283] {strides = array<i32>} : memref<8x8x1024xf32, #tpu.memory_space<vmem>>, vector<1x1x16xf32>,
    %get3A_1285 = vector.shape_cast %get3A_1284 : vector<1x1x16xf32> to vector<16xf32>
    %add3A_1286 = arith.constant 112 : i32
    %add3A_1287 = arith.addi %add3A_1286, %sub3A_1162 : i32
    %eq3A_1288 = vector.broadcast %add3A_1287 : i32 to vector<16xi32>
    %eq3A_1289 = arith.cmpi eq, %add3A_1173, %eq3A_1288 : vector<16xi32>
    %jit3A_1290 = arith.constant 0.000000e+00 : f32
    %broadcast_in_dim3A_1291 = vector.broadcast %jit3A_1290 : f32 to vector<16xf32>
    %select_n3A_1292 = arith.select %eq3A_1289, %get3A_1285, %broadcast_in_dim3A_1291 : vector<16xi1>, vector<16xf32>
    %add3A_1293 = arith.addf %add3A_1278, %select_n3A_1292 : vector<16xf32>
    %dma_start3A_1294 = arith.constant 8 : i32
    %dma_start3A_1295 = tpu.memref_slice %arg6[%dma_start3A_1294] : memref<32xi32, #tpu.memory_space<vmem>> -> memref<8xi32, #tpu.memory_space<vmem>>
    %dma_start3A_1296 = arith.constant 0 : i32
    %dma_start3A_1297 = arith.constant 0 : i32
    %dma_start3A_1298 = arith.constant 0 : i32
    %dma_start3A_1299 = tpu.memref_slice %arg2[%dma_start3A_1296, %dma_start3A_1297, %dma_start3A_1298] : memref<12500x8x1024xf32, #tpu.memory_space<hbm>> -> memref<12500x8x1024xf32, #tpu.memory_space<hbm>>
    tpu.enqueue_indirect_dma source(%dma_start3A_1299 : memref<12500x8x1024xf32, #tpu.memory_space<hbm>>) target(%arg7 : memref<8x8x1024xf32, #tpu.memory_space<vmem>>) offsets(%dma_start3A_1295 : memref<8xi32, #tpu.memory_space<vmem>>) semaphore(%arg9 : memref<!tpu.dma_semaphore, #tpu.memory_space<semaphore_mem>>)
    %dma_wait3A_1300 = arith.constant 8 : i32
    %dma_wait3A_1301 = tpu.memref_slice %arg6[%dma_wait3A_1300] : memref<32xi32, #tpu.memory_space<vmem>> -> memref<8xi32, #tpu.memory_space<vmem>>
    %dma_wait3A_1302 = arith.constant 0 : i32
    %dma_wait3A_1303 = arith.constant 0 : i32
    %dma_wait3A_1304 = arith.constant 0 : i32
    %dma_wait3A_1305 = tpu.memref_slice %arg2[%dma_wait3A_1302, %dma_wait3A_1303, %dma_wait3A_1304] : memref<12500x8x1024xf32, #tpu.memory_space<hbm>> -> memref<12500x8x1024xf32, #tpu.memory_space<hbm>>
    tpu.wait_indirect_dma semaphore(%arg9 : memref<!tpu.dma_semaphore, #tpu.memory_space<semaphore_mem>>) src(%dma_wait3A_1305 : memref<12500x8x1024xf32, #tpu.memory_space<hbm>>) dst(%arg7 : memref<8x8x1024xf32, #tpu.memory_space<vmem>>)
    %add3A_1306 = arith.constant 8 : i32
    %add3A_1307 = arith.addi %mul3A_2, %add3A_1306 : i32
    %jit3A_1308 = arith.constant 16 : i32
    %div3A_1309 = arith.divsi %add3A_1307, %jit3A_1308 : i32
    %sign3A_1310 = arith.constant 0 : i32
    %sign3A_1311 = arith.cmpi sgt, %add3A_1307, %sign3A_1310 : i32
    %sign3A_1312 = arith.extui %sign3A_1311 : i1 to i32
    %sign3A_1313 = arith.constant 0 : i32
    %sign3A_1314 = arith.cmpi slt, %add3A_1307, %sign3A_1313 : i32
    %sign3A_1315 = arith.extui %sign3A_1314 : i1 to i32
    %sign3A_1316 = arith.subi %sign3A_1312, %sign3A_1315 : i32
    %sign3A_1317 = arith.constant 0 : i32
    %sign3A_1318 = arith.cmpi sgt, %jit3A_1308, %sign3A_1317 : i32
    %sign3A_1319 = arith.extui %sign3A_1318 : i1 to i32
    %sign3A_1320 = arith.constant 0 : i32
    %sign3A_1321 = arith.cmpi slt, %jit3A_1308, %sign3A_1320 : i32
    %sign3A_1322 = arith.extui %sign3A_1321 : i1 to i32
    %sign3A_1323 = arith.subi %sign3A_1319, %sign3A_1322 : i32
    %ne3A_1324 = arith.cmpi ne, %sign3A_1316, %sign3A_1323 : i32
    %rem3A_1325 = arith.remsi %add3A_1307, %jit3A_1308 : i32
    %ne3A_1326 = arith.constant 0 : i32
    %ne3A_1327 = arith.cmpi ne, %rem3A_1325, %ne3A_1326 : i32
    %and3A_1328 = arith.andi %ne3A_1324, %ne3A_1327 : i1
    %sub3A_1329 = arith.constant 1 : i32
    %sub3A_1330 = arith.subi %div3A_1309, %sub3A_1329 : i32
    %select_n3A_1331 = arith.select %and3A_1328, %sub3A_1330, %div3A_1309 : i32
    %mul3A_1332 = arith.constant 16 : i32
    %mul3A_1333 = arith.muli %select_n3A_1331, %mul3A_1332 : i32
    %sub3A_1334 = arith.subi %add3A_1307, %mul3A_1333 : i32
    %broadcast_in_dim3A_1335 = arith.constant 8 : i32
    %broadcast_in_dim3A_1336 = vector.broadcast %broadcast_in_dim3A_1335 : i32 to vector<16x1xi32>
    %gather3A_1337 = vector.shape_cast %broadcast_in_dim3A_1336 : vector<16x1xi32> to vector<16xi32>
    %gather3A_1338 = tpu.dynamic_gather %get3A_9[%gather3A_1337] in [0] : vector<16xi32>, vector<16xi32> -> vector<16xi32>
    %and3A_1339 = arith.constant 7 : i32
    %and3A_1340 = vector.broadcast %and3A_1339 : i32 to vector<16xi32>
    %and3A_1341 = arith.andi %gather3A_1338, %and3A_1340 : vector<16xi32>
    %mul3A_1342 = arith.constant 16 : i32
    %mul3A_1343 = vector.broadcast %mul3A_1342 : i32 to vector<16xi32>
    %mul3A_1344 = arith.muli %and3A_1341, %mul3A_1343 : vector<16xi32>
    %add3A_1345 = arith.addi %mul3A_1344, %iota3A : vector<16xi32>
    %get3A_1346 = arith.constant 0 : i32
    %get3A_1347 = arith.constant 0 : i32
    %get3A_1348 = arith.index_cast %get3A_1346 : i32 to index
    %get3A_1349 = arith.index_cast %get3A_1347 : i32 to index
    %get3A_1350 = arith.index_cast %mul3A_1333 : i32 to index
    %get3A_1351 = tpu.vector_load %arg7[%get3A_1348, %get3A_1349, %get3A_1350] {strides = array<i32>} : memref<8x8x1024xf32, #tpu.memory_space<vmem>>, vector<1x1x16xf32>,
    %get3A_1352 = vector.shape_cast %get3A_1351 : vector<1x1x16xf32> to vector<16xf32>
    %add3A_1353 = arith.constant 0 : i32
    %add3A_1354 = arith.addi %add3A_1353, %sub3A_1334 : i32
    %eq3A_1355 = vector.broadcast %add3A_1354 : i32 to vector<16xi32>
    %eq3A_1356 = arith.cmpi eq, %add3A_1345, %eq3A_1355 : vector<16xi32>
    %jit3A_1357 = arith.constant 0.000000e+00 : f32
    %broadcast_in_dim3A_1358 = vector.broadcast %jit3A_1357 : f32 to vector<16xf32>
    %select_n3A_1359 = arith.select %eq3A_1356, %get3A_1352, %broadcast_in_dim3A_1358 : vector<16xi1>, vector<16xf32>
    %add3A_1360 = arith.addf %add3A_1293, %select_n3A_1359 : vector<16xf32>
    %get3A_1361 = arith.constant 0 : i32
    %get3A_1362 = arith.constant 1 : i32
    %get3A_1363 = arith.index_cast %get3A_1361 : i32 to index
    %get3A_1364 = arith.index_cast %get3A_1362 : i32 to index
    %get3A_1365 = arith.index_cast %mul3A_1333 : i32 to index
    %get3A_1366 = tpu.vector_load %arg7[%get3A_1363, %get3A_1364, %get3A_1365] {strides = array<i32>} : memref<8x8x1024xf32, #tpu.memory_space<vmem>>, vector<1x1x16xf32>,
    %get3A_1367 = vector.shape_cast %get3A_1366 : vector<1x1x16xf32> to vector<16xf32>
    %add3A_1368 = arith.constant 16 : i32
    %add3A_1369 = arith.addi %add3A_1368, %sub3A_1334 : i32
    %eq3A_1370 = vector.broadcast %add3A_1369 : i32 to vector<16xi32>
    %eq3A_1371 = arith.cmpi eq, %add3A_1345, %eq3A_1370 : vector<16xi32>
    %jit3A_1372 = arith.constant 0.000000e+00 : f32
    %broadcast_in_dim3A_1373 = vector.broadcast %jit3A_1372 : f32 to vector<16xf32>
    %select_n3A_1374 = arith.select %eq3A_1371, %get3A_1367, %broadcast_in_dim3A_1373 : vector<16xi1>, vector<16xf32>
    %add3A_1375 = arith.addf %add3A_1360, %select_n3A_1374 : vector<16xf32>
    %get3A_1376 = arith.constant 0 : i32
    %get3A_1377 = arith.constant 2 : i32
    %get3A_1378 = arith.index_cast %get3A_1376 : i32 to index
    %get3A_1379 = arith.index_cast %get3A_1377 : i32 to index
    %get3A_1380 = arith.index_cast %mul3A_1333 : i32 to index
    %get3A_1381 = tpu.vector_load %arg7[%get3A_1378, %get3A_1379, %get3A_1380] {strides = array<i32>} : memref<8x8x1024xf32, #tpu.memory_space<vmem>>, vector<1x1x16xf32>,
    %get3A_1382 = vector.shape_cast %get3A_1381 : vector<1x1x16xf32> to vector<16xf32>
    %add3A_1383 = arith.constant 32 : i32
    %add3A_1384 = arith.addi %add3A_1383, %sub3A_1334 : i32
    %eq3A_1385 = vector.broadcast %add3A_1384 : i32 to vector<16xi32>
    %eq3A_1386 = arith.cmpi eq, %add3A_1345, %eq3A_1385 : vector<16xi32>
    %jit3A_1387 = arith.constant 0.000000e+00 : f32
    %broadcast_in_dim3A_1388 = vector.broadcast %jit3A_1387 : f32 to vector<16xf32>
    %select_n3A_1389 = arith.select %eq3A_1386, %get3A_1382, %broadcast_in_dim3A_1388 : vector<16xi1>, vector<16xf32>
    %add3A_1390 = arith.addf %add3A_1375, %select_n3A_1389 : vector<16xf32>
    %get3A_1391 = arith.constant 0 : i32
    %get3A_1392 = arith.constant 3 : i32
    %get3A_1393 = arith.index_cast %get3A_1391 : i32 to index
    %get3A_1394 = arith.index_cast %get3A_1392 : i32 to index
    %get3A_1395 = arith.index_cast %mul3A_1333 : i32 to index
    %get3A_1396 = tpu.vector_load %arg7[%get3A_1393, %get3A_1394, %get3A_1395] {strides = array<i32>} : memref<8x8x1024xf32, #tpu.memory_space<vmem>>, vector<1x1x16xf32>,
    %get3A_1397 = vector.shape_cast %get3A_1396 : vector<1x1x16xf32> to vector<16xf32>
    %add3A_1398 = arith.constant 48 : i32
    %add3A_1399 = arith.addi %add3A_1398, %sub3A_1334 : i32
    %eq3A_1400 = vector.broadcast %add3A_1399 : i32 to vector<16xi32>
    %eq3A_1401 = arith.cmpi eq, %add3A_1345, %eq3A_1400 : vector<16xi32>
    %jit3A_1402 = arith.constant 0.000000e+00 : f32
    %broadcast_in_dim3A_1403 = vector.broadcast %jit3A_1402 : f32 to vector<16xf32>
    %select_n3A_1404 = arith.select %eq3A_1401, %get3A_1397, %broadcast_in_dim3A_1403 : vector<16xi1>, vector<16xf32>
    %add3A_1405 = arith.addf %add3A_1390, %select_n3A_1404 : vector<16xf32>
    %get3A_1406 = arith.constant 0 : i32
    %get3A_1407 = arith.constant 4 : i32
    %get3A_1408 = arith.index_cast %get3A_1406 : i32 to index
    %get3A_1409 = arith.index_cast %get3A_1407 : i32 to index
    %get3A_1410 = arith.index_cast %mul3A_1333 : i32 to index
    %get3A_1411 = tpu.vector_load %arg7[%get3A_1408, %get3A_1409, %get3A_1410] {strides = array<i32>} : memref<8x8x1024xf32, #tpu.memory_space<vmem>>, vector<1x1x16xf32>,
    %get3A_1412 = vector.shape_cast %get3A_1411 : vector<1x1x16xf32> to vector<16xf32>
    %add3A_1413 = arith.constant 64 : i32
    %add3A_1414 = arith.addi %add3A_1413, %sub3A_1334 : i32
    %eq3A_1415 = vector.broadcast %add3A_1414 : i32 to vector<16xi32>
    %eq3A_1416 = arith.cmpi eq, %add3A_1345, %eq3A_1415 : vector<16xi32>
    %jit3A_1417 = arith.constant 0.000000e+00 : f32
    %broadcast_in_dim3A_1418 = vector.broadcast %jit3A_1417 : f32 to vector<16xf32>
    %select_n3A_1419 = arith.select %eq3A_1416, %get3A_1412, %broadcast_in_dim3A_1418 : vector<16xi1>, vector<16xf32>
    %add3A_1420 = arith.addf %add3A_1405, %select_n3A_1419 : vector<16xf32>
    %get3A_1421 = arith.constant 0 : i32
    %get3A_1422 = arith.constant 5 : i32
    %get3A_1423 = arith.index_cast %get3A_1421 : i32 to index
    %get3A_1424 = arith.index_cast %get3A_1422 : i32 to index
    %get3A_1425 = arith.index_cast %mul3A_1333 : i32 to index
    %get3A_1426 = tpu.vector_load %arg7[%get3A_1423, %get3A_1424, %get3A_1425] {strides = array<i32>} : memref<8x8x1024xf32, #tpu.memory_space<vmem>>, vector<1x1x16xf32>,
    %get3A_1427 = vector.shape_cast %get3A_1426 : vector<1x1x16xf32> to vector<16xf32>
    %add3A_1428 = arith.constant 80 : i32
    %add3A_1429 = arith.addi %add3A_1428, %sub3A_1334 : i32
    %eq3A_1430 = vector.broadcast %add3A_1429 : i32 to vector<16xi32>
    %eq3A_1431 = arith.cmpi eq, %add3A_1345, %eq3A_1430 : vector<16xi32>
    %jit3A_1432 = arith.constant 0.000000e+00 : f32
    %broadcast_in_dim3A_1433 = vector.broadcast %jit3A_1432 : f32 to vector<16xf32>
    %select_n3A_1434 = arith.select %eq3A_1431, %get3A_1427, %broadcast_in_dim3A_1433 : vector<16xi1>, vector<16xf32>
    %add3A_1435 = arith.addf %add3A_1420, %select_n3A_1434 : vector<16xf32>
    %get3A_1436 = arith.constant 0 : i32
    %get3A_1437 = arith.constant 6 : i32
    %get3A_1438 = arith.index_cast %get3A_1436 : i32 to index
    %get3A_1439 = arith.index_cast %get3A_1437 : i32 to index
    %get3A_1440 = arith.index_cast %mul3A_1333 : i32 to index
    %get3A_1441 = tpu.vector_load %arg7[%get3A_1438, %get3A_1439, %get3A_1440] {strides = array<i32>} : memref<8x8x1024xf32, #tpu.memory_space<vmem>>, vector<1x1x16xf32>,
    %get3A_1442 = vector.shape_cast %get3A_1441 : vector<1x1x16xf32> to vector<16xf32>
    %add3A_1443 = arith.constant 96 : i32
    %add3A_1444 = arith.addi %add3A_1443, %sub3A_1334 : i32
    %eq3A_1445 = vector.broadcast %add3A_1444 : i32 to vector<16xi32>
    %eq3A_1446 = arith.cmpi eq, %add3A_1345, %eq3A_1445 : vector<16xi32>
    %jit3A_1447 = arith.constant 0.000000e+00 : f32
    %broadcast_in_dim3A_1448 = vector.broadcast %jit3A_1447 : f32 to vector<16xf32>
    %select_n3A_1449 = arith.select %eq3A_1446, %get3A_1442, %broadcast_in_dim3A_1448 : vector<16xi1>, vector<16xf32>
    %add3A_1450 = arith.addf %add3A_1435, %select_n3A_1449 : vector<16xf32>
    %get3A_1451 = arith.constant 0 : i32
    %get3A_1452 = arith.constant 7 : i32
    %get3A_1453 = arith.index_cast %get3A_1451 : i32 to index
    %get3A_1454 = arith.index_cast %get3A_1452 : i32 to index
    %get3A_1455 = arith.index_cast %mul3A_1333 : i32 to index
    %get3A_1456 = tpu.vector_load %arg7[%get3A_1453, %get3A_1454, %get3A_1455] {strides = array<i32>} : memref<8x8x1024xf32, #tpu.memory_space<vmem>>, vector<1x1x16xf32>,
    %get3A_1457 = vector.shape_cast %get3A_1456 : vector<1x1x16xf32> to vector<16xf32>
    %add3A_1458 = arith.constant 112 : i32
    %add3A_1459 = arith.addi %add3A_1458, %sub3A_1334 : i32
    %eq3A_1460 = vector.broadcast %add3A_1459 : i32 to vector<16xi32>
    %eq3A_1461 = arith.cmpi eq, %add3A_1345, %eq3A_1460 : vector<16xi32>
    %jit3A_1462 = arith.constant 0.000000e+00 : f32
    %broadcast_in_dim3A_1463 = vector.broadcast %jit3A_1462 : f32 to vector<16xf32>
    %select_n3A_1464 = arith.select %eq3A_1461, %get3A_1457, %broadcast_in_dim3A_1463 : vector<16xi1>, vector<16xf32>
    %add3A_1465 = arith.addf %add3A_1450, %select_n3A_1464 : vector<16xf32>
    %add3A_1466 = arith.constant 9 : i32
    %add3A_1467 = arith.addi %mul3A_2, %add3A_1466 : i32
    %jit3A_1468 = arith.constant 16 : i32
    %div3A_1469 = arith.divsi %add3A_1467, %jit3A_1468 : i32
    %sign3A_1470 = arith.constant 0 : i32
    %sign3A_1471 = arith.cmpi sgt, %add3A_1467, %sign3A_1470 : i32
    %sign3A_1472 = arith.extui %sign3A_1471 : i1 to i32
    %sign3A_1473 = arith.constant 0 : i32
    %sign3A_1474 = arith.cmpi slt, %add3A_1467, %sign3A_1473 : i32
    %sign3A_1475 = arith.extui %sign3A_1474 : i1 to i32
    %sign3A_1476 = arith.subi %sign3A_1472, %sign3A_1475 : i32
    %sign3A_1477 = arith.constant 0 : i32
    %sign3A_1478 = arith.cmpi sgt, %jit3A_1468, %sign3A_1477 : i32
    %sign3A_1479 = arith.extui %sign3A_1478 : i1 to i32
    %sign3A_1480 = arith.constant 0 : i32
    %sign3A_1481 = arith.cmpi slt, %jit3A_1468, %sign3A_1480 : i32
    %sign3A_1482 = arith.extui %sign3A_1481 : i1 to i32
    %sign3A_1483 = arith.subi %sign3A_1479, %sign3A_1482 : i32
    %ne3A_1484 = arith.cmpi ne, %sign3A_1476, %sign3A_1483 : i32
    %rem3A_1485 = arith.remsi %add3A_1467, %jit3A_1468 : i32
    %ne3A_1486 = arith.constant 0 : i32
    %ne3A_1487 = arith.cmpi ne, %rem3A_1485, %ne3A_1486 : i32
    %and3A_1488 = arith.andi %ne3A_1484, %ne3A_1487 : i1
    %sub3A_1489 = arith.constant 1 : i32
    %sub3A_1490 = arith.subi %div3A_1469, %sub3A_1489 : i32
    %select_n3A_1491 = arith.select %and3A_1488, %sub3A_1490, %div3A_1469 : i32
    %mul3A_1492 = arith.constant 16 : i32
    %mul3A_1493 = arith.muli %select_n3A_1491, %mul3A_1492 : i32
    %sub3A_1494 = arith.subi %add3A_1467, %mul3A_1493 : i32
    %broadcast_in_dim3A_1495 = arith.constant 9 : i32
    %broadcast_in_dim3A_1496 = vector.broadcast %broadcast_in_dim3A_1495 : i32 to vector<16x1xi32>
    %gather3A_1497 = vector.shape_cast %broadcast_in_dim3A_1496 : vector<16x1xi32> to vector<16xi32>
    %gather3A_1498 = tpu.dynamic_gather %get3A_9[%gather3A_1497] in [0] : vector<16xi32>, vector<16xi32> -> vector<16xi32>
    %and3A_1499 = arith.constant 7 : i32
    %and3A_1500 = vector.broadcast %and3A_1499 : i32 to vector<16xi32>
    %and3A_1501 = arith.andi %gather3A_1498, %and3A_1500 : vector<16xi32>
    %mul3A_1502 = arith.constant 16 : i32
    %mul3A_1503 = vector.broadcast %mul3A_1502 : i32 to vector<16xi32>
    %mul3A_1504 = arith.muli %and3A_1501, %mul3A_1503 : vector<16xi32>
    %add3A_1505 = arith.addi %mul3A_1504, %iota3A : vector<16xi32>
    %get3A_1506 = arith.constant 1 : i32
    %get3A_1507 = arith.constant 0 : i32
    %get3A_1508 = arith.index_cast %get3A_1506 : i32 to index
    %get3A_1509 = arith.index_cast %get3A_1507 : i32 to index
    %get3A_1510 = arith.index_cast %mul3A_1493 : i32 to index
    %get3A_1511 = tpu.vector_load %arg7[%get3A_1508, %get3A_1509, %get3A_1510] {strides = array<i32>} : memref<8x8x1024xf32, #tpu.memory_space<vmem>>, vector<1x1x16xf32>,
    %get3A_1512 = vector.shape_cast %get3A_1511 : vector<1x1x16xf32> to vector<16xf32>
    %add3A_1513 = arith.constant 0 : i32
    %add3A_1514 = arith.addi %add3A_1513, %sub3A_1494 : i32
    %eq3A_1515 = vector.broadcast %add3A_1514 : i32 to vector<16xi32>
    %eq3A_1516 = arith.cmpi eq, %add3A_1505, %eq3A_1515 : vector<16xi32>
    %jit3A_1517 = arith.constant 0.000000e+00 : f32
    %broadcast_in_dim3A_1518 = vector.broadcast %jit3A_1517 : f32 to vector<16xf32>
    %select_n3A_1519 = arith.select %eq3A_1516, %get3A_1512, %broadcast_in_dim3A_1518 : vector<16xi1>, vector<16xf32>
    %add3A_1520 = arith.addf %add3A_1465, %select_n3A_1519 : vector<16xf32>
    %get3A_1521 = arith.constant 1 : i32
    %get3A_1522 = arith.constant 1 : i32
    %get3A_1523 = arith.index_cast %get3A_1521 : i32 to index
    %get3A_1524 = arith.index_cast %get3A_1522 : i32 to index
    %get3A_1525 = arith.index_cast %mul3A_1493 : i32 to index
    %get3A_1526 = tpu.vector_load %arg7[%get3A_1523, %get3A_1524, %get3A_1525] {strides = array<i32>} : memref<8x8x1024xf32, #tpu.memory_space<vmem>>, vector<1x1x16xf32>,
    %get3A_1527 = vector.shape_cast %get3A_1526 : vector<1x1x16xf32> to vector<16xf32>
    %add3A_1528 = arith.constant 16 : i32
    %add3A_1529 = arith.addi %add3A_1528, %sub3A_1494 : i32
    %eq3A_1530 = vector.broadcast %add3A_1529 : i32 to vector<16xi32>
    %eq3A_1531 = arith.cmpi eq, %add3A_1505, %eq3A_1530 : vector<16xi32>
    %jit3A_1532 = arith.constant 0.000000e+00 : f32
    %broadcast_in_dim3A_1533 = vector.broadcast %jit3A_1532 : f32 to vector<16xf32>
    %select_n3A_1534 = arith.select %eq3A_1531, %get3A_1527, %broadcast_in_dim3A_1533 : vector<16xi1>, vector<16xf32>
    %add3A_1535 = arith.addf %add3A_1520, %select_n3A_1534 : vector<16xf32>
    %get3A_1536 = arith.constant 1 : i32
    %get3A_1537 = arith.constant 2 : i32
    %get3A_1538 = arith.index_cast %get3A_1536 : i32 to index
    %get3A_1539 = arith.index_cast %get3A_1537 : i32 to index
    %get3A_1540 = arith.index_cast %mul3A_1493 : i32 to index
    %get3A_1541 = tpu.vector_load %arg7[%get3A_1538, %get3A_1539, %get3A_1540] {strides = array<i32>} : memref<8x8x1024xf32, #tpu.memory_space<vmem>>, vector<1x1x16xf32>,
    %get3A_1542 = vector.shape_cast %get3A_1541 : vector<1x1x16xf32> to vector<16xf32>
    %add3A_1543 = arith.constant 32 : i32
    %add3A_1544 = arith.addi %add3A_1543, %sub3A_1494 : i32
    %eq3A_1545 = vector.broadcast %add3A_1544 : i32 to vector<16xi32>
    %eq3A_1546 = arith.cmpi eq, %add3A_1505, %eq3A_1545 : vector<16xi32>
    %jit3A_1547 = arith.constant 0.000000e+00 : f32
    %broadcast_in_dim3A_1548 = vector.broadcast %jit3A_1547 : f32 to vector<16xf32>
    %select_n3A_1549 = arith.select %eq3A_1546, %get3A_1542, %broadcast_in_dim3A_1548 : vector<16xi1>, vector<16xf32>
    %add3A_1550 = arith.addf %add3A_1535, %select_n3A_1549 : vector<16xf32>
    %get3A_1551 = arith.constant 1 : i32
    %get3A_1552 = arith.constant 3 : i32
    %get3A_1553 = arith.index_cast %get3A_1551 : i32 to index
    %get3A_1554 = arith.index_cast %get3A_1552 : i32 to index
    %get3A_1555 = arith.index_cast %mul3A_1493 : i32 to index
    %get3A_1556 = tpu.vector_load %arg7[%get3A_1553, %get3A_1554, %get3A_1555] {strides = array<i32>} : memref<8x8x1024xf32, #tpu.memory_space<vmem>>, vector<1x1x16xf32>,
    %get3A_1557 = vector.shape_cast %get3A_1556 : vector<1x1x16xf32> to vector<16xf32>
    %add3A_1558 = arith.constant 48 : i32
    %add3A_1559 = arith.addi %add3A_1558, %sub3A_1494 : i32
    %eq3A_1560 = vector.broadcast %add3A_1559 : i32 to vector<16xi32>
    %eq3A_1561 = arith.cmpi eq, %add3A_1505, %eq3A_1560 : vector<16xi32>
    %jit3A_1562 = arith.constant 0.000000e+00 : f32
    %broadcast_in_dim3A_1563 = vector.broadcast %jit3A_1562 : f32 to vector<16xf32>
    %select_n3A_1564 = arith.select %eq3A_1561, %get3A_1557, %broadcast_in_dim3A_1563 : vector<16xi1>, vector<16xf32>
    %add3A_1565 = arith.addf %add3A_1550, %select_n3A_1564 : vector<16xf32>
    %get3A_1566 = arith.constant 1 : i32
    %get3A_1567 = arith.constant 4 : i32
    %get3A_1568 = arith.index_cast %get3A_1566 : i32 to index
    %get3A_1569 = arith.index_cast %get3A_1567 : i32 to index
    %get3A_1570 = arith.index_cast %mul3A_1493 : i32 to index
    %get3A_1571 = tpu.vector_load %arg7[%get3A_1568, %get3A_1569, %get3A_1570] {strides = array<i32>} : memref<8x8x1024xf32, #tpu.memory_space<vmem>>, vector<1x1x16xf32>,
    %get3A_1572 = vector.shape_cast %get3A_1571 : vector<1x1x16xf32> to vector<16xf32>
    %add3A_1573 = arith.constant 64 : i32
    %add3A_1574 = arith.addi %add3A_1573, %sub3A_1494 : i32
    %eq3A_1575 = vector.broadcast %add3A_1574 : i32 to vector<16xi32>
    %eq3A_1576 = arith.cmpi eq, %add3A_1505, %eq3A_1575 : vector<16xi32>
    %jit3A_1577 = arith.constant 0.000000e+00 : f32
    %broadcast_in_dim3A_1578 = vector.broadcast %jit3A_1577 : f32 to vector<16xf32>
    %select_n3A_1579 = arith.select %eq3A_1576, %get3A_1572, %broadcast_in_dim3A_1578 : vector<16xi1>, vector<16xf32>
    %add3A_1580 = arith.addf %add3A_1565, %select_n3A_1579 : vector<16xf32>
    %get3A_1581 = arith.constant 1 : i32
    %get3A_1582 = arith.constant 5 : i32
    %get3A_1583 = arith.index_cast %get3A_1581 : i32 to index
    %get3A_1584 = arith.index_cast %get3A_1582 : i32 to index
    %get3A_1585 = arith.index_cast %mul3A_1493 : i32 to index
    %get3A_1586 = tpu.vector_load %arg7[%get3A_1583, %get3A_1584, %get3A_1585] {strides = array<i32>} : memref<8x8x1024xf32, #tpu.memory_space<vmem>>, vector<1x1x16xf32>,
    %get3A_1587 = vector.shape_cast %get3A_1586 : vector<1x1x16xf32> to vector<16xf32>
    %add3A_1588 = arith.constant 80 : i32
    %add3A_1589 = arith.addi %add3A_1588, %sub3A_1494 : i32
    %eq3A_1590 = vector.broadcast %add3A_1589 : i32 to vector<16xi32>
    %eq3A_1591 = arith.cmpi eq, %add3A_1505, %eq3A_1590 : vector<16xi32>
    %jit3A_1592 = arith.constant 0.000000e+00 : f32
    %broadcast_in_dim3A_1593 = vector.broadcast %jit3A_1592 : f32 to vector<16xf32>
    %select_n3A_1594 = arith.select %eq3A_1591, %get3A_1587, %broadcast_in_dim3A_1593 : vector<16xi1>, vector<16xf32>
    %add3A_1595 = arith.addf %add3A_1580, %select_n3A_1594 : vector<16xf32>
    %get3A_1596 = arith.constant 1 : i32
    %get3A_1597 = arith.constant 6 : i32
    %get3A_1598 = arith.index_cast %get3A_1596 : i32 to index
    %get3A_1599 = arith.index_cast %get3A_1597 : i32 to index
    %get3A_1600 = arith.index_cast %mul3A_1493 : i32 to index
    %get3A_1601 = tpu.vector_load %arg7[%get3A_1598, %get3A_1599, %get3A_1600] {strides = array<i32>} : memref<8x8x1024xf32, #tpu.memory_space<vmem>>, vector<1x1x16xf32>,
    %get3A_1602 = vector.shape_cast %get3A_1601 : vector<1x1x16xf32> to vector<16xf32>
    %add3A_1603 = arith.constant 96 : i32
    %add3A_1604 = arith.addi %add3A_1603, %sub3A_1494 : i32
    %eq3A_1605 = vector.broadcast %add3A_1604 : i32 to vector<16xi32>
    %eq3A_1606 = arith.cmpi eq, %add3A_1505, %eq3A_1605 : vector<16xi32>
    %jit3A_1607 = arith.constant 0.000000e+00 : f32
    %broadcast_in_dim3A_1608 = vector.broadcast %jit3A_1607 : f32 to vector<16xf32>
    %select_n3A_1609 = arith.select %eq3A_1606, %get3A_1602, %broadcast_in_dim3A_1608 : vector<16xi1>, vector<16xf32>
    %add3A_1610 = arith.addf %add3A_1595, %select_n3A_1609 : vector<16xf32>
    %get3A_1611 = arith.constant 1 : i32
    %get3A_1612 = arith.constant 7 : i32
    %get3A_1613 = arith.index_cast %get3A_1611 : i32 to index
    %get3A_1614 = arith.index_cast %get3A_1612 : i32 to index
    %get3A_1615 = arith.index_cast %mul3A_1493 : i32 to index
    %get3A_1616 = tpu.vector_load %arg7[%get3A_1613, %get3A_1614, %get3A_1615] {strides = array<i32>} : memref<8x8x1024xf32, #tpu.memory_space<vmem>>, vector<1x1x16xf32>,
    %get3A_1617 = vector.shape_cast %get3A_1616 : vector<1x1x16xf32> to vector<16xf32>
    %add3A_1618 = arith.constant 112 : i32
    %add3A_1619 = arith.addi %add3A_1618, %sub3A_1494 : i32
    %eq3A_1620 = vector.broadcast %add3A_1619 : i32 to vector<16xi32>
    %eq3A_1621 = arith.cmpi eq, %add3A_1505, %eq3A_1620 : vector<16xi32>
    %jit3A_1622 = arith.constant 0.000000e+00 : f32
    %broadcast_in_dim3A_1623 = vector.broadcast %jit3A_1622 : f32 to vector<16xf32>
    %select_n3A_1624 = arith.select %eq3A_1621, %get3A_1617, %broadcast_in_dim3A_1623 : vector<16xi1>, vector<16xf32>
    %add3A_1625 = arith.addf %add3A_1610, %select_n3A_1624 : vector<16xf32>
    %add3A_1626 = arith.constant 10 : i32
    %add3A_1627 = arith.addi %mul3A_2, %add3A_1626 : i32
    %jit3A_1628 = arith.constant 16 : i32
    %div3A_1629 = arith.divsi %add3A_1627, %jit3A_1628 : i32
    %sign3A_1630 = arith.constant 0 : i32
    %sign3A_1631 = arith.cmpi sgt, %add3A_1627, %sign3A_1630 : i32
    %sign3A_1632 = arith.extui %sign3A_1631 : i1 to i32
    %sign3A_1633 = arith.constant 0 : i32
    %sign3A_1634 = arith.cmpi slt, %add3A_1627, %sign3A_1633 : i32
    %sign3A_1635 = arith.extui %sign3A_1634 : i1 to i32
    %sign3A_1636 = arith.subi %sign3A_1632, %sign3A_1635 : i32
    %sign3A_1637 = arith.constant 0 : i32
    %sign3A_1638 = arith.cmpi sgt, %jit3A_1628, %sign3A_1637 : i32
    %sign3A_1639 = arith.extui %sign3A_1638 : i1 to i32
    %sign3A_1640 = arith.constant 0 : i32
    %sign3A_1641 = arith.cmpi slt, %jit3A_1628, %sign3A_1640 : i32
    %sign3A_1642 = arith.extui %sign3A_1641 : i1 to i32
    %sign3A_1643 = arith.subi %sign3A_1639, %sign3A_1642 : i32
    %ne3A_1644 = arith.cmpi ne, %sign3A_1636, %sign3A_1643 : i32
    %rem3A_1645 = arith.remsi %add3A_1627, %jit3A_1628 : i32
    %ne3A_1646 = arith.constant 0 : i32
    %ne3A_1647 = arith.cmpi ne, %rem3A_1645, %ne3A_1646 : i32
    %and3A_1648 = arith.andi %ne3A_1644, %ne3A_1647 : i1
    %sub3A_1649 = arith.constant 1 : i32
    %sub3A_1650 = arith.subi %div3A_1629, %sub3A_1649 : i32
    %select_n3A_1651 = arith.select %and3A_1648, %sub3A_1650, %div3A_1629 : i32
    %mul3A_1652 = arith.constant 16 : i32
    %mul3A_1653 = arith.muli %select_n3A_1651, %mul3A_1652 : i32
    %sub3A_1654 = arith.subi %add3A_1627, %mul3A_1653 : i32
    %broadcast_in_dim3A_1655 = arith.constant 10 : i32
    %broadcast_in_dim3A_1656 = vector.broadcast %broadcast_in_dim3A_1655 : i32 to vector<16x1xi32>
    %gather3A_1657 = vector.shape_cast %broadcast_in_dim3A_1656 : vector<16x1xi32> to vector<16xi32>
    %gather3A_1658 = tpu.dynamic_gather %get3A_9[%gather3A_1657] in [0] : vector<16xi32>, vector<16xi32> -> vector<16xi32>
    %and3A_1659 = arith.constant 7 : i32
    %and3A_1660 = vector.broadcast %and3A_1659 : i32 to vector<16xi32>
    %and3A_1661 = arith.andi %gather3A_1658, %and3A_1660 : vector<16xi32>
    %mul3A_1662 = arith.constant 16 : i32
    %mul3A_1663 = vector.broadcast %mul3A_1662 : i32 to vector<16xi32>
    %mul3A_1664 = arith.muli %and3A_1661, %mul3A_1663 : vector<16xi32>
    %add3A_1665 = arith.addi %mul3A_1664, %iota3A : vector<16xi32>
    %get3A_1666 = arith.constant 2 : i32
    %get3A_1667 = arith.constant 0 : i32
    %get3A_1668 = arith.index_cast %get3A_1666 : i32 to index
    %get3A_1669 = arith.index_cast %get3A_1667 : i32 to index
    %get3A_1670 = arith.index_cast %mul3A_1653 : i32 to index
    %get3A_1671 = tpu.vector_load %arg7[%get3A_1668, %get3A_1669, %get3A_1670] {strides = array<i32>} : memref<8x8x1024xf32, #tpu.memory_space<vmem>>, vector<1x1x16xf32>,
    %get3A_1672 = vector.shape_cast %get3A_1671 : vector<1x1x16xf32> to vector<16xf32>
    %add3A_1673 = arith.constant 0 : i32
    %add3A_1674 = arith.addi %add3A_1673, %sub3A_1654 : i32
    %eq3A_1675 = vector.broadcast %add3A_1674 : i32 to vector<16xi32>
    %eq3A_1676 = arith.cmpi eq, %add3A_1665, %eq3A_1675 : vector<16xi32>
    %jit3A_1677 = arith.constant 0.000000e+00 : f32
    %broadcast_in_dim3A_1678 = vector.broadcast %jit3A_1677 : f32 to vector<16xf32>
    %select_n3A_1679 = arith.select %eq3A_1676, %get3A_1672, %broadcast_in_dim3A_1678 : vector<16xi1>, vector<16xf32>
    %add3A_1680 = arith.addf %add3A_1625, %select_n3A_1679 : vector<16xf32>
    %get3A_1681 = arith.constant 2 : i32
    %get3A_1682 = arith.constant 1 : i32
    %get3A_1683 = arith.index_cast %get3A_1681 : i32 to index
    %get3A_1684 = arith.index_cast %get3A_1682 : i32 to index
    %get3A_1685 = arith.index_cast %mul3A_1653 : i32 to index
    %get3A_1686 = tpu.vector_load %arg7[%get3A_1683, %get3A_1684, %get3A_1685] {strides = array<i32>} : memref<8x8x1024xf32, #tpu.memory_space<vmem>>, vector<1x1x16xf32>,
    %get3A_1687 = vector.shape_cast %get3A_1686 : vector<1x1x16xf32> to vector<16xf32>
    %add3A_1688 = arith.constant 16 : i32
    %add3A_1689 = arith.addi %add3A_1688, %sub3A_1654 : i32
    %eq3A_1690 = vector.broadcast %add3A_1689 : i32 to vector<16xi32>
    %eq3A_1691 = arith.cmpi eq, %add3A_1665, %eq3A_1690 : vector<16xi32>
    %jit3A_1692 = arith.constant 0.000000e+00 : f32
    %broadcast_in_dim3A_1693 = vector.broadcast %jit3A_1692 : f32 to vector<16xf32>
    %select_n3A_1694 = arith.select %eq3A_1691, %get3A_1687, %broadcast_in_dim3A_1693 : vector<16xi1>, vector<16xf32>
    %add3A_1695 = arith.addf %add3A_1680, %select_n3A_1694 : vector<16xf32>
    %get3A_1696 = arith.constant 2 : i32
    %get3A_1697 = arith.constant 2 : i32
    %get3A_1698 = arith.index_cast %get3A_1696 : i32 to index
    %get3A_1699 = arith.index_cast %get3A_1697 : i32 to index
    %get3A_1700 = arith.index_cast %mul3A_1653 : i32 to index
    %get3A_1701 = tpu.vector_load %arg7[%get3A_1698, %get3A_1699, %get3A_1700] {strides = array<i32>} : memref<8x8x1024xf32, #tpu.memory_space<vmem>>, vector<1x1x16xf32>,
    %get3A_1702 = vector.shape_cast %get3A_1701 : vector<1x1x16xf32> to vector<16xf32>
    %add3A_1703 = arith.constant 32 : i32
    %add3A_1704 = arith.addi %add3A_1703, %sub3A_1654 : i32
    %eq3A_1705 = vector.broadcast %add3A_1704 : i32 to vector<16xi32>
    %eq3A_1706 = arith.cmpi eq, %add3A_1665, %eq3A_1705 : vector<16xi32>
    %jit3A_1707 = arith.constant 0.000000e+00 : f32
    %broadcast_in_dim3A_1708 = vector.broadcast %jit3A_1707 : f32 to vector<16xf32>
    %select_n3A_1709 = arith.select %eq3A_1706, %get3A_1702, %broadcast_in_dim3A_1708 : vector<16xi1>, vector<16xf32>
    %add3A_1710 = arith.addf %add3A_1695, %select_n3A_1709 : vector<16xf32>
    %get3A_1711 = arith.constant 2 : i32
    %get3A_1712 = arith.constant 3 : i32
    %get3A_1713 = arith.index_cast %get3A_1711 : i32 to index
    %get3A_1714 = arith.index_cast %get3A_1712 : i32 to index
    %get3A_1715 = arith.index_cast %mul3A_1653 : i32 to index
    %get3A_1716 = tpu.vector_load %arg7[%get3A_1713, %get3A_1714, %get3A_1715] {strides = array<i32>} : memref<8x8x1024xf32, #tpu.memory_space<vmem>>, vector<1x1x16xf32>,
    %get3A_1717 = vector.shape_cast %get3A_1716 : vector<1x1x16xf32> to vector<16xf32>
    %add3A_1718 = arith.constant 48 : i32
    %add3A_1719 = arith.addi %add3A_1718, %sub3A_1654 : i32
    %eq3A_1720 = vector.broadcast %add3A_1719 : i32 to vector<16xi32>
    %eq3A_1721 = arith.cmpi eq, %add3A_1665, %eq3A_1720 : vector<16xi32>
    %jit3A_1722 = arith.constant 0.000000e+00 : f32
    %broadcast_in_dim3A_1723 = vector.broadcast %jit3A_1722 : f32 to vector<16xf32>
    %select_n3A_1724 = arith.select %eq3A_1721, %get3A_1717, %broadcast_in_dim3A_1723 : vector<16xi1>, vector<16xf32>
    %add3A_1725 = arith.addf %add3A_1710, %select_n3A_1724 : vector<16xf32>
    %get3A_1726 = arith.constant 2 : i32
    %get3A_1727 = arith.constant 4 : i32
    %get3A_1728 = arith.index_cast %get3A_1726 : i32 to index
    %get3A_1729 = arith.index_cast %get3A_1727 : i32 to index
    %get3A_1730 = arith.index_cast %mul3A_1653 : i32 to index
    %get3A_1731 = tpu.vector_load %arg7[%get3A_1728, %get3A_1729, %get3A_1730] {strides = array<i32>} : memref<8x8x1024xf32, #tpu.memory_space<vmem>>, vector<1x1x16xf32>,
    %get3A_1732 = vector.shape_cast %get3A_1731 : vector<1x1x16xf32> to vector<16xf32>
    %add3A_1733 = arith.constant 64 : i32
    %add3A_1734 = arith.addi %add3A_1733, %sub3A_1654 : i32
    %eq3A_1735 = vector.broadcast %add3A_1734 : i32 to vector<16xi32>
    %eq3A_1736 = arith.cmpi eq, %add3A_1665, %eq3A_1735 : vector<16xi32>
    %jit3A_1737 = arith.constant 0.000000e+00 : f32
    %broadcast_in_dim3A_1738 = vector.broadcast %jit3A_1737 : f32 to vector<16xf32>
    %select_n3A_1739 = arith.select %eq3A_1736, %get3A_1732, %broadcast_in_dim3A_1738 : vector<16xi1>, vector<16xf32>
    %add3A_1740 = arith.addf %add3A_1725, %select_n3A_1739 : vector<16xf32>
    %get3A_1741 = arith.constant 2 : i32
    %get3A_1742 = arith.constant 5 : i32
    %get3A_1743 = arith.index_cast %get3A_1741 : i32 to index
    %get3A_1744 = arith.index_cast %get3A_1742 : i32 to index
    %get3A_1745 = arith.index_cast %mul3A_1653 : i32 to index
    %get3A_1746 = tpu.vector_load %arg7[%get3A_1743, %get3A_1744, %get3A_1745] {strides = array<i32>} : memref<8x8x1024xf32, #tpu.memory_space<vmem>>, vector<1x1x16xf32>,
    %get3A_1747 = vector.shape_cast %get3A_1746 : vector<1x1x16xf32> to vector<16xf32>
    %add3A_1748 = arith.constant 80 : i32
    %add3A_1749 = arith.addi %add3A_1748, %sub3A_1654 : i32
    %eq3A_1750 = vector.broadcast %add3A_1749 : i32 to vector<16xi32>
    %eq3A_1751 = arith.cmpi eq, %add3A_1665, %eq3A_1750 : vector<16xi32>
    %jit3A_1752 = arith.constant 0.000000e+00 : f32
    %broadcast_in_dim3A_1753 = vector.broadcast %jit3A_1752 : f32 to vector<16xf32>
    %select_n3A_1754 = arith.select %eq3A_1751, %get3A_1747, %broadcast_in_dim3A_1753 : vector<16xi1>, vector<16xf32>
    %add3A_1755 = arith.addf %add3A_1740, %select_n3A_1754 : vector<16xf32>
    %get3A_1756 = arith.constant 2 : i32
    %get3A_1757 = arith.constant 6 : i32
    %get3A_1758 = arith.index_cast %get3A_1756 : i32 to index
    %get3A_1759 = arith.index_cast %get3A_1757 : i32 to index
    %get3A_1760 = arith.index_cast %mul3A_1653 : i32 to index
    %get3A_1761 = tpu.vector_load %arg7[%get3A_1758, %get3A_1759, %get3A_1760] {strides = array<i32>} : memref<8x8x1024xf32, #tpu.memory_space<vmem>>, vector<1x1x16xf32>,
    %get3A_1762 = vector.shape_cast %get3A_1761 : vector<1x1x16xf32> to vector<16xf32>
    %add3A_1763 = arith.constant 96 : i32
    %add3A_1764 = arith.addi %add3A_1763, %sub3A_1654 : i32
    %eq3A_1765 = vector.broadcast %add3A_1764 : i32 to vector<16xi32>
    %eq3A_1766 = arith.cmpi eq, %add3A_1665, %eq3A_1765 : vector<16xi32>
    %jit3A_1767 = arith.constant 0.000000e+00 : f32
    %broadcast_in_dim3A_1768 = vector.broadcast %jit3A_1767 : f32 to vector<16xf32>
    %select_n3A_1769 = arith.select %eq3A_1766, %get3A_1762, %broadcast_in_dim3A_1768 : vector<16xi1>, vector<16xf32>
    %add3A_1770 = arith.addf %add3A_1755, %select_n3A_1769 : vector<16xf32>
    %get3A_1771 = arith.constant 2 : i32
    %get3A_1772 = arith.constant 7 : i32
    %get3A_1773 = arith.index_cast %get3A_1771 : i32 to index
    %get3A_1774 = arith.index_cast %get3A_1772 : i32 to index
    %get3A_1775 = arith.index_cast %mul3A_1653 : i32 to index
    %get3A_1776 = tpu.vector_load %arg7[%get3A_1773, %get3A_1774, %get3A_1775] {strides = array<i32>} : memref<8x8x1024xf32, #tpu.memory_space<vmem>>, vector<1x1x16xf32>,
    %get3A_1777 = vector.shape_cast %get3A_1776 : vector<1x1x16xf32> to vector<16xf32>
    %add3A_1778 = arith.constant 112 : i32
    %add3A_1779 = arith.addi %add3A_1778, %sub3A_1654 : i32
    %eq3A_1780 = vector.broadcast %add3A_1779 : i32 to vector<16xi32>
    %eq3A_1781 = arith.cmpi eq, %add3A_1665, %eq3A_1780 : vector<16xi32>
    %jit3A_1782 = arith.constant 0.000000e+00 : f32
    %broadcast_in_dim3A_1783 = vector.broadcast %jit3A_1782 : f32 to vector<16xf32>
    %select_n3A_1784 = arith.select %eq3A_1781, %get3A_1777, %broadcast_in_dim3A_1783 : vector<16xi1>, vector<16xf32>
    %add3A_1785 = arith.addf %add3A_1770, %select_n3A_1784 : vector<16xf32>
    %add3A_1786 = arith.constant 11 : i32
    %add3A_1787 = arith.addi %mul3A_2, %add3A_1786 : i32
    %jit3A_1788 = arith.constant 16 : i32
    %div3A_1789 = arith.divsi %add3A_1787, %jit3A_1788 : i32
    %sign3A_1790 = arith.constant 0 : i32
    %sign3A_1791 = arith.cmpi sgt, %add3A_1787, %sign3A_1790 : i32
    %sign3A_1792 = arith.extui %sign3A_1791 : i1 to i32
    %sign3A_1793 = arith.constant 0 : i32
    %sign3A_1794 = arith.cmpi slt, %add3A_1787, %sign3A_1793 : i32
    %sign3A_1795 = arith.extui %sign3A_1794 : i1 to i32
    %sign3A_1796 = arith.subi %sign3A_1792, %sign3A_1795 : i32
    %sign3A_1797 = arith.constant 0 : i32
    %sign3A_1798 = arith.cmpi sgt, %jit3A_1788, %sign3A_1797 : i32
    %sign3A_1799 = arith.extui %sign3A_1798 : i1 to i32
    %sign3A_1800 = arith.constant 0 : i32
    %sign3A_1801 = arith.cmpi slt, %jit3A_1788, %sign3A_1800 : i32
    %sign3A_1802 = arith.extui %sign3A_1801 : i1 to i32
    %sign3A_1803 = arith.subi %sign3A_1799, %sign3A_1802 : i32
    %ne3A_1804 = arith.cmpi ne, %sign3A_1796, %sign3A_1803 : i32
    %rem3A_1805 = arith.remsi %add3A_1787, %jit3A_1788 : i32
    %ne3A_1806 = arith.constant 0 : i32
    %ne3A_1807 = arith.cmpi ne, %rem3A_1805, %ne3A_1806 : i32
    %and3A_1808 = arith.andi %ne3A_1804, %ne3A_1807 : i1
    %sub3A_1809 = arith.constant 1 : i32
    %sub3A_1810 = arith.subi %div3A_1789, %sub3A_1809 : i32
    %select_n3A_1811 = arith.select %and3A_1808, %sub3A_1810, %div3A_1789 : i32
    %mul3A_1812 = arith.constant 16 : i32
    %mul3A_1813 = arith.muli %select_n3A_1811, %mul3A_1812 : i32
    %sub3A_1814 = arith.subi %add3A_1787, %mul3A_1813 : i32
    %broadcast_in_dim3A_1815 = arith.constant 11 : i32
    %broadcast_in_dim3A_1816 = vector.broadcast %broadcast_in_dim3A_1815 : i32 to vector<16x1xi32>
    %gather3A_1817 = vector.shape_cast %broadcast_in_dim3A_1816 : vector<16x1xi32> to vector<16xi32>
    %gather3A_1818 = tpu.dynamic_gather %get3A_9[%gather3A_1817] in [0] : vector<16xi32>, vector<16xi32> -> vector<16xi32>
    %and3A_1819 = arith.constant 7 : i32
    %and3A_1820 = vector.broadcast %and3A_1819 : i32 to vector<16xi32>
    %and3A_1821 = arith.andi %gather3A_1818, %and3A_1820 : vector<16xi32>
    %mul3A_1822 = arith.constant 16 : i32
    %mul3A_1823 = vector.broadcast %mul3A_1822 : i32 to vector<16xi32>
    %mul3A_1824 = arith.muli %and3A_1821, %mul3A_1823 : vector<16xi32>
    %add3A_1825 = arith.addi %mul3A_1824, %iota3A : vector<16xi32>
    %get3A_1826 = arith.constant 3 : i32
    %get3A_1827 = arith.constant 0 : i32
    %get3A_1828 = arith.index_cast %get3A_1826 : i32 to index
    %get3A_1829 = arith.index_cast %get3A_1827 : i32 to index
    %get3A_1830 = arith.index_cast %mul3A_1813 : i32 to index
    %get3A_1831 = tpu.vector_load %arg7[%get3A_1828, %get3A_1829, %get3A_1830] {strides = array<i32>} : memref<8x8x1024xf32, #tpu.memory_space<vmem>>, vector<1x1x16xf32>,
    %get3A_1832 = vector.shape_cast %get3A_1831 : vector<1x1x16xf32> to vector<16xf32>
    %add3A_1833 = arith.constant 0 : i32
    %add3A_1834 = arith.addi %add3A_1833, %sub3A_1814 : i32
    %eq3A_1835 = vector.broadcast %add3A_1834 : i32 to vector<16xi32>
    %eq3A_1836 = arith.cmpi eq, %add3A_1825, %eq3A_1835 : vector<16xi32>
    %jit3A_1837 = arith.constant 0.000000e+00 : f32
    %broadcast_in_dim3A_1838 = vector.broadcast %jit3A_1837 : f32 to vector<16xf32>
    %select_n3A_1839 = arith.select %eq3A_1836, %get3A_1832, %broadcast_in_dim3A_1838 : vector<16xi1>, vector<16xf32>
    %add3A_1840 = arith.addf %add3A_1785, %select_n3A_1839 : vector<16xf32>
    %get3A_1841 = arith.constant 3 : i32
    %get3A_1842 = arith.constant 1 : i32
    %get3A_1843 = arith.index_cast %get3A_1841 : i32 to index
    %get3A_1844 = arith.index_cast %get3A_1842 : i32 to index
    %get3A_1845 = arith.index_cast %mul3A_1813 : i32 to index
    %get3A_1846 = tpu.vector_load %arg7[%get3A_1843, %get3A_1844, %get3A_1845] {strides = array<i32>} : memref<8x8x1024xf32, #tpu.memory_space<vmem>>, vector<1x1x16xf32>,
    %get3A_1847 = vector.shape_cast %get3A_1846 : vector<1x1x16xf32> to vector<16xf32>
    %add3A_1848 = arith.constant 16 : i32
    %add3A_1849 = arith.addi %add3A_1848, %sub3A_1814 : i32
    %eq3A_1850 = vector.broadcast %add3A_1849 : i32 to vector<16xi32>
    %eq3A_1851 = arith.cmpi eq, %add3A_1825, %eq3A_1850 : vector<16xi32>
    %jit3A_1852 = arith.constant 0.000000e+00 : f32
    %broadcast_in_dim3A_1853 = vector.broadcast %jit3A_1852 : f32 to vector<16xf32>
    %select_n3A_1854 = arith.select %eq3A_1851, %get3A_1847, %broadcast_in_dim3A_1853 : vector<16xi1>, vector<16xf32>
    %add3A_1855 = arith.addf %add3A_1840, %select_n3A_1854 : vector<16xf32>
    %get3A_1856 = arith.constant 3 : i32
    %get3A_1857 = arith.constant 2 : i32
    %get3A_1858 = arith.index_cast %get3A_1856 : i32 to index
    %get3A_1859 = arith.index_cast %get3A_1857 : i32 to index
    %get3A_1860 = arith.index_cast %mul3A_1813 : i32 to index
    %get3A_1861 = tpu.vector_load %arg7[%get3A_1858, %get3A_1859, %get3A_1860] {strides = array<i32>} : memref<8x8x1024xf32, #tpu.memory_space<vmem>>, vector<1x1x16xf32>,
    %get3A_1862 = vector.shape_cast %get3A_1861 : vector<1x1x16xf32> to vector<16xf32>
    %add3A_1863 = arith.constant 32 : i32
    %add3A_1864 = arith.addi %add3A_1863, %sub3A_1814 : i32
    %eq3A_1865 = vector.broadcast %add3A_1864 : i32 to vector<16xi32>
    %eq3A_1866 = arith.cmpi eq, %add3A_1825, %eq3A_1865 : vector<16xi32>
    %jit3A_1867 = arith.constant 0.000000e+00 : f32
    %broadcast_in_dim3A_1868 = vector.broadcast %jit3A_1867 : f32 to vector<16xf32>
    %select_n3A_1869 = arith.select %eq3A_1866, %get3A_1862, %broadcast_in_dim3A_1868 : vector<16xi1>, vector<16xf32>
    %add3A_1870 = arith.addf %add3A_1855, %select_n3A_1869 : vector<16xf32>
    %get3A_1871 = arith.constant 3 : i32
    %get3A_1872 = arith.constant 3 : i32
    %get3A_1873 = arith.index_cast %get3A_1871 : i32 to index
    %get3A_1874 = arith.index_cast %get3A_1872 : i32 to index
    %get3A_1875 = arith.index_cast %mul3A_1813 : i32 to index
    %get3A_1876 = tpu.vector_load %arg7[%get3A_1873, %get3A_1874, %get3A_1875] {strides = array<i32>} : memref<8x8x1024xf32, #tpu.memory_space<vmem>>, vector<1x1x16xf32>,
    %get3A_1877 = vector.shape_cast %get3A_1876 : vector<1x1x16xf32> to vector<16xf32>
    %add3A_1878 = arith.constant 48 : i32
    %add3A_1879 = arith.addi %add3A_1878, %sub3A_1814 : i32
    %eq3A_1880 = vector.broadcast %add3A_1879 : i32 to vector<16xi32>
    %eq3A_1881 = arith.cmpi eq, %add3A_1825, %eq3A_1880 : vector<16xi32>
    %jit3A_1882 = arith.constant 0.000000e+00 : f32
    %broadcast_in_dim3A_1883 = vector.broadcast %jit3A_1882 : f32 to vector<16xf32>
    %select_n3A_1884 = arith.select %eq3A_1881, %get3A_1877, %broadcast_in_dim3A_1883 : vector<16xi1>, vector<16xf32>
    %add3A_1885 = arith.addf %add3A_1870, %select_n3A_1884 : vector<16xf32>
    %get3A_1886 = arith.constant 3 : i32
    %get3A_1887 = arith.constant 4 : i32
    %get3A_1888 = arith.index_cast %get3A_1886 : i32 to index
    %get3A_1889 = arith.index_cast %get3A_1887 : i32 to index
    %get3A_1890 = arith.index_cast %mul3A_1813 : i32 to index
    %get3A_1891 = tpu.vector_load %arg7[%get3A_1888, %get3A_1889, %get3A_1890] {strides = array<i32>} : memref<8x8x1024xf32, #tpu.memory_space<vmem>>, vector<1x1x16xf32>,
    %get3A_1892 = vector.shape_cast %get3A_1891 : vector<1x1x16xf32> to vector<16xf32>
    %add3A_1893 = arith.constant 64 : i32
    %add3A_1894 = arith.addi %add3A_1893, %sub3A_1814 : i32
    %eq3A_1895 = vector.broadcast %add3A_1894 : i32 to vector<16xi32>
    %eq3A_1896 = arith.cmpi eq, %add3A_1825, %eq3A_1895 : vector<16xi32>
    %jit3A_1897 = arith.constant 0.000000e+00 : f32
    %broadcast_in_dim3A_1898 = vector.broadcast %jit3A_1897 : f32 to vector<16xf32>
    %select_n3A_1899 = arith.select %eq3A_1896, %get3A_1892, %broadcast_in_dim3A_1898 : vector<16xi1>, vector<16xf32>
    %add3A_1900 = arith.addf %add3A_1885, %select_n3A_1899 : vector<16xf32>
    %get3A_1901 = arith.constant 3 : i32
    %get3A_1902 = arith.constant 5 : i32
    %get3A_1903 = arith.index_cast %get3A_1901 : i32 to index
    %get3A_1904 = arith.index_cast %get3A_1902 : i32 to index
    %get3A_1905 = arith.index_cast %mul3A_1813 : i32 to index
    %get3A_1906 = tpu.vector_load %arg7[%get3A_1903, %get3A_1904, %get3A_1905] {strides = array<i32>} : memref<8x8x1024xf32, #tpu.memory_space<vmem>>, vector<1x1x16xf32>,
    %get3A_1907 = vector.shape_cast %get3A_1906 : vector<1x1x16xf32> to vector<16xf32>
    %add3A_1908 = arith.constant 80 : i32
    %add3A_1909 = arith.addi %add3A_1908, %sub3A_1814 : i32
    %eq3A_1910 = vector.broadcast %add3A_1909 : i32 to vector<16xi32>
    %eq3A_1911 = arith.cmpi eq, %add3A_1825, %eq3A_1910 : vector<16xi32>
    %jit3A_1912 = arith.constant 0.000000e+00 : f32
    %broadcast_in_dim3A_1913 = vector.broadcast %jit3A_1912 : f32 to vector<16xf32>
    %select_n3A_1914 = arith.select %eq3A_1911, %get3A_1907, %broadcast_in_dim3A_1913 : vector<16xi1>, vector<16xf32>
    %add3A_1915 = arith.addf %add3A_1900, %select_n3A_1914 : vector<16xf32>
    %get3A_1916 = arith.constant 3 : i32
    %get3A_1917 = arith.constant 6 : i32
    %get3A_1918 = arith.index_cast %get3A_1916 : i32 to index
    %get3A_1919 = arith.index_cast %get3A_1917 : i32 to index
    %get3A_1920 = arith.index_cast %mul3A_1813 : i32 to index
    %get3A_1921 = tpu.vector_load %arg7[%get3A_1918, %get3A_1919, %get3A_1920] {strides = array<i32>} : memref<8x8x1024xf32, #tpu.memory_space<vmem>>, vector<1x1x16xf32>,
    %get3A_1922 = vector.shape_cast %get3A_1921 : vector<1x1x16xf32> to vector<16xf32>
    %add3A_1923 = arith.constant 96 : i32
    %add3A_1924 = arith.addi %add3A_1923, %sub3A_1814 : i32
    %eq3A_1925 = vector.broadcast %add3A_1924 : i32 to vector<16xi32>
    %eq3A_1926 = arith.cmpi eq, %add3A_1825, %eq3A_1925 : vector<16xi32>
    %jit3A_1927 = arith.constant 0.000000e+00 : f32
    %broadcast_in_dim3A_1928 = vector.broadcast %jit3A_1927 : f32 to vector<16xf32>
    %select_n3A_1929 = arith.select %eq3A_1926, %get3A_1922, %broadcast_in_dim3A_1928 : vector<16xi1>, vector<16xf32>
    %add3A_1930 = arith.addf %add3A_1915, %select_n3A_1929 : vector<16xf32>
    %get3A_1931 = arith.constant 3 : i32
    %get3A_1932 = arith.constant 7 : i32
    %get3A_1933 = arith.index_cast %get3A_1931 : i32 to index
    %get3A_1934 = arith.index_cast %get3A_1932 : i32 to index
    %get3A_1935 = arith.index_cast %mul3A_1813 : i32 to index
    %get3A_1936 = tpu.vector_load %arg7[%get3A_1933, %get3A_1934, %get3A_1935] {strides = array<i32>} : memref<8x8x1024xf32, #tpu.memory_space<vmem>>, vector<1x1x16xf32>,
    %get3A_1937 = vector.shape_cast %get3A_1936 : vector<1x1x16xf32> to vector<16xf32>
    %add3A_1938 = arith.constant 112 : i32
    %add3A_1939 = arith.addi %add3A_1938, %sub3A_1814 : i32
    %eq3A_1940 = vector.broadcast %add3A_1939 : i32 to vector<16xi32>
    %eq3A_1941 = arith.cmpi eq, %add3A_1825, %eq3A_1940 : vector<16xi32>
    %jit3A_1942 = arith.constant 0.000000e+00 : f32
    %broadcast_in_dim3A_1943 = vector.broadcast %jit3A_1942 : f32 to vector<16xf32>
    %select_n3A_1944 = arith.select %eq3A_1941, %get3A_1937, %broadcast_in_dim3A_1943 : vector<16xi1>, vector<16xf32>
    %add3A_1945 = arith.addf %add3A_1930, %select_n3A_1944 : vector<16xf32>
    %add3A_1946 = arith.constant 12 : i32
    %add3A_1947 = arith.addi %mul3A_2, %add3A_1946 : i32
    %jit3A_1948 = arith.constant 16 : i32
    %div3A_1949 = arith.divsi %add3A_1947, %jit3A_1948 : i32
    %sign3A_1950 = arith.constant 0 : i32
    %sign3A_1951 = arith.cmpi sgt, %add3A_1947, %sign3A_1950 : i32
    %sign3A_1952 = arith.extui %sign3A_1951 : i1 to i32
    %sign3A_1953 = arith.constant 0 : i32
    %sign3A_1954 = arith.cmpi slt, %add3A_1947, %sign3A_1953 : i32
    %sign3A_1955 = arith.extui %sign3A_1954 : i1 to i32
    %sign3A_1956 = arith.subi %sign3A_1952, %sign3A_1955 : i32
    %sign3A_1957 = arith.constant 0 : i32
    %sign3A_1958 = arith.cmpi sgt, %jit3A_1948, %sign3A_1957 : i32
    %sign3A_1959 = arith.extui %sign3A_1958 : i1 to i32
    %sign3A_1960 = arith.constant 0 : i32
    %sign3A_1961 = arith.cmpi slt, %jit3A_1948, %sign3A_1960 : i32
    %sign3A_1962 = arith.extui %sign3A_1961 : i1 to i32
    %sign3A_1963 = arith.subi %sign3A_1959, %sign3A_1962 : i32
    %ne3A_1964 = arith.cmpi ne, %sign3A_1956, %sign3A_1963 : i32
    %rem3A_1965 = arith.remsi %add3A_1947, %jit3A_1948 : i32
    %ne3A_1966 = arith.constant 0 : i32
    %ne3A_1967 = arith.cmpi ne, %rem3A_1965, %ne3A_1966 : i32
    %and3A_1968 = arith.andi %ne3A_1964, %ne3A_1967 : i1
    %sub3A_1969 = arith.constant 1 : i32
    %sub3A_1970 = arith.subi %div3A_1949, %sub3A_1969 : i32
    %select_n3A_1971 = arith.select %and3A_1968, %sub3A_1970, %div3A_1949 : i32
    %mul3A_1972 = arith.constant 16 : i32
    %mul3A_1973 = arith.muli %select_n3A_1971, %mul3A_1972 : i32
    %sub3A_1974 = arith.subi %add3A_1947, %mul3A_1973 : i32
    %broadcast_in_dim3A_1975 = arith.constant 12 : i32
    %broadcast_in_dim3A_1976 = vector.broadcast %broadcast_in_dim3A_1975 : i32 to vector<16x1xi32>
    %gather3A_1977 = vector.shape_cast %broadcast_in_dim3A_1976 : vector<16x1xi32> to vector<16xi32>
    %gather3A_1978 = tpu.dynamic_gather %get3A_9[%gather3A_1977] in [0] : vector<16xi32>, vector<16xi32> -> vector<16xi32>
    %and3A_1979 = arith.constant 7 : i32
    %and3A_1980 = vector.broadcast %and3A_1979 : i32 to vector<16xi32>
    %and3A_1981 = arith.andi %gather3A_1978, %and3A_1980 : vector<16xi32>
    %mul3A_1982 = arith.constant 16 : i32
    %mul3A_1983 = vector.broadcast %mul3A_1982 : i32 to vector<16xi32>
    %mul3A_1984 = arith.muli %and3A_1981, %mul3A_1983 : vector<16xi32>
    %add3A_1985 = arith.addi %mul3A_1984, %iota3A : vector<16xi32>
    %get3A_1986 = arith.constant 4 : i32
    %get3A_1987 = arith.constant 0 : i32
    %get3A_1988 = arith.index_cast %get3A_1986 : i32 to index
    %get3A_1989 = arith.index_cast %get3A_1987 : i32 to index
    %get3A_1990 = arith.index_cast %mul3A_1973 : i32 to index
    %get3A_1991 = tpu.vector_load %arg7[%get3A_1988, %get3A_1989, %get3A_1990] {strides = array<i32>} : memref<8x8x1024xf32, #tpu.memory_space<vmem>>, vector<1x1x16xf32>,
    %get3A_1992 = vector.shape_cast %get3A_1991 : vector<1x1x16xf32> to vector<16xf32>
    %add3A_1993 = arith.constant 0 : i32
    %add3A_1994 = arith.addi %add3A_1993, %sub3A_1974 : i32
    %eq3A_1995 = vector.broadcast %add3A_1994 : i32 to vector<16xi32>
    %eq3A_1996 = arith.cmpi eq, %add3A_1985, %eq3A_1995 : vector<16xi32>
    %jit3A_1997 = arith.constant 0.000000e+00 : f32
    %broadcast_in_dim3A_1998 = vector.broadcast %jit3A_1997 : f32 to vector<16xf32>
    %select_n3A_1999 = arith.select %eq3A_1996, %get3A_1992, %broadcast_in_dim3A_1998 : vector<16xi1>, vector<16xf32>
    %add3A_2000 = arith.addf %add3A_1945, %select_n3A_1999 : vector<16xf32>
    %get3A_2001 = arith.constant 4 : i32
    %get3A_2002 = arith.constant 1 : i32
    %get3A_2003 = arith.index_cast %get3A_2001 : i32 to index
    %get3A_2004 = arith.index_cast %get3A_2002 : i32 to index
    %get3A_2005 = arith.index_cast %mul3A_1973 : i32 to index
    %get3A_2006 = tpu.vector_load %arg7[%get3A_2003, %get3A_2004, %get3A_2005] {strides = array<i32>} : memref<8x8x1024xf32, #tpu.memory_space<vmem>>, vector<1x1x16xf32>,
    %get3A_2007 = vector.shape_cast %get3A_2006 : vector<1x1x16xf32> to vector<16xf32>
    %add3A_2008 = arith.constant 16 : i32
    %add3A_2009 = arith.addi %add3A_2008, %sub3A_1974 : i32
    %eq3A_2010 = vector.broadcast %add3A_2009 : i32 to vector<16xi32>
    %eq3A_2011 = arith.cmpi eq, %add3A_1985, %eq3A_2010 : vector<16xi32>
    %jit3A_2012 = arith.constant 0.000000e+00 : f32
    %broadcast_in_dim3A_2013 = vector.broadcast %jit3A_2012 : f32 to vector<16xf32>
    %select_n3A_2014 = arith.select %eq3A_2011, %get3A_2007, %broadcast_in_dim3A_2013 : vector<16xi1>, vector<16xf32>
    %add3A_2015 = arith.addf %add3A_2000, %select_n3A_2014 : vector<16xf32>
    %get3A_2016 = arith.constant 4 : i32
    %get3A_2017 = arith.constant 2 : i32
    %get3A_2018 = arith.index_cast %get3A_2016 : i32 to index
    %get3A_2019 = arith.index_cast %get3A_2017 : i32 to index
    %get3A_2020 = arith.index_cast %mul3A_1973 : i32 to index
    %get3A_2021 = tpu.vector_load %arg7[%get3A_2018, %get3A_2019, %get3A_2020] {strides = array<i32>} : memref<8x8x1024xf32, #tpu.memory_space<vmem>>, vector<1x1x16xf32>,
    %get3A_2022 = vector.shape_cast %get3A_2021 : vector<1x1x16xf32> to vector<16xf32>
    %add3A_2023 = arith.constant 32 : i32
    %add3A_2024 = arith.addi %add3A_2023, %sub3A_1974 : i32
    %eq3A_2025 = vector.broadcast %add3A_2024 : i32 to vector<16xi32>
    %eq3A_2026 = arith.cmpi eq, %add3A_1985, %eq3A_2025 : vector<16xi32>
    %jit3A_2027 = arith.constant 0.000000e+00 : f32
    %broadcast_in_dim3A_2028 = vector.broadcast %jit3A_2027 : f32 to vector<16xf32>
    %select_n3A_2029 = arith.select %eq3A_2026, %get3A_2022, %broadcast_in_dim3A_2028 : vector<16xi1>, vector<16xf32>
    %add3A_2030 = arith.addf %add3A_2015, %select_n3A_2029 : vector<16xf32>
    %get3A_2031 = arith.constant 4 : i32
    %get3A_2032 = arith.constant 3 : i32
    %get3A_2033 = arith.index_cast %get3A_2031 : i32 to index
    %get3A_2034 = arith.index_cast %get3A_2032 : i32 to index
    %get3A_2035 = arith.index_cast %mul3A_1973 : i32 to index
    %get3A_2036 = tpu.vector_load %arg7[%get3A_2033, %get3A_2034, %get3A_2035] {strides = array<i32>} : memref<8x8x1024xf32, #tpu.memory_space<vmem>>, vector<1x1x16xf32>,
    %get3A_2037 = vector.shape_cast %get3A_2036 : vector<1x1x16xf32> to vector<16xf32>
    %add3A_2038 = arith.constant 48 : i32
    %add3A_2039 = arith.addi %add3A_2038, %sub3A_1974 : i32
    %eq3A_2040 = vector.broadcast %add3A_2039 : i32 to vector<16xi32>
    %eq3A_2041 = arith.cmpi eq, %add3A_1985, %eq3A_2040 : vector<16xi32>
    %jit3A_2042 = arith.constant 0.000000e+00 : f32
    %broadcast_in_dim3A_2043 = vector.broadcast %jit3A_2042 : f32 to vector<16xf32>
    %select_n3A_2044 = arith.select %eq3A_2041, %get3A_2037, %broadcast_in_dim3A_2043 : vector<16xi1>, vector<16xf32>
    %add3A_2045 = arith.addf %add3A_2030, %select_n3A_2044 : vector<16xf32>
    %get3A_2046 = arith.constant 4 : i32
    %get3A_2047 = arith.constant 4 : i32
    %get3A_2048 = arith.index_cast %get3A_2046 : i32 to index
    %get3A_2049 = arith.index_cast %get3A_2047 : i32 to index
    %get3A_2050 = arith.index_cast %mul3A_1973 : i32 to index
    %get3A_2051 = tpu.vector_load %arg7[%get3A_2048, %get3A_2049, %get3A_2050] {strides = array<i32>} : memref<8x8x1024xf32, #tpu.memory_space<vmem>>, vector<1x1x16xf32>,
    %get3A_2052 = vector.shape_cast %get3A_2051 : vector<1x1x16xf32> to vector<16xf32>
    %add3A_2053 = arith.constant 64 : i32
    %add3A_2054 = arith.addi %add3A_2053, %sub3A_1974 : i32
    %eq3A_2055 = vector.broadcast %add3A_2054 : i32 to vector<16xi32>
    %eq3A_2056 = arith.cmpi eq, %add3A_1985, %eq3A_2055 : vector<16xi32>
    %jit3A_2057 = arith.constant 0.000000e+00 : f32
    %broadcast_in_dim3A_2058 = vector.broadcast %jit3A_2057 : f32 to vector<16xf32>
    %select_n3A_2059 = arith.select %eq3A_2056, %get3A_2052, %broadcast_in_dim3A_2058 : vector<16xi1>, vector<16xf32>
    %add3A_2060 = arith.addf %add3A_2045, %select_n3A_2059 : vector<16xf32>
    %get3A_2061 = arith.constant 4 : i32
    %get3A_2062 = arith.constant 5 : i32
    %get3A_2063 = arith.index_cast %get3A_2061 : i32 to index
    %get3A_2064 = arith.index_cast %get3A_2062 : i32 to index
    %get3A_2065 = arith.index_cast %mul3A_1973 : i32 to index
    %get3A_2066 = tpu.vector_load %arg7[%get3A_2063, %get3A_2064, %get3A_2065] {strides = array<i32>} : memref<8x8x1024xf32, #tpu.memory_space<vmem>>, vector<1x1x16xf32>,
    %get3A_2067 = vector.shape_cast %get3A_2066 : vector<1x1x16xf32> to vector<16xf32>
    %add3A_2068 = arith.constant 80 : i32
    %add3A_2069 = arith.addi %add3A_2068, %sub3A_1974 : i32
    %eq3A_2070 = vector.broadcast %add3A_2069 : i32 to vector<16xi32>
    %eq3A_2071 = arith.cmpi eq, %add3A_1985, %eq3A_2070 : vector<16xi32>
    %jit3A_2072 = arith.constant 0.000000e+00 : f32
    %broadcast_in_dim3A_2073 = vector.broadcast %jit3A_2072 : f32 to vector<16xf32>
    %select_n3A_2074 = arith.select %eq3A_2071, %get3A_2067, %broadcast_in_dim3A_2073 : vector<16xi1>, vector<16xf32>
    %add3A_2075 = arith.addf %add3A_2060, %select_n3A_2074 : vector<16xf32>
    %get3A_2076 = arith.constant 4 : i32
    %get3A_2077 = arith.constant 6 : i32
    %get3A_2078 = arith.index_cast %get3A_2076 : i32 to index
    %get3A_2079 = arith.index_cast %get3A_2077 : i32 to index
    %get3A_2080 = arith.index_cast %mul3A_1973 : i32 to index
    %get3A_2081 = tpu.vector_load %arg7[%get3A_2078, %get3A_2079, %get3A_2080] {strides = array<i32>} : memref<8x8x1024xf32, #tpu.memory_space<vmem>>, vector<1x1x16xf32>,
    %get3A_2082 = vector.shape_cast %get3A_2081 : vector<1x1x16xf32> to vector<16xf32>
    %add3A_2083 = arith.constant 96 : i32
    %add3A_2084 = arith.addi %add3A_2083, %sub3A_1974 : i32
    %eq3A_2085 = vector.broadcast %add3A_2084 : i32 to vector<16xi32>
    %eq3A_2086 = arith.cmpi eq, %add3A_1985, %eq3A_2085 : vector<16xi32>
    %jit3A_2087 = arith.constant 0.000000e+00 : f32
    %broadcast_in_dim3A_2088 = vector.broadcast %jit3A_2087 : f32 to vector<16xf32>
    %select_n3A_2089 = arith.select %eq3A_2086, %get3A_2082, %broadcast_in_dim3A_2088 : vector<16xi1>, vector<16xf32>
    %add3A_2090 = arith.addf %add3A_2075, %select_n3A_2089 : vector<16xf32>
    %get3A_2091 = arith.constant 4 : i32
    %get3A_2092 = arith.constant 7 : i32
    %get3A_2093 = arith.index_cast %get3A_2091 : i32 to index
    %get3A_2094 = arith.index_cast %get3A_2092 : i32 to index
    %get3A_2095 = arith.index_cast %mul3A_1973 : i32 to index
    %get3A_2096 = tpu.vector_load %arg7[%get3A_2093, %get3A_2094, %get3A_2095] {strides = array<i32>} : memref<8x8x1024xf32, #tpu.memory_space<vmem>>, vector<1x1x16xf32>,
    %get3A_2097 = vector.shape_cast %get3A_2096 : vector<1x1x16xf32> to vector<16xf32>
    %add3A_2098 = arith.constant 112 : i32
    %add3A_2099 = arith.addi %add3A_2098, %sub3A_1974 : i32
    %eq3A_2100 = vector.broadcast %add3A_2099 : i32 to vector<16xi32>
    %eq3A_2101 = arith.cmpi eq, %add3A_1985, %eq3A_2100 : vector<16xi32>
    %jit3A_2102 = arith.constant 0.000000e+00 : f32
    %broadcast_in_dim3A_2103 = vector.broadcast %jit3A_2102 : f32 to vector<16xf32>
    %select_n3A_2104 = arith.select %eq3A_2101, %get3A_2097, %broadcast_in_dim3A_2103 : vector<16xi1>, vector<16xf32>
    %add3A_2105 = arith.addf %add3A_2090, %select_n3A_2104 : vector<16xf32>
    %add3A_2106 = arith.constant 13 : i32
    %add3A_2107 = arith.addi %mul3A_2, %add3A_2106 : i32
    %jit3A_2108 = arith.constant 16 : i32
    %div3A_2109 = arith.divsi %add3A_2107, %jit3A_2108 : i32
    %sign3A_2110 = arith.constant 0 : i32
    %sign3A_2111 = arith.cmpi sgt, %add3A_2107, %sign3A_2110 : i32
    %sign3A_2112 = arith.extui %sign3A_2111 : i1 to i32
    %sign3A_2113 = arith.constant 0 : i32
    %sign3A_2114 = arith.cmpi slt, %add3A_2107, %sign3A_2113 : i32
    %sign3A_2115 = arith.extui %sign3A_2114 : i1 to i32
    %sign3A_2116 = arith.subi %sign3A_2112, %sign3A_2115 : i32
    %sign3A_2117 = arith.constant 0 : i32
    %sign3A_2118 = arith.cmpi sgt, %jit3A_2108, %sign3A_2117 : i32
    %sign3A_2119 = arith.extui %sign3A_2118 : i1 to i32
    %sign3A_2120 = arith.constant 0 : i32
    %sign3A_2121 = arith.cmpi slt, %jit3A_2108, %sign3A_2120 : i32
    %sign3A_2122 = arith.extui %sign3A_2121 : i1 to i32
    %sign3A_2123 = arith.subi %sign3A_2119, %sign3A_2122 : i32
    %ne3A_2124 = arith.cmpi ne, %sign3A_2116, %sign3A_2123 : i32
    %rem3A_2125 = arith.remsi %add3A_2107, %jit3A_2108 : i32
    %ne3A_2126 = arith.constant 0 : i32
    %ne3A_2127 = arith.cmpi ne, %rem3A_2125, %ne3A_2126 : i32
    %and3A_2128 = arith.andi %ne3A_2124, %ne3A_2127 : i1
    %sub3A_2129 = arith.constant 1 : i32
    %sub3A_2130 = arith.subi %div3A_2109, %sub3A_2129 : i32
    %select_n3A_2131 = arith.select %and3A_2128, %sub3A_2130, %div3A_2109 : i32
    %mul3A_2132 = arith.constant 16 : i32
    %mul3A_2133 = arith.muli %select_n3A_2131, %mul3A_2132 : i32
    %sub3A_2134 = arith.subi %add3A_2107, %mul3A_2133 : i32
    %broadcast_in_dim3A_2135 = arith.constant 13 : i32
    %broadcast_in_dim3A_2136 = vector.broadcast %broadcast_in_dim3A_2135 : i32 to vector<16x1xi32>
    %gather3A_2137 = vector.shape_cast %broadcast_in_dim3A_2136 : vector<16x1xi32> to vector<16xi32>
    %gather3A_2138 = tpu.dynamic_gather %get3A_9[%gather3A_2137] in [0] : vector<16xi32>, vector<16xi32> -> vector<16xi32>
    %and3A_2139 = arith.constant 7 : i32
    %and3A_2140 = vector.broadcast %and3A_2139 : i32 to vector<16xi32>
    %and3A_2141 = arith.andi %gather3A_2138, %and3A_2140 : vector<16xi32>
    %mul3A_2142 = arith.constant 16 : i32
    %mul3A_2143 = vector.broadcast %mul3A_2142 : i32 to vector<16xi32>
    %mul3A_2144 = arith.muli %and3A_2141, %mul3A_2143 : vector<16xi32>
    %add3A_2145 = arith.addi %mul3A_2144, %iota3A : vector<16xi32>
    %get3A_2146 = arith.constant 5 : i32
    %get3A_2147 = arith.constant 0 : i32
    %get3A_2148 = arith.index_cast %get3A_2146 : i32 to index
    %get3A_2149 = arith.index_cast %get3A_2147 : i32 to index
    %get3A_2150 = arith.index_cast %mul3A_2133 : i32 to index
    %get3A_2151 = tpu.vector_load %arg7[%get3A_2148, %get3A_2149, %get3A_2150] {strides = array<i32>} : memref<8x8x1024xf32, #tpu.memory_space<vmem>>, vector<1x1x16xf32>,
    %get3A_2152 = vector.shape_cast %get3A_2151 : vector<1x1x16xf32> to vector<16xf32>
    %add3A_2153 = arith.constant 0 : i32
    %add3A_2154 = arith.addi %add3A_2153, %sub3A_2134 : i32
    %eq3A_2155 = vector.broadcast %add3A_2154 : i32 to vector<16xi32>
    %eq3A_2156 = arith.cmpi eq, %add3A_2145, %eq3A_2155 : vector<16xi32>
    %jit3A_2157 = arith.constant 0.000000e+00 : f32
    %broadcast_in_dim3A_2158 = vector.broadcast %jit3A_2157 : f32 to vector<16xf32>
    %select_n3A_2159 = arith.select %eq3A_2156, %get3A_2152, %broadcast_in_dim3A_2158 : vector<16xi1>, vector<16xf32>
    %add3A_2160 = arith.addf %add3A_2105, %select_n3A_2159 : vector<16xf32>
    %get3A_2161 = arith.constant 5 : i32
    %get3A_2162 = arith.constant 1 : i32
    %get3A_2163 = arith.index_cast %get3A_2161 : i32 to index
    %get3A_2164 = arith.index_cast %get3A_2162 : i32 to index
    %get3A_2165 = arith.index_cast %mul3A_2133 : i32 to index
    %get3A_2166 = tpu.vector_load %arg7[%get3A_2163, %get3A_2164, %get3A_2165] {strides = array<i32>} : memref<8x8x1024xf32, #tpu.memory_space<vmem>>, vector<1x1x16xf32>,
    %get3A_2167 = vector.shape_cast %get3A_2166 : vector<1x1x16xf32> to vector<16xf32>
    %add3A_2168 = arith.constant 16 : i32
    %add3A_2169 = arith.addi %add3A_2168, %sub3A_2134 : i32
    %eq3A_2170 = vector.broadcast %add3A_2169 : i32 to vector<16xi32>
    %eq3A_2171 = arith.cmpi eq, %add3A_2145, %eq3A_2170 : vector<16xi32>
    %jit3A_2172 = arith.constant 0.000000e+00 : f32
    %broadcast_in_dim3A_2173 = vector.broadcast %jit3A_2172 : f32 to vector<16xf32>
    %select_n3A_2174 = arith.select %eq3A_2171, %get3A_2167, %broadcast_in_dim3A_2173 : vector<16xi1>, vector<16xf32>
    %add3A_2175 = arith.addf %add3A_2160, %select_n3A_2174 : vector<16xf32>
    %get3A_2176 = arith.constant 5 : i32
    %get3A_2177 = arith.constant 2 : i32
    %get3A_2178 = arith.index_cast %get3A_2176 : i32 to index
    %get3A_2179 = arith.index_cast %get3A_2177 : i32 to index
    %get3A_2180 = arith.index_cast %mul3A_2133 : i32 to index
    %get3A_2181 = tpu.vector_load %arg7[%get3A_2178, %get3A_2179, %get3A_2180] {strides = array<i32>} : memref<8x8x1024xf32, #tpu.memory_space<vmem>>, vector<1x1x16xf32>,
    %get3A_2182 = vector.shape_cast %get3A_2181 : vector<1x1x16xf32> to vector<16xf32>
    %add3A_2183 = arith.constant 32 : i32
    %add3A_2184 = arith.addi %add3A_2183, %sub3A_2134 : i32
    %eq3A_2185 = vector.broadcast %add3A_2184 : i32 to vector<16xi32>
    %eq3A_2186 = arith.cmpi eq, %add3A_2145, %eq3A_2185 : vector<16xi32>
    %jit3A_2187 = arith.constant 0.000000e+00 : f32
    %broadcast_in_dim3A_2188 = vector.broadcast %jit3A_2187 : f32 to vector<16xf32>
    %select_n3A_2189 = arith.select %eq3A_2186, %get3A_2182, %broadcast_in_dim3A_2188 : vector<16xi1>, vector<16xf32>
    %add3A_2190 = arith.addf %add3A_2175, %select_n3A_2189 : vector<16xf32>
    %get3A_2191 = arith.constant 5 : i32
    %get3A_2192 = arith.constant 3 : i32
    %get3A_2193 = arith.index_cast %get3A_2191 : i32 to index
    %get3A_2194 = arith.index_cast %get3A_2192 : i32 to index
    %get3A_2195 = arith.index_cast %mul3A_2133 : i32 to index
    %get3A_2196 = tpu.vector_load %arg7[%get3A_2193, %get3A_2194, %get3A_2195] {strides = array<i32>} : memref<8x8x1024xf32, #tpu.memory_space<vmem>>, vector<1x1x16xf32>,
    %get3A_2197 = vector.shape_cast %get3A_2196 : vector<1x1x16xf32> to vector<16xf32>
    %add3A_2198 = arith.constant 48 : i32
    %add3A_2199 = arith.addi %add3A_2198, %sub3A_2134 : i32
    %eq3A_2200 = vector.broadcast %add3A_2199 : i32 to vector<16xi32>
    %eq3A_2201 = arith.cmpi eq, %add3A_2145, %eq3A_2200 : vector<16xi32>
    %jit3A_2202 = arith.constant 0.000000e+00 : f32
    %broadcast_in_dim3A_2203 = vector.broadcast %jit3A_2202 : f32 to vector<16xf32>
    %select_n3A_2204 = arith.select %eq3A_2201, %get3A_2197, %broadcast_in_dim3A_2203 : vector<16xi1>, vector<16xf32>
    %add3A_2205 = arith.addf %add3A_2190, %select_n3A_2204 : vector<16xf32>
    %get3A_2206 = arith.constant 5 : i32
    %get3A_2207 = arith.constant 4 : i32
    %get3A_2208 = arith.index_cast %get3A_2206 : i32 to index
    %get3A_2209 = arith.index_cast %get3A_2207 : i32 to index
    %get3A_2210 = arith.index_cast %mul3A_2133 : i32 to index
    %get3A_2211 = tpu.vector_load %arg7[%get3A_2208, %get3A_2209, %get3A_2210] {strides = array<i32>} : memref<8x8x1024xf32, #tpu.memory_space<vmem>>, vector<1x1x16xf32>,
    %get3A_2212 = vector.shape_cast %get3A_2211 : vector<1x1x16xf32> to vector<16xf32>
    %add3A_2213 = arith.constant 64 : i32
    %add3A_2214 = arith.addi %add3A_2213, %sub3A_2134 : i32
    %eq3A_2215 = vector.broadcast %add3A_2214 : i32 to vector<16xi32>
    %eq3A_2216 = arith.cmpi eq, %add3A_2145, %eq3A_2215 : vector<16xi32>
    %jit3A_2217 = arith.constant 0.000000e+00 : f32
    %broadcast_in_dim3A_2218 = vector.broadcast %jit3A_2217 : f32 to vector<16xf32>
    %select_n3A_2219 = arith.select %eq3A_2216, %get3A_2212, %broadcast_in_dim3A_2218 : vector<16xi1>, vector<16xf32>
    %add3A_2220 = arith.addf %add3A_2205, %select_n3A_2219 : vector<16xf32>
    %get3A_2221 = arith.constant 5 : i32
    %get3A_2222 = arith.constant 5 : i32
    %get3A_2223 = arith.index_cast %get3A_2221 : i32 to index
    %get3A_2224 = arith.index_cast %get3A_2222 : i32 to index
    %get3A_2225 = arith.index_cast %mul3A_2133 : i32 to index
    %get3A_2226 = tpu.vector_load %arg7[%get3A_2223, %get3A_2224, %get3A_2225] {strides = array<i32>} : memref<8x8x1024xf32, #tpu.memory_space<vmem>>, vector<1x1x16xf32>,
    %get3A_2227 = vector.shape_cast %get3A_2226 : vector<1x1x16xf32> to vector<16xf32>
    %add3A_2228 = arith.constant 80 : i32
    %add3A_2229 = arith.addi %add3A_2228, %sub3A_2134 : i32
    %eq3A_2230 = vector.broadcast %add3A_2229 : i32 to vector<16xi32>
    %eq3A_2231 = arith.cmpi eq, %add3A_2145, %eq3A_2230 : vector<16xi32>
    %jit3A_2232 = arith.constant 0.000000e+00 : f32
    %broadcast_in_dim3A_2233 = vector.broadcast %jit3A_2232 : f32 to vector<16xf32>
    %select_n3A_2234 = arith.select %eq3A_2231, %get3A_2227, %broadcast_in_dim3A_2233 : vector<16xi1>, vector<16xf32>
    %add3A_2235 = arith.addf %add3A_2220, %select_n3A_2234 : vector<16xf32>
    %get3A_2236 = arith.constant 5 : i32
    %get3A_2237 = arith.constant 6 : i32
    %get3A_2238 = arith.index_cast %get3A_2236 : i32 to index
    %get3A_2239 = arith.index_cast %get3A_2237 : i32 to index
    %get3A_2240 = arith.index_cast %mul3A_2133 : i32 to index
    %get3A_2241 = tpu.vector_load %arg7[%get3A_2238, %get3A_2239, %get3A_2240] {strides = array<i32>} : memref<8x8x1024xf32, #tpu.memory_space<vmem>>, vector<1x1x16xf32>,
    %get3A_2242 = vector.shape_cast %get3A_2241 : vector<1x1x16xf32> to vector<16xf32>
    %add3A_2243 = arith.constant 96 : i32
    %add3A_2244 = arith.addi %add3A_2243, %sub3A_2134 : i32
    %eq3A_2245 = vector.broadcast %add3A_2244 : i32 to vector<16xi32>
    %eq3A_2246 = arith.cmpi eq, %add3A_2145, %eq3A_2245 : vector<16xi32>
    %jit3A_2247 = arith.constant 0.000000e+00 : f32
    %broadcast_in_dim3A_2248 = vector.broadcast %jit3A_2247 : f32 to vector<16xf32>
    %select_n3A_2249 = arith.select %eq3A_2246, %get3A_2242, %broadcast_in_dim3A_2248 : vector<16xi1>, vector<16xf32>
    %add3A_2250 = arith.addf %add3A_2235, %select_n3A_2249 : vector<16xf32>
    %get3A_2251 = arith.constant 5 : i32
    %get3A_2252 = arith.constant 7 : i32
    %get3A_2253 = arith.index_cast %get3A_2251 : i32 to index
    %get3A_2254 = arith.index_cast %get3A_2252 : i32 to index
    %get3A_2255 = arith.index_cast %mul3A_2133 : i32 to index
    %get3A_2256 = tpu.vector_load %arg7[%get3A_2253, %get3A_2254, %get3A_2255] {strides = array<i32>} : memref<8x8x1024xf32, #tpu.memory_space<vmem>>, vector<1x1x16xf32>,
    %get3A_2257 = vector.shape_cast %get3A_2256 : vector<1x1x16xf32> to vector<16xf32>
    %add3A_2258 = arith.constant 112 : i32
    %add3A_2259 = arith.addi %add3A_2258, %sub3A_2134 : i32
    %eq3A_2260 = vector.broadcast %add3A_2259 : i32 to vector<16xi32>
    %eq3A_2261 = arith.cmpi eq, %add3A_2145, %eq3A_2260 : vector<16xi32>
    %jit3A_2262 = arith.constant 0.000000e+00 : f32
    %broadcast_in_dim3A_2263 = vector.broadcast %jit3A_2262 : f32 to vector<16xf32>
    %select_n3A_2264 = arith.select %eq3A_2261, %get3A_2257, %broadcast_in_dim3A_2263 : vector<16xi1>, vector<16xf32>
    %add3A_2265 = arith.addf %add3A_2250, %select_n3A_2264 : vector<16xf32>
    %add3A_2266 = arith.constant 14 : i32
    %add3A_2267 = arith.addi %mul3A_2, %add3A_2266 : i32
    %jit3A_2268 = arith.constant 16 : i32
    %div3A_2269 = arith.divsi %add3A_2267, %jit3A_2268 : i32
    %sign3A_2270 = arith.constant 0 : i32
    %sign3A_2271 = arith.cmpi sgt, %add3A_2267, %sign3A_2270 : i32
    %sign3A_2272 = arith.extui %sign3A_2271 : i1 to i32
    %sign3A_2273 = arith.constant 0 : i32
    %sign3A_2274 = arith.cmpi slt, %add3A_2267, %sign3A_2273 : i32
    %sign3A_2275 = arith.extui %sign3A_2274 : i1 to i32
    %sign3A_2276 = arith.subi %sign3A_2272, %sign3A_2275 : i32
    %sign3A_2277 = arith.constant 0 : i32
    %sign3A_2278 = arith.cmpi sgt, %jit3A_2268, %sign3A_2277 : i32
    %sign3A_2279 = arith.extui %sign3A_2278 : i1 to i32
    %sign3A_2280 = arith.constant 0 : i32
    %sign3A_2281 = arith.cmpi slt, %jit3A_2268, %sign3A_2280 : i32
    %sign3A_2282 = arith.extui %sign3A_2281 : i1 to i32
    %sign3A_2283 = arith.subi %sign3A_2279, %sign3A_2282 : i32
    %ne3A_2284 = arith.cmpi ne, %sign3A_2276, %sign3A_2283 : i32
    %rem3A_2285 = arith.remsi %add3A_2267, %jit3A_2268 : i32
    %ne3A_2286 = arith.constant 0 : i32
    %ne3A_2287 = arith.cmpi ne, %rem3A_2285, %ne3A_2286 : i32
    %and3A_2288 = arith.andi %ne3A_2284, %ne3A_2287 : i1
    %sub3A_2289 = arith.constant 1 : i32
    %sub3A_2290 = arith.subi %div3A_2269, %sub3A_2289 : i32
    %select_n3A_2291 = arith.select %and3A_2288, %sub3A_2290, %div3A_2269 : i32
    %mul3A_2292 = arith.constant 16 : i32
    %mul3A_2293 = arith.muli %select_n3A_2291, %mul3A_2292 : i32
    %sub3A_2294 = arith.subi %add3A_2267, %mul3A_2293 : i32
    %broadcast_in_dim3A_2295 = arith.constant 14 : i32
    %broadcast_in_dim3A_2296 = vector.broadcast %broadcast_in_dim3A_2295 : i32 to vector<16x1xi32>
    %gather3A_2297 = vector.shape_cast %broadcast_in_dim3A_2296 : vector<16x1xi32> to vector<16xi32>
    %gather3A_2298 = tpu.dynamic_gather %get3A_9[%gather3A_2297] in [0] : vector<16xi32>, vector<16xi32> -> vector<16xi32>
    %and3A_2299 = arith.constant 7 : i32
    %and3A_2300 = vector.broadcast %and3A_2299 : i32 to vector<16xi32>
    %and3A_2301 = arith.andi %gather3A_2298, %and3A_2300 : vector<16xi32>
    %mul3A_2302 = arith.constant 16 : i32
    %mul3A_2303 = vector.broadcast %mul3A_2302 : i32 to vector<16xi32>
    %mul3A_2304 = arith.muli %and3A_2301, %mul3A_2303 : vector<16xi32>
    %add3A_2305 = arith.addi %mul3A_2304, %iota3A : vector<16xi32>
    %get3A_2306 = arith.constant 6 : i32
    %get3A_2307 = arith.constant 0 : i32
    %get3A_2308 = arith.index_cast %get3A_2306 : i32 to index
    %get3A_2309 = arith.index_cast %get3A_2307 : i32 to index
    %get3A_2310 = arith.index_cast %mul3A_2293 : i32 to index
    %get3A_2311 = tpu.vector_load %arg7[%get3A_2308, %get3A_2309, %get3A_2310] {strides = array<i32>} : memref<8x8x1024xf32, #tpu.memory_space<vmem>>, vector<1x1x16xf32>,
    %get3A_2312 = vector.shape_cast %get3A_2311 : vector<1x1x16xf32> to vector<16xf32>
    %add3A_2313 = arith.constant 0 : i32
    %add3A_2314 = arith.addi %add3A_2313, %sub3A_2294 : i32
    %eq3A_2315 = vector.broadcast %add3A_2314 : i32 to vector<16xi32>
    %eq3A_2316 = arith.cmpi eq, %add3A_2305, %eq3A_2315 : vector<16xi32>
    %jit3A_2317 = arith.constant 0.000000e+00 : f32
    %broadcast_in_dim3A_2318 = vector.broadcast %jit3A_2317 : f32 to vector<16xf32>
    %select_n3A_2319 = arith.select %eq3A_2316, %get3A_2312, %broadcast_in_dim3A_2318 : vector<16xi1>, vector<16xf32>
    %add3A_2320 = arith.addf %add3A_2265, %select_n3A_2319 : vector<16xf32>
    %get3A_2321 = arith.constant 6 : i32
    %get3A_2322 = arith.constant 1 : i32
    %get3A_2323 = arith.index_cast %get3A_2321 : i32 to index
    %get3A_2324 = arith.index_cast %get3A_2322 : i32 to index
    %get3A_2325 = arith.index_cast %mul3A_2293 : i32 to index
    %get3A_2326 = tpu.vector_load %arg7[%get3A_2323, %get3A_2324, %get3A_2325] {strides = array<i32>} : memref<8x8x1024xf32, #tpu.memory_space<vmem>>, vector<1x1x16xf32>,
    %get3A_2327 = vector.shape_cast %get3A_2326 : vector<1x1x16xf32> to vector<16xf32>
    %add3A_2328 = arith.constant 16 : i32
    %add3A_2329 = arith.addi %add3A_2328, %sub3A_2294 : i32
    %eq3A_2330 = vector.broadcast %add3A_2329 : i32 to vector<16xi32>
    %eq3A_2331 = arith.cmpi eq, %add3A_2305, %eq3A_2330 : vector<16xi32>
    %jit3A_2332 = arith.constant 0.000000e+00 : f32
    %broadcast_in_dim3A_2333 = vector.broadcast %jit3A_2332 : f32 to vector<16xf32>
    %select_n3A_2334 = arith.select %eq3A_2331, %get3A_2327, %broadcast_in_dim3A_2333 : vector<16xi1>, vector<16xf32>
    %add3A_2335 = arith.addf %add3A_2320, %select_n3A_2334 : vector<16xf32>
    %get3A_2336 = arith.constant 6 : i32
    %get3A_2337 = arith.constant 2 : i32
    %get3A_2338 = arith.index_cast %get3A_2336 : i32 to index
    %get3A_2339 = arith.index_cast %get3A_2337 : i32 to index
    %get3A_2340 = arith.index_cast %mul3A_2293 : i32 to index
    %get3A_2341 = tpu.vector_load %arg7[%get3A_2338, %get3A_2339, %get3A_2340] {strides = array<i32>} : memref<8x8x1024xf32, #tpu.memory_space<vmem>>, vector<1x1x16xf32>,
    %get3A_2342 = vector.shape_cast %get3A_2341 : vector<1x1x16xf32> to vector<16xf32>
    %add3A_2343 = arith.constant 32 : i32
    %add3A_2344 = arith.addi %add3A_2343, %sub3A_2294 : i32
    %eq3A_2345 = vector.broadcast %add3A_2344 : i32 to vector<16xi32>
    %eq3A_2346 = arith.cmpi eq, %add3A_2305, %eq3A_2345 : vector<16xi32>
    %jit3A_2347 = arith.constant 0.000000e+00 : f32
    %broadcast_in_dim3A_2348 = vector.broadcast %jit3A_2347 : f32 to vector<16xf32>
    %select_n3A_2349 = arith.select %eq3A_2346, %get3A_2342, %broadcast_in_dim3A_2348 : vector<16xi1>, vector<16xf32>
    %add3A_2350 = arith.addf %add3A_2335, %select_n3A_2349 : vector<16xf32>
    %get3A_2351 = arith.constant 6 : i32
    %get3A_2352 = arith.constant 3 : i32
    %get3A_2353 = arith.index_cast %get3A_2351 : i32 to index
    %get3A_2354 = arith.index_cast %get3A_2352 : i32 to index
    %get3A_2355 = arith.index_cast %mul3A_2293 : i32 to index
    %get3A_2356 = tpu.vector_load %arg7[%get3A_2353, %get3A_2354, %get3A_2355] {strides = array<i32>} : memref<8x8x1024xf32, #tpu.memory_space<vmem>>, vector<1x1x16xf32>,
    %get3A_2357 = vector.shape_cast %get3A_2356 : vector<1x1x16xf32> to vector<16xf32>
    %add3A_2358 = arith.constant 48 : i32
    %add3A_2359 = arith.addi %add3A_2358, %sub3A_2294 : i32
    %eq3A_2360 = vector.broadcast %add3A_2359 : i32 to vector<16xi32>
    %eq3A_2361 = arith.cmpi eq, %add3A_2305, %eq3A_2360 : vector<16xi32>
    %jit3A_2362 = arith.constant 0.000000e+00 : f32
    %broadcast_in_dim3A_2363 = vector.broadcast %jit3A_2362 : f32 to vector<16xf32>
    %select_n3A_2364 = arith.select %eq3A_2361, %get3A_2357, %broadcast_in_dim3A_2363 : vector<16xi1>, vector<16xf32>
    %add3A_2365 = arith.addf %add3A_2350, %select_n3A_2364 : vector<16xf32>
    %get3A_2366 = arith.constant 6 : i32
    %get3A_2367 = arith.constant 4 : i32
    %get3A_2368 = arith.index_cast %get3A_2366 : i32 to index
    %get3A_2369 = arith.index_cast %get3A_2367 : i32 to index
    %get3A_2370 = arith.index_cast %mul3A_2293 : i32 to index
    %get3A_2371 = tpu.vector_load %arg7[%get3A_2368, %get3A_2369, %get3A_2370] {strides = array<i32>} : memref<8x8x1024xf32, #tpu.memory_space<vmem>>, vector<1x1x16xf32>,
    %get3A_2372 = vector.shape_cast %get3A_2371 : vector<1x1x16xf32> to vector<16xf32>
    %add3A_2373 = arith.constant 64 : i32
    %add3A_2374 = arith.addi %add3A_2373, %sub3A_2294 : i32
    %eq3A_2375 = vector.broadcast %add3A_2374 : i32 to vector<16xi32>
    %eq3A_2376 = arith.cmpi eq, %add3A_2305, %eq3A_2375 : vector<16xi32>
    %jit3A_2377 = arith.constant 0.000000e+00 : f32
    %broadcast_in_dim3A_2378 = vector.broadcast %jit3A_2377 : f32 to vector<16xf32>
    %select_n3A_2379 = arith.select %eq3A_2376, %get3A_2372, %broadcast_in_dim3A_2378 : vector<16xi1>, vector<16xf32>
    %add3A_2380 = arith.addf %add3A_2365, %select_n3A_2379 : vector<16xf32>
    %get3A_2381 = arith.constant 6 : i32
    %get3A_2382 = arith.constant 5 : i32
    %get3A_2383 = arith.index_cast %get3A_2381 : i32 to index
    %get3A_2384 = arith.index_cast %get3A_2382 : i32 to index
    %get3A_2385 = arith.index_cast %mul3A_2293 : i32 to index
    %get3A_2386 = tpu.vector_load %arg7[%get3A_2383, %get3A_2384, %get3A_2385] {strides = array<i32>} : memref<8x8x1024xf32, #tpu.memory_space<vmem>>, vector<1x1x16xf32>,
    %get3A_2387 = vector.shape_cast %get3A_2386 : vector<1x1x16xf32> to vector<16xf32>
    %add3A_2388 = arith.constant 80 : i32
    %add3A_2389 = arith.addi %add3A_2388, %sub3A_2294 : i32
    %eq3A_2390 = vector.broadcast %add3A_2389 : i32 to vector<16xi32>
    %eq3A_2391 = arith.cmpi eq, %add3A_2305, %eq3A_2390 : vector<16xi32>
    %jit3A_2392 = arith.constant 0.000000e+00 : f32
    %broadcast_in_dim3A_2393 = vector.broadcast %jit3A_2392 : f32 to vector<16xf32>
    %select_n3A_2394 = arith.select %eq3A_2391, %get3A_2387, %broadcast_in_dim3A_2393 : vector<16xi1>, vector<16xf32>
    %add3A_2395 = arith.addf %add3A_2380, %select_n3A_2394 : vector<16xf32>
    %get3A_2396 = arith.constant 6 : i32
    %get3A_2397 = arith.constant 6 : i32
    %get3A_2398 = arith.index_cast %get3A_2396 : i32 to index
    %get3A_2399 = arith.index_cast %get3A_2397 : i32 to index
    %get3A_2400 = arith.index_cast %mul3A_2293 : i32 to index
    %get3A_2401 = tpu.vector_load %arg7[%get3A_2398, %get3A_2399, %get3A_2400] {strides = array<i32>} : memref<8x8x1024xf32, #tpu.memory_space<vmem>>, vector<1x1x16xf32>,
    %get3A_2402 = vector.shape_cast %get3A_2401 : vector<1x1x16xf32> to vector<16xf32>
    %add3A_2403 = arith.constant 96 : i32
    %add3A_2404 = arith.addi %add3A_2403, %sub3A_2294 : i32
    %eq3A_2405 = vector.broadcast %add3A_2404 : i32 to vector<16xi32>
    %eq3A_2406 = arith.cmpi eq, %add3A_2305, %eq3A_2405 : vector<16xi32>
    %jit3A_2407 = arith.constant 0.000000e+00 : f32
    %broadcast_in_dim3A_2408 = vector.broadcast %jit3A_2407 : f32 to vector<16xf32>
    %select_n3A_2409 = arith.select %eq3A_2406, %get3A_2402, %broadcast_in_dim3A_2408 : vector<16xi1>, vector<16xf32>
    %add3A_2410 = arith.addf %add3A_2395, %select_n3A_2409 : vector<16xf32>
    %get3A_2411 = arith.constant 6 : i32
    %get3A_2412 = arith.constant 7 : i32
    %get3A_2413 = arith.index_cast %get3A_2411 : i32 to index
    %get3A_2414 = arith.index_cast %get3A_2412 : i32 to index
    %get3A_2415 = arith.index_cast %mul3A_2293 : i32 to index
    %get3A_2416 = tpu.vector_load %arg7[%get3A_2413, %get3A_2414, %get3A_2415] {strides = array<i32>} : memref<8x8x1024xf32, #tpu.memory_space<vmem>>, vector<1x1x16xf32>,
    %get3A_2417 = vector.shape_cast %get3A_2416 : vector<1x1x16xf32> to vector<16xf32>
    %add3A_2418 = arith.constant 112 : i32
    %add3A_2419 = arith.addi %add3A_2418, %sub3A_2294 : i32
    %eq3A_2420 = vector.broadcast %add3A_2419 : i32 to vector<16xi32>
    %eq3A_2421 = arith.cmpi eq, %add3A_2305, %eq3A_2420 : vector<16xi32>
    %jit3A_2422 = arith.constant 0.000000e+00 : f32
    %broadcast_in_dim3A_2423 = vector.broadcast %jit3A_2422 : f32 to vector<16xf32>
    %select_n3A_2424 = arith.select %eq3A_2421, %get3A_2417, %broadcast_in_dim3A_2423 : vector<16xi1>, vector<16xf32>
    %add3A_2425 = arith.addf %add3A_2410, %select_n3A_2424 : vector<16xf32>
    %add3A_2426 = arith.constant 15 : i32
    %add3A_2427 = arith.addi %mul3A_2, %add3A_2426 : i32
    %jit3A_2428 = arith.constant 16 : i32
    %div3A_2429 = arith.divsi %add3A_2427, %jit3A_2428 : i32
    %sign3A_2430 = arith.constant 0 : i32
    %sign3A_2431 = arith.cmpi sgt, %add3A_2427, %sign3A_2430 : i32
    %sign3A_2432 = arith.extui %sign3A_2431 : i1 to i32
    %sign3A_2433 = arith.constant 0 : i32
    %sign3A_2434 = arith.cmpi slt, %add3A_2427, %sign3A_2433 : i32
    %sign3A_2435 = arith.extui %sign3A_2434 : i1 to i32
    %sign3A_2436 = arith.subi %sign3A_2432, %sign3A_2435 : i32
    %sign3A_2437 = arith.constant 0 : i32
    %sign3A_2438 = arith.cmpi sgt, %jit3A_2428, %sign3A_2437 : i32
    %sign3A_2439 = arith.extui %sign3A_2438 : i1 to i32
    %sign3A_2440 = arith.constant 0 : i32
    %sign3A_2441 = arith.cmpi slt, %jit3A_2428, %sign3A_2440 : i32
    %sign3A_2442 = arith.extui %sign3A_2441 : i1 to i32
    %sign3A_2443 = arith.subi %sign3A_2439, %sign3A_2442 : i32
    %ne3A_2444 = arith.cmpi ne, %sign3A_2436, %sign3A_2443 : i32
    %rem3A_2445 = arith.remsi %add3A_2427, %jit3A_2428 : i32
    %ne3A_2446 = arith.constant 0 : i32
    %ne3A_2447 = arith.cmpi ne, %rem3A_2445, %ne3A_2446 : i32
    %and3A_2448 = arith.andi %ne3A_2444, %ne3A_2447 : i1
    %sub3A_2449 = arith.constant 1 : i32
    %sub3A_2450 = arith.subi %div3A_2429, %sub3A_2449 : i32
    %select_n3A_2451 = arith.select %and3A_2448, %sub3A_2450, %div3A_2429 : i32
    %mul3A_2452 = arith.constant 16 : i32
    %mul3A_2453 = arith.muli %select_n3A_2451, %mul3A_2452 : i32
    %sub3A_2454 = arith.subi %add3A_2427, %mul3A_2453 : i32
    %broadcast_in_dim3A_2455 = arith.constant 15 : i32
    %broadcast_in_dim3A_2456 = vector.broadcast %broadcast_in_dim3A_2455 : i32 to vector<16x1xi32>
    %gather3A_2457 = vector.shape_cast %broadcast_in_dim3A_2456 : vector<16x1xi32> to vector<16xi32>
    %gather3A_2458 = tpu.dynamic_gather %get3A_9[%gather3A_2457] in [0] : vector<16xi32>, vector<16xi32> -> vector<16xi32>
    %and3A_2459 = arith.constant 7 : i32
    %and3A_2460 = vector.broadcast %and3A_2459 : i32 to vector<16xi32>
    %and3A_2461 = arith.andi %gather3A_2458, %and3A_2460 : vector<16xi32>
    %mul3A_2462 = arith.constant 16 : i32
    %mul3A_2463 = vector.broadcast %mul3A_2462 : i32 to vector<16xi32>
    %mul3A_2464 = arith.muli %and3A_2461, %mul3A_2463 : vector<16xi32>
    %add3A_2465 = arith.addi %mul3A_2464, %iota3A : vector<16xi32>
    %get3A_2466 = arith.constant 7 : i32
    %get3A_2467 = arith.constant 0 : i32
    %get3A_2468 = arith.index_cast %get3A_2466 : i32 to index
    %get3A_2469 = arith.index_cast %get3A_2467 : i32 to index
    %get3A_2470 = arith.index_cast %mul3A_2453 : i32 to index
    %get3A_2471 = tpu.vector_load %arg7[%get3A_2468, %get3A_2469, %get3A_2470] {strides = array<i32>} : memref<8x8x1024xf32, #tpu.memory_space<vmem>>, vector<1x1x16xf32>,
    %get3A_2472 = vector.shape_cast %get3A_2471 : vector<1x1x16xf32> to vector<16xf32>
    %add3A_2473 = arith.constant 0 : i32
    %add3A_2474 = arith.addi %add3A_2473, %sub3A_2454 : i32
    %eq3A_2475 = vector.broadcast %add3A_2474 : i32 to vector<16xi32>
    %eq3A_2476 = arith.cmpi eq, %add3A_2465, %eq3A_2475 : vector<16xi32>
    %jit3A_2477 = arith.constant 0.000000e+00 : f32
    %broadcast_in_dim3A_2478 = vector.broadcast %jit3A_2477 : f32 to vector<16xf32>
    %select_n3A_2479 = arith.select %eq3A_2476, %get3A_2472, %broadcast_in_dim3A_2478 : vector<16xi1>, vector<16xf32>
    %add3A_2480 = arith.addf %add3A_2425, %select_n3A_2479 : vector<16xf32>
    %get3A_2481 = arith.constant 7 : i32
    %get3A_2482 = arith.constant 1 : i32
    %get3A_2483 = arith.index_cast %get3A_2481 : i32 to index
    %get3A_2484 = arith.index_cast %get3A_2482 : i32 to index
    %get3A_2485 = arith.index_cast %mul3A_2453 : i32 to index
    %get3A_2486 = tpu.vector_load %arg7[%get3A_2483, %get3A_2484, %get3A_2485] {strides = array<i32>} : memref<8x8x1024xf32, #tpu.memory_space<vmem>>, vector<1x1x16xf32>,
    %get3A_2487 = vector.shape_cast %get3A_2486 : vector<1x1x16xf32> to vector<16xf32>
    %add3A_2488 = arith.constant 16 : i32
    %add3A_2489 = arith.addi %add3A_2488, %sub3A_2454 : i32
    %eq3A_2490 = vector.broadcast %add3A_2489 : i32 to vector<16xi32>
    %eq3A_2491 = arith.cmpi eq, %add3A_2465, %eq3A_2490 : vector<16xi32>
    %jit3A_2492 = arith.constant 0.000000e+00 : f32
    %broadcast_in_dim3A_2493 = vector.broadcast %jit3A_2492 : f32 to vector<16xf32>
    %select_n3A_2494 = arith.select %eq3A_2491, %get3A_2487, %broadcast_in_dim3A_2493 : vector<16xi1>, vector<16xf32>
    %add3A_2495 = arith.addf %add3A_2480, %select_n3A_2494 : vector<16xf32>
    %get3A_2496 = arith.constant 7 : i32
    %get3A_2497 = arith.constant 2 : i32
    %get3A_2498 = arith.index_cast %get3A_2496 : i32 to index
    %get3A_2499 = arith.index_cast %get3A_2497 : i32 to index
    %get3A_2500 = arith.index_cast %mul3A_2453 : i32 to index
    %get3A_2501 = tpu.vector_load %arg7[%get3A_2498, %get3A_2499, %get3A_2500] {strides = array<i32>} : memref<8x8x1024xf32, #tpu.memory_space<vmem>>, vector<1x1x16xf32>,
    %get3A_2502 = vector.shape_cast %get3A_2501 : vector<1x1x16xf32> to vector<16xf32>
    %add3A_2503 = arith.constant 32 : i32
    %add3A_2504 = arith.addi %add3A_2503, %sub3A_2454 : i32
    %eq3A_2505 = vector.broadcast %add3A_2504 : i32 to vector<16xi32>
    %eq3A_2506 = arith.cmpi eq, %add3A_2465, %eq3A_2505 : vector<16xi32>
    %jit3A_2507 = arith.constant 0.000000e+00 : f32
    %broadcast_in_dim3A_2508 = vector.broadcast %jit3A_2507 : f32 to vector<16xf32>
    %select_n3A_2509 = arith.select %eq3A_2506, %get3A_2502, %broadcast_in_dim3A_2508 : vector<16xi1>, vector<16xf32>
    %add3A_2510 = arith.addf %add3A_2495, %select_n3A_2509 : vector<16xf32>
    %get3A_2511 = arith.constant 7 : i32
    %get3A_2512 = arith.constant 3 : i32
    %get3A_2513 = arith.index_cast %get3A_2511 : i32 to index
    %get3A_2514 = arith.index_cast %get3A_2512 : i32 to index
    %get3A_2515 = arith.index_cast %mul3A_2453 : i32 to index
    %get3A_2516 = tpu.vector_load %arg7[%get3A_2513, %get3A_2514, %get3A_2515] {strides = array<i32>} : memref<8x8x1024xf32, #tpu.memory_space<vmem>>, vector<1x1x16xf32>,
    %get3A_2517 = vector.shape_cast %get3A_2516 : vector<1x1x16xf32> to vector<16xf32>
    %add3A_2518 = arith.constant 48 : i32
    %add3A_2519 = arith.addi %add3A_2518, %sub3A_2454 : i32
    %eq3A_2520 = vector.broadcast %add3A_2519 : i32 to vector<16xi32>
    %eq3A_2521 = arith.cmpi eq, %add3A_2465, %eq3A_2520 : vector<16xi32>
    %jit3A_2522 = arith.constant 0.000000e+00 : f32
    %broadcast_in_dim3A_2523 = vector.broadcast %jit3A_2522 : f32 to vector<16xf32>
    %select_n3A_2524 = arith.select %eq3A_2521, %get3A_2517, %broadcast_in_dim3A_2523 : vector<16xi1>, vector<16xf32>
    %add3A_2525 = arith.addf %add3A_2510, %select_n3A_2524 : vector<16xf32>
    %get3A_2526 = arith.constant 7 : i32
    %get3A_2527 = arith.constant 4 : i32
    %get3A_2528 = arith.index_cast %get3A_2526 : i32 to index
    %get3A_2529 = arith.index_cast %get3A_2527 : i32 to index
    %get3A_2530 = arith.index_cast %mul3A_2453 : i32 to index
    %get3A_2531 = tpu.vector_load %arg7[%get3A_2528, %get3A_2529, %get3A_2530] {strides = array<i32>} : memref<8x8x1024xf32, #tpu.memory_space<vmem>>, vector<1x1x16xf32>,
    %get3A_2532 = vector.shape_cast %get3A_2531 : vector<1x1x16xf32> to vector<16xf32>
    %add3A_2533 = arith.constant 64 : i32
    %add3A_2534 = arith.addi %add3A_2533, %sub3A_2454 : i32
    %eq3A_2535 = vector.broadcast %add3A_2534 : i32 to vector<16xi32>
    %eq3A_2536 = arith.cmpi eq, %add3A_2465, %eq3A_2535 : vector<16xi32>
    %jit3A_2537 = arith.constant 0.000000e+00 : f32
    %broadcast_in_dim3A_2538 = vector.broadcast %jit3A_2537 : f32 to vector<16xf32>
    %select_n3A_2539 = arith.select %eq3A_2536, %get3A_2532, %broadcast_in_dim3A_2538 : vector<16xi1>, vector<16xf32>
    %add3A_2540 = arith.addf %add3A_2525, %select_n3A_2539 : vector<16xf32>
    %get3A_2541 = arith.constant 7 : i32
    %get3A_2542 = arith.constant 5 : i32
    %get3A_2543 = arith.index_cast %get3A_2541 : i32 to index
    %get3A_2544 = arith.index_cast %get3A_2542 : i32 to index
    %get3A_2545 = arith.index_cast %mul3A_2453 : i32 to index
    %get3A_2546 = tpu.vector_load %arg7[%get3A_2543, %get3A_2544, %get3A_2545] {strides = array<i32>} : memref<8x8x1024xf32, #tpu.memory_space<vmem>>, vector<1x1x16xf32>,
    %get3A_2547 = vector.shape_cast %get3A_2546 : vector<1x1x16xf32> to vector<16xf32>
    %add3A_2548 = arith.constant 80 : i32
    %add3A_2549 = arith.addi %add3A_2548, %sub3A_2454 : i32
    %eq3A_2550 = vector.broadcast %add3A_2549 : i32 to vector<16xi32>
    %eq3A_2551 = arith.cmpi eq, %add3A_2465, %eq3A_2550 : vector<16xi32>
    %jit3A_2552 = arith.constant 0.000000e+00 : f32
    %broadcast_in_dim3A_2553 = vector.broadcast %jit3A_2552 : f32 to vector<16xf32>
    %select_n3A_2554 = arith.select %eq3A_2551, %get3A_2547, %broadcast_in_dim3A_2553 : vector<16xi1>, vector<16xf32>
    %add3A_2555 = arith.addf %add3A_2540, %select_n3A_2554 : vector<16xf32>
    %get3A_2556 = arith.constant 7 : i32
    %get3A_2557 = arith.constant 6 : i32
    %get3A_2558 = arith.index_cast %get3A_2556 : i32 to index
    %get3A_2559 = arith.index_cast %get3A_2557 : i32 to index
    %get3A_2560 = arith.index_cast %mul3A_2453 : i32 to index
    %get3A_2561 = tpu.vector_load %arg7[%get3A_2558, %get3A_2559, %get3A_2560] {strides = array<i32>} : memref<8x8x1024xf32, #tpu.memory_space<vmem>>, vector<1x1x16xf32>,
    %get3A_2562 = vector.shape_cast %get3A_2561 : vector<1x1x16xf32> to vector<16xf32>
    %add3A_2563 = arith.constant 96 : i32
    %add3A_2564 = arith.addi %add3A_2563, %sub3A_2454 : i32
    %eq3A_2565 = vector.broadcast %add3A_2564 : i32 to vector<16xi32>
    %eq3A_2566 = arith.cmpi eq, %add3A_2465, %eq3A_2565 : vector<16xi32>
    %jit3A_2567 = arith.constant 0.000000e+00 : f32
    %broadcast_in_dim3A_2568 = vector.broadcast %jit3A_2567 : f32 to vector<16xf32>
    %select_n3A_2569 = arith.select %eq3A_2566, %get3A_2562, %broadcast_in_dim3A_2568 : vector<16xi1>, vector<16xf32>
    %add3A_2570 = arith.addf %add3A_2555, %select_n3A_2569 : vector<16xf32>
    %get3A_2571 = arith.constant 7 : i32
    %get3A_2572 = arith.constant 7 : i32
    %get3A_2573 = arith.index_cast %get3A_2571 : i32 to index
    %get3A_2574 = arith.index_cast %get3A_2572 : i32 to index
    %get3A_2575 = arith.index_cast %mul3A_2453 : i32 to index
    %get3A_2576 = tpu.vector_load %arg7[%get3A_2573, %get3A_2574, %get3A_2575] {strides = array<i32>} : memref<8x8x1024xf32, #tpu.memory_space<vmem>>, vector<1x1x16xf32>,
    %get3A_2577 = vector.shape_cast %get3A_2576 : vector<1x1x16xf32> to vector<16xf32>
    %add3A_2578 = arith.constant 112 : i32
    %add3A_2579 = arith.addi %add3A_2578, %sub3A_2454 : i32
    %eq3A_2580 = vector.broadcast %add3A_2579 : i32 to vector<16xi32>
    %eq3A_2581 = arith.cmpi eq, %add3A_2465, %eq3A_2580 : vector<16xi32>
    %jit3A_2582 = arith.constant 0.000000e+00 : f32
    %broadcast_in_dim3A_2583 = vector.broadcast %jit3A_2582 : f32 to vector<16xf32>
    %select_n3A_2584 = arith.select %eq3A_2581, %get3A_2577, %broadcast_in_dim3A_2583 : vector<16xi1>, vector<16xf32>
    %add3A_2585 = arith.addf %add3A_2570, %select_n3A_2584 : vector<16xf32>
    %dma_start3A_2586 = arith.constant 16 : i32
    %dma_start3A_2587 = tpu.memref_slice %arg6[%dma_start3A_2586] : memref<32xi32, #tpu.memory_space<vmem>> -> memref<8xi32, #tpu.memory_space<vmem>>
    %dma_start3A_2588 = arith.constant 0 : i32
    %dma_start3A_2589 = arith.constant 0 : i32
    %dma_start3A_2590 = arith.constant 0 : i32
    %dma_start3A_2591 = tpu.memref_slice %arg2[%dma_start3A_2588, %dma_start3A_2589, %dma_start3A_2590] : memref<12500x8x1024xf32, #tpu.memory_space<hbm>> -> memref<12500x8x1024xf32, #tpu.memory_space<hbm>>
    tpu.enqueue_indirect_dma source(%dma_start3A_2591 : memref<12500x8x1024xf32, #tpu.memory_space<hbm>>) target(%arg7 : memref<8x8x1024xf32, #tpu.memory_space<vmem>>) offsets(%dma_start3A_2587 : memref<8xi32, #tpu.memory_space<vmem>>) semaphore(%arg9 : memref<!tpu.dma_semaphore, #tpu.memory_space<semaphore_mem>>)
    %dma_wait3A_2592 = arith.constant 16 : i32
    %dma_wait3A_2593 = tpu.memref_slice %arg6[%dma_wait3A_2592] : memref<32xi32, #tpu.memory_space<vmem>> -> memref<8xi32, #tpu.memory_space<vmem>>
    %dma_wait3A_2594 = arith.constant 0 : i32
    %dma_wait3A_2595 = arith.constant 0 : i32
    %dma_wait3A_2596 = arith.constant 0 : i32
    %dma_wait3A_2597 = tpu.memref_slice %arg2[%dma_wait3A_2594, %dma_wait3A_2595, %dma_wait3A_2596] : memref<12500x8x1024xf32, #tpu.memory_space<hbm>> -> memref<12500x8x1024xf32, #tpu.memory_space<hbm>>
    tpu.wait_indirect_dma semaphore(%arg9 : memref<!tpu.dma_semaphore, #tpu.memory_space<semaphore_mem>>) src(%dma_wait3A_2597 : memref<12500x8x1024xf32, #tpu.memory_space<hbm>>) dst(%arg7 : memref<8x8x1024xf32, #tpu.memory_space<vmem>>)
    %add3A_2598 = arith.constant 16 : i32
    %add3A_2599 = arith.addi %mul3A_2, %add3A_2598 : i32
    %jit3A_2600 = arith.constant 16 : i32
    %div3A_2601 = arith.divsi %add3A_2599, %jit3A_2600 : i32
    %sign3A_2602 = arith.constant 0 : i32
    %sign3A_2603 = arith.cmpi sgt, %add3A_2599, %sign3A_2602 : i32
    %sign3A_2604 = arith.extui %sign3A_2603 : i1 to i32
    %sign3A_2605 = arith.constant 0 : i32
    %sign3A_2606 = arith.cmpi slt, %add3A_2599, %sign3A_2605 : i32
    %sign3A_2607 = arith.extui %sign3A_2606 : i1 to i32
    %sign3A_2608 = arith.subi %sign3A_2604, %sign3A_2607 : i32
    %sign3A_2609 = arith.constant 0 : i32
    %sign3A_2610 = arith.cmpi sgt, %jit3A_2600, %sign3A_2609 : i32
    %sign3A_2611 = arith.extui %sign3A_2610 : i1 to i32
    %sign3A_2612 = arith.constant 0 : i32
    %sign3A_2613 = arith.cmpi slt, %jit3A_2600, %sign3A_2612 : i32
    %sign3A_2614 = arith.extui %sign3A_2613 : i1 to i32
    %sign3A_2615 = arith.subi %sign3A_2611, %sign3A_2614 : i32
    %ne3A_2616 = arith.cmpi ne, %sign3A_2608, %sign3A_2615 : i32
    %rem3A_2617 = arith.remsi %add3A_2599, %jit3A_2600 : i32
    %ne3A_2618 = arith.constant 0 : i32
    %ne3A_2619 = arith.cmpi ne, %rem3A_2617, %ne3A_2618 : i32
    %and3A_2620 = arith.andi %ne3A_2616, %ne3A_2619 : i1
    %sub3A_2621 = arith.constant 1 : i32
    %sub3A_2622 = arith.subi %div3A_2601, %sub3A_2621 : i32
    %select_n3A_2623 = arith.select %and3A_2620, %sub3A_2622, %div3A_2601 : i32
    %mul3A_2624 = arith.constant 16 : i32
    %mul3A_2625 = arith.muli %select_n3A_2623, %mul3A_2624 : i32
    %sub3A_2626 = arith.subi %add3A_2599, %mul3A_2625 : i32
    %broadcast_in_dim3A_2627 = arith.constant 0 : i32
    %broadcast_in_dim3A_2628 = vector.broadcast %broadcast_in_dim3A_2627 : i32 to vector<16x1xi32>
    %gather3A_2629 = vector.shape_cast %broadcast_in_dim3A_2628 : vector<16x1xi32> to vector<16xi32>
    %gather3A_2630 = tpu.dynamic_gather %get3A_12[%gather3A_2629] in [0] : vector<16xi32>, vector<16xi32> -> vector<16xi32>
    %and3A_2631 = arith.constant 7 : i32
    %and3A_2632 = vector.broadcast %and3A_2631 : i32 to vector<16xi32>
    %and3A_2633 = arith.andi %gather3A_2630, %and3A_2632 : vector<16xi32>
    %mul3A_2634 = arith.constant 16 : i32
    %mul3A_2635 = vector.broadcast %mul3A_2634 : i32 to vector<16xi32>
    %mul3A_2636 = arith.muli %and3A_2633, %mul3A_2635 : vector<16xi32>
    %add3A_2637 = arith.addi %mul3A_2636, %iota3A : vector<16xi32>
    %get3A_2638 = arith.constant 0 : i32
    %get3A_2639 = arith.constant 0 : i32
    %get3A_2640 = arith.index_cast %get3A_2638 : i32 to index
    %get3A_2641 = arith.index_cast %get3A_2639 : i32 to index
    %get3A_2642 = arith.index_cast %mul3A_2625 : i32 to index
    %get3A_2643 = tpu.vector_load %arg7[%get3A_2640, %get3A_2641, %get3A_2642] {strides = array<i32>} : memref<8x8x1024xf32, #tpu.memory_space<vmem>>, vector<1x1x16xf32>,
    %get3A_2644 = vector.shape_cast %get3A_2643 : vector<1x1x16xf32> to vector<16xf32>
    %add3A_2645 = arith.constant 0 : i32
    %add3A_2646 = arith.addi %add3A_2645, %sub3A_2626 : i32
    %eq3A_2647 = vector.broadcast %add3A_2646 : i32 to vector<16xi32>
    %eq3A_2648 = arith.cmpi eq, %add3A_2637, %eq3A_2647 : vector<16xi32>
    %jit3A_2649 = arith.constant 0.000000e+00 : f32
    %broadcast_in_dim3A_2650 = vector.broadcast %jit3A_2649 : f32 to vector<16xf32>
    %select_n3A_2651 = arith.select %eq3A_2648, %get3A_2644, %broadcast_in_dim3A_2650 : vector<16xi1>, vector<16xf32>
    %add3A_2652 = arith.addf %add3A_2585, %select_n3A_2651 : vector<16xf32>
    %get3A_2653 = arith.constant 0 : i32
    %get3A_2654 = arith.constant 1 : i32
    %get3A_2655 = arith.index_cast %get3A_2653 : i32 to index
    %get3A_2656 = arith.index_cast %get3A_2654 : i32 to index
    %get3A_2657 = arith.index_cast %mul3A_2625 : i32 to index
    %get3A_2658 = tpu.vector_load %arg7[%get3A_2655, %get3A_2656, %get3A_2657] {strides = array<i32>} : memref<8x8x1024xf32, #tpu.memory_space<vmem>>, vector<1x1x16xf32>,
    %get3A_2659 = vector.shape_cast %get3A_2658 : vector<1x1x16xf32> to vector<16xf32>
    %add3A_2660 = arith.constant 16 : i32
    %add3A_2661 = arith.addi %add3A_2660, %sub3A_2626 : i32
    %eq3A_2662 = vector.broadcast %add3A_2661 : i32 to vector<16xi32>
    %eq3A_2663 = arith.cmpi eq, %add3A_2637, %eq3A_2662 : vector<16xi32>
    %jit3A_2664 = arith.constant 0.000000e+00 : f32
    %broadcast_in_dim3A_2665 = vector.broadcast %jit3A_2664 : f32 to vector<16xf32>
    %select_n3A_2666 = arith.select %eq3A_2663, %get3A_2659, %broadcast_in_dim3A_2665 : vector<16xi1>, vector<16xf32>
    %add3A_2667 = arith.addf %add3A_2652, %select_n3A_2666 : vector<16xf32>
    %get3A_2668 = arith.constant 0 : i32
    %get3A_2669 = arith.constant 2 : i32
    %get3A_2670 = arith.index_cast %get3A_2668 : i32 to index
    %get3A_2671 = arith.index_cast %get3A_2669 : i32 to index
    %get3A_2672 = arith.index_cast %mul3A_2625 : i32 to index
    %get3A_2673 = tpu.vector_load %arg7[%get3A_2670, %get3A_2671, %get3A_2672] {strides = array<i32>} : memref<8x8x1024xf32, #tpu.memory_space<vmem>>, vector<1x1x16xf32>,
    %get3A_2674 = vector.shape_cast %get3A_2673 : vector<1x1x16xf32> to vector<16xf32>
    %add3A_2675 = arith.constant 32 : i32
    %add3A_2676 = arith.addi %add3A_2675, %sub3A_2626 : i32
    %eq3A_2677 = vector.broadcast %add3A_2676 : i32 to vector<16xi32>
    %eq3A_2678 = arith.cmpi eq, %add3A_2637, %eq3A_2677 : vector<16xi32>
    %jit3A_2679 = arith.constant 0.000000e+00 : f32
    %broadcast_in_dim3A_2680 = vector.broadcast %jit3A_2679 : f32 to vector<16xf32>
    %select_n3A_2681 = arith.select %eq3A_2678, %get3A_2674, %broadcast_in_dim3A_2680 : vector<16xi1>, vector<16xf32>
    %add3A_2682 = arith.addf %add3A_2667, %select_n3A_2681 : vector<16xf32>
    %get3A_2683 = arith.constant 0 : i32
    %get3A_2684 = arith.constant 3 : i32
    %get3A_2685 = arith.index_cast %get3A_2683 : i32 to index
    %get3A_2686 = arith.index_cast %get3A_2684 : i32 to index
    %get3A_2687 = arith.index_cast %mul3A_2625 : i32 to index
    %get3A_2688 = tpu.vector_load %arg7[%get3A_2685, %get3A_2686, %get3A_2687] {strides = array<i32>} : memref<8x8x1024xf32, #tpu.memory_space<vmem>>, vector<1x1x16xf32>,
    %get3A_2689 = vector.shape_cast %get3A_2688 : vector<1x1x16xf32> to vector<16xf32>
    %add3A_2690 = arith.constant 48 : i32
    %add3A_2691 = arith.addi %add3A_2690, %sub3A_2626 : i32
    %eq3A_2692 = vector.broadcast %add3A_2691 : i32 to vector<16xi32>
    %eq3A_2693 = arith.cmpi eq, %add3A_2637, %eq3A_2692 : vector<16xi32>
    %jit3A_2694 = arith.constant 0.000000e+00 : f32
    %broadcast_in_dim3A_2695 = vector.broadcast %jit3A_2694 : f32 to vector<16xf32>
    %select_n3A_2696 = arith.select %eq3A_2693, %get3A_2689, %broadcast_in_dim3A_2695 : vector<16xi1>, vector<16xf32>
    %add3A_2697 = arith.addf %add3A_2682, %select_n3A_2696 : vector<16xf32>
    %get3A_2698 = arith.constant 0 : i32
    %get3A_2699 = arith.constant 4 : i32
    %get3A_2700 = arith.index_cast %get3A_2698 : i32 to index
    %get3A_2701 = arith.index_cast %get3A_2699 : i32 to index
    %get3A_2702 = arith.index_cast %mul3A_2625 : i32 to index
    %get3A_2703 = tpu.vector_load %arg7[%get3A_2700, %get3A_2701, %get3A_2702] {strides = array<i32>} : memref<8x8x1024xf32, #tpu.memory_space<vmem>>, vector<1x1x16xf32>,
    %get3A_2704 = vector.shape_cast %get3A_2703 : vector<1x1x16xf32> to vector<16xf32>
    %add3A_2705 = arith.constant 64 : i32
    %add3A_2706 = arith.addi %add3A_2705, %sub3A_2626 : i32
    %eq3A_2707 = vector.broadcast %add3A_2706 : i32 to vector<16xi32>
    %eq3A_2708 = arith.cmpi eq, %add3A_2637, %eq3A_2707 : vector<16xi32>
    %jit3A_2709 = arith.constant 0.000000e+00 : f32
    %broadcast_in_dim3A_2710 = vector.broadcast %jit3A_2709 : f32 to vector<16xf32>
    %select_n3A_2711 = arith.select %eq3A_2708, %get3A_2704, %broadcast_in_dim3A_2710 : vector<16xi1>, vector<16xf32>
    %add3A_2712 = arith.addf %add3A_2697, %select_n3A_2711 : vector<16xf32>
    %get3A_2713 = arith.constant 0 : i32
    %get3A_2714 = arith.constant 5 : i32
    %get3A_2715 = arith.index_cast %get3A_2713 : i32 to index
    %get3A_2716 = arith.index_cast %get3A_2714 : i32 to index
    %get3A_2717 = arith.index_cast %mul3A_2625 : i32 to index
    %get3A_2718 = tpu.vector_load %arg7[%get3A_2715, %get3A_2716, %get3A_2717] {strides = array<i32>} : memref<8x8x1024xf32, #tpu.memory_space<vmem>>, vector<1x1x16xf32>,
    %get3A_2719 = vector.shape_cast %get3A_2718 : vector<1x1x16xf32> to vector<16xf32>
    %add3A_2720 = arith.constant 80 : i32
    %add3A_2721 = arith.addi %add3A_2720, %sub3A_2626 : i32
    %eq3A_2722 = vector.broadcast %add3A_2721 : i32 to vector<16xi32>
    %eq3A_2723 = arith.cmpi eq, %add3A_2637, %eq3A_2722 : vector<16xi32>
    %jit3A_2724 = arith.constant 0.000000e+00 : f32
    %broadcast_in_dim3A_2725 = vector.broadcast %jit3A_2724 : f32 to vector<16xf32>
    %select_n3A_2726 = arith.select %eq3A_2723, %get3A_2719, %broadcast_in_dim3A_2725 : vector<16xi1>, vector<16xf32>
    %add3A_2727 = arith.addf %add3A_2712, %select_n3A_2726 : vector<16xf32>
    %get3A_2728 = arith.constant 0 : i32
    %get3A_2729 = arith.constant 6 : i32
    %get3A_2730 = arith.index_cast %get3A_2728 : i32 to index
    %get3A_2731 = arith.index_cast %get3A_2729 : i32 to index
    %get3A_2732 = arith.index_cast %mul3A_2625 : i32 to index
    %get3A_2733 = tpu.vector_load %arg7[%get3A_2730, %get3A_2731, %get3A_2732] {strides = array<i32>} : memref<8x8x1024xf32, #tpu.memory_space<vmem>>, vector<1x1x16xf32>,
    %get3A_2734 = vector.shape_cast %get3A_2733 : vector<1x1x16xf32> to vector<16xf32>
    %add3A_2735 = arith.constant 96 : i32
    %add3A_2736 = arith.addi %add3A_2735, %sub3A_2626 : i32
    %eq3A_2737 = vector.broadcast %add3A_2736 : i32 to vector<16xi32>
    %eq3A_2738 = arith.cmpi eq, %add3A_2637, %eq3A_2737 : vector<16xi32>
    %jit3A_2739 = arith.constant 0.000000e+00 : f32
    %broadcast_in_dim3A_2740 = vector.broadcast %jit3A_2739 : f32 to vector<16xf32>
    %select_n3A_2741 = arith.select %eq3A_2738, %get3A_2734, %broadcast_in_dim3A_2740 : vector<16xi1>, vector<16xf32>
    %add3A_2742 = arith.addf %add3A_2727, %select_n3A_2741 : vector<16xf32>
    %get3A_2743 = arith.constant 0 : i32
    %get3A_2744 = arith.constant 7 : i32
    %get3A_2745 = arith.index_cast %get3A_2743 : i32 to index
    %get3A_2746 = arith.index_cast %get3A_2744 : i32 to index
    %get3A_2747 = arith.index_cast %mul3A_2625 : i32 to index
    %get3A_2748 = tpu.vector_load %arg7[%get3A_2745, %get3A_2746, %get3A_2747] {strides = array<i32>} : memref<8x8x1024xf32, #tpu.memory_space<vmem>>, vector<1x1x16xf32>,
    %get3A_2749 = vector.shape_cast %get3A_2748 : vector<1x1x16xf32> to vector<16xf32>
    %add3A_2750 = arith.constant 112 : i32
    %add3A_2751 = arith.addi %add3A_2750, %sub3A_2626 : i32
    %eq3A_2752 = vector.broadcast %add3A_2751 : i32 to vector<16xi32>
    %eq3A_2753 = arith.cmpi eq, %add3A_2637, %eq3A_2752 : vector<16xi32>
    %jit3A_2754 = arith.constant 0.000000e+00 : f32
    %broadcast_in_dim3A_2755 = vector.broadcast %jit3A_2754 : f32 to vector<16xf32>
    %select_n3A_2756 = arith.select %eq3A_2753, %get3A_2749, %broadcast_in_dim3A_2755 : vector<16xi1>, vector<16xf32>
    %add3A_2757 = arith.addf %add3A_2742, %select_n3A_2756 : vector<16xf32>
    %add3A_2758 = arith.constant 17 : i32
    %add3A_2759 = arith.addi %mul3A_2, %add3A_2758 : i32
    %jit3A_2760 = arith.constant 16 : i32
    %div3A_2761 = arith.divsi %add3A_2759, %jit3A_2760 : i32
    %sign3A_2762 = arith.constant 0 : i32
    %sign3A_2763 = arith.cmpi sgt, %add3A_2759, %sign3A_2762 : i32
    %sign3A_2764 = arith.extui %sign3A_2763 : i1 to i32
    %sign3A_2765 = arith.constant 0 : i32
    %sign3A_2766 = arith.cmpi slt, %add3A_2759, %sign3A_2765 : i32
    %sign3A_2767 = arith.extui %sign3A_2766 : i1 to i32
    %sign3A_2768 = arith.subi %sign3A_2764, %sign3A_2767 : i32
    %sign3A_2769 = arith.constant 0 : i32
    %sign3A_2770 = arith.cmpi sgt, %jit3A_2760, %sign3A_2769 : i32
    %sign3A_2771 = arith.extui %sign3A_2770 : i1 to i32
    %sign3A_2772 = arith.constant 0 : i32
    %sign3A_2773 = arith.cmpi slt, %jit3A_2760, %sign3A_2772 : i32
    %sign3A_2774 = arith.extui %sign3A_2773 : i1 to i32
    %sign3A_2775 = arith.subi %sign3A_2771, %sign3A_2774 : i32
    %ne3A_2776 = arith.cmpi ne, %sign3A_2768, %sign3A_2775 : i32
    %rem3A_2777 = arith.remsi %add3A_2759, %jit3A_2760 : i32
    %ne3A_2778 = arith.constant 0 : i32
    %ne3A_2779 = arith.cmpi ne, %rem3A_2777, %ne3A_2778 : i32
    %and3A_2780 = arith.andi %ne3A_2776, %ne3A_2779 : i1
    %sub3A_2781 = arith.constant 1 : i32
    %sub3A_2782 = arith.subi %div3A_2761, %sub3A_2781 : i32
    %select_n3A_2783 = arith.select %and3A_2780, %sub3A_2782, %div3A_2761 : i32
    %mul3A_2784 = arith.constant 16 : i32
    %mul3A_2785 = arith.muli %select_n3A_2783, %mul3A_2784 : i32
    %sub3A_2786 = arith.subi %add3A_2759, %mul3A_2785 : i32
    %broadcast_in_dim3A_2787 = arith.constant 1 : i32
    %broadcast_in_dim3A_2788 = vector.broadcast %broadcast_in_dim3A_2787 : i32 to vector<16x1xi32>
    %gather3A_2789 = vector.shape_cast %broadcast_in_dim3A_2788 : vector<16x1xi32> to vector<16xi32>
    %gather3A_2790 = tpu.dynamic_gather %get3A_12[%gather3A_2789] in [0] : vector<16xi32>, vector<16xi32> -> vector<16xi32>
    %and3A_2791 = arith.constant 7 : i32
    %and3A_2792 = vector.broadcast %and3A_2791 : i32 to vector<16xi32>
    %and3A_2793 = arith.andi %gather3A_2790, %and3A_2792 : vector<16xi32>
    %mul3A_2794 = arith.constant 16 : i32
    %mul3A_2795 = vector.broadcast %mul3A_2794 : i32 to vector<16xi32>
    %mul3A_2796 = arith.muli %and3A_2793, %mul3A_2795 : vector<16xi32>
    %add3A_2797 = arith.addi %mul3A_2796, %iota3A : vector<16xi32>
    %get3A_2798 = arith.constant 1 : i32
    %get3A_2799 = arith.constant 0 : i32
    %get3A_2800 = arith.index_cast %get3A_2798 : i32 to index
    %get3A_2801 = arith.index_cast %get3A_2799 : i32 to index
    %get3A_2802 = arith.index_cast %mul3A_2785 : i32 to index
    %get3A_2803 = tpu.vector_load %arg7[%get3A_2800, %get3A_2801, %get3A_2802] {strides = array<i32>} : memref<8x8x1024xf32, #tpu.memory_space<vmem>>, vector<1x1x16xf32>,
    %get3A_2804 = vector.shape_cast %get3A_2803 : vector<1x1x16xf32> to vector<16xf32>
    %add3A_2805 = arith.constant 0 : i32
    %add3A_2806 = arith.addi %add3A_2805, %sub3A_2786 : i32
    %eq3A_2807 = vector.broadcast %add3A_2806 : i32 to vector<16xi32>
    %eq3A_2808 = arith.cmpi eq, %add3A_2797, %eq3A_2807 : vector<16xi32>
    %jit3A_2809 = arith.constant 0.000000e+00 : f32
    %broadcast_in_dim3A_2810 = vector.broadcast %jit3A_2809 : f32 to vector<16xf32>
    %select_n3A_2811 = arith.select %eq3A_2808, %get3A_2804, %broadcast_in_dim3A_2810 : vector<16xi1>, vector<16xf32>
    %add3A_2812 = arith.addf %add3A_2757, %select_n3A_2811 : vector<16xf32>
    %get3A_2813 = arith.constant 1 : i32
    %get3A_2814 = arith.constant 1 : i32
    %get3A_2815 = arith.index_cast %get3A_2813 : i32 to index
    %get3A_2816 = arith.index_cast %get3A_2814 : i32 to index
    %get3A_2817 = arith.index_cast %mul3A_2785 : i32 to index
    %get3A_2818 = tpu.vector_load %arg7[%get3A_2815, %get3A_2816, %get3A_2817] {strides = array<i32>} : memref<8x8x1024xf32, #tpu.memory_space<vmem>>, vector<1x1x16xf32>,
    %get3A_2819 = vector.shape_cast %get3A_2818 : vector<1x1x16xf32> to vector<16xf32>
    %add3A_2820 = arith.constant 16 : i32
    %add3A_2821 = arith.addi %add3A_2820, %sub3A_2786 : i32
    %eq3A_2822 = vector.broadcast %add3A_2821 : i32 to vector<16xi32>
    %eq3A_2823 = arith.cmpi eq, %add3A_2797, %eq3A_2822 : vector<16xi32>
    %jit3A_2824 = arith.constant 0.000000e+00 : f32
    %broadcast_in_dim3A_2825 = vector.broadcast %jit3A_2824 : f32 to vector<16xf32>
    %select_n3A_2826 = arith.select %eq3A_2823, %get3A_2819, %broadcast_in_dim3A_2825 : vector<16xi1>, vector<16xf32>
    %add3A_2827 = arith.addf %add3A_2812, %select_n3A_2826 : vector<16xf32>
    %get3A_2828 = arith.constant 1 : i32
    %get3A_2829 = arith.constant 2 : i32
    %get3A_2830 = arith.index_cast %get3A_2828 : i32 to index
    %get3A_2831 = arith.index_cast %get3A_2829 : i32 to index
    %get3A_2832 = arith.index_cast %mul3A_2785 : i32 to index
    %get3A_2833 = tpu.vector_load %arg7[%get3A_2830, %get3A_2831, %get3A_2832] {strides = array<i32>} : memref<8x8x1024xf32, #tpu.memory_space<vmem>>, vector<1x1x16xf32>,
    %get3A_2834 = vector.shape_cast %get3A_2833 : vector<1x1x16xf32> to vector<16xf32>
    %add3A_2835 = arith.constant 32 : i32
    %add3A_2836 = arith.addi %add3A_2835, %sub3A_2786 : i32
    %eq3A_2837 = vector.broadcast %add3A_2836 : i32 to vector<16xi32>
    %eq3A_2838 = arith.cmpi eq, %add3A_2797, %eq3A_2837 : vector<16xi32>
    %jit3A_2839 = arith.constant 0.000000e+00 : f32
    %broadcast_in_dim3A_2840 = vector.broadcast %jit3A_2839 : f32 to vector<16xf32>
    %select_n3A_2841 = arith.select %eq3A_2838, %get3A_2834, %broadcast_in_dim3A_2840 : vector<16xi1>, vector<16xf32>
    %add3A_2842 = arith.addf %add3A_2827, %select_n3A_2841 : vector<16xf32>
    %get3A_2843 = arith.constant 1 : i32
    %get3A_2844 = arith.constant 3 : i32
    %get3A_2845 = arith.index_cast %get3A_2843 : i32 to index
    %get3A_2846 = arith.index_cast %get3A_2844 : i32 to index
    %get3A_2847 = arith.index_cast %mul3A_2785 : i32 to index
    %get3A_2848 = tpu.vector_load %arg7[%get3A_2845, %get3A_2846, %get3A_2847] {strides = array<i32>} : memref<8x8x1024xf32, #tpu.memory_space<vmem>>, vector<1x1x16xf32>,
    %get3A_2849 = vector.shape_cast %get3A_2848 : vector<1x1x16xf32> to vector<16xf32>
    %add3A_2850 = arith.constant 48 : i32
    %add3A_2851 = arith.addi %add3A_2850, %sub3A_2786 : i32
    %eq3A_2852 = vector.broadcast %add3A_2851 : i32 to vector<16xi32>
    %eq3A_2853 = arith.cmpi eq, %add3A_2797, %eq3A_2852 : vector<16xi32>
    %jit3A_2854 = arith.constant 0.000000e+00 : f32
    %broadcast_in_dim3A_2855 = vector.broadcast %jit3A_2854 : f32 to vector<16xf32>
    %select_n3A_2856 = arith.select %eq3A_2853, %get3A_2849, %broadcast_in_dim3A_2855 : vector<16xi1>, vector<16xf32>
    %add3A_2857 = arith.addf %add3A_2842, %select_n3A_2856 : vector<16xf32>
    %get3A_2858 = arith.constant 1 : i32
    %get3A_2859 = arith.constant 4 : i32
    %get3A_2860 = arith.index_cast %get3A_2858 : i32 to index
    %get3A_2861 = arith.index_cast %get3A_2859 : i32 to index
    %get3A_2862 = arith.index_cast %mul3A_2785 : i32 to index
    %get3A_2863 = tpu.vector_load %arg7[%get3A_2860, %get3A_2861, %get3A_2862] {strides = array<i32>} : memref<8x8x1024xf32, #tpu.memory_space<vmem>>, vector<1x1x16xf32>,
    %get3A_2864 = vector.shape_cast %get3A_2863 : vector<1x1x16xf32> to vector<16xf32>
    %add3A_2865 = arith.constant 64 : i32
    %add3A_2866 = arith.addi %add3A_2865, %sub3A_2786 : i32
    %eq3A_2867 = vector.broadcast %add3A_2866 : i32 to vector<16xi32>
    %eq3A_2868 = arith.cmpi eq, %add3A_2797, %eq3A_2867 : vector<16xi32>
    %jit3A_2869 = arith.constant 0.000000e+00 : f32
    %broadcast_in_dim3A_2870 = vector.broadcast %jit3A_2869 : f32 to vector<16xf32>
    %select_n3A_2871 = arith.select %eq3A_2868, %get3A_2864, %broadcast_in_dim3A_2870 : vector<16xi1>, vector<16xf32>
    %add3A_2872 = arith.addf %add3A_2857, %select_n3A_2871 : vector<16xf32>
    %get3A_2873 = arith.constant 1 : i32
    %get3A_2874 = arith.constant 5 : i32
    %get3A_2875 = arith.index_cast %get3A_2873 : i32 to index
    %get3A_2876 = arith.index_cast %get3A_2874 : i32 to index
    %get3A_2877 = arith.index_cast %mul3A_2785 : i32 to index
    %get3A_2878 = tpu.vector_load %arg7[%get3A_2875, %get3A_2876, %get3A_2877] {strides = array<i32>} : memref<8x8x1024xf32, #tpu.memory_space<vmem>>, vector<1x1x16xf32>,
    %get3A_2879 = vector.shape_cast %get3A_2878 : vector<1x1x16xf32> to vector<16xf32>
    %add3A_2880 = arith.constant 80 : i32
    %add3A_2881 = arith.addi %add3A_2880, %sub3A_2786 : i32
    %eq3A_2882 = vector.broadcast %add3A_2881 : i32 to vector<16xi32>
    %eq3A_2883 = arith.cmpi eq, %add3A_2797, %eq3A_2882 : vector<16xi32>
    %jit3A_2884 = arith.constant 0.000000e+00 : f32
    %broadcast_in_dim3A_2885 = vector.broadcast %jit3A_2884 : f32 to vector<16xf32>
    %select_n3A_2886 = arith.select %eq3A_2883, %get3A_2879, %broadcast_in_dim3A_2885 : vector<16xi1>, vector<16xf32>
    %add3A_2887 = arith.addf %add3A_2872, %select_n3A_2886 : vector<16xf32>
    %get3A_2888 = arith.constant 1 : i32
    %get3A_2889 = arith.constant 6 : i32
    %get3A_2890 = arith.index_cast %get3A_2888 : i32 to index
    %get3A_2891 = arith.index_cast %get3A_2889 : i32 to index
    %get3A_2892 = arith.index_cast %mul3A_2785 : i32 to index
    %get3A_2893 = tpu.vector_load %arg7[%get3A_2890, %get3A_2891, %get3A_2892] {strides = array<i32>} : memref<8x8x1024xf32, #tpu.memory_space<vmem>>, vector<1x1x16xf32>,
    %get3A_2894 = vector.shape_cast %get3A_2893 : vector<1x1x16xf32> to vector<16xf32>
    %add3A_2895 = arith.constant 96 : i32
    %add3A_2896 = arith.addi %add3A_2895, %sub3A_2786 : i32
    %eq3A_2897 = vector.broadcast %add3A_2896 : i32 to vector<16xi32>
    %eq3A_2898 = arith.cmpi eq, %add3A_2797, %eq3A_2897 : vector<16xi32>
    %jit3A_2899 = arith.constant 0.000000e+00 : f32
    %broadcast_in_dim3A_2900 = vector.broadcast %jit3A_2899 : f32 to vector<16xf32>
    %select_n3A_2901 = arith.select %eq3A_2898, %get3A_2894, %broadcast_in_dim3A_2900 : vector<16xi1>, vector<16xf32>
    %add3A_2902 = arith.addf %add3A_2887, %select_n3A_2901 : vector<16xf32>
    %get3A_2903 = arith.constant 1 : i32
    %get3A_2904 = arith.constant 7 : i32
    %get3A_2905 = arith.index_cast %get3A_2903 : i32 to index
    %get3A_2906 = arith.index_cast %get3A_2904 : i32 to index
    %get3A_2907 = arith.index_cast %mul3A_2785 : i32 to index
    %get3A_2908 = tpu.vector_load %arg7[%get3A_2905, %get3A_2906, %get3A_2907] {strides = array<i32>} : memref<8x8x1024xf32, #tpu.memory_space<vmem>>, vector<1x1x16xf32>,
    %get3A_2909 = vector.shape_cast %get3A_2908 : vector<1x1x16xf32> to vector<16xf32>
    %add3A_2910 = arith.constant 112 : i32
    %add3A_2911 = arith.addi %add3A_2910, %sub3A_2786 : i32
    %eq3A_2912 = vector.broadcast %add3A_2911 : i32 to vector<16xi32>
    %eq3A_2913 = arith.cmpi eq, %add3A_2797, %eq3A_2912 : vector<16xi32>
    %jit3A_2914 = arith.constant 0.000000e+00 : f32
    %broadcast_in_dim3A_2915 = vector.broadcast %jit3A_2914 : f32 to vector<16xf32>
    %select_n3A_2916 = arith.select %eq3A_2913, %get3A_2909, %broadcast_in_dim3A_2915 : vector<16xi1>, vector<16xf32>
    %add3A_2917 = arith.addf %add3A_2902, %select_n3A_2916 : vector<16xf32>
    %add3A_2918 = arith.constant 18 : i32
    %add3A_2919 = arith.addi %mul3A_2, %add3A_2918 : i32
    %jit3A_2920 = arith.constant 16 : i32
    %div3A_2921 = arith.divsi %add3A_2919, %jit3A_2920 : i32
    %sign3A_2922 = arith.constant 0 : i32
    %sign3A_2923 = arith.cmpi sgt, %add3A_2919, %sign3A_2922 : i32
    %sign3A_2924 = arith.extui %sign3A_2923 : i1 to i32
    %sign3A_2925 = arith.constant 0 : i32
    %sign3A_2926 = arith.cmpi slt, %add3A_2919, %sign3A_2925 : i32
    %sign3A_2927 = arith.extui %sign3A_2926 : i1 to i32
    %sign3A_2928 = arith.subi %sign3A_2924, %sign3A_2927 : i32
    %sign3A_2929 = arith.constant 0 : i32
    %sign3A_2930 = arith.cmpi sgt, %jit3A_2920, %sign3A_2929 : i32
    %sign3A_2931 = arith.extui %sign3A_2930 : i1 to i32
    %sign3A_2932 = arith.constant 0 : i32
    %sign3A_2933 = arith.cmpi slt, %jit3A_2920, %sign3A_2932 : i32
    %sign3A_2934 = arith.extui %sign3A_2933 : i1 to i32
    %sign3A_2935 = arith.subi %sign3A_2931, %sign3A_2934 : i32
    %ne3A_2936 = arith.cmpi ne, %sign3A_2928, %sign3A_2935 : i32
    %rem3A_2937 = arith.remsi %add3A_2919, %jit3A_2920 : i32
    %ne3A_2938 = arith.constant 0 : i32
    %ne3A_2939 = arith.cmpi ne, %rem3A_2937, %ne3A_2938 : i32
    %and3A_2940 = arith.andi %ne3A_2936, %ne3A_2939 : i1
    %sub3A_2941 = arith.constant 1 : i32
    %sub3A_2942 = arith.subi %div3A_2921, %sub3A_2941 : i32
    %select_n3A_2943 = arith.select %and3A_2940, %sub3A_2942, %div3A_2921 : i32
    %mul3A_2944 = arith.constant 16 : i32
    %mul3A_2945 = arith.muli %select_n3A_2943, %mul3A_2944 : i32
    %sub3A_2946 = arith.subi %add3A_2919, %mul3A_2945 : i32
    %broadcast_in_dim3A_2947 = arith.constant 2 : i32
    %broadcast_in_dim3A_2948 = vector.broadcast %broadcast_in_dim3A_2947 : i32 to vector<16x1xi32>
    %gather3A_2949 = vector.shape_cast %broadcast_in_dim3A_2948 : vector<16x1xi32> to vector<16xi32>
    %gather3A_2950 = tpu.dynamic_gather %get3A_12[%gather3A_2949] in [0] : vector<16xi32>, vector<16xi32> -> vector<16xi32>
    %and3A_2951 = arith.constant 7 : i32
    %and3A_2952 = vector.broadcast %and3A_2951 : i32 to vector<16xi32>
    %and3A_2953 = arith.andi %gather3A_2950, %and3A_2952 : vector<16xi32>
    %mul3A_2954 = arith.constant 16 : i32
    %mul3A_2955 = vector.broadcast %mul3A_2954 : i32 to vector<16xi32>
    %mul3A_2956 = arith.muli %and3A_2953, %mul3A_2955 : vector<16xi32>
    %add3A_2957 = arith.addi %mul3A_2956, %iota3A : vector<16xi32>
    %get3A_2958 = arith.constant 2 : i32
    %get3A_2959 = arith.constant 0 : i32
    %get3A_2960 = arith.index_cast %get3A_2958 : i32 to index
    %get3A_2961 = arith.index_cast %get3A_2959 : i32 to index
    %get3A_2962 = arith.index_cast %mul3A_2945 : i32 to index
    %get3A_2963 = tpu.vector_load %arg7[%get3A_2960, %get3A_2961, %get3A_2962] {strides = array<i32>} : memref<8x8x1024xf32, #tpu.memory_space<vmem>>, vector<1x1x16xf32>,
    %get3A_2964 = vector.shape_cast %get3A_2963 : vector<1x1x16xf32> to vector<16xf32>
    %add3A_2965 = arith.constant 0 : i32
    %add3A_2966 = arith.addi %add3A_2965, %sub3A_2946 : i32
    %eq3A_2967 = vector.broadcast %add3A_2966 : i32 to vector<16xi32>
    %eq3A_2968 = arith.cmpi eq, %add3A_2957, %eq3A_2967 : vector<16xi32>
    %jit3A_2969 = arith.constant 0.000000e+00 : f32
    %broadcast_in_dim3A_2970 = vector.broadcast %jit3A_2969 : f32 to vector<16xf32>
    %select_n3A_2971 = arith.select %eq3A_2968, %get3A_2964, %broadcast_in_dim3A_2970 : vector<16xi1>, vector<16xf32>
    %add3A_2972 = arith.addf %add3A_2917, %select_n3A_2971 : vector<16xf32>
    %get3A_2973 = arith.constant 2 : i32
    %get3A_2974 = arith.constant 1 : i32
    %get3A_2975 = arith.index_cast %get3A_2973 : i32 to index
    %get3A_2976 = arith.index_cast %get3A_2974 : i32 to index
    %get3A_2977 = arith.index_cast %mul3A_2945 : i32 to index
    %get3A_2978 = tpu.vector_load %arg7[%get3A_2975, %get3A_2976, %get3A_2977] {strides = array<i32>} : memref<8x8x1024xf32, #tpu.memory_space<vmem>>, vector<1x1x16xf32>,
    %get3A_2979 = vector.shape_cast %get3A_2978 : vector<1x1x16xf32> to vector<16xf32>
    %add3A_2980 = arith.constant 16 : i32
    %add3A_2981 = arith.addi %add3A_2980, %sub3A_2946 : i32
    %eq3A_2982 = vector.broadcast %add3A_2981 : i32 to vector<16xi32>
    %eq3A_2983 = arith.cmpi eq, %add3A_2957, %eq3A_2982 : vector<16xi32>
    %jit3A_2984 = arith.constant 0.000000e+00 : f32
    %broadcast_in_dim3A_2985 = vector.broadcast %jit3A_2984 : f32 to vector<16xf32>
    %select_n3A_2986 = arith.select %eq3A_2983, %get3A_2979, %broadcast_in_dim3A_2985 : vector<16xi1>, vector<16xf32>
    %add3A_2987 = arith.addf %add3A_2972, %select_n3A_2986 : vector<16xf32>
    %get3A_2988 = arith.constant 2 : i32
    %get3A_2989 = arith.constant 2 : i32
    %get3A_2990 = arith.index_cast %get3A_2988 : i32 to index
    %get3A_2991 = arith.index_cast %get3A_2989 : i32 to index
    %get3A_2992 = arith.index_cast %mul3A_2945 : i32 to index
    %get3A_2993 = tpu.vector_load %arg7[%get3A_2990, %get3A_2991, %get3A_2992] {strides = array<i32>} : memref<8x8x1024xf32, #tpu.memory_space<vmem>>, vector<1x1x16xf32>,
    %get3A_2994 = vector.shape_cast %get3A_2993 : vector<1x1x16xf32> to vector<16xf32>
    %add3A_2995 = arith.constant 32 : i32
    %add3A_2996 = arith.addi %add3A_2995, %sub3A_2946 : i32
    %eq3A_2997 = vector.broadcast %add3A_2996 : i32 to vector<16xi32>
    %eq3A_2998 = arith.cmpi eq, %add3A_2957, %eq3A_2997 : vector<16xi32>
    %jit3A_2999 = arith.constant 0.000000e+00 : f32
    %broadcast_in_dim3A_3000 = vector.broadcast %jit3A_2999 : f32 to vector<16xf32>
    %select_n3A_3001 = arith.select %eq3A_2998, %get3A_2994, %broadcast_in_dim3A_3000 : vector<16xi1>, vector<16xf32>
    %add3A_3002 = arith.addf %add3A_2987, %select_n3A_3001 : vector<16xf32>
    %get3A_3003 = arith.constant 2 : i32
    %get3A_3004 = arith.constant 3 : i32
    %get3A_3005 = arith.index_cast %get3A_3003 : i32 to index
    %get3A_3006 = arith.index_cast %get3A_3004 : i32 to index
    %get3A_3007 = arith.index_cast %mul3A_2945 : i32 to index
    %get3A_3008 = tpu.vector_load %arg7[%get3A_3005, %get3A_3006, %get3A_3007] {strides = array<i32>} : memref<8x8x1024xf32, #tpu.memory_space<vmem>>, vector<1x1x16xf32>,
    %get3A_3009 = vector.shape_cast %get3A_3008 : vector<1x1x16xf32> to vector<16xf32>
    %add3A_3010 = arith.constant 48 : i32
    %add3A_3011 = arith.addi %add3A_3010, %sub3A_2946 : i32
    %eq3A_3012 = vector.broadcast %add3A_3011 : i32 to vector<16xi32>
    %eq3A_3013 = arith.cmpi eq, %add3A_2957, %eq3A_3012 : vector<16xi32>
    %jit3A_3014 = arith.constant 0.000000e+00 : f32
    %broadcast_in_dim3A_3015 = vector.broadcast %jit3A_3014 : f32 to vector<16xf32>
    %select_n3A_3016 = arith.select %eq3A_3013, %get3A_3009, %broadcast_in_dim3A_3015 : vector<16xi1>, vector<16xf32>
    %add3A_3017 = arith.addf %add3A_3002, %select_n3A_3016 : vector<16xf32>
    %get3A_3018 = arith.constant 2 : i32
    %get3A_3019 = arith.constant 4 : i32
    %get3A_3020 = arith.index_cast %get3A_3018 : i32 to index
    %get3A_3021 = arith.index_cast %get3A_3019 : i32 to index
    %get3A_3022 = arith.index_cast %mul3A_2945 : i32 to index
    %get3A_3023 = tpu.vector_load %arg7[%get3A_3020, %get3A_3021, %get3A_3022] {strides = array<i32>} : memref<8x8x1024xf32, #tpu.memory_space<vmem>>, vector<1x1x16xf32>,
    %get3A_3024 = vector.shape_cast %get3A_3023 : vector<1x1x16xf32> to vector<16xf32>
    %add3A_3025 = arith.constant 64 : i32
    %add3A_3026 = arith.addi %add3A_3025, %sub3A_2946 : i32
    %eq3A_3027 = vector.broadcast %add3A_3026 : i32 to vector<16xi32>
    %eq3A_3028 = arith.cmpi eq, %add3A_2957, %eq3A_3027 : vector<16xi32>
    %jit3A_3029 = arith.constant 0.000000e+00 : f32
    %broadcast_in_dim3A_3030 = vector.broadcast %jit3A_3029 : f32 to vector<16xf32>
    %select_n3A_3031 = arith.select %eq3A_3028, %get3A_3024, %broadcast_in_dim3A_3030 : vector<16xi1>, vector<16xf32>
    %add3A_3032 = arith.addf %add3A_3017, %select_n3A_3031 : vector<16xf32>
    %get3A_3033 = arith.constant 2 : i32
    %get3A_3034 = arith.constant 5 : i32
    %get3A_3035 = arith.index_cast %get3A_3033 : i32 to index
    %get3A_3036 = arith.index_cast %get3A_3034 : i32 to index
    %get3A_3037 = arith.index_cast %mul3A_2945 : i32 to index
    %get3A_3038 = tpu.vector_load %arg7[%get3A_3035, %get3A_3036, %get3A_3037] {strides = array<i32>} : memref<8x8x1024xf32, #tpu.memory_space<vmem>>, vector<1x1x16xf32>,
    %get3A_3039 = vector.shape_cast %get3A_3038 : vector<1x1x16xf32> to vector<16xf32>
    %add3A_3040 = arith.constant 80 : i32
    %add3A_3041 = arith.addi %add3A_3040, %sub3A_2946 : i32
    %eq3A_3042 = vector.broadcast %add3A_3041 : i32 to vector<16xi32>
    %eq3A_3043 = arith.cmpi eq, %add3A_2957, %eq3A_3042 : vector<16xi32>
    %jit3A_3044 = arith.constant 0.000000e+00 : f32
    %broadcast_in_dim3A_3045 = vector.broadcast %jit3A_3044 : f32 to vector<16xf32>
    %select_n3A_3046 = arith.select %eq3A_3043, %get3A_3039, %broadcast_in_dim3A_3045 : vector<16xi1>, vector<16xf32>
    %add3A_3047 = arith.addf %add3A_3032, %select_n3A_3046 : vector<16xf32>
    %get3A_3048 = arith.constant 2 : i32
    %get3A_3049 = arith.constant 6 : i32
    %get3A_3050 = arith.index_cast %get3A_3048 : i32 to index
    %get3A_3051 = arith.index_cast %get3A_3049 : i32 to index
    %get3A_3052 = arith.index_cast %mul3A_2945 : i32 to index
    %get3A_3053 = tpu.vector_load %arg7[%get3A_3050, %get3A_3051, %get3A_3052] {strides = array<i32>} : memref<8x8x1024xf32, #tpu.memory_space<vmem>>, vector<1x1x16xf32>,
    %get3A_3054 = vector.shape_cast %get3A_3053 : vector<1x1x16xf32> to vector<16xf32>
    %add3A_3055 = arith.constant 96 : i32
    %add3A_3056 = arith.addi %add3A_3055, %sub3A_2946 : i32
    %eq3A_3057 = vector.broadcast %add3A_3056 : i32 to vector<16xi32>
    %eq3A_3058 = arith.cmpi eq, %add3A_2957, %eq3A_3057 : vector<16xi32>
    %jit3A_3059 = arith.constant 0.000000e+00 : f32
    %broadcast_in_dim3A_3060 = vector.broadcast %jit3A_3059 : f32 to vector<16xf32>
    %select_n3A_3061 = arith.select %eq3A_3058, %get3A_3054, %broadcast_in_dim3A_3060 : vector<16xi1>, vector<16xf32>
    %add3A_3062 = arith.addf %add3A_3047, %select_n3A_3061 : vector<16xf32>
    %get3A_3063 = arith.constant 2 : i32
    %get3A_3064 = arith.constant 7 : i32
    %get3A_3065 = arith.index_cast %get3A_3063 : i32 to index
    %get3A_3066 = arith.index_cast %get3A_3064 : i32 to index
    %get3A_3067 = arith.index_cast %mul3A_2945 : i32 to index
    %get3A_3068 = tpu.vector_load %arg7[%get3A_3065, %get3A_3066, %get3A_3067] {strides = array<i32>} : memref<8x8x1024xf32, #tpu.memory_space<vmem>>, vector<1x1x16xf32>,
    %get3A_3069 = vector.shape_cast %get3A_3068 : vector<1x1x16xf32> to vector<16xf32>
    %add3A_3070 = arith.constant 112 : i32
    %add3A_3071 = arith.addi %add3A_3070, %sub3A_2946 : i32
    %eq3A_3072 = vector.broadcast %add3A_3071 : i32 to vector<16xi32>
    %eq3A_3073 = arith.cmpi eq, %add3A_2957, %eq3A_3072 : vector<16xi32>
    %jit3A_3074 = arith.constant 0.000000e+00 : f32
    %broadcast_in_dim3A_3075 = vector.broadcast %jit3A_3074 : f32 to vector<16xf32>
    %select_n3A_3076 = arith.select %eq3A_3073, %get3A_3069, %broadcast_in_dim3A_3075 : vector<16xi1>, vector<16xf32>
    %add3A_3077 = arith.addf %add3A_3062, %select_n3A_3076 : vector<16xf32>
    %add3A_3078 = arith.constant 19 : i32
    %add3A_3079 = arith.addi %mul3A_2, %add3A_3078 : i32
    %jit3A_3080 = arith.constant 16 : i32
    %div3A_3081 = arith.divsi %add3A_3079, %jit3A_3080 : i32
    %sign3A_3082 = arith.constant 0 : i32
    %sign3A_3083 = arith.cmpi sgt, %add3A_3079, %sign3A_3082 : i32
    %sign3A_3084 = arith.extui %sign3A_3083 : i1 to i32
    %sign3A_3085 = arith.constant 0 : i32
    %sign3A_3086 = arith.cmpi slt, %add3A_3079, %sign3A_3085 : i32
    %sign3A_3087 = arith.extui %sign3A_3086 : i1 to i32
    %sign3A_3088 = arith.subi %sign3A_3084, %sign3A_3087 : i32
    %sign3A_3089 = arith.constant 0 : i32
    %sign3A_3090 = arith.cmpi sgt, %jit3A_3080, %sign3A_3089 : i32
    %sign3A_3091 = arith.extui %sign3A_3090 : i1 to i32
    %sign3A_3092 = arith.constant 0 : i32
    %sign3A_3093 = arith.cmpi slt, %jit3A_3080, %sign3A_3092 : i32
    %sign3A_3094 = arith.extui %sign3A_3093 : i1 to i32
    %sign3A_3095 = arith.subi %sign3A_3091, %sign3A_3094 : i32
    %ne3A_3096 = arith.cmpi ne, %sign3A_3088, %sign3A_3095 : i32
    %rem3A_3097 = arith.remsi %add3A_3079, %jit3A_3080 : i32
    %ne3A_3098 = arith.constant 0 : i32
    %ne3A_3099 = arith.cmpi ne, %rem3A_3097, %ne3A_3098 : i32
    %and3A_3100 = arith.andi %ne3A_3096, %ne3A_3099 : i1
    %sub3A_3101 = arith.constant 1 : i32
    %sub3A_3102 = arith.subi %div3A_3081, %sub3A_3101 : i32
    %select_n3A_3103 = arith.select %and3A_3100, %sub3A_3102, %div3A_3081 : i32
    %mul3A_3104 = arith.constant 16 : i32
    %mul3A_3105 = arith.muli %select_n3A_3103, %mul3A_3104 : i32
    %sub3A_3106 = arith.subi %add3A_3079, %mul3A_3105 : i32
    %broadcast_in_dim3A_3107 = arith.constant 3 : i32
    %broadcast_in_dim3A_3108 = vector.broadcast %broadcast_in_dim3A_3107 : i32 to vector<16x1xi32>
    %gather3A_3109 = vector.shape_cast %broadcast_in_dim3A_3108 : vector<16x1xi32> to vector<16xi32>
    %gather3A_3110 = tpu.dynamic_gather %get3A_12[%gather3A_3109] in [0] : vector<16xi32>, vector<16xi32> -> vector<16xi32>
    %and3A_3111 = arith.constant 7 : i32
    %and3A_3112 = vector.broadcast %and3A_3111 : i32 to vector<16xi32>
    %and3A_3113 = arith.andi %gather3A_3110, %and3A_3112 : vector<16xi32>
    %mul3A_3114 = arith.constant 16 : i32
    %mul3A_3115 = vector.broadcast %mul3A_3114 : i32 to vector<16xi32>
    %mul3A_3116 = arith.muli %and3A_3113, %mul3A_3115 : vector<16xi32>
    %add3A_3117 = arith.addi %mul3A_3116, %iota3A : vector<16xi32>
    %get3A_3118 = arith.constant 3 : i32
    %get3A_3119 = arith.constant 0 : i32
    %get3A_3120 = arith.index_cast %get3A_3118 : i32 to index
    %get3A_3121 = arith.index_cast %get3A_3119 : i32 to index
    %get3A_3122 = arith.index_cast %mul3A_3105 : i32 to index
    %get3A_3123 = tpu.vector_load %arg7[%get3A_3120, %get3A_3121, %get3A_3122] {strides = array<i32>} : memref<8x8x1024xf32, #tpu.memory_space<vmem>>, vector<1x1x16xf32>,
    %get3A_3124 = vector.shape_cast %get3A_3123 : vector<1x1x16xf32> to vector<16xf32>
    %add3A_3125 = arith.constant 0 : i32
    %add3A_3126 = arith.addi %add3A_3125, %sub3A_3106 : i32
    %eq3A_3127 = vector.broadcast %add3A_3126 : i32 to vector<16xi32>
    %eq3A_3128 = arith.cmpi eq, %add3A_3117, %eq3A_3127 : vector<16xi32>
    %jit3A_3129 = arith.constant 0.000000e+00 : f32
    %broadcast_in_dim3A_3130 = vector.broadcast %jit3A_3129 : f32 to vector<16xf32>
    %select_n3A_3131 = arith.select %eq3A_3128, %get3A_3124, %broadcast_in_dim3A_3130 : vector<16xi1>, vector<16xf32>
    %add3A_3132 = arith.addf %add3A_3077, %select_n3A_3131 : vector<16xf32>
    %get3A_3133 = arith.constant 3 : i32
    %get3A_3134 = arith.constant 1 : i32
    %get3A_3135 = arith.index_cast %get3A_3133 : i32 to index
    %get3A_3136 = arith.index_cast %get3A_3134 : i32 to index
    %get3A_3137 = arith.index_cast %mul3A_3105 : i32 to index
    %get3A_3138 = tpu.vector_load %arg7[%get3A_3135, %get3A_3136, %get3A_3137] {strides = array<i32>} : memref<8x8x1024xf32, #tpu.memory_space<vmem>>, vector<1x1x16xf32>,
    %get3A_3139 = vector.shape_cast %get3A_3138 : vector<1x1x16xf32> to vector<16xf32>
    %add3A_3140 = arith.constant 16 : i32
    %add3A_3141 = arith.addi %add3A_3140, %sub3A_3106 : i32
    %eq3A_3142 = vector.broadcast %add3A_3141 : i32 to vector<16xi32>
    %eq3A_3143 = arith.cmpi eq, %add3A_3117, %eq3A_3142 : vector<16xi32>
    %jit3A_3144 = arith.constant 0.000000e+00 : f32
    %broadcast_in_dim3A_3145 = vector.broadcast %jit3A_3144 : f32 to vector<16xf32>
    %select_n3A_3146 = arith.select %eq3A_3143, %get3A_3139, %broadcast_in_dim3A_3145 : vector<16xi1>, vector<16xf32>
    %add3A_3147 = arith.addf %add3A_3132, %select_n3A_3146 : vector<16xf32>
    %get3A_3148 = arith.constant 3 : i32
    %get3A_3149 = arith.constant 2 : i32
    %get3A_3150 = arith.index_cast %get3A_3148 : i32 to index
    %get3A_3151 = arith.index_cast %get3A_3149 : i32 to index
    %get3A_3152 = arith.index_cast %mul3A_3105 : i32 to index
    %get3A_3153 = tpu.vector_load %arg7[%get3A_3150, %get3A_3151, %get3A_3152] {strides = array<i32>} : memref<8x8x1024xf32, #tpu.memory_space<vmem>>, vector<1x1x16xf32>,
    %get3A_3154 = vector.shape_cast %get3A_3153 : vector<1x1x16xf32> to vector<16xf32>
    %add3A_3155 = arith.constant 32 : i32
    %add3A_3156 = arith.addi %add3A_3155, %sub3A_3106 : i32
    %eq3A_3157 = vector.broadcast %add3A_3156 : i32 to vector<16xi32>
    %eq3A_3158 = arith.cmpi eq, %add3A_3117, %eq3A_3157 : vector<16xi32>
    %jit3A_3159 = arith.constant 0.000000e+00 : f32
    %broadcast_in_dim3A_3160 = vector.broadcast %jit3A_3159 : f32 to vector<16xf32>
    %select_n3A_3161 = arith.select %eq3A_3158, %get3A_3154, %broadcast_in_dim3A_3160 : vector<16xi1>, vector<16xf32>
    %add3A_3162 = arith.addf %add3A_3147, %select_n3A_3161 : vector<16xf32>
    %get3A_3163 = arith.constant 3 : i32
    %get3A_3164 = arith.constant 3 : i32
    %get3A_3165 = arith.index_cast %get3A_3163 : i32 to index
    %get3A_3166 = arith.index_cast %get3A_3164 : i32 to index
    %get3A_3167 = arith.index_cast %mul3A_3105 : i32 to index
    %get3A_3168 = tpu.vector_load %arg7[%get3A_3165, %get3A_3166, %get3A_3167] {strides = array<i32>} : memref<8x8x1024xf32, #tpu.memory_space<vmem>>, vector<1x1x16xf32>,
    %get3A_3169 = vector.shape_cast %get3A_3168 : vector<1x1x16xf32> to vector<16xf32>
    %add3A_3170 = arith.constant 48 : i32
    %add3A_3171 = arith.addi %add3A_3170, %sub3A_3106 : i32
    %eq3A_3172 = vector.broadcast %add3A_3171 : i32 to vector<16xi32>
    %eq3A_3173 = arith.cmpi eq, %add3A_3117, %eq3A_3172 : vector<16xi32>
    %jit3A_3174 = arith.constant 0.000000e+00 : f32
    %broadcast_in_dim3A_3175 = vector.broadcast %jit3A_3174 : f32 to vector<16xf32>
    %select_n3A_3176 = arith.select %eq3A_3173, %get3A_3169, %broadcast_in_dim3A_3175 : vector<16xi1>, vector<16xf32>
    %add3A_3177 = arith.addf %add3A_3162, %select_n3A_3176 : vector<16xf32>
    %get3A_3178 = arith.constant 3 : i32
    %get3A_3179 = arith.constant 4 : i32
    %get3A_3180 = arith.index_cast %get3A_3178 : i32 to index
    %get3A_3181 = arith.index_cast %get3A_3179 : i32 to index
    %get3A_3182 = arith.index_cast %mul3A_3105 : i32 to index
    %get3A_3183 = tpu.vector_load %arg7[%get3A_3180, %get3A_3181, %get3A_3182] {strides = array<i32>} : memref<8x8x1024xf32, #tpu.memory_space<vmem>>, vector<1x1x16xf32>,
    %get3A_3184 = vector.shape_cast %get3A_3183 : vector<1x1x16xf32> to vector<16xf32>
    %add3A_3185 = arith.constant 64 : i32
    %add3A_3186 = arith.addi %add3A_3185, %sub3A_3106 : i32
    %eq3A_3187 = vector.broadcast %add3A_3186 : i32 to vector<16xi32>
    %eq3A_3188 = arith.cmpi eq, %add3A_3117, %eq3A_3187 : vector<16xi32>
    %jit3A_3189 = arith.constant 0.000000e+00 : f32
    %broadcast_in_dim3A_3190 = vector.broadcast %jit3A_3189 : f32 to vector<16xf32>
    %select_n3A_3191 = arith.select %eq3A_3188, %get3A_3184, %broadcast_in_dim3A_3190 : vector<16xi1>, vector<16xf32>
    %add3A_3192 = arith.addf %add3A_3177, %select_n3A_3191 : vector<16xf32>
    %get3A_3193 = arith.constant 3 : i32
    %get3A_3194 = arith.constant 5 : i32
    %get3A_3195 = arith.index_cast %get3A_3193 : i32 to index
    %get3A_3196 = arith.index_cast %get3A_3194 : i32 to index
    %get3A_3197 = arith.index_cast %mul3A_3105 : i32 to index
    %get3A_3198 = tpu.vector_load %arg7[%get3A_3195, %get3A_3196, %get3A_3197] {strides = array<i32>} : memref<8x8x1024xf32, #tpu.memory_space<vmem>>, vector<1x1x16xf32>,
    %get3A_3199 = vector.shape_cast %get3A_3198 : vector<1x1x16xf32> to vector<16xf32>
    %add3A_3200 = arith.constant 80 : i32
    %add3A_3201 = arith.addi %add3A_3200, %sub3A_3106 : i32
    %eq3A_3202 = vector.broadcast %add3A_3201 : i32 to vector<16xi32>
    %eq3A_3203 = arith.cmpi eq, %add3A_3117, %eq3A_3202 : vector<16xi32>
    %jit3A_3204 = arith.constant 0.000000e+00 : f32
    %broadcast_in_dim3A_3205 = vector.broadcast %jit3A_3204 : f32 to vector<16xf32>
    %select_n3A_3206 = arith.select %eq3A_3203, %get3A_3199, %broadcast_in_dim3A_3205 : vector<16xi1>, vector<16xf32>
    %add3A_3207 = arith.addf %add3A_3192, %select_n3A_3206 : vector<16xf32>
    %get3A_3208 = arith.constant 3 : i32
    %get3A_3209 = arith.constant 6 : i32
    %get3A_3210 = arith.index_cast %get3A_3208 : i32 to index
    %get3A_3211 = arith.index_cast %get3A_3209 : i32 to index
    %get3A_3212 = arith.index_cast %mul3A_3105 : i32 to index
    %get3A_3213 = tpu.vector_load %arg7[%get3A_3210, %get3A_3211, %get3A_3212] {strides = array<i32>} : memref<8x8x1024xf32, #tpu.memory_space<vmem>>, vector<1x1x16xf32>,
    %get3A_3214 = vector.shape_cast %get3A_3213 : vector<1x1x16xf32> to vector<16xf32>
    %add3A_3215 = arith.constant 96 : i32
    %add3A_3216 = arith.addi %add3A_3215, %sub3A_3106 : i32
    %eq3A_3217 = vector.broadcast %add3A_3216 : i32 to vector<16xi32>
    %eq3A_3218 = arith.cmpi eq, %add3A_3117, %eq3A_3217 : vector<16xi32>
    %jit3A_3219 = arith.constant 0.000000e+00 : f32
    %broadcast_in_dim3A_3220 = vector.broadcast %jit3A_3219 : f32 to vector<16xf32>
    %select_n3A_3221 = arith.select %eq3A_3218, %get3A_3214, %broadcast_in_dim3A_3220 : vector<16xi1>, vector<16xf32>
    %add3A_3222 = arith.addf %add3A_3207, %select_n3A_3221 : vector<16xf32>
    %get3A_3223 = arith.constant 3 : i32
    %get3A_3224 = arith.constant 7 : i32
    %get3A_3225 = arith.index_cast %get3A_3223 : i32 to index
    %get3A_3226 = arith.index_cast %get3A_3224 : i32 to index
    %get3A_3227 = arith.index_cast %mul3A_3105 : i32 to index
    %get3A_3228 = tpu.vector_load %arg7[%get3A_3225, %get3A_3226, %get3A_3227] {strides = array<i32>} : memref<8x8x1024xf32, #tpu.memory_space<vmem>>, vector<1x1x16xf32>,
    %get3A_3229 = vector.shape_cast %get3A_3228 : vector<1x1x16xf32> to vector<16xf32>
    %add3A_3230 = arith.constant 112 : i32
    %add3A_3231 = arith.addi %add3A_3230, %sub3A_3106 : i32
    %eq3A_3232 = vector.broadcast %add3A_3231 : i32 to vector<16xi32>
    %eq3A_3233 = arith.cmpi eq, %add3A_3117, %eq3A_3232 : vector<16xi32>
    %jit3A_3234 = arith.constant 0.000000e+00 : f32
    %broadcast_in_dim3A_3235 = vector.broadcast %jit3A_3234 : f32 to vector<16xf32>
    %select_n3A_3236 = arith.select %eq3A_3233, %get3A_3229, %broadcast_in_dim3A_3235 : vector<16xi1>, vector<16xf32>
    %add3A_3237 = arith.addf %add3A_3222, %select_n3A_3236 : vector<16xf32>
    %add3A_3238 = arith.constant 20 : i32
    %add3A_3239 = arith.addi %mul3A_2, %add3A_3238 : i32
    %jit3A_3240 = arith.constant 16 : i32
    %div3A_3241 = arith.divsi %add3A_3239, %jit3A_3240 : i32
    %sign3A_3242 = arith.constant 0 : i32
    %sign3A_3243 = arith.cmpi sgt, %add3A_3239, %sign3A_3242 : i32
    %sign3A_3244 = arith.extui %sign3A_3243 : i1 to i32
    %sign3A_3245 = arith.constant 0 : i32
    %sign3A_3246 = arith.cmpi slt, %add3A_3239, %sign3A_3245 : i32
    %sign3A_3247 = arith.extui %sign3A_3246 : i1 to i32
    %sign3A_3248 = arith.subi %sign3A_3244, %sign3A_3247 : i32
    %sign3A_3249 = arith.constant 0 : i32
    %sign3A_3250 = arith.cmpi sgt, %jit3A_3240, %sign3A_3249 : i32
    %sign3A_3251 = arith.extui %sign3A_3250 : i1 to i32
    %sign3A_3252 = arith.constant 0 : i32
    %sign3A_3253 = arith.cmpi slt, %jit3A_3240, %sign3A_3252 : i32
    %sign3A_3254 = arith.extui %sign3A_3253 : i1 to i32
    %sign3A_3255 = arith.subi %sign3A_3251, %sign3A_3254 : i32
    %ne3A_3256 = arith.cmpi ne, %sign3A_3248, %sign3A_3255 : i32
    %rem3A_3257 = arith.remsi %add3A_3239, %jit3A_3240 : i32
    %ne3A_3258 = arith.constant 0 : i32
    %ne3A_3259 = arith.cmpi ne, %rem3A_3257, %ne3A_3258 : i32
    %and3A_3260 = arith.andi %ne3A_3256, %ne3A_3259 : i1
    %sub3A_3261 = arith.constant 1 : i32
    %sub3A_3262 = arith.subi %div3A_3241, %sub3A_3261 : i32
    %select_n3A_3263 = arith.select %and3A_3260, %sub3A_3262, %div3A_3241 : i32
    %mul3A_3264 = arith.constant 16 : i32
    %mul3A_3265 = arith.muli %select_n3A_3263, %mul3A_3264 : i32
    %sub3A_3266 = arith.subi %add3A_3239, %mul3A_3265 : i32
    %broadcast_in_dim3A_3267 = arith.constant 4 : i32
    %broadcast_in_dim3A_3268 = vector.broadcast %broadcast_in_dim3A_3267 : i32 to vector<16x1xi32>
    %gather3A_3269 = vector.shape_cast %broadcast_in_dim3A_3268 : vector<16x1xi32> to vector<16xi32>
    %gather3A_3270 = tpu.dynamic_gather %get3A_12[%gather3A_3269] in [0] : vector<16xi32>, vector<16xi32> -> vector<16xi32>
    %and3A_3271 = arith.constant 7 : i32
    %and3A_3272 = vector.broadcast %and3A_3271 : i32 to vector<16xi32>
    %and3A_3273 = arith.andi %gather3A_3270, %and3A_3272 : vector<16xi32>
    %mul3A_3274 = arith.constant 16 : i32
    %mul3A_3275 = vector.broadcast %mul3A_3274 : i32 to vector<16xi32>
    %mul3A_3276 = arith.muli %and3A_3273, %mul3A_3275 : vector<16xi32>
    %add3A_3277 = arith.addi %mul3A_3276, %iota3A : vector<16xi32>
    %get3A_3278 = arith.constant 4 : i32
    %get3A_3279 = arith.constant 0 : i32
    %get3A_3280 = arith.index_cast %get3A_3278 : i32 to index
    %get3A_3281 = arith.index_cast %get3A_3279 : i32 to index
    %get3A_3282 = arith.index_cast %mul3A_3265 : i32 to index
    %get3A_3283 = tpu.vector_load %arg7[%get3A_3280, %get3A_3281, %get3A_3282] {strides = array<i32>} : memref<8x8x1024xf32, #tpu.memory_space<vmem>>, vector<1x1x16xf32>,
    %get3A_3284 = vector.shape_cast %get3A_3283 : vector<1x1x16xf32> to vector<16xf32>
    %add3A_3285 = arith.constant 0 : i32
    %add3A_3286 = arith.addi %add3A_3285, %sub3A_3266 : i32
    %eq3A_3287 = vector.broadcast %add3A_3286 : i32 to vector<16xi32>
    %eq3A_3288 = arith.cmpi eq, %add3A_3277, %eq3A_3287 : vector<16xi32>
    %jit3A_3289 = arith.constant 0.000000e+00 : f32
    %broadcast_in_dim3A_3290 = vector.broadcast %jit3A_3289 : f32 to vector<16xf32>
    %select_n3A_3291 = arith.select %eq3A_3288, %get3A_3284, %broadcast_in_dim3A_3290 : vector<16xi1>, vector<16xf32>
    %add3A_3292 = arith.addf %add3A_3237, %select_n3A_3291 : vector<16xf32>
    %get3A_3293 = arith.constant 4 : i32
    %get3A_3294 = arith.constant 1 : i32
    %get3A_3295 = arith.index_cast %get3A_3293 : i32 to index
    %get3A_3296 = arith.index_cast %get3A_3294 : i32 to index
    %get3A_3297 = arith.index_cast %mul3A_3265 : i32 to index
    %get3A_3298 = tpu.vector_load %arg7[%get3A_3295, %get3A_3296, %get3A_3297] {strides = array<i32>} : memref<8x8x1024xf32, #tpu.memory_space<vmem>>, vector<1x1x16xf32>,
    %get3A_3299 = vector.shape_cast %get3A_3298 : vector<1x1x16xf32> to vector<16xf32>
    %add3A_3300 = arith.constant 16 : i32
    %add3A_3301 = arith.addi %add3A_3300, %sub3A_3266 : i32
    %eq3A_3302 = vector.broadcast %add3A_3301 : i32 to vector<16xi32>
    %eq3A_3303 = arith.cmpi eq, %add3A_3277, %eq3A_3302 : vector<16xi32>
    %jit3A_3304 = arith.constant 0.000000e+00 : f32
    %broadcast_in_dim3A_3305 = vector.broadcast %jit3A_3304 : f32 to vector<16xf32>
    %select_n3A_3306 = arith.select %eq3A_3303, %get3A_3299, %broadcast_in_dim3A_3305 : vector<16xi1>, vector<16xf32>
    %add3A_3307 = arith.addf %add3A_3292, %select_n3A_3306 : vector<16xf32>
    %get3A_3308 = arith.constant 4 : i32
    %get3A_3309 = arith.constant 2 : i32
    %get3A_3310 = arith.index_cast %get3A_3308 : i32 to index
    %get3A_3311 = arith.index_cast %get3A_3309 : i32 to index
    %get3A_3312 = arith.index_cast %mul3A_3265 : i32 to index
    %get3A_3313 = tpu.vector_load %arg7[%get3A_3310, %get3A_3311, %get3A_3312] {strides = array<i32>} : memref<8x8x1024xf32, #tpu.memory_space<vmem>>, vector<1x1x16xf32>,
    %get3A_3314 = vector.shape_cast %get3A_3313 : vector<1x1x16xf32> to vector<16xf32>
    %add3A_3315 = arith.constant 32 : i32
    %add3A_3316 = arith.addi %add3A_3315, %sub3A_3266 : i32
    %eq3A_3317 = vector.broadcast %add3A_3316 : i32 to vector<16xi32>
    %eq3A_3318 = arith.cmpi eq, %add3A_3277, %eq3A_3317 : vector<16xi32>
    %jit3A_3319 = arith.constant 0.000000e+00 : f32
    %broadcast_in_dim3A_3320 = vector.broadcast %jit3A_3319 : f32 to vector<16xf32>
    %select_n3A_3321 = arith.select %eq3A_3318, %get3A_3314, %broadcast_in_dim3A_3320 : vector<16xi1>, vector<16xf32>
    %add3A_3322 = arith.addf %add3A_3307, %select_n3A_3321 : vector<16xf32>
    %get3A_3323 = arith.constant 4 : i32
    %get3A_3324 = arith.constant 3 : i32
    %get3A_3325 = arith.index_cast %get3A_3323 : i32 to index
    %get3A_3326 = arith.index_cast %get3A_3324 : i32 to index
    %get3A_3327 = arith.index_cast %mul3A_3265 : i32 to index
    %get3A_3328 = tpu.vector_load %arg7[%get3A_3325, %get3A_3326, %get3A_3327] {strides = array<i32>} : memref<8x8x1024xf32, #tpu.memory_space<vmem>>, vector<1x1x16xf32>,
    %get3A_3329 = vector.shape_cast %get3A_3328 : vector<1x1x16xf32> to vector<16xf32>
    %add3A_3330 = arith.constant 48 : i32
    %add3A_3331 = arith.addi %add3A_3330, %sub3A_3266 : i32
    %eq3A_3332 = vector.broadcast %add3A_3331 : i32 to vector<16xi32>
    %eq3A_3333 = arith.cmpi eq, %add3A_3277, %eq3A_3332 : vector<16xi32>
    %jit3A_3334 = arith.constant 0.000000e+00 : f32
    %broadcast_in_dim3A_3335 = vector.broadcast %jit3A_3334 : f32 to vector<16xf32>
    %select_n3A_3336 = arith.select %eq3A_3333, %get3A_3329, %broadcast_in_dim3A_3335 : vector<16xi1>, vector<16xf32>
    %add3A_3337 = arith.addf %add3A_3322, %select_n3A_3336 : vector<16xf32>
    %get3A_3338 = arith.constant 4 : i32
    %get3A_3339 = arith.constant 4 : i32
    %get3A_3340 = arith.index_cast %get3A_3338 : i32 to index
    %get3A_3341 = arith.index_cast %get3A_3339 : i32 to index
    %get3A_3342 = arith.index_cast %mul3A_3265 : i32 to index
    %get3A_3343 = tpu.vector_load %arg7[%get3A_3340, %get3A_3341, %get3A_3342] {strides = array<i32>} : memref<8x8x1024xf32, #tpu.memory_space<vmem>>, vector<1x1x16xf32>,
    %get3A_3344 = vector.shape_cast %get3A_3343 : vector<1x1x16xf32> to vector<16xf32>
    %add3A_3345 = arith.constant 64 : i32
    %add3A_3346 = arith.addi %add3A_3345, %sub3A_3266 : i32
    %eq3A_3347 = vector.broadcast %add3A_3346 : i32 to vector<16xi32>
    %eq3A_3348 = arith.cmpi eq, %add3A_3277, %eq3A_3347 : vector<16xi32>
    %jit3A_3349 = arith.constant 0.000000e+00 : f32
    %broadcast_in_dim3A_3350 = vector.broadcast %jit3A_3349 : f32 to vector<16xf32>
    %select_n3A_3351 = arith.select %eq3A_3348, %get3A_3344, %broadcast_in_dim3A_3350 : vector<16xi1>, vector<16xf32>
    %add3A_3352 = arith.addf %add3A_3337, %select_n3A_3351 : vector<16xf32>
    %get3A_3353 = arith.constant 4 : i32
    %get3A_3354 = arith.constant 5 : i32
    %get3A_3355 = arith.index_cast %get3A_3353 : i32 to index
    %get3A_3356 = arith.index_cast %get3A_3354 : i32 to index
    %get3A_3357 = arith.index_cast %mul3A_3265 : i32 to index
    %get3A_3358 = tpu.vector_load %arg7[%get3A_3355, %get3A_3356, %get3A_3357] {strides = array<i32>} : memref<8x8x1024xf32, #tpu.memory_space<vmem>>, vector<1x1x16xf32>,
    %get3A_3359 = vector.shape_cast %get3A_3358 : vector<1x1x16xf32> to vector<16xf32>
    %add3A_3360 = arith.constant 80 : i32
    %add3A_3361 = arith.addi %add3A_3360, %sub3A_3266 : i32
    %eq3A_3362 = vector.broadcast %add3A_3361 : i32 to vector<16xi32>
    %eq3A_3363 = arith.cmpi eq, %add3A_3277, %eq3A_3362 : vector<16xi32>
    %jit3A_3364 = arith.constant 0.000000e+00 : f32
    %broadcast_in_dim3A_3365 = vector.broadcast %jit3A_3364 : f32 to vector<16xf32>
    %select_n3A_3366 = arith.select %eq3A_3363, %get3A_3359, %broadcast_in_dim3A_3365 : vector<16xi1>, vector<16xf32>
    %add3A_3367 = arith.addf %add3A_3352, %select_n3A_3366 : vector<16xf32>
    %get3A_3368 = arith.constant 4 : i32
    %get3A_3369 = arith.constant 6 : i32
    %get3A_3370 = arith.index_cast %get3A_3368 : i32 to index
    %get3A_3371 = arith.index_cast %get3A_3369 : i32 to index
    %get3A_3372 = arith.index_cast %mul3A_3265 : i32 to index
    %get3A_3373 = tpu.vector_load %arg7[%get3A_3370, %get3A_3371, %get3A_3372] {strides = array<i32>} : memref<8x8x1024xf32, #tpu.memory_space<vmem>>, vector<1x1x16xf32>,
    %get3A_3374 = vector.shape_cast %get3A_3373 : vector<1x1x16xf32> to vector<16xf32>
    %add3A_3375 = arith.constant 96 : i32
    %add3A_3376 = arith.addi %add3A_3375, %sub3A_3266 : i32
    %eq3A_3377 = vector.broadcast %add3A_3376 : i32 to vector<16xi32>
    %eq3A_3378 = arith.cmpi eq, %add3A_3277, %eq3A_3377 : vector<16xi32>
    %jit3A_3379 = arith.constant 0.000000e+00 : f32
    %broadcast_in_dim3A_3380 = vector.broadcast %jit3A_3379 : f32 to vector<16xf32>
    %select_n3A_3381 = arith.select %eq3A_3378, %get3A_3374, %broadcast_in_dim3A_3380 : vector<16xi1>, vector<16xf32>
    %add3A_3382 = arith.addf %add3A_3367, %select_n3A_3381 : vector<16xf32>
    %get3A_3383 = arith.constant 4 : i32
    %get3A_3384 = arith.constant 7 : i32
    %get3A_3385 = arith.index_cast %get3A_3383 : i32 to index
    %get3A_3386 = arith.index_cast %get3A_3384 : i32 to index
    %get3A_3387 = arith.index_cast %mul3A_3265 : i32 to index
    %get3A_3388 = tpu.vector_load %arg7[%get3A_3385, %get3A_3386, %get3A_3387] {strides = array<i32>} : memref<8x8x1024xf32, #tpu.memory_space<vmem>>, vector<1x1x16xf32>,
    %get3A_3389 = vector.shape_cast %get3A_3388 : vector<1x1x16xf32> to vector<16xf32>
    %add3A_3390 = arith.constant 112 : i32
    %add3A_3391 = arith.addi %add3A_3390, %sub3A_3266 : i32
    %eq3A_3392 = vector.broadcast %add3A_3391 : i32 to vector<16xi32>
    %eq3A_3393 = arith.cmpi eq, %add3A_3277, %eq3A_3392 : vector<16xi32>
    %jit3A_3394 = arith.constant 0.000000e+00 : f32
    %broadcast_in_dim3A_3395 = vector.broadcast %jit3A_3394 : f32 to vector<16xf32>
    %select_n3A_3396 = arith.select %eq3A_3393, %get3A_3389, %broadcast_in_dim3A_3395 : vector<16xi1>, vector<16xf32>
    %add3A_3397 = arith.addf %add3A_3382, %select_n3A_3396 : vector<16xf32>
    %add3A_3398 = arith.constant 21 : i32
    %add3A_3399 = arith.addi %mul3A_2, %add3A_3398 : i32
    %jit3A_3400 = arith.constant 16 : i32
    %div3A_3401 = arith.divsi %add3A_3399, %jit3A_3400 : i32
    %sign3A_3402 = arith.constant 0 : i32
    %sign3A_3403 = arith.cmpi sgt, %add3A_3399, %sign3A_3402 : i32
    %sign3A_3404 = arith.extui %sign3A_3403 : i1 to i32
    %sign3A_3405 = arith.constant 0 : i32
    %sign3A_3406 = arith.cmpi slt, %add3A_3399, %sign3A_3405 : i32
    %sign3A_3407 = arith.extui %sign3A_3406 : i1 to i32
    %sign3A_3408 = arith.subi %sign3A_3404, %sign3A_3407 : i32
    %sign3A_3409 = arith.constant 0 : i32
    %sign3A_3410 = arith.cmpi sgt, %jit3A_3400, %sign3A_3409 : i32
    %sign3A_3411 = arith.extui %sign3A_3410 : i1 to i32
    %sign3A_3412 = arith.constant 0 : i32
    %sign3A_3413 = arith.cmpi slt, %jit3A_3400, %sign3A_3412 : i32
    %sign3A_3414 = arith.extui %sign3A_3413 : i1 to i32
    %sign3A_3415 = arith.subi %sign3A_3411, %sign3A_3414 : i32
    %ne3A_3416 = arith.cmpi ne, %sign3A_3408, %sign3A_3415 : i32
    %rem3A_3417 = arith.remsi %add3A_3399, %jit3A_3400 : i32
    %ne3A_3418 = arith.constant 0 : i32
    %ne3A_3419 = arith.cmpi ne, %rem3A_3417, %ne3A_3418 : i32
    %and3A_3420 = arith.andi %ne3A_3416, %ne3A_3419 : i1
    %sub3A_3421 = arith.constant 1 : i32
    %sub3A_3422 = arith.subi %div3A_3401, %sub3A_3421 : i32
    %select_n3A_3423 = arith.select %and3A_3420, %sub3A_3422, %div3A_3401 : i32
    %mul3A_3424 = arith.constant 16 : i32
    %mul3A_3425 = arith.muli %select_n3A_3423, %mul3A_3424 : i32
    %sub3A_3426 = arith.subi %add3A_3399, %mul3A_3425 : i32
    %broadcast_in_dim3A_3427 = arith.constant 5 : i32
    %broadcast_in_dim3A_3428 = vector.broadcast %broadcast_in_dim3A_3427 : i32 to vector<16x1xi32>
    %gather3A_3429 = vector.shape_cast %broadcast_in_dim3A_3428 : vector<16x1xi32> to vector<16xi32>
    %gather3A_3430 = tpu.dynamic_gather %get3A_12[%gather3A_3429] in [0] : vector<16xi32>, vector<16xi32> -> vector<16xi32>
    %and3A_3431 = arith.constant 7 : i32
    %and3A_3432 = vector.broadcast %and3A_3431 : i32 to vector<16xi32>
    %and3A_3433 = arith.andi %gather3A_3430, %and3A_3432 : vector<16xi32>
    %mul3A_3434 = arith.constant 16 : i32
    %mul3A_3435 = vector.broadcast %mul3A_3434 : i32 to vector<16xi32>
    %mul3A_3436 = arith.muli %and3A_3433, %mul3A_3435 : vector<16xi32>
    %add3A_3437 = arith.addi %mul3A_3436, %iota3A : vector<16xi32>
    %get3A_3438 = arith.constant 5 : i32
    %get3A_3439 = arith.constant 0 : i32
    %get3A_3440 = arith.index_cast %get3A_3438 : i32 to index
    %get3A_3441 = arith.index_cast %get3A_3439 : i32 to index
    %get3A_3442 = arith.index_cast %mul3A_3425 : i32 to index
    %get3A_3443 = tpu.vector_load %arg7[%get3A_3440, %get3A_3441, %get3A_3442] {strides = array<i32>} : memref<8x8x1024xf32, #tpu.memory_space<vmem>>, vector<1x1x16xf32>,
    %get3A_3444 = vector.shape_cast %get3A_3443 : vector<1x1x16xf32> to vector<16xf32>
    %add3A_3445 = arith.constant 0 : i32
    %add3A_3446 = arith.addi %add3A_3445, %sub3A_3426 : i32
    %eq3A_3447 = vector.broadcast %add3A_3446 : i32 to vector<16xi32>
    %eq3A_3448 = arith.cmpi eq, %add3A_3437, %eq3A_3447 : vector<16xi32>
    %jit3A_3449 = arith.constant 0.000000e+00 : f32
    %broadcast_in_dim3A_3450 = vector.broadcast %jit3A_3449 : f32 to vector<16xf32>
    %select_n3A_3451 = arith.select %eq3A_3448, %get3A_3444, %broadcast_in_dim3A_3450 : vector<16xi1>, vector<16xf32>
    %add3A_3452 = arith.addf %add3A_3397, %select_n3A_3451 : vector<16xf32>
    %get3A_3453 = arith.constant 5 : i32
    %get3A_3454 = arith.constant 1 : i32
    %get3A_3455 = arith.index_cast %get3A_3453 : i32 to index
    %get3A_3456 = arith.index_cast %get3A_3454 : i32 to index
    %get3A_3457 = arith.index_cast %mul3A_3425 : i32 to index
    %get3A_3458 = tpu.vector_load %arg7[%get3A_3455, %get3A_3456, %get3A_3457] {strides = array<i32>} : memref<8x8x1024xf32, #tpu.memory_space<vmem>>, vector<1x1x16xf32>,
    %get3A_3459 = vector.shape_cast %get3A_3458 : vector<1x1x16xf32> to vector<16xf32>
    %add3A_3460 = arith.constant 16 : i32
    %add3A_3461 = arith.addi %add3A_3460, %sub3A_3426 : i32
    %eq3A_3462 = vector.broadcast %add3A_3461 : i32 to vector<16xi32>
    %eq3A_3463 = arith.cmpi eq, %add3A_3437, %eq3A_3462 : vector<16xi32>
    %jit3A_3464 = arith.constant 0.000000e+00 : f32
    %broadcast_in_dim3A_3465 = vector.broadcast %jit3A_3464 : f32 to vector<16xf32>
    %select_n3A_3466 = arith.select %eq3A_3463, %get3A_3459, %broadcast_in_dim3A_3465 : vector<16xi1>, vector<16xf32>
    %add3A_3467 = arith.addf %add3A_3452, %select_n3A_3466 : vector<16xf32>
    %get3A_3468 = arith.constant 5 : i32
    %get3A_3469 = arith.constant 2 : i32
    %get3A_3470 = arith.index_cast %get3A_3468 : i32 to index
    %get3A_3471 = arith.index_cast %get3A_3469 : i32 to index
    %get3A_3472 = arith.index_cast %mul3A_3425 : i32 to index
    %get3A_3473 = tpu.vector_load %arg7[%get3A_3470, %get3A_3471, %get3A_3472] {strides = array<i32>} : memref<8x8x1024xf32, #tpu.memory_space<vmem>>, vector<1x1x16xf32>,
    %get3A_3474 = vector.shape_cast %get3A_3473 : vector<1x1x16xf32> to vector<16xf32>
    %add3A_3475 = arith.constant 32 : i32
    %add3A_3476 = arith.addi %add3A_3475, %sub3A_3426 : i32
    %eq3A_3477 = vector.broadcast %add3A_3476 : i32 to vector<16xi32>
    %eq3A_3478 = arith.cmpi eq, %add3A_3437, %eq3A_3477 : vector<16xi32>
    %jit3A_3479 = arith.constant 0.000000e+00 : f32
    %broadcast_in_dim3A_3480 = vector.broadcast %jit3A_3479 : f32 to vector<16xf32>
    %select_n3A_3481 = arith.select %eq3A_3478, %get3A_3474, %broadcast_in_dim3A_3480 : vector<16xi1>, vector<16xf32>
    %add3A_3482 = arith.addf %add3A_3467, %select_n3A_3481 : vector<16xf32>
    %get3A_3483 = arith.constant 5 : i32
    %get3A_3484 = arith.constant 3 : i32
    %get3A_3485 = arith.index_cast %get3A_3483 : i32 to index
    %get3A_3486 = arith.index_cast %get3A_3484 : i32 to index
    %get3A_3487 = arith.index_cast %mul3A_3425 : i32 to index
    %get3A_3488 = tpu.vector_load %arg7[%get3A_3485, %get3A_3486, %get3A_3487] {strides = array<i32>} : memref<8x8x1024xf32, #tpu.memory_space<vmem>>, vector<1x1x16xf32>,
    %get3A_3489 = vector.shape_cast %get3A_3488 : vector<1x1x16xf32> to vector<16xf32>
    %add3A_3490 = arith.constant 48 : i32
    %add3A_3491 = arith.addi %add3A_3490, %sub3A_3426 : i32
    %eq3A_3492 = vector.broadcast %add3A_3491 : i32 to vector<16xi32>
    %eq3A_3493 = arith.cmpi eq, %add3A_3437, %eq3A_3492 : vector<16xi32>
    %jit3A_3494 = arith.constant 0.000000e+00 : f32
    %broadcast_in_dim3A_3495 = vector.broadcast %jit3A_3494 : f32 to vector<16xf32>
    %select_n3A_3496 = arith.select %eq3A_3493, %get3A_3489, %broadcast_in_dim3A_3495 : vector<16xi1>, vector<16xf32>
    %add3A_3497 = arith.addf %add3A_3482, %select_n3A_3496 : vector<16xf32>
    %get3A_3498 = arith.constant 5 : i32
    %get3A_3499 = arith.constant 4 : i32
    %get3A_3500 = arith.index_cast %get3A_3498 : i32 to index
    %get3A_3501 = arith.index_cast %get3A_3499 : i32 to index
    %get3A_3502 = arith.index_cast %mul3A_3425 : i32 to index
    %get3A_3503 = tpu.vector_load %arg7[%get3A_3500, %get3A_3501, %get3A_3502] {strides = array<i32>} : memref<8x8x1024xf32, #tpu.memory_space<vmem>>, vector<1x1x16xf32>,
    %get3A_3504 = vector.shape_cast %get3A_3503 : vector<1x1x16xf32> to vector<16xf32>
    %add3A_3505 = arith.constant 64 : i32
    %add3A_3506 = arith.addi %add3A_3505, %sub3A_3426 : i32
    %eq3A_3507 = vector.broadcast %add3A_3506 : i32 to vector<16xi32>
    %eq3A_3508 = arith.cmpi eq, %add3A_3437, %eq3A_3507 : vector<16xi32>
    %jit3A_3509 = arith.constant 0.000000e+00 : f32
    %broadcast_in_dim3A_3510 = vector.broadcast %jit3A_3509 : f32 to vector<16xf32>
    %select_n3A_3511 = arith.select %eq3A_3508, %get3A_3504, %broadcast_in_dim3A_3510 : vector<16xi1>, vector<16xf32>
    %add3A_3512 = arith.addf %add3A_3497, %select_n3A_3511 : vector<16xf32>
    %get3A_3513 = arith.constant 5 : i32
    %get3A_3514 = arith.constant 5 : i32
    %get3A_3515 = arith.index_cast %get3A_3513 : i32 to index
    %get3A_3516 = arith.index_cast %get3A_3514 : i32 to index
    %get3A_3517 = arith.index_cast %mul3A_3425 : i32 to index
    %get3A_3518 = tpu.vector_load %arg7[%get3A_3515, %get3A_3516, %get3A_3517] {strides = array<i32>} : memref<8x8x1024xf32, #tpu.memory_space<vmem>>, vector<1x1x16xf32>,
    %get3A_3519 = vector.shape_cast %get3A_3518 : vector<1x1x16xf32> to vector<16xf32>
    %add3A_3520 = arith.constant 80 : i32
    %add3A_3521 = arith.addi %add3A_3520, %sub3A_3426 : i32
    %eq3A_3522 = vector.broadcast %add3A_3521 : i32 to vector<16xi32>
    %eq3A_3523 = arith.cmpi eq, %add3A_3437, %eq3A_3522 : vector<16xi32>
    %jit3A_3524 = arith.constant 0.000000e+00 : f32
    %broadcast_in_dim3A_3525 = vector.broadcast %jit3A_3524 : f32 to vector<16xf32>
    %select_n3A_3526 = arith.select %eq3A_3523, %get3A_3519, %broadcast_in_dim3A_3525 : vector<16xi1>, vector<16xf32>
    %add3A_3527 = arith.addf %add3A_3512, %select_n3A_3526 : vector<16xf32>
    %get3A_3528 = arith.constant 5 : i32
    %get3A_3529 = arith.constant 6 : i32
    %get3A_3530 = arith.index_cast %get3A_3528 : i32 to index
    %get3A_3531 = arith.index_cast %get3A_3529 : i32 to index
    %get3A_3532 = arith.index_cast %mul3A_3425 : i32 to index
    %get3A_3533 = tpu.vector_load %arg7[%get3A_3530, %get3A_3531, %get3A_3532] {strides = array<i32>} : memref<8x8x1024xf32, #tpu.memory_space<vmem>>, vector<1x1x16xf32>,
    %get3A_3534 = vector.shape_cast %get3A_3533 : vector<1x1x16xf32> to vector<16xf32>
    %add3A_3535 = arith.constant 96 : i32
    %add3A_3536 = arith.addi %add3A_3535, %sub3A_3426 : i32
    %eq3A_3537 = vector.broadcast %add3A_3536 : i32 to vector<16xi32>
    %eq3A_3538 = arith.cmpi eq, %add3A_3437, %eq3A_3537 : vector<16xi32>
    %jit3A_3539 = arith.constant 0.000000e+00 : f32
    %broadcast_in_dim3A_3540 = vector.broadcast %jit3A_3539 : f32 to vector<16xf32>
    %select_n3A_3541 = arith.select %eq3A_3538, %get3A_3534, %broadcast_in_dim3A_3540 : vector<16xi1>, vector<16xf32>
    %add3A_3542 = arith.addf %add3A_3527, %select_n3A_3541 : vector<16xf32>
    %get3A_3543 = arith.constant 5 : i32
    %get3A_3544 = arith.constant 7 : i32
    %get3A_3545 = arith.index_cast %get3A_3543 : i32 to index
    %get3A_3546 = arith.index_cast %get3A_3544 : i32 to index
    %get3A_3547 = arith.index_cast %mul3A_3425 : i32 to index
    %get3A_3548 = tpu.vector_load %arg7[%get3A_3545, %get3A_3546, %get3A_3547] {strides = array<i32>} : memref<8x8x1024xf32, #tpu.memory_space<vmem>>, vector<1x1x16xf32>,
    %get3A_3549 = vector.shape_cast %get3A_3548 : vector<1x1x16xf32> to vector<16xf32>
    %add3A_3550 = arith.constant 112 : i32
    %add3A_3551 = arith.addi %add3A_3550, %sub3A_3426 : i32
    %eq3A_3552 = vector.broadcast %add3A_3551 : i32 to vector<16xi32>
    %eq3A_3553 = arith.cmpi eq, %add3A_3437, %eq3A_3552 : vector<16xi32>
    %jit3A_3554 = arith.constant 0.000000e+00 : f32
    %broadcast_in_dim3A_3555 = vector.broadcast %jit3A_3554 : f32 to vector<16xf32>
    %select_n3A_3556 = arith.select %eq3A_3553, %get3A_3549, %broadcast_in_dim3A_3555 : vector<16xi1>, vector<16xf32>
    %add3A_3557 = arith.addf %add3A_3542, %select_n3A_3556 : vector<16xf32>
    %add3A_3558 = arith.constant 22 : i32
    %add3A_3559 = arith.addi %mul3A_2, %add3A_3558 : i32
    %jit3A_3560 = arith.constant 16 : i32
    %div3A_3561 = arith.divsi %add3A_3559, %jit3A_3560 : i32
    %sign3A_3562 = arith.constant 0 : i32
    %sign3A_3563 = arith.cmpi sgt, %add3A_3559, %sign3A_3562 : i32
    %sign3A_3564 = arith.extui %sign3A_3563 : i1 to i32
    %sign3A_3565 = arith.constant 0 : i32
    %sign3A_3566 = arith.cmpi slt, %add3A_3559, %sign3A_3565 : i32
    %sign3A_3567 = arith.extui %sign3A_3566 : i1 to i32
    %sign3A_3568 = arith.subi %sign3A_3564, %sign3A_3567 : i32
    %sign3A_3569 = arith.constant 0 : i32
    %sign3A_3570 = arith.cmpi sgt, %jit3A_3560, %sign3A_3569 : i32
    %sign3A_3571 = arith.extui %sign3A_3570 : i1 to i32
    %sign3A_3572 = arith.constant 0 : i32
    %sign3A_3573 = arith.cmpi slt, %jit3A_3560, %sign3A_3572 : i32
    %sign3A_3574 = arith.extui %sign3A_3573 : i1 to i32
    %sign3A_3575 = arith.subi %sign3A_3571, %sign3A_3574 : i32
    %ne3A_3576 = arith.cmpi ne, %sign3A_3568, %sign3A_3575 : i32
    %rem3A_3577 = arith.remsi %add3A_3559, %jit3A_3560 : i32
    %ne3A_3578 = arith.constant 0 : i32
    %ne3A_3579 = arith.cmpi ne, %rem3A_3577, %ne3A_3578 : i32
    %and3A_3580 = arith.andi %ne3A_3576, %ne3A_3579 : i1
    %sub3A_3581 = arith.constant 1 : i32
    %sub3A_3582 = arith.subi %div3A_3561, %sub3A_3581 : i32
    %select_n3A_3583 = arith.select %and3A_3580, %sub3A_3582, %div3A_3561 : i32
    %mul3A_3584 = arith.constant 16 : i32
    %mul3A_3585 = arith.muli %select_n3A_3583, %mul3A_3584 : i32
    %sub3A_3586 = arith.subi %add3A_3559, %mul3A_3585 : i32
    %broadcast_in_dim3A_3587 = arith.constant 6 : i32
    %broadcast_in_dim3A_3588 = vector.broadcast %broadcast_in_dim3A_3587 : i32 to vector<16x1xi32>
    %gather3A_3589 = vector.shape_cast %broadcast_in_dim3A_3588 : vector<16x1xi32> to vector<16xi32>
    %gather3A_3590 = tpu.dynamic_gather %get3A_12[%gather3A_3589] in [0] : vector<16xi32>, vector<16xi32> -> vector<16xi32>
    %and3A_3591 = arith.constant 7 : i32
    %and3A_3592 = vector.broadcast %and3A_3591 : i32 to vector<16xi32>
    %and3A_3593 = arith.andi %gather3A_3590, %and3A_3592 : vector<16xi32>
    %mul3A_3594 = arith.constant 16 : i32
    %mul3A_3595 = vector.broadcast %mul3A_3594 : i32 to vector<16xi32>
    %mul3A_3596 = arith.muli %and3A_3593, %mul3A_3595 : vector<16xi32>
    %add3A_3597 = arith.addi %mul3A_3596, %iota3A : vector<16xi32>
    %get3A_3598 = arith.constant 6 : i32
    %get3A_3599 = arith.constant 0 : i32
    %get3A_3600 = arith.index_cast %get3A_3598 : i32 to index
    %get3A_3601 = arith.index_cast %get3A_3599 : i32 to index
    %get3A_3602 = arith.index_cast %mul3A_3585 : i32 to index
    %get3A_3603 = tpu.vector_load %arg7[%get3A_3600, %get3A_3601, %get3A_3602] {strides = array<i32>} : memref<8x8x1024xf32, #tpu.memory_space<vmem>>, vector<1x1x16xf32>,
    %get3A_3604 = vector.shape_cast %get3A_3603 : vector<1x1x16xf32> to vector<16xf32>
    %add3A_3605 = arith.constant 0 : i32
    %add3A_3606 = arith.addi %add3A_3605, %sub3A_3586 : i32
    %eq3A_3607 = vector.broadcast %add3A_3606 : i32 to vector<16xi32>
    %eq3A_3608 = arith.cmpi eq, %add3A_3597, %eq3A_3607 : vector<16xi32>
    %jit3A_3609 = arith.constant 0.000000e+00 : f32
    %broadcast_in_dim3A_3610 = vector.broadcast %jit3A_3609 : f32 to vector<16xf32>
    %select_n3A_3611 = arith.select %eq3A_3608, %get3A_3604, %broadcast_in_dim3A_3610 : vector<16xi1>, vector<16xf32>
    %add3A_3612 = arith.addf %add3A_3557, %select_n3A_3611 : vector<16xf32>
    %get3A_3613 = arith.constant 6 : i32
    %get3A_3614 = arith.constant 1 : i32
    %get3A_3615 = arith.index_cast %get3A_3613 : i32 to index
    %get3A_3616 = arith.index_cast %get3A_3614 : i32 to index
    %get3A_3617 = arith.index_cast %mul3A_3585 : i32 to index
    %get3A_3618 = tpu.vector_load %arg7[%get3A_3615, %get3A_3616, %get3A_3617] {strides = array<i32>} : memref<8x8x1024xf32, #tpu.memory_space<vmem>>, vector<1x1x16xf32>,
    %get3A_3619 = vector.shape_cast %get3A_3618 : vector<1x1x16xf32> to vector<16xf32>
    %add3A_3620 = arith.constant 16 : i32
    %add3A_3621 = arith.addi %add3A_3620, %sub3A_3586 : i32
    %eq3A_3622 = vector.broadcast %add3A_3621 : i32 to vector<16xi32>
    %eq3A_3623 = arith.cmpi eq, %add3A_3597, %eq3A_3622 : vector<16xi32>
    %jit3A_3624 = arith.constant 0.000000e+00 : f32
    %broadcast_in_dim3A_3625 = vector.broadcast %jit3A_3624 : f32 to vector<16xf32>
    %select_n3A_3626 = arith.select %eq3A_3623, %get3A_3619, %broadcast_in_dim3A_3625 : vector<16xi1>, vector<16xf32>
    %add3A_3627 = arith.addf %add3A_3612, %select_n3A_3626 : vector<16xf32>
    %get3A_3628 = arith.constant 6 : i32
    %get3A_3629 = arith.constant 2 : i32
    %get3A_3630 = arith.index_cast %get3A_3628 : i32 to index
    %get3A_3631 = arith.index_cast %get3A_3629 : i32 to index
    %get3A_3632 = arith.index_cast %mul3A_3585 : i32 to index
    %get3A_3633 = tpu.vector_load %arg7[%get3A_3630, %get3A_3631, %get3A_3632] {strides = array<i32>} : memref<8x8x1024xf32, #tpu.memory_space<vmem>>, vector<1x1x16xf32>,
    %get3A_3634 = vector.shape_cast %get3A_3633 : vector<1x1x16xf32> to vector<16xf32>
    %add3A_3635 = arith.constant 32 : i32
    %add3A_3636 = arith.addi %add3A_3635, %sub3A_3586 : i32
    %eq3A_3637 = vector.broadcast %add3A_3636 : i32 to vector<16xi32>
    %eq3A_3638 = arith.cmpi eq, %add3A_3597, %eq3A_3637 : vector<16xi32>
    %jit3A_3639 = arith.constant 0.000000e+00 : f32
    %broadcast_in_dim3A_3640 = vector.broadcast %jit3A_3639 : f32 to vector<16xf32>
    %select_n3A_3641 = arith.select %eq3A_3638, %get3A_3634, %broadcast_in_dim3A_3640 : vector<16xi1>, vector<16xf32>
    %add3A_3642 = arith.addf %add3A_3627, %select_n3A_3641 : vector<16xf32>
    %get3A_3643 = arith.constant 6 : i32
    %get3A_3644 = arith.constant 3 : i32
    %get3A_3645 = arith.index_cast %get3A_3643 : i32 to index
    %get3A_3646 = arith.index_cast %get3A_3644 : i32 to index
    %get3A_3647 = arith.index_cast %mul3A_3585 : i32 to index
    %get3A_3648 = tpu.vector_load %arg7[%get3A_3645, %get3A_3646, %get3A_3647] {strides = array<i32>} : memref<8x8x1024xf32, #tpu.memory_space<vmem>>, vector<1x1x16xf32>,
    %get3A_3649 = vector.shape_cast %get3A_3648 : vector<1x1x16xf32> to vector<16xf32>
    %add3A_3650 = arith.constant 48 : i32
    %add3A_3651 = arith.addi %add3A_3650, %sub3A_3586 : i32
    %eq3A_3652 = vector.broadcast %add3A_3651 : i32 to vector<16xi32>
    %eq3A_3653 = arith.cmpi eq, %add3A_3597, %eq3A_3652 : vector<16xi32>
    %jit3A_3654 = arith.constant 0.000000e+00 : f32
    %broadcast_in_dim3A_3655 = vector.broadcast %jit3A_3654 : f32 to vector<16xf32>
    %select_n3A_3656 = arith.select %eq3A_3653, %get3A_3649, %broadcast_in_dim3A_3655 : vector<16xi1>, vector<16xf32>
    %add3A_3657 = arith.addf %add3A_3642, %select_n3A_3656 : vector<16xf32>
    %get3A_3658 = arith.constant 6 : i32
    %get3A_3659 = arith.constant 4 : i32
    %get3A_3660 = arith.index_cast %get3A_3658 : i32 to index
    %get3A_3661 = arith.index_cast %get3A_3659 : i32 to index
    %get3A_3662 = arith.index_cast %mul3A_3585 : i32 to index
    %get3A_3663 = tpu.vector_load %arg7[%get3A_3660, %get3A_3661, %get3A_3662] {strides = array<i32>} : memref<8x8x1024xf32, #tpu.memory_space<vmem>>, vector<1x1x16xf32>,
    %get3A_3664 = vector.shape_cast %get3A_3663 : vector<1x1x16xf32> to vector<16xf32>
    %add3A_3665 = arith.constant 64 : i32
    %add3A_3666 = arith.addi %add3A_3665, %sub3A_3586 : i32
    %eq3A_3667 = vector.broadcast %add3A_3666 : i32 to vector<16xi32>
    %eq3A_3668 = arith.cmpi eq, %add3A_3597, %eq3A_3667 : vector<16xi32>
    %jit3A_3669 = arith.constant 0.000000e+00 : f32
    %broadcast_in_dim3A_3670 = vector.broadcast %jit3A_3669 : f32 to vector<16xf32>
    %select_n3A_3671 = arith.select %eq3A_3668, %get3A_3664, %broadcast_in_dim3A_3670 : vector<16xi1>, vector<16xf32>
    %add3A_3672 = arith.addf %add3A_3657, %select_n3A_3671 : vector<16xf32>
    %get3A_3673 = arith.constant 6 : i32
    %get3A_3674 = arith.constant 5 : i32
    %get3A_3675 = arith.index_cast %get3A_3673 : i32 to index
    %get3A_3676 = arith.index_cast %get3A_3674 : i32 to index
    %get3A_3677 = arith.index_cast %mul3A_3585 : i32 to index
    %get3A_3678 = tpu.vector_load %arg7[%get3A_3675, %get3A_3676, %get3A_3677] {strides = array<i32>} : memref<8x8x1024xf32, #tpu.memory_space<vmem>>, vector<1x1x16xf32>,
    %get3A_3679 = vector.shape_cast %get3A_3678 : vector<1x1x16xf32> to vector<16xf32>
    %add3A_3680 = arith.constant 80 : i32
    %add3A_3681 = arith.addi %add3A_3680, %sub3A_3586 : i32
    %eq3A_3682 = vector.broadcast %add3A_3681 : i32 to vector<16xi32>
    %eq3A_3683 = arith.cmpi eq, %add3A_3597, %eq3A_3682 : vector<16xi32>
    %jit3A_3684 = arith.constant 0.000000e+00 : f32
    %broadcast_in_dim3A_3685 = vector.broadcast %jit3A_3684 : f32 to vector<16xf32>
    %select_n3A_3686 = arith.select %eq3A_3683, %get3A_3679, %broadcast_in_dim3A_3685 : vector<16xi1>, vector<16xf32>
    %add3A_3687 = arith.addf %add3A_3672, %select_n3A_3686 : vector<16xf32>
    %get3A_3688 = arith.constant 6 : i32
    %get3A_3689 = arith.constant 6 : i32
    %get3A_3690 = arith.index_cast %get3A_3688 : i32 to index
    %get3A_3691 = arith.index_cast %get3A_3689 : i32 to index
    %get3A_3692 = arith.index_cast %mul3A_3585 : i32 to index
    %get3A_3693 = tpu.vector_load %arg7[%get3A_3690, %get3A_3691, %get3A_3692] {strides = array<i32>} : memref<8x8x1024xf32, #tpu.memory_space<vmem>>, vector<1x1x16xf32>,
    %get3A_3694 = vector.shape_cast %get3A_3693 : vector<1x1x16xf32> to vector<16xf32>
    %add3A_3695 = arith.constant 96 : i32
    %add3A_3696 = arith.addi %add3A_3695, %sub3A_3586 : i32
    %eq3A_3697 = vector.broadcast %add3A_3696 : i32 to vector<16xi32>
    %eq3A_3698 = arith.cmpi eq, %add3A_3597, %eq3A_3697 : vector<16xi32>
    %jit3A_3699 = arith.constant 0.000000e+00 : f32
    %broadcast_in_dim3A_3700 = vector.broadcast %jit3A_3699 : f32 to vector<16xf32>
    %select_n3A_3701 = arith.select %eq3A_3698, %get3A_3694, %broadcast_in_dim3A_3700 : vector<16xi1>, vector<16xf32>
    %add3A_3702 = arith.addf %add3A_3687, %select_n3A_3701 : vector<16xf32>
    %get3A_3703 = arith.constant 6 : i32
    %get3A_3704 = arith.constant 7 : i32
    %get3A_3705 = arith.index_cast %get3A_3703 : i32 to index
    %get3A_3706 = arith.index_cast %get3A_3704 : i32 to index
    %get3A_3707 = arith.index_cast %mul3A_3585 : i32 to index
    %get3A_3708 = tpu.vector_load %arg7[%get3A_3705, %get3A_3706, %get3A_3707] {strides = array<i32>} : memref<8x8x1024xf32, #tpu.memory_space<vmem>>, vector<1x1x16xf32>,
    %get3A_3709 = vector.shape_cast %get3A_3708 : vector<1x1x16xf32> to vector<16xf32>
    %add3A_3710 = arith.constant 112 : i32
    %add3A_3711 = arith.addi %add3A_3710, %sub3A_3586 : i32
    %eq3A_3712 = vector.broadcast %add3A_3711 : i32 to vector<16xi32>
    %eq3A_3713 = arith.cmpi eq, %add3A_3597, %eq3A_3712 : vector<16xi32>
    %jit3A_3714 = arith.constant 0.000000e+00 : f32
    %broadcast_in_dim3A_3715 = vector.broadcast %jit3A_3714 : f32 to vector<16xf32>
    %select_n3A_3716 = arith.select %eq3A_3713, %get3A_3709, %broadcast_in_dim3A_3715 : vector<16xi1>, vector<16xf32>
    %add3A_3717 = arith.addf %add3A_3702, %select_n3A_3716 : vector<16xf32>
    %add3A_3718 = arith.constant 23 : i32
    %add3A_3719 = arith.addi %mul3A_2, %add3A_3718 : i32
    %jit3A_3720 = arith.constant 16 : i32
    %div3A_3721 = arith.divsi %add3A_3719, %jit3A_3720 : i32
    %sign3A_3722 = arith.constant 0 : i32
    %sign3A_3723 = arith.cmpi sgt, %add3A_3719, %sign3A_3722 : i32
    %sign3A_3724 = arith.extui %sign3A_3723 : i1 to i32
    %sign3A_3725 = arith.constant 0 : i32
    %sign3A_3726 = arith.cmpi slt, %add3A_3719, %sign3A_3725 : i32
    %sign3A_3727 = arith.extui %sign3A_3726 : i1 to i32
    %sign3A_3728 = arith.subi %sign3A_3724, %sign3A_3727 : i32
    %sign3A_3729 = arith.constant 0 : i32
    %sign3A_3730 = arith.cmpi sgt, %jit3A_3720, %sign3A_3729 : i32
    %sign3A_3731 = arith.extui %sign3A_3730 : i1 to i32
    %sign3A_3732 = arith.constant 0 : i32
    %sign3A_3733 = arith.cmpi slt, %jit3A_3720, %sign3A_3732 : i32
    %sign3A_3734 = arith.extui %sign3A_3733 : i1 to i32
    %sign3A_3735 = arith.subi %sign3A_3731, %sign3A_3734 : i32
    %ne3A_3736 = arith.cmpi ne, %sign3A_3728, %sign3A_3735 : i32
    %rem3A_3737 = arith.remsi %add3A_3719, %jit3A_3720 : i32
    %ne3A_3738 = arith.constant 0 : i32
    %ne3A_3739 = arith.cmpi ne, %rem3A_3737, %ne3A_3738 : i32
    %and3A_3740 = arith.andi %ne3A_3736, %ne3A_3739 : i1
    %sub3A_3741 = arith.constant 1 : i32
    %sub3A_3742 = arith.subi %div3A_3721, %sub3A_3741 : i32
    %select_n3A_3743 = arith.select %and3A_3740, %sub3A_3742, %div3A_3721 : i32
    %mul3A_3744 = arith.constant 16 : i32
    %mul3A_3745 = arith.muli %select_n3A_3743, %mul3A_3744 : i32
    %sub3A_3746 = arith.subi %add3A_3719, %mul3A_3745 : i32
    %broadcast_in_dim3A_3747 = arith.constant 7 : i32
    %broadcast_in_dim3A_3748 = vector.broadcast %broadcast_in_dim3A_3747 : i32 to vector<16x1xi32>
    %gather3A_3749 = vector.shape_cast %broadcast_in_dim3A_3748 : vector<16x1xi32> to vector<16xi32>
    %gather3A_3750 = tpu.dynamic_gather %get3A_12[%gather3A_3749] in [0] : vector<16xi32>, vector<16xi32> -> vector<16xi32>
    %and3A_3751 = arith.constant 7 : i32
    %and3A_3752 = vector.broadcast %and3A_3751 : i32 to vector<16xi32>
    %and3A_3753 = arith.andi %gather3A_3750, %and3A_3752 : vector<16xi32>
    %mul3A_3754 = arith.constant 16 : i32
    %mul3A_3755 = vector.broadcast %mul3A_3754 : i32 to vector<16xi32>
    %mul3A_3756 = arith.muli %and3A_3753, %mul3A_3755 : vector<16xi32>
    %add3A_3757 = arith.addi %mul3A_3756, %iota3A : vector<16xi32>
    %get3A_3758 = arith.constant 7 : i32
    %get3A_3759 = arith.constant 0 : i32
    %get3A_3760 = arith.index_cast %get3A_3758 : i32 to index
    %get3A_3761 = arith.index_cast %get3A_3759 : i32 to index
    %get3A_3762 = arith.index_cast %mul3A_3745 : i32 to index
    %get3A_3763 = tpu.vector_load %arg7[%get3A_3760, %get3A_3761, %get3A_3762] {strides = array<i32>} : memref<8x8x1024xf32, #tpu.memory_space<vmem>>, vector<1x1x16xf32>,
    %get3A_3764 = vector.shape_cast %get3A_3763 : vector<1x1x16xf32> to vector<16xf32>
    %add3A_3765 = arith.constant 0 : i32
    %add3A_3766 = arith.addi %add3A_3765, %sub3A_3746 : i32
    %eq3A_3767 = vector.broadcast %add3A_3766 : i32 to vector<16xi32>
    %eq3A_3768 = arith.cmpi eq, %add3A_3757, %eq3A_3767 : vector<16xi32>
    %jit3A_3769 = arith.constant 0.000000e+00 : f32
    %broadcast_in_dim3A_3770 = vector.broadcast %jit3A_3769 : f32 to vector<16xf32>
    %select_n3A_3771 = arith.select %eq3A_3768, %get3A_3764, %broadcast_in_dim3A_3770 : vector<16xi1>, vector<16xf32>
    %add3A_3772 = arith.addf %add3A_3717, %select_n3A_3771 : vector<16xf32>
    %get3A_3773 = arith.constant 7 : i32
    %get3A_3774 = arith.constant 1 : i32
    %get3A_3775 = arith.index_cast %get3A_3773 : i32 to index
    %get3A_3776 = arith.index_cast %get3A_3774 : i32 to index
    %get3A_3777 = arith.index_cast %mul3A_3745 : i32 to index
    %get3A_3778 = tpu.vector_load %arg7[%get3A_3775, %get3A_3776, %get3A_3777] {strides = array<i32>} : memref<8x8x1024xf32, #tpu.memory_space<vmem>>, vector<1x1x16xf32>,
    %get3A_3779 = vector.shape_cast %get3A_3778 : vector<1x1x16xf32> to vector<16xf32>
    %add3A_3780 = arith.constant 16 : i32
    %add3A_3781 = arith.addi %add3A_3780, %sub3A_3746 : i32
    %eq3A_3782 = vector.broadcast %add3A_3781 : i32 to vector<16xi32>
    %eq3A_3783 = arith.cmpi eq, %add3A_3757, %eq3A_3782 : vector<16xi32>
    %jit3A_3784 = arith.constant 0.000000e+00 : f32
    %broadcast_in_dim3A_3785 = vector.broadcast %jit3A_3784 : f32 to vector<16xf32>
    %select_n3A_3786 = arith.select %eq3A_3783, %get3A_3779, %broadcast_in_dim3A_3785 : vector<16xi1>, vector<16xf32>
    %add3A_3787 = arith.addf %add3A_3772, %select_n3A_3786 : vector<16xf32>
    %get3A_3788 = arith.constant 7 : i32
    %get3A_3789 = arith.constant 2 : i32
    %get3A_3790 = arith.index_cast %get3A_3788 : i32 to index
    %get3A_3791 = arith.index_cast %get3A_3789 : i32 to index
    %get3A_3792 = arith.index_cast %mul3A_3745 : i32 to index
    %get3A_3793 = tpu.vector_load %arg7[%get3A_3790, %get3A_3791, %get3A_3792] {strides = array<i32>} : memref<8x8x1024xf32, #tpu.memory_space<vmem>>, vector<1x1x16xf32>,
    %get3A_3794 = vector.shape_cast %get3A_3793 : vector<1x1x16xf32> to vector<16xf32>
    %add3A_3795 = arith.constant 32 : i32
    %add3A_3796 = arith.addi %add3A_3795, %sub3A_3746 : i32
    %eq3A_3797 = vector.broadcast %add3A_3796 : i32 to vector<16xi32>
    %eq3A_3798 = arith.cmpi eq, %add3A_3757, %eq3A_3797 : vector<16xi32>
    %jit3A_3799 = arith.constant 0.000000e+00 : f32
    %broadcast_in_dim3A_3800 = vector.broadcast %jit3A_3799 : f32 to vector<16xf32>
    %select_n3A_3801 = arith.select %eq3A_3798, %get3A_3794, %broadcast_in_dim3A_3800 : vector<16xi1>, vector<16xf32>
    %add3A_3802 = arith.addf %add3A_3787, %select_n3A_3801 : vector<16xf32>
    %get3A_3803 = arith.constant 7 : i32
    %get3A_3804 = arith.constant 3 : i32
    %get3A_3805 = arith.index_cast %get3A_3803 : i32 to index
    %get3A_3806 = arith.index_cast %get3A_3804 : i32 to index
    %get3A_3807 = arith.index_cast %mul3A_3745 : i32 to index
    %get3A_3808 = tpu.vector_load %arg7[%get3A_3805, %get3A_3806, %get3A_3807] {strides = array<i32>} : memref<8x8x1024xf32, #tpu.memory_space<vmem>>, vector<1x1x16xf32>,
    %get3A_3809 = vector.shape_cast %get3A_3808 : vector<1x1x16xf32> to vector<16xf32>
    %add3A_3810 = arith.constant 48 : i32
    %add3A_3811 = arith.addi %add3A_3810, %sub3A_3746 : i32
    %eq3A_3812 = vector.broadcast %add3A_3811 : i32 to vector<16xi32>
    %eq3A_3813 = arith.cmpi eq, %add3A_3757, %eq3A_3812 : vector<16xi32>
    %jit3A_3814 = arith.constant 0.000000e+00 : f32
    %broadcast_in_dim3A_3815 = vector.broadcast %jit3A_3814 : f32 to vector<16xf32>
    %select_n3A_3816 = arith.select %eq3A_3813, %get3A_3809, %broadcast_in_dim3A_3815 : vector<16xi1>, vector<16xf32>
    %add3A_3817 = arith.addf %add3A_3802, %select_n3A_3816 : vector<16xf32>
    %get3A_3818 = arith.constant 7 : i32
    %get3A_3819 = arith.constant 4 : i32
    %get3A_3820 = arith.index_cast %get3A_3818 : i32 to index
    %get3A_3821 = arith.index_cast %get3A_3819 : i32 to index
    %get3A_3822 = arith.index_cast %mul3A_3745 : i32 to index
    %get3A_3823 = tpu.vector_load %arg7[%get3A_3820, %get3A_3821, %get3A_3822] {strides = array<i32>} : memref<8x8x1024xf32, #tpu.memory_space<vmem>>, vector<1x1x16xf32>,
    %get3A_3824 = vector.shape_cast %get3A_3823 : vector<1x1x16xf32> to vector<16xf32>
    %add3A_3825 = arith.constant 64 : i32
    %add3A_3826 = arith.addi %add3A_3825, %sub3A_3746 : i32
    %eq3A_3827 = vector.broadcast %add3A_3826 : i32 to vector<16xi32>
    %eq3A_3828 = arith.cmpi eq, %add3A_3757, %eq3A_3827 : vector<16xi32>
    %jit3A_3829 = arith.constant 0.000000e+00 : f32
    %broadcast_in_dim3A_3830 = vector.broadcast %jit3A_3829 : f32 to vector<16xf32>
    %select_n3A_3831 = arith.select %eq3A_3828, %get3A_3824, %broadcast_in_dim3A_3830 : vector<16xi1>, vector<16xf32>
    %add3A_3832 = arith.addf %add3A_3817, %select_n3A_3831 : vector<16xf32>
    %get3A_3833 = arith.constant 7 : i32
    %get3A_3834 = arith.constant 5 : i32
    %get3A_3835 = arith.index_cast %get3A_3833 : i32 to index
    %get3A_3836 = arith.index_cast %get3A_3834 : i32 to index
    %get3A_3837 = arith.index_cast %mul3A_3745 : i32 to index
    %get3A_3838 = tpu.vector_load %arg7[%get3A_3835, %get3A_3836, %get3A_3837] {strides = array<i32>} : memref<8x8x1024xf32, #tpu.memory_space<vmem>>, vector<1x1x16xf32>,
    %get3A_3839 = vector.shape_cast %get3A_3838 : vector<1x1x16xf32> to vector<16xf32>
    %add3A_3840 = arith.constant 80 : i32
    %add3A_3841 = arith.addi %add3A_3840, %sub3A_3746 : i32
    %eq3A_3842 = vector.broadcast %add3A_3841 : i32 to vector<16xi32>
    %eq3A_3843 = arith.cmpi eq, %add3A_3757, %eq3A_3842 : vector<16xi32>
    %jit3A_3844 = arith.constant 0.000000e+00 : f32
    %broadcast_in_dim3A_3845 = vector.broadcast %jit3A_3844 : f32 to vector<16xf32>
    %select_n3A_3846 = arith.select %eq3A_3843, %get3A_3839, %broadcast_in_dim3A_3845 : vector<16xi1>, vector<16xf32>
    %add3A_3847 = arith.addf %add3A_3832, %select_n3A_3846 : vector<16xf32>
    %get3A_3848 = arith.constant 7 : i32
    %get3A_3849 = arith.constant 6 : i32
    %get3A_3850 = arith.index_cast %get3A_3848 : i32 to index
    %get3A_3851 = arith.index_cast %get3A_3849 : i32 to index
    %get3A_3852 = arith.index_cast %mul3A_3745 : i32 to index
    %get3A_3853 = tpu.vector_load %arg7[%get3A_3850, %get3A_3851, %get3A_3852] {strides = array<i32>} : memref<8x8x1024xf32, #tpu.memory_space<vmem>>, vector<1x1x16xf32>,
    %get3A_3854 = vector.shape_cast %get3A_3853 : vector<1x1x16xf32> to vector<16xf32>
    %add3A_3855 = arith.constant 96 : i32
    %add3A_3856 = arith.addi %add3A_3855, %sub3A_3746 : i32
    %eq3A_3857 = vector.broadcast %add3A_3856 : i32 to vector<16xi32>
    %eq3A_3858 = arith.cmpi eq, %add3A_3757, %eq3A_3857 : vector<16xi32>
    %jit3A_3859 = arith.constant 0.000000e+00 : f32
    %broadcast_in_dim3A_3860 = vector.broadcast %jit3A_3859 : f32 to vector<16xf32>
    %select_n3A_3861 = arith.select %eq3A_3858, %get3A_3854, %broadcast_in_dim3A_3860 : vector<16xi1>, vector<16xf32>
    %add3A_3862 = arith.addf %add3A_3847, %select_n3A_3861 : vector<16xf32>
    %get3A_3863 = arith.constant 7 : i32
    %get3A_3864 = arith.constant 7 : i32
    %get3A_3865 = arith.index_cast %get3A_3863 : i32 to index
    %get3A_3866 = arith.index_cast %get3A_3864 : i32 to index
    %get3A_3867 = arith.index_cast %mul3A_3745 : i32 to index
    %get3A_3868 = tpu.vector_load %arg7[%get3A_3865, %get3A_3866, %get3A_3867] {strides = array<i32>} : memref<8x8x1024xf32, #tpu.memory_space<vmem>>, vector<1x1x16xf32>,
    %get3A_3869 = vector.shape_cast %get3A_3868 : vector<1x1x16xf32> to vector<16xf32>
    %add3A_3870 = arith.constant 112 : i32
    %add3A_3871 = arith.addi %add3A_3870, %sub3A_3746 : i32
    %eq3A_3872 = vector.broadcast %add3A_3871 : i32 to vector<16xi32>
    %eq3A_3873 = arith.cmpi eq, %add3A_3757, %eq3A_3872 : vector<16xi32>
    %jit3A_3874 = arith.constant 0.000000e+00 : f32
    %broadcast_in_dim3A_3875 = vector.broadcast %jit3A_3874 : f32 to vector<16xf32>
    %select_n3A_3876 = arith.select %eq3A_3873, %get3A_3869, %broadcast_in_dim3A_3875 : vector<16xi1>, vector<16xf32>
    %add3A_3877 = arith.addf %add3A_3862, %select_n3A_3876 : vector<16xf32>
    %dma_start3A_3878 = arith.constant 24 : i32
    %dma_start3A_3879 = tpu.memref_slice %arg6[%dma_start3A_3878] : memref<32xi32, #tpu.memory_space<vmem>> -> memref<8xi32, #tpu.memory_space<vmem>>
    %dma_start3A_3880 = arith.constant 0 : i32
    %dma_start3A_3881 = arith.constant 0 : i32
    %dma_start3A_3882 = arith.constant 0 : i32
    %dma_start3A_3883 = tpu.memref_slice %arg2[%dma_start3A_3880, %dma_start3A_3881, %dma_start3A_3882] : memref<12500x8x1024xf32, #tpu.memory_space<hbm>> -> memref<12500x8x1024xf32, #tpu.memory_space<hbm>>
    tpu.enqueue_indirect_dma source(%dma_start3A_3883 : memref<12500x8x1024xf32, #tpu.memory_space<hbm>>) target(%arg7 : memref<8x8x1024xf32, #tpu.memory_space<vmem>>) offsets(%dma_start3A_3879 : memref<8xi32, #tpu.memory_space<vmem>>) semaphore(%arg9 : memref<!tpu.dma_semaphore, #tpu.memory_space<semaphore_mem>>)
    %dma_wait3A_3884 = arith.constant 24 : i32
    %dma_wait3A_3885 = tpu.memref_slice %arg6[%dma_wait3A_3884] : memref<32xi32, #tpu.memory_space<vmem>> -> memref<8xi32, #tpu.memory_space<vmem>>
    %dma_wait3A_3886 = arith.constant 0 : i32
    %dma_wait3A_3887 = arith.constant 0 : i32
    %dma_wait3A_3888 = arith.constant 0 : i32
    %dma_wait3A_3889 = tpu.memref_slice %arg2[%dma_wait3A_3886, %dma_wait3A_3887, %dma_wait3A_3888] : memref<12500x8x1024xf32, #tpu.memory_space<hbm>> -> memref<12500x8x1024xf32, #tpu.memory_space<hbm>>
    tpu.wait_indirect_dma semaphore(%arg9 : memref<!tpu.dma_semaphore, #tpu.memory_space<semaphore_mem>>) src(%dma_wait3A_3889 : memref<12500x8x1024xf32, #tpu.memory_space<hbm>>) dst(%arg7 : memref<8x8x1024xf32, #tpu.memory_space<vmem>>)
    %add3A_3890 = arith.constant 24 : i32
    %add3A_3891 = arith.addi %mul3A_2, %add3A_3890 : i32
    %jit3A_3892 = arith.constant 16 : i32
    %div3A_3893 = arith.divsi %add3A_3891, %jit3A_3892 : i32
    %sign3A_3894 = arith.constant 0 : i32
    %sign3A_3895 = arith.cmpi sgt, %add3A_3891, %sign3A_3894 : i32
    %sign3A_3896 = arith.extui %sign3A_3895 : i1 to i32
    %sign3A_3897 = arith.constant 0 : i32
    %sign3A_3898 = arith.cmpi slt, %add3A_3891, %sign3A_3897 : i32
    %sign3A_3899 = arith.extui %sign3A_3898 : i1 to i32
    %sign3A_3900 = arith.subi %sign3A_3896, %sign3A_3899 : i32
    %sign3A_3901 = arith.constant 0 : i32
    %sign3A_3902 = arith.cmpi sgt, %jit3A_3892, %sign3A_3901 : i32
    %sign3A_3903 = arith.extui %sign3A_3902 : i1 to i32
    %sign3A_3904 = arith.constant 0 : i32
    %sign3A_3905 = arith.cmpi slt, %jit3A_3892, %sign3A_3904 : i32
    %sign3A_3906 = arith.extui %sign3A_3905 : i1 to i32
    %sign3A_3907 = arith.subi %sign3A_3903, %sign3A_3906 : i32
    %ne3A_3908 = arith.cmpi ne, %sign3A_3900, %sign3A_3907 : i32
    %rem3A_3909 = arith.remsi %add3A_3891, %jit3A_3892 : i32
    %ne3A_3910 = arith.constant 0 : i32
    %ne3A_3911 = arith.cmpi ne, %rem3A_3909, %ne3A_3910 : i32
    %and3A_3912 = arith.andi %ne3A_3908, %ne3A_3911 : i1
    %sub3A_3913 = arith.constant 1 : i32
    %sub3A_3914 = arith.subi %div3A_3893, %sub3A_3913 : i32
    %select_n3A_3915 = arith.select %and3A_3912, %sub3A_3914, %div3A_3893 : i32
    %mul3A_3916 = arith.constant 16 : i32
    %mul3A_3917 = arith.muli %select_n3A_3915, %mul3A_3916 : i32
    %sub3A_3918 = arith.subi %add3A_3891, %mul3A_3917 : i32
    %broadcast_in_dim3A_3919 = arith.constant 8 : i32
    %broadcast_in_dim3A_3920 = vector.broadcast %broadcast_in_dim3A_3919 : i32 to vector<16x1xi32>
    %gather3A_3921 = vector.shape_cast %broadcast_in_dim3A_3920 : vector<16x1xi32> to vector<16xi32>
    %gather3A_3922 = tpu.dynamic_gather %get3A_12[%gather3A_3921] in [0] : vector<16xi32>, vector<16xi32> -> vector<16xi32>
    %and3A_3923 = arith.constant 7 : i32
    %and3A_3924 = vector.broadcast %and3A_3923 : i32 to vector<16xi32>
    %and3A_3925 = arith.andi %gather3A_3922, %and3A_3924 : vector<16xi32>
    %mul3A_3926 = arith.constant 16 : i32
    %mul3A_3927 = vector.broadcast %mul3A_3926 : i32 to vector<16xi32>
    %mul3A_3928 = arith.muli %and3A_3925, %mul3A_3927 : vector<16xi32>
    %add3A_3929 = arith.addi %mul3A_3928, %iota3A : vector<16xi32>
    %get3A_3930 = arith.constant 0 : i32
    %get3A_3931 = arith.constant 0 : i32
    %get3A_3932 = arith.index_cast %get3A_3930 : i32 to index
    %get3A_3933 = arith.index_cast %get3A_3931 : i32 to index
    %get3A_3934 = arith.index_cast %mul3A_3917 : i32 to index
    %get3A_3935 = tpu.vector_load %arg7[%get3A_3932, %get3A_3933, %get3A_3934] {strides = array<i32>} : memref<8x8x1024xf32, #tpu.memory_space<vmem>>, vector<1x1x16xf32>,
    %get3A_3936 = vector.shape_cast %get3A_3935 : vector<1x1x16xf32> to vector<16xf32>
    %add3A_3937 = arith.constant 0 : i32
    %add3A_3938 = arith.addi %add3A_3937, %sub3A_3918 : i32
    %eq3A_3939 = vector.broadcast %add3A_3938 : i32 to vector<16xi32>
    %eq3A_3940 = arith.cmpi eq, %add3A_3929, %eq3A_3939 : vector<16xi32>
    %jit3A_3941 = arith.constant 0.000000e+00 : f32
    %broadcast_in_dim3A_3942 = vector.broadcast %jit3A_3941 : f32 to vector<16xf32>
    %select_n3A_3943 = arith.select %eq3A_3940, %get3A_3936, %broadcast_in_dim3A_3942 : vector<16xi1>, vector<16xf32>
    %add3A_3944 = arith.addf %add3A_3877, %select_n3A_3943 : vector<16xf32>
    %get3A_3945 = arith.constant 0 : i32
    %get3A_3946 = arith.constant 1 : i32
    %get3A_3947 = arith.index_cast %get3A_3945 : i32 to index
    %get3A_3948 = arith.index_cast %get3A_3946 : i32 to index
    %get3A_3949 = arith.index_cast %mul3A_3917 : i32 to index
    %get3A_3950 = tpu.vector_load %arg7[%get3A_3947, %get3A_3948, %get3A_3949] {strides = array<i32>} : memref<8x8x1024xf32, #tpu.memory_space<vmem>>, vector<1x1x16xf32>,
    %get3A_3951 = vector.shape_cast %get3A_3950 : vector<1x1x16xf32> to vector<16xf32>
    %add3A_3952 = arith.constant 16 : i32
    %add3A_3953 = arith.addi %add3A_3952, %sub3A_3918 : i32
    %eq3A_3954 = vector.broadcast %add3A_3953 : i32 to vector<16xi32>
    %eq3A_3955 = arith.cmpi eq, %add3A_3929, %eq3A_3954 : vector<16xi32>
    %jit3A_3956 = arith.constant 0.000000e+00 : f32
    %broadcast_in_dim3A_3957 = vector.broadcast %jit3A_3956 : f32 to vector<16xf32>
    %select_n3A_3958 = arith.select %eq3A_3955, %get3A_3951, %broadcast_in_dim3A_3957 : vector<16xi1>, vector<16xf32>
    %add3A_3959 = arith.addf %add3A_3944, %select_n3A_3958 : vector<16xf32>
    %get3A_3960 = arith.constant 0 : i32
    %get3A_3961 = arith.constant 2 : i32
    %get3A_3962 = arith.index_cast %get3A_3960 : i32 to index
    %get3A_3963 = arith.index_cast %get3A_3961 : i32 to index
    %get3A_3964 = arith.index_cast %mul3A_3917 : i32 to index
    %get3A_3965 = tpu.vector_load %arg7[%get3A_3962, %get3A_3963, %get3A_3964] {strides = array<i32>} : memref<8x8x1024xf32, #tpu.memory_space<vmem>>, vector<1x1x16xf32>,
    %get3A_3966 = vector.shape_cast %get3A_3965 : vector<1x1x16xf32> to vector<16xf32>
    %add3A_3967 = arith.constant 32 : i32
    %add3A_3968 = arith.addi %add3A_3967, %sub3A_3918 : i32
    %eq3A_3969 = vector.broadcast %add3A_3968 : i32 to vector<16xi32>
    %eq3A_3970 = arith.cmpi eq, %add3A_3929, %eq3A_3969 : vector<16xi32>
    %jit3A_3971 = arith.constant 0.000000e+00 : f32
    %broadcast_in_dim3A_3972 = vector.broadcast %jit3A_3971 : f32 to vector<16xf32>
    %select_n3A_3973 = arith.select %eq3A_3970, %get3A_3966, %broadcast_in_dim3A_3972 : vector<16xi1>, vector<16xf32>
    %add3A_3974 = arith.addf %add3A_3959, %select_n3A_3973 : vector<16xf32>
    %get3A_3975 = arith.constant 0 : i32
    %get3A_3976 = arith.constant 3 : i32
    %get3A_3977 = arith.index_cast %get3A_3975 : i32 to index
    %get3A_3978 = arith.index_cast %get3A_3976 : i32 to index
    %get3A_3979 = arith.index_cast %mul3A_3917 : i32 to index
    %get3A_3980 = tpu.vector_load %arg7[%get3A_3977, %get3A_3978, %get3A_3979] {strides = array<i32>} : memref<8x8x1024xf32, #tpu.memory_space<vmem>>, vector<1x1x16xf32>,
    %get3A_3981 = vector.shape_cast %get3A_3980 : vector<1x1x16xf32> to vector<16xf32>
    %add3A_3982 = arith.constant 48 : i32
    %add3A_3983 = arith.addi %add3A_3982, %sub3A_3918 : i32
    %eq3A_3984 = vector.broadcast %add3A_3983 : i32 to vector<16xi32>
    %eq3A_3985 = arith.cmpi eq, %add3A_3929, %eq3A_3984 : vector<16xi32>
    %jit3A_3986 = arith.constant 0.000000e+00 : f32
    %broadcast_in_dim3A_3987 = vector.broadcast %jit3A_3986 : f32 to vector<16xf32>
    %select_n3A_3988 = arith.select %eq3A_3985, %get3A_3981, %broadcast_in_dim3A_3987 : vector<16xi1>, vector<16xf32>
    %add3A_3989 = arith.addf %add3A_3974, %select_n3A_3988 : vector<16xf32>
    %get3A_3990 = arith.constant 0 : i32
    %get3A_3991 = arith.constant 4 : i32
    %get3A_3992 = arith.index_cast %get3A_3990 : i32 to index
    %get3A_3993 = arith.index_cast %get3A_3991 : i32 to index
    %get3A_3994 = arith.index_cast %mul3A_3917 : i32 to index
    %get3A_3995 = tpu.vector_load %arg7[%get3A_3992, %get3A_3993, %get3A_3994] {strides = array<i32>} : memref<8x8x1024xf32, #tpu.memory_space<vmem>>, vector<1x1x16xf32>,
    %get3A_3996 = vector.shape_cast %get3A_3995 : vector<1x1x16xf32> to vector<16xf32>
    %add3A_3997 = arith.constant 64 : i32
    %add3A_3998 = arith.addi %add3A_3997, %sub3A_3918 : i32
    %eq3A_3999 = vector.broadcast %add3A_3998 : i32 to vector<16xi32>
    %eq3A_4000 = arith.cmpi eq, %add3A_3929, %eq3A_3999 : vector<16xi32>
    %jit3A_4001 = arith.constant 0.000000e+00 : f32
    %broadcast_in_dim3A_4002 = vector.broadcast %jit3A_4001 : f32 to vector<16xf32>
    %select_n3A_4003 = arith.select %eq3A_4000, %get3A_3996, %broadcast_in_dim3A_4002 : vector<16xi1>, vector<16xf32>
    %add3A_4004 = arith.addf %add3A_3989, %select_n3A_4003 : vector<16xf32>
    %get3A_4005 = arith.constant 0 : i32
    %get3A_4006 = arith.constant 5 : i32
    %get3A_4007 = arith.index_cast %get3A_4005 : i32 to index
    %get3A_4008 = arith.index_cast %get3A_4006 : i32 to index
    %get3A_4009 = arith.index_cast %mul3A_3917 : i32 to index
    %get3A_4010 = tpu.vector_load %arg7[%get3A_4007, %get3A_4008, %get3A_4009] {strides = array<i32>} : memref<8x8x1024xf32, #tpu.memory_space<vmem>>, vector<1x1x16xf32>,
    %get3A_4011 = vector.shape_cast %get3A_4010 : vector<1x1x16xf32> to vector<16xf32>
    %add3A_4012 = arith.constant 80 : i32
    %add3A_4013 = arith.addi %add3A_4012, %sub3A_3918 : i32
    %eq3A_4014 = vector.broadcast %add3A_4013 : i32 to vector<16xi32>
    %eq3A_4015 = arith.cmpi eq, %add3A_3929, %eq3A_4014 : vector<16xi32>
    %jit3A_4016 = arith.constant 0.000000e+00 : f32
    %broadcast_in_dim3A_4017 = vector.broadcast %jit3A_4016 : f32 to vector<16xf32>
    %select_n3A_4018 = arith.select %eq3A_4015, %get3A_4011, %broadcast_in_dim3A_4017 : vector<16xi1>, vector<16xf32>
    %add3A_4019 = arith.addf %add3A_4004, %select_n3A_4018 : vector<16xf32>
    %get3A_4020 = arith.constant 0 : i32
    %get3A_4021 = arith.constant 6 : i32
    %get3A_4022 = arith.index_cast %get3A_4020 : i32 to index
    %get3A_4023 = arith.index_cast %get3A_4021 : i32 to index
    %get3A_4024 = arith.index_cast %mul3A_3917 : i32 to index
    %get3A_4025 = tpu.vector_load %arg7[%get3A_4022, %get3A_4023, %get3A_4024] {strides = array<i32>} : memref<8x8x1024xf32, #tpu.memory_space<vmem>>, vector<1x1x16xf32>,
    %get3A_4026 = vector.shape_cast %get3A_4025 : vector<1x1x16xf32> to vector<16xf32>
    %add3A_4027 = arith.constant 96 : i32
    %add3A_4028 = arith.addi %add3A_4027, %sub3A_3918 : i32
    %eq3A_4029 = vector.broadcast %add3A_4028 : i32 to vector<16xi32>
    %eq3A_4030 = arith.cmpi eq, %add3A_3929, %eq3A_4029 : vector<16xi32>
    %jit3A_4031 = arith.constant 0.000000e+00 : f32
    %broadcast_in_dim3A_4032 = vector.broadcast %jit3A_4031 : f32 to vector<16xf32>
    %select_n3A_4033 = arith.select %eq3A_4030, %get3A_4026, %broadcast_in_dim3A_4032 : vector<16xi1>, vector<16xf32>
    %add3A_4034 = arith.addf %add3A_4019, %select_n3A_4033 : vector<16xf32>
    %get3A_4035 = arith.constant 0 : i32
    %get3A_4036 = arith.constant 7 : i32
    %get3A_4037 = arith.index_cast %get3A_4035 : i32 to index
    %get3A_4038 = arith.index_cast %get3A_4036 : i32 to index
    %get3A_4039 = arith.index_cast %mul3A_3917 : i32 to index
    %get3A_4040 = tpu.vector_load %arg7[%get3A_4037, %get3A_4038, %get3A_4039] {strides = array<i32>} : memref<8x8x1024xf32, #tpu.memory_space<vmem>>, vector<1x1x16xf32>,
    %get3A_4041 = vector.shape_cast %get3A_4040 : vector<1x1x16xf32> to vector<16xf32>
    %add3A_4042 = arith.constant 112 : i32
    %add3A_4043 = arith.addi %add3A_4042, %sub3A_3918 : i32
    %eq3A_4044 = vector.broadcast %add3A_4043 : i32 to vector<16xi32>
    %eq3A_4045 = arith.cmpi eq, %add3A_3929, %eq3A_4044 : vector<16xi32>
    %jit3A_4046 = arith.constant 0.000000e+00 : f32
    %broadcast_in_dim3A_4047 = vector.broadcast %jit3A_4046 : f32 to vector<16xf32>
    %select_n3A_4048 = arith.select %eq3A_4045, %get3A_4041, %broadcast_in_dim3A_4047 : vector<16xi1>, vector<16xf32>
    %add3A_4049 = arith.addf %add3A_4034, %select_n3A_4048 : vector<16xf32>
    %add3A_4050 = arith.constant 25 : i32
    %add3A_4051 = arith.addi %mul3A_2, %add3A_4050 : i32
    %jit3A_4052 = arith.constant 16 : i32
    %div3A_4053 = arith.divsi %add3A_4051, %jit3A_4052 : i32
    %sign3A_4054 = arith.constant 0 : i32
    %sign3A_4055 = arith.cmpi sgt, %add3A_4051, %sign3A_4054 : i32
    %sign3A_4056 = arith.extui %sign3A_4055 : i1 to i32
    %sign3A_4057 = arith.constant 0 : i32
    %sign3A_4058 = arith.cmpi slt, %add3A_4051, %sign3A_4057 : i32
    %sign3A_4059 = arith.extui %sign3A_4058 : i1 to i32
    %sign3A_4060 = arith.subi %sign3A_4056, %sign3A_4059 : i32
    %sign3A_4061 = arith.constant 0 : i32
    %sign3A_4062 = arith.cmpi sgt, %jit3A_4052, %sign3A_4061 : i32
    %sign3A_4063 = arith.extui %sign3A_4062 : i1 to i32
    %sign3A_4064 = arith.constant 0 : i32
    %sign3A_4065 = arith.cmpi slt, %jit3A_4052, %sign3A_4064 : i32
    %sign3A_4066 = arith.extui %sign3A_4065 : i1 to i32
    %sign3A_4067 = arith.subi %sign3A_4063, %sign3A_4066 : i32
    %ne3A_4068 = arith.cmpi ne, %sign3A_4060, %sign3A_4067 : i32
    %rem3A_4069 = arith.remsi %add3A_4051, %jit3A_4052 : i32
    %ne3A_4070 = arith.constant 0 : i32
    %ne3A_4071 = arith.cmpi ne, %rem3A_4069, %ne3A_4070 : i32
    %and3A_4072 = arith.andi %ne3A_4068, %ne3A_4071 : i1
    %sub3A_4073 = arith.constant 1 : i32
    %sub3A_4074 = arith.subi %div3A_4053, %sub3A_4073 : i32
    %select_n3A_4075 = arith.select %and3A_4072, %sub3A_4074, %div3A_4053 : i32
    %mul3A_4076 = arith.constant 16 : i32
    %mul3A_4077 = arith.muli %select_n3A_4075, %mul3A_4076 : i32
    %sub3A_4078 = arith.subi %add3A_4051, %mul3A_4077 : i32
    %broadcast_in_dim3A_4079 = arith.constant 9 : i32
    %broadcast_in_dim3A_4080 = vector.broadcast %broadcast_in_dim3A_4079 : i32 to vector<16x1xi32>
    %gather3A_4081 = vector.shape_cast %broadcast_in_dim3A_4080 : vector<16x1xi32> to vector<16xi32>
    %gather3A_4082 = tpu.dynamic_gather %get3A_12[%gather3A_4081] in [0] : vector<16xi32>, vector<16xi32> -> vector<16xi32>
    %and3A_4083 = arith.constant 7 : i32
    %and3A_4084 = vector.broadcast %and3A_4083 : i32 to vector<16xi32>
    %and3A_4085 = arith.andi %gather3A_4082, %and3A_4084 : vector<16xi32>
    %mul3A_4086 = arith.constant 16 : i32
    %mul3A_4087 = vector.broadcast %mul3A_4086 : i32 to vector<16xi32>
    %mul3A_4088 = arith.muli %and3A_4085, %mul3A_4087 : vector<16xi32>
    %add3A_4089 = arith.addi %mul3A_4088, %iota3A : vector<16xi32>
    %get3A_4090 = arith.constant 1 : i32
    %get3A_4091 = arith.constant 0 : i32
    %get3A_4092 = arith.index_cast %get3A_4090 : i32 to index
    %get3A_4093 = arith.index_cast %get3A_4091 : i32 to index
    %get3A_4094 = arith.index_cast %mul3A_4077 : i32 to index
    %get3A_4095 = tpu.vector_load %arg7[%get3A_4092, %get3A_4093, %get3A_4094] {strides = array<i32>} : memref<8x8x1024xf32, #tpu.memory_space<vmem>>, vector<1x1x16xf32>,
    %get3A_4096 = vector.shape_cast %get3A_4095 : vector<1x1x16xf32> to vector<16xf32>
    %add3A_4097 = arith.constant 0 : i32
    %add3A_4098 = arith.addi %add3A_4097, %sub3A_4078 : i32
    %eq3A_4099 = vector.broadcast %add3A_4098 : i32 to vector<16xi32>
    %eq3A_4100 = arith.cmpi eq, %add3A_4089, %eq3A_4099 : vector<16xi32>
    %jit3A_4101 = arith.constant 0.000000e+00 : f32
    %broadcast_in_dim3A_4102 = vector.broadcast %jit3A_4101 : f32 to vector<16xf32>
    %select_n3A_4103 = arith.select %eq3A_4100, %get3A_4096, %broadcast_in_dim3A_4102 : vector<16xi1>, vector<16xf32>
    %add3A_4104 = arith.addf %add3A_4049, %select_n3A_4103 : vector<16xf32>
    %get3A_4105 = arith.constant 1 : i32
    %get3A_4106 = arith.constant 1 : i32
    %get3A_4107 = arith.index_cast %get3A_4105 : i32 to index
    %get3A_4108 = arith.index_cast %get3A_4106 : i32 to index
    %get3A_4109 = arith.index_cast %mul3A_4077 : i32 to index
    %get3A_4110 = tpu.vector_load %arg7[%get3A_4107, %get3A_4108, %get3A_4109] {strides = array<i32>} : memref<8x8x1024xf32, #tpu.memory_space<vmem>>, vector<1x1x16xf32>,
    %get3A_4111 = vector.shape_cast %get3A_4110 : vector<1x1x16xf32> to vector<16xf32>
    %add3A_4112 = arith.constant 16 : i32
    %add3A_4113 = arith.addi %add3A_4112, %sub3A_4078 : i32
    %eq3A_4114 = vector.broadcast %add3A_4113 : i32 to vector<16xi32>
    %eq3A_4115 = arith.cmpi eq, %add3A_4089, %eq3A_4114 : vector<16xi32>
    %jit3A_4116 = arith.constant 0.000000e+00 : f32
    %broadcast_in_dim3A_4117 = vector.broadcast %jit3A_4116 : f32 to vector<16xf32>
    %select_n3A_4118 = arith.select %eq3A_4115, %get3A_4111, %broadcast_in_dim3A_4117 : vector<16xi1>, vector<16xf32>
    %add3A_4119 = arith.addf %add3A_4104, %select_n3A_4118 : vector<16xf32>
    %get3A_4120 = arith.constant 1 : i32
    %get3A_4121 = arith.constant 2 : i32
    %get3A_4122 = arith.index_cast %get3A_4120 : i32 to index
    %get3A_4123 = arith.index_cast %get3A_4121 : i32 to index
    %get3A_4124 = arith.index_cast %mul3A_4077 : i32 to index
    %get3A_4125 = tpu.vector_load %arg7[%get3A_4122, %get3A_4123, %get3A_4124] {strides = array<i32>} : memref<8x8x1024xf32, #tpu.memory_space<vmem>>, vector<1x1x16xf32>,
    %get3A_4126 = vector.shape_cast %get3A_4125 : vector<1x1x16xf32> to vector<16xf32>
    %add3A_4127 = arith.constant 32 : i32
    %add3A_4128 = arith.addi %add3A_4127, %sub3A_4078 : i32
    %eq3A_4129 = vector.broadcast %add3A_4128 : i32 to vector<16xi32>
    %eq3A_4130 = arith.cmpi eq, %add3A_4089, %eq3A_4129 : vector<16xi32>
    %jit3A_4131 = arith.constant 0.000000e+00 : f32
    %broadcast_in_dim3A_4132 = vector.broadcast %jit3A_4131 : f32 to vector<16xf32>
    %select_n3A_4133 = arith.select %eq3A_4130, %get3A_4126, %broadcast_in_dim3A_4132 : vector<16xi1>, vector<16xf32>
    %add3A_4134 = arith.addf %add3A_4119, %select_n3A_4133 : vector<16xf32>
    %get3A_4135 = arith.constant 1 : i32
    %get3A_4136 = arith.constant 3 : i32
    %get3A_4137 = arith.index_cast %get3A_4135 : i32 to index
    %get3A_4138 = arith.index_cast %get3A_4136 : i32 to index
    %get3A_4139 = arith.index_cast %mul3A_4077 : i32 to index
    %get3A_4140 = tpu.vector_load %arg7[%get3A_4137, %get3A_4138, %get3A_4139] {strides = array<i32>} : memref<8x8x1024xf32, #tpu.memory_space<vmem>>, vector<1x1x16xf32>,
    %get3A_4141 = vector.shape_cast %get3A_4140 : vector<1x1x16xf32> to vector<16xf32>
    %add3A_4142 = arith.constant 48 : i32
    %add3A_4143 = arith.addi %add3A_4142, %sub3A_4078 : i32
    %eq3A_4144 = vector.broadcast %add3A_4143 : i32 to vector<16xi32>
    %eq3A_4145 = arith.cmpi eq, %add3A_4089, %eq3A_4144 : vector<16xi32>
    %jit3A_4146 = arith.constant 0.000000e+00 : f32
    %broadcast_in_dim3A_4147 = vector.broadcast %jit3A_4146 : f32 to vector<16xf32>
    %select_n3A_4148 = arith.select %eq3A_4145, %get3A_4141, %broadcast_in_dim3A_4147 : vector<16xi1>, vector<16xf32>
    %add3A_4149 = arith.addf %add3A_4134, %select_n3A_4148 : vector<16xf32>
    %get3A_4150 = arith.constant 1 : i32
    %get3A_4151 = arith.constant 4 : i32
    %get3A_4152 = arith.index_cast %get3A_4150 : i32 to index
    %get3A_4153 = arith.index_cast %get3A_4151 : i32 to index
    %get3A_4154 = arith.index_cast %mul3A_4077 : i32 to index
    %get3A_4155 = tpu.vector_load %arg7[%get3A_4152, %get3A_4153, %get3A_4154] {strides = array<i32>} : memref<8x8x1024xf32, #tpu.memory_space<vmem>>, vector<1x1x16xf32>,
    %get3A_4156 = vector.shape_cast %get3A_4155 : vector<1x1x16xf32> to vector<16xf32>
    %add3A_4157 = arith.constant 64 : i32
    %add3A_4158 = arith.addi %add3A_4157, %sub3A_4078 : i32
    %eq3A_4159 = vector.broadcast %add3A_4158 : i32 to vector<16xi32>
    %eq3A_4160 = arith.cmpi eq, %add3A_4089, %eq3A_4159 : vector<16xi32>
    %jit3A_4161 = arith.constant 0.000000e+00 : f32
    %broadcast_in_dim3A_4162 = vector.broadcast %jit3A_4161 : f32 to vector<16xf32>
    %select_n3A_4163 = arith.select %eq3A_4160, %get3A_4156, %broadcast_in_dim3A_4162 : vector<16xi1>, vector<16xf32>
    %add3A_4164 = arith.addf %add3A_4149, %select_n3A_4163 : vector<16xf32>
    %get3A_4165 = arith.constant 1 : i32
    %get3A_4166 = arith.constant 5 : i32
    %get3A_4167 = arith.index_cast %get3A_4165 : i32 to index
    %get3A_4168 = arith.index_cast %get3A_4166 : i32 to index
    %get3A_4169 = arith.index_cast %mul3A_4077 : i32 to index
    %get3A_4170 = tpu.vector_load %arg7[%get3A_4167, %get3A_4168, %get3A_4169] {strides = array<i32>} : memref<8x8x1024xf32, #tpu.memory_space<vmem>>, vector<1x1x16xf32>,
    %get3A_4171 = vector.shape_cast %get3A_4170 : vector<1x1x16xf32> to vector<16xf32>
    %add3A_4172 = arith.constant 80 : i32
    %add3A_4173 = arith.addi %add3A_4172, %sub3A_4078 : i32
    %eq3A_4174 = vector.broadcast %add3A_4173 : i32 to vector<16xi32>
    %eq3A_4175 = arith.cmpi eq, %add3A_4089, %eq3A_4174 : vector<16xi32>
    %jit3A_4176 = arith.constant 0.000000e+00 : f32
    %broadcast_in_dim3A_4177 = vector.broadcast %jit3A_4176 : f32 to vector<16xf32>
    %select_n3A_4178 = arith.select %eq3A_4175, %get3A_4171, %broadcast_in_dim3A_4177 : vector<16xi1>, vector<16xf32>
    %add3A_4179 = arith.addf %add3A_4164, %select_n3A_4178 : vector<16xf32>
    %get3A_4180 = arith.constant 1 : i32
    %get3A_4181 = arith.constant 6 : i32
    %get3A_4182 = arith.index_cast %get3A_4180 : i32 to index
    %get3A_4183 = arith.index_cast %get3A_4181 : i32 to index
    %get3A_4184 = arith.index_cast %mul3A_4077 : i32 to index
    %get3A_4185 = tpu.vector_load %arg7[%get3A_4182, %get3A_4183, %get3A_4184] {strides = array<i32>} : memref<8x8x1024xf32, #tpu.memory_space<vmem>>, vector<1x1x16xf32>,
    %get3A_4186 = vector.shape_cast %get3A_4185 : vector<1x1x16xf32> to vector<16xf32>
    %add3A_4187 = arith.constant 96 : i32
    %add3A_4188 = arith.addi %add3A_4187, %sub3A_4078 : i32
    %eq3A_4189 = vector.broadcast %add3A_4188 : i32 to vector<16xi32>
    %eq3A_4190 = arith.cmpi eq, %add3A_4089, %eq3A_4189 : vector<16xi32>
    %jit3A_4191 = arith.constant 0.000000e+00 : f32
    %broadcast_in_dim3A_4192 = vector.broadcast %jit3A_4191 : f32 to vector<16xf32>
    %select_n3A_4193 = arith.select %eq3A_4190, %get3A_4186, %broadcast_in_dim3A_4192 : vector<16xi1>, vector<16xf32>
    %add3A_4194 = arith.addf %add3A_4179, %select_n3A_4193 : vector<16xf32>
    %get3A_4195 = arith.constant 1 : i32
    %get3A_4196 = arith.constant 7 : i32
    %get3A_4197 = arith.index_cast %get3A_4195 : i32 to index
    %get3A_4198 = arith.index_cast %get3A_4196 : i32 to index
    %get3A_4199 = arith.index_cast %mul3A_4077 : i32 to index
    %get3A_4200 = tpu.vector_load %arg7[%get3A_4197, %get3A_4198, %get3A_4199] {strides = array<i32>} : memref<8x8x1024xf32, #tpu.memory_space<vmem>>, vector<1x1x16xf32>,
    %get3A_4201 = vector.shape_cast %get3A_4200 : vector<1x1x16xf32> to vector<16xf32>
    %add3A_4202 = arith.constant 112 : i32
    %add3A_4203 = arith.addi %add3A_4202, %sub3A_4078 : i32
    %eq3A_4204 = vector.broadcast %add3A_4203 : i32 to vector<16xi32>
    %eq3A_4205 = arith.cmpi eq, %add3A_4089, %eq3A_4204 : vector<16xi32>
    %jit3A_4206 = arith.constant 0.000000e+00 : f32
    %broadcast_in_dim3A_4207 = vector.broadcast %jit3A_4206 : f32 to vector<16xf32>
    %select_n3A_4208 = arith.select %eq3A_4205, %get3A_4201, %broadcast_in_dim3A_4207 : vector<16xi1>, vector<16xf32>
    %add3A_4209 = arith.addf %add3A_4194, %select_n3A_4208 : vector<16xf32>
    %add3A_4210 = arith.constant 26 : i32
    %add3A_4211 = arith.addi %mul3A_2, %add3A_4210 : i32
    %jit3A_4212 = arith.constant 16 : i32
    %div3A_4213 = arith.divsi %add3A_4211, %jit3A_4212 : i32
    %sign3A_4214 = arith.constant 0 : i32
    %sign3A_4215 = arith.cmpi sgt, %add3A_4211, %sign3A_4214 : i32
    %sign3A_4216 = arith.extui %sign3A_4215 : i1 to i32
    %sign3A_4217 = arith.constant 0 : i32
    %sign3A_4218 = arith.cmpi slt, %add3A_4211, %sign3A_4217 : i32
    %sign3A_4219 = arith.extui %sign3A_4218 : i1 to i32
    %sign3A_4220 = arith.subi %sign3A_4216, %sign3A_4219 : i32
    %sign3A_4221 = arith.constant 0 : i32
    %sign3A_4222 = arith.cmpi sgt, %jit3A_4212, %sign3A_4221 : i32
    %sign3A_4223 = arith.extui %sign3A_4222 : i1 to i32
    %sign3A_4224 = arith.constant 0 : i32
    %sign3A_4225 = arith.cmpi slt, %jit3A_4212, %sign3A_4224 : i32
    %sign3A_4226 = arith.extui %sign3A_4225 : i1 to i32
    %sign3A_4227 = arith.subi %sign3A_4223, %sign3A_4226 : i32
    %ne3A_4228 = arith.cmpi ne, %sign3A_4220, %sign3A_4227 : i32
    %rem3A_4229 = arith.remsi %add3A_4211, %jit3A_4212 : i32
    %ne3A_4230 = arith.constant 0 : i32
    %ne3A_4231 = arith.cmpi ne, %rem3A_4229, %ne3A_4230 : i32
    %and3A_4232 = arith.andi %ne3A_4228, %ne3A_4231 : i1
    %sub3A_4233 = arith.constant 1 : i32
    %sub3A_4234 = arith.subi %div3A_4213, %sub3A_4233 : i32
    %select_n3A_4235 = arith.select %and3A_4232, %sub3A_4234, %div3A_4213 : i32
    %mul3A_4236 = arith.constant 16 : i32
    %mul3A_4237 = arith.muli %select_n3A_4235, %mul3A_4236 : i32
    %sub3A_4238 = arith.subi %add3A_4211, %mul3A_4237 : i32
    %broadcast_in_dim3A_4239 = arith.constant 10 : i32
    %broadcast_in_dim3A_4240 = vector.broadcast %broadcast_in_dim3A_4239 : i32 to vector<16x1xi32>
    %gather3A_4241 = vector.shape_cast %broadcast_in_dim3A_4240 : vector<16x1xi32> to vector<16xi32>
    %gather3A_4242 = tpu.dynamic_gather %get3A_12[%gather3A_4241] in [0] : vector<16xi32>, vector<16xi32> -> vector<16xi32>
    %and3A_4243 = arith.constant 7 : i32
    %and3A_4244 = vector.broadcast %and3A_4243 : i32 to vector<16xi32>
    %and3A_4245 = arith.andi %gather3A_4242, %and3A_4244 : vector<16xi32>
    %mul3A_4246 = arith.constant 16 : i32
    %mul3A_4247 = vector.broadcast %mul3A_4246 : i32 to vector<16xi32>
    %mul3A_4248 = arith.muli %and3A_4245, %mul3A_4247 : vector<16xi32>
    %add3A_4249 = arith.addi %mul3A_4248, %iota3A : vector<16xi32>
    %get3A_4250 = arith.constant 2 : i32
    %get3A_4251 = arith.constant 0 : i32
    %get3A_4252 = arith.index_cast %get3A_4250 : i32 to index
    %get3A_4253 = arith.index_cast %get3A_4251 : i32 to index
    %get3A_4254 = arith.index_cast %mul3A_4237 : i32 to index
    %get3A_4255 = tpu.vector_load %arg7[%get3A_4252, %get3A_4253, %get3A_4254] {strides = array<i32>} : memref<8x8x1024xf32, #tpu.memory_space<vmem>>, vector<1x1x16xf32>,
    %get3A_4256 = vector.shape_cast %get3A_4255 : vector<1x1x16xf32> to vector<16xf32>
    %add3A_4257 = arith.constant 0 : i32
    %add3A_4258 = arith.addi %add3A_4257, %sub3A_4238 : i32
    %eq3A_4259 = vector.broadcast %add3A_4258 : i32 to vector<16xi32>
    %eq3A_4260 = arith.cmpi eq, %add3A_4249, %eq3A_4259 : vector<16xi32>
    %jit3A_4261 = arith.constant 0.000000e+00 : f32
    %broadcast_in_dim3A_4262 = vector.broadcast %jit3A_4261 : f32 to vector<16xf32>
    %select_n3A_4263 = arith.select %eq3A_4260, %get3A_4256, %broadcast_in_dim3A_4262 : vector<16xi1>, vector<16xf32>
    %add3A_4264 = arith.addf %add3A_4209, %select_n3A_4263 : vector<16xf32>
    %get3A_4265 = arith.constant 2 : i32
    %get3A_4266 = arith.constant 1 : i32
    %get3A_4267 = arith.index_cast %get3A_4265 : i32 to index
    %get3A_4268 = arith.index_cast %get3A_4266 : i32 to index
    %get3A_4269 = arith.index_cast %mul3A_4237 : i32 to index
    %get3A_4270 = tpu.vector_load %arg7[%get3A_4267, %get3A_4268, %get3A_4269] {strides = array<i32>} : memref<8x8x1024xf32, #tpu.memory_space<vmem>>, vector<1x1x16xf32>,
    %get3A_4271 = vector.shape_cast %get3A_4270 : vector<1x1x16xf32> to vector<16xf32>
    %add3A_4272 = arith.constant 16 : i32
    %add3A_4273 = arith.addi %add3A_4272, %sub3A_4238 : i32
    %eq3A_4274 = vector.broadcast %add3A_4273 : i32 to vector<16xi32>
    %eq3A_4275 = arith.cmpi eq, %add3A_4249, %eq3A_4274 : vector<16xi32>
    %jit3A_4276 = arith.constant 0.000000e+00 : f32
    %broadcast_in_dim3A_4277 = vector.broadcast %jit3A_4276 : f32 to vector<16xf32>
    %select_n3A_4278 = arith.select %eq3A_4275, %get3A_4271, %broadcast_in_dim3A_4277 : vector<16xi1>, vector<16xf32>
    %add3A_4279 = arith.addf %add3A_4264, %select_n3A_4278 : vector<16xf32>
    %get3A_4280 = arith.constant 2 : i32
    %get3A_4281 = arith.constant 2 : i32
    %get3A_4282 = arith.index_cast %get3A_4280 : i32 to index
    %get3A_4283 = arith.index_cast %get3A_4281 : i32 to index
    %get3A_4284 = arith.index_cast %mul3A_4237 : i32 to index
    %get3A_4285 = tpu.vector_load %arg7[%get3A_4282, %get3A_4283, %get3A_4284] {strides = array<i32>} : memref<8x8x1024xf32, #tpu.memory_space<vmem>>, vector<1x1x16xf32>,
    %get3A_4286 = vector.shape_cast %get3A_4285 : vector<1x1x16xf32> to vector<16xf32>
    %add3A_4287 = arith.constant 32 : i32
    %add3A_4288 = arith.addi %add3A_4287, %sub3A_4238 : i32
    %eq3A_4289 = vector.broadcast %add3A_4288 : i32 to vector<16xi32>
    %eq3A_4290 = arith.cmpi eq, %add3A_4249, %eq3A_4289 : vector<16xi32>
    %jit3A_4291 = arith.constant 0.000000e+00 : f32
    %broadcast_in_dim3A_4292 = vector.broadcast %jit3A_4291 : f32 to vector<16xf32>
    %select_n3A_4293 = arith.select %eq3A_4290, %get3A_4286, %broadcast_in_dim3A_4292 : vector<16xi1>, vector<16xf32>
    %add3A_4294 = arith.addf %add3A_4279, %select_n3A_4293 : vector<16xf32>
    %get3A_4295 = arith.constant 2 : i32
    %get3A_4296 = arith.constant 3 : i32
    %get3A_4297 = arith.index_cast %get3A_4295 : i32 to index
    %get3A_4298 = arith.index_cast %get3A_4296 : i32 to index
    %get3A_4299 = arith.index_cast %mul3A_4237 : i32 to index
    %get3A_4300 = tpu.vector_load %arg7[%get3A_4297, %get3A_4298, %get3A_4299] {strides = array<i32>} : memref<8x8x1024xf32, #tpu.memory_space<vmem>>, vector<1x1x16xf32>,
    %get3A_4301 = vector.shape_cast %get3A_4300 : vector<1x1x16xf32> to vector<16xf32>
    %add3A_4302 = arith.constant 48 : i32
    %add3A_4303 = arith.addi %add3A_4302, %sub3A_4238 : i32
    %eq3A_4304 = vector.broadcast %add3A_4303 : i32 to vector<16xi32>
    %eq3A_4305 = arith.cmpi eq, %add3A_4249, %eq3A_4304 : vector<16xi32>
    %jit3A_4306 = arith.constant 0.000000e+00 : f32
    %broadcast_in_dim3A_4307 = vector.broadcast %jit3A_4306 : f32 to vector<16xf32>
    %select_n3A_4308 = arith.select %eq3A_4305, %get3A_4301, %broadcast_in_dim3A_4307 : vector<16xi1>, vector<16xf32>
    %add3A_4309 = arith.addf %add3A_4294, %select_n3A_4308 : vector<16xf32>
    %get3A_4310 = arith.constant 2 : i32
    %get3A_4311 = arith.constant 4 : i32
    %get3A_4312 = arith.index_cast %get3A_4310 : i32 to index
    %get3A_4313 = arith.index_cast %get3A_4311 : i32 to index
    %get3A_4314 = arith.index_cast %mul3A_4237 : i32 to index
    %get3A_4315 = tpu.vector_load %arg7[%get3A_4312, %get3A_4313, %get3A_4314] {strides = array<i32>} : memref<8x8x1024xf32, #tpu.memory_space<vmem>>, vector<1x1x16xf32>,
    %get3A_4316 = vector.shape_cast %get3A_4315 : vector<1x1x16xf32> to vector<16xf32>
    %add3A_4317 = arith.constant 64 : i32
    %add3A_4318 = arith.addi %add3A_4317, %sub3A_4238 : i32
    %eq3A_4319 = vector.broadcast %add3A_4318 : i32 to vector<16xi32>
    %eq3A_4320 = arith.cmpi eq, %add3A_4249, %eq3A_4319 : vector<16xi32>
    %jit3A_4321 = arith.constant 0.000000e+00 : f32
    %broadcast_in_dim3A_4322 = vector.broadcast %jit3A_4321 : f32 to vector<16xf32>
    %select_n3A_4323 = arith.select %eq3A_4320, %get3A_4316, %broadcast_in_dim3A_4322 : vector<16xi1>, vector<16xf32>
    %add3A_4324 = arith.addf %add3A_4309, %select_n3A_4323 : vector<16xf32>
    %get3A_4325 = arith.constant 2 : i32
    %get3A_4326 = arith.constant 5 : i32
    %get3A_4327 = arith.index_cast %get3A_4325 : i32 to index
    %get3A_4328 = arith.index_cast %get3A_4326 : i32 to index
    %get3A_4329 = arith.index_cast %mul3A_4237 : i32 to index
    %get3A_4330 = tpu.vector_load %arg7[%get3A_4327, %get3A_4328, %get3A_4329] {strides = array<i32>} : memref<8x8x1024xf32, #tpu.memory_space<vmem>>, vector<1x1x16xf32>,
    %get3A_4331 = vector.shape_cast %get3A_4330 : vector<1x1x16xf32> to vector<16xf32>
    %add3A_4332 = arith.constant 80 : i32
    %add3A_4333 = arith.addi %add3A_4332, %sub3A_4238 : i32
    %eq3A_4334 = vector.broadcast %add3A_4333 : i32 to vector<16xi32>
    %eq3A_4335 = arith.cmpi eq, %add3A_4249, %eq3A_4334 : vector<16xi32>
    %jit3A_4336 = arith.constant 0.000000e+00 : f32
    %broadcast_in_dim3A_4337 = vector.broadcast %jit3A_4336 : f32 to vector<16xf32>
    %select_n3A_4338 = arith.select %eq3A_4335, %get3A_4331, %broadcast_in_dim3A_4337 : vector<16xi1>, vector<16xf32>
    %add3A_4339 = arith.addf %add3A_4324, %select_n3A_4338 : vector<16xf32>
    %get3A_4340 = arith.constant 2 : i32
    %get3A_4341 = arith.constant 6 : i32
    %get3A_4342 = arith.index_cast %get3A_4340 : i32 to index
    %get3A_4343 = arith.index_cast %get3A_4341 : i32 to index
    %get3A_4344 = arith.index_cast %mul3A_4237 : i32 to index
    %get3A_4345 = tpu.vector_load %arg7[%get3A_4342, %get3A_4343, %get3A_4344] {strides = array<i32>} : memref<8x8x1024xf32, #tpu.memory_space<vmem>>, vector<1x1x16xf32>,
    %get3A_4346 = vector.shape_cast %get3A_4345 : vector<1x1x16xf32> to vector<16xf32>
    %add3A_4347 = arith.constant 96 : i32
    %add3A_4348 = arith.addi %add3A_4347, %sub3A_4238 : i32
    %eq3A_4349 = vector.broadcast %add3A_4348 : i32 to vector<16xi32>
    %eq3A_4350 = arith.cmpi eq, %add3A_4249, %eq3A_4349 : vector<16xi32>
    %jit3A_4351 = arith.constant 0.000000e+00 : f32
    %broadcast_in_dim3A_4352 = vector.broadcast %jit3A_4351 : f32 to vector<16xf32>
    %select_n3A_4353 = arith.select %eq3A_4350, %get3A_4346, %broadcast_in_dim3A_4352 : vector<16xi1>, vector<16xf32>
    %add3A_4354 = arith.addf %add3A_4339, %select_n3A_4353 : vector<16xf32>
    %get3A_4355 = arith.constant 2 : i32
    %get3A_4356 = arith.constant 7 : i32
    %get3A_4357 = arith.index_cast %get3A_4355 : i32 to index
    %get3A_4358 = arith.index_cast %get3A_4356 : i32 to index
    %get3A_4359 = arith.index_cast %mul3A_4237 : i32 to index
    %get3A_4360 = tpu.vector_load %arg7[%get3A_4357, %get3A_4358, %get3A_4359] {strides = array<i32>} : memref<8x8x1024xf32, #tpu.memory_space<vmem>>, vector<1x1x16xf32>,
    %get3A_4361 = vector.shape_cast %get3A_4360 : vector<1x1x16xf32> to vector<16xf32>
    %add3A_4362 = arith.constant 112 : i32
    %add3A_4363 = arith.addi %add3A_4362, %sub3A_4238 : i32
    %eq3A_4364 = vector.broadcast %add3A_4363 : i32 to vector<16xi32>
    %eq3A_4365 = arith.cmpi eq, %add3A_4249, %eq3A_4364 : vector<16xi32>
    %jit3A_4366 = arith.constant 0.000000e+00 : f32
    %broadcast_in_dim3A_4367 = vector.broadcast %jit3A_4366 : f32 to vector<16xf32>
    %select_n3A_4368 = arith.select %eq3A_4365, %get3A_4361, %broadcast_in_dim3A_4367 : vector<16xi1>, vector<16xf32>
    %add3A_4369 = arith.addf %add3A_4354, %select_n3A_4368 : vector<16xf32>
    %add3A_4370 = arith.constant 27 : i32
    %add3A_4371 = arith.addi %mul3A_2, %add3A_4370 : i32
    %jit3A_4372 = arith.constant 16 : i32
    %div3A_4373 = arith.divsi %add3A_4371, %jit3A_4372 : i32
    %sign3A_4374 = arith.constant 0 : i32
    %sign3A_4375 = arith.cmpi sgt, %add3A_4371, %sign3A_4374 : i32
    %sign3A_4376 = arith.extui %sign3A_4375 : i1 to i32
    %sign3A_4377 = arith.constant 0 : i32
    %sign3A_4378 = arith.cmpi slt, %add3A_4371, %sign3A_4377 : i32
    %sign3A_4379 = arith.extui %sign3A_4378 : i1 to i32
    %sign3A_4380 = arith.subi %sign3A_4376, %sign3A_4379 : i32
    %sign3A_4381 = arith.constant 0 : i32
    %sign3A_4382 = arith.cmpi sgt, %jit3A_4372, %sign3A_4381 : i32
    %sign3A_4383 = arith.extui %sign3A_4382 : i1 to i32
    %sign3A_4384 = arith.constant 0 : i32
    %sign3A_4385 = arith.cmpi slt, %jit3A_4372, %sign3A_4384 : i32
    %sign3A_4386 = arith.extui %sign3A_4385 : i1 to i32
    %sign3A_4387 = arith.subi %sign3A_4383, %sign3A_4386 : i32
    %ne3A_4388 = arith.cmpi ne, %sign3A_4380, %sign3A_4387 : i32
    %rem3A_4389 = arith.remsi %add3A_4371, %jit3A_4372 : i32
    %ne3A_4390 = arith.constant 0 : i32
    %ne3A_4391 = arith.cmpi ne, %rem3A_4389, %ne3A_4390 : i32
    %and3A_4392 = arith.andi %ne3A_4388, %ne3A_4391 : i1
    %sub3A_4393 = arith.constant 1 : i32
    %sub3A_4394 = arith.subi %div3A_4373, %sub3A_4393 : i32
    %select_n3A_4395 = arith.select %and3A_4392, %sub3A_4394, %div3A_4373 : i32
    %mul3A_4396 = arith.constant 16 : i32
    %mul3A_4397 = arith.muli %select_n3A_4395, %mul3A_4396 : i32
    %sub3A_4398 = arith.subi %add3A_4371, %mul3A_4397 : i32
    %broadcast_in_dim3A_4399 = arith.constant 11 : i32
    %broadcast_in_dim3A_4400 = vector.broadcast %broadcast_in_dim3A_4399 : i32 to vector<16x1xi32>
    %gather3A_4401 = vector.shape_cast %broadcast_in_dim3A_4400 : vector<16x1xi32> to vector<16xi32>
    %gather3A_4402 = tpu.dynamic_gather %get3A_12[%gather3A_4401] in [0] : vector<16xi32>, vector<16xi32> -> vector<16xi32>
    %and3A_4403 = arith.constant 7 : i32
    %and3A_4404 = vector.broadcast %and3A_4403 : i32 to vector<16xi32>
    %and3A_4405 = arith.andi %gather3A_4402, %and3A_4404 : vector<16xi32>
    %mul3A_4406 = arith.constant 16 : i32
    %mul3A_4407 = vector.broadcast %mul3A_4406 : i32 to vector<16xi32>
    %mul3A_4408 = arith.muli %and3A_4405, %mul3A_4407 : vector<16xi32>
    %add3A_4409 = arith.addi %mul3A_4408, %iota3A : vector<16xi32>
    %get3A_4410 = arith.constant 3 : i32
    %get3A_4411 = arith.constant 0 : i32
    %get3A_4412 = arith.index_cast %get3A_4410 : i32 to index
    %get3A_4413 = arith.index_cast %get3A_4411 : i32 to index
    %get3A_4414 = arith.index_cast %mul3A_4397 : i32 to index
    %get3A_4415 = tpu.vector_load %arg7[%get3A_4412, %get3A_4413, %get3A_4414] {strides = array<i32>} : memref<8x8x1024xf32, #tpu.memory_space<vmem>>, vector<1x1x16xf32>,
    %get3A_4416 = vector.shape_cast %get3A_4415 : vector<1x1x16xf32> to vector<16xf32>
    %add3A_4417 = arith.constant 0 : i32
    %add3A_4418 = arith.addi %add3A_4417, %sub3A_4398 : i32
    %eq3A_4419 = vector.broadcast %add3A_4418 : i32 to vector<16xi32>
    %eq3A_4420 = arith.cmpi eq, %add3A_4409, %eq3A_4419 : vector<16xi32>
    %jit3A_4421 = arith.constant 0.000000e+00 : f32
    %broadcast_in_dim3A_4422 = vector.broadcast %jit3A_4421 : f32 to vector<16xf32>
    %select_n3A_4423 = arith.select %eq3A_4420, %get3A_4416, %broadcast_in_dim3A_4422 : vector<16xi1>, vector<16xf32>
    %add3A_4424 = arith.addf %add3A_4369, %select_n3A_4423 : vector<16xf32>
    %get3A_4425 = arith.constant 3 : i32
    %get3A_4426 = arith.constant 1 : i32
    %get3A_4427 = arith.index_cast %get3A_4425 : i32 to index
    %get3A_4428 = arith.index_cast %get3A_4426 : i32 to index
    %get3A_4429 = arith.index_cast %mul3A_4397 : i32 to index
    %get3A_4430 = tpu.vector_load %arg7[%get3A_4427, %get3A_4428, %get3A_4429] {strides = array<i32>} : memref<8x8x1024xf32, #tpu.memory_space<vmem>>, vector<1x1x16xf32>,
    %get3A_4431 = vector.shape_cast %get3A_4430 : vector<1x1x16xf32> to vector<16xf32>
    %add3A_4432 = arith.constant 16 : i32
    %add3A_4433 = arith.addi %add3A_4432, %sub3A_4398 : i32
    %eq3A_4434 = vector.broadcast %add3A_4433 : i32 to vector<16xi32>
    %eq3A_4435 = arith.cmpi eq, %add3A_4409, %eq3A_4434 : vector<16xi32>
    %jit3A_4436 = arith.constant 0.000000e+00 : f32
    %broadcast_in_dim3A_4437 = vector.broadcast %jit3A_4436 : f32 to vector<16xf32>
    %select_n3A_4438 = arith.select %eq3A_4435, %get3A_4431, %broadcast_in_dim3A_4437 : vector<16xi1>, vector<16xf32>
    %add3A_4439 = arith.addf %add3A_4424, %select_n3A_4438 : vector<16xf32>
    %get3A_4440 = arith.constant 3 : i32
    %get3A_4441 = arith.constant 2 : i32
    %get3A_4442 = arith.index_cast %get3A_4440 : i32 to index
    %get3A_4443 = arith.index_cast %get3A_4441 : i32 to index
    %get3A_4444 = arith.index_cast %mul3A_4397 : i32 to index
    %get3A_4445 = tpu.vector_load %arg7[%get3A_4442, %get3A_4443, %get3A_4444] {strides = array<i32>} : memref<8x8x1024xf32, #tpu.memory_space<vmem>>, vector<1x1x16xf32>,
    %get3A_4446 = vector.shape_cast %get3A_4445 : vector<1x1x16xf32> to vector<16xf32>
    %add3A_4447 = arith.constant 32 : i32
    %add3A_4448 = arith.addi %add3A_4447, %sub3A_4398 : i32
    %eq3A_4449 = vector.broadcast %add3A_4448 : i32 to vector<16xi32>
    %eq3A_4450 = arith.cmpi eq, %add3A_4409, %eq3A_4449 : vector<16xi32>
    %jit3A_4451 = arith.constant 0.000000e+00 : f32
    %broadcast_in_dim3A_4452 = vector.broadcast %jit3A_4451 : f32 to vector<16xf32>
    %select_n3A_4453 = arith.select %eq3A_4450, %get3A_4446, %broadcast_in_dim3A_4452 : vector<16xi1>, vector<16xf32>
    %add3A_4454 = arith.addf %add3A_4439, %select_n3A_4453 : vector<16xf32>
    %get3A_4455 = arith.constant 3 : i32
    %get3A_4456 = arith.constant 3 : i32
    %get3A_4457 = arith.index_cast %get3A_4455 : i32 to index
    %get3A_4458 = arith.index_cast %get3A_4456 : i32 to index
    %get3A_4459 = arith.index_cast %mul3A_4397 : i32 to index
    %get3A_4460 = tpu.vector_load %arg7[%get3A_4457, %get3A_4458, %get3A_4459] {strides = array<i32>} : memref<8x8x1024xf32, #tpu.memory_space<vmem>>, vector<1x1x16xf32>,
    %get3A_4461 = vector.shape_cast %get3A_4460 : vector<1x1x16xf32> to vector<16xf32>
    %add3A_4462 = arith.constant 48 : i32
    %add3A_4463 = arith.addi %add3A_4462, %sub3A_4398 : i32
    %eq3A_4464 = vector.broadcast %add3A_4463 : i32 to vector<16xi32>
    %eq3A_4465 = arith.cmpi eq, %add3A_4409, %eq3A_4464 : vector<16xi32>
    %jit3A_4466 = arith.constant 0.000000e+00 : f32
    %broadcast_in_dim3A_4467 = vector.broadcast %jit3A_4466 : f32 to vector<16xf32>
    %select_n3A_4468 = arith.select %eq3A_4465, %get3A_4461, %broadcast_in_dim3A_4467 : vector<16xi1>, vector<16xf32>
    %add3A_4469 = arith.addf %add3A_4454, %select_n3A_4468 : vector<16xf32>
    %get3A_4470 = arith.constant 3 : i32
    %get3A_4471 = arith.constant 4 : i32
    %get3A_4472 = arith.index_cast %get3A_4470 : i32 to index
    %get3A_4473 = arith.index_cast %get3A_4471 : i32 to index
    %get3A_4474 = arith.index_cast %mul3A_4397 : i32 to index
    %get3A_4475 = tpu.vector_load %arg7[%get3A_4472, %get3A_4473, %get3A_4474] {strides = array<i32>} : memref<8x8x1024xf32, #tpu.memory_space<vmem>>, vector<1x1x16xf32>,
    %get3A_4476 = vector.shape_cast %get3A_4475 : vector<1x1x16xf32> to vector<16xf32>
    %add3A_4477 = arith.constant 64 : i32
    %add3A_4478 = arith.addi %add3A_4477, %sub3A_4398 : i32
    %eq3A_4479 = vector.broadcast %add3A_4478 : i32 to vector<16xi32>
    %eq3A_4480 = arith.cmpi eq, %add3A_4409, %eq3A_4479 : vector<16xi32>
    %jit3A_4481 = arith.constant 0.000000e+00 : f32
    %broadcast_in_dim3A_4482 = vector.broadcast %jit3A_4481 : f32 to vector<16xf32>
    %select_n3A_4483 = arith.select %eq3A_4480, %get3A_4476, %broadcast_in_dim3A_4482 : vector<16xi1>, vector<16xf32>
    %add3A_4484 = arith.addf %add3A_4469, %select_n3A_4483 : vector<16xf32>
    %get3A_4485 = arith.constant 3 : i32
    %get3A_4486 = arith.constant 5 : i32
    %get3A_4487 = arith.index_cast %get3A_4485 : i32 to index
    %get3A_4488 = arith.index_cast %get3A_4486 : i32 to index
    %get3A_4489 = arith.index_cast %mul3A_4397 : i32 to index
    %get3A_4490 = tpu.vector_load %arg7[%get3A_4487, %get3A_4488, %get3A_4489] {strides = array<i32>} : memref<8x8x1024xf32, #tpu.memory_space<vmem>>, vector<1x1x16xf32>,
    %get3A_4491 = vector.shape_cast %get3A_4490 : vector<1x1x16xf32> to vector<16xf32>
    %add3A_4492 = arith.constant 80 : i32
    %add3A_4493 = arith.addi %add3A_4492, %sub3A_4398 : i32
    %eq3A_4494 = vector.broadcast %add3A_4493 : i32 to vector<16xi32>
    %eq3A_4495 = arith.cmpi eq, %add3A_4409, %eq3A_4494 : vector<16xi32>
    %jit3A_4496 = arith.constant 0.000000e+00 : f32
    %broadcast_in_dim3A_4497 = vector.broadcast %jit3A_4496 : f32 to vector<16xf32>
    %select_n3A_4498 = arith.select %eq3A_4495, %get3A_4491, %broadcast_in_dim3A_4497 : vector<16xi1>, vector<16xf32>
    %add3A_4499 = arith.addf %add3A_4484, %select_n3A_4498 : vector<16xf32>
    %get3A_4500 = arith.constant 3 : i32
    %get3A_4501 = arith.constant 6 : i32
    %get3A_4502 = arith.index_cast %get3A_4500 : i32 to index
    %get3A_4503 = arith.index_cast %get3A_4501 : i32 to index
    %get3A_4504 = arith.index_cast %mul3A_4397 : i32 to index
    %get3A_4505 = tpu.vector_load %arg7[%get3A_4502, %get3A_4503, %get3A_4504] {strides = array<i32>} : memref<8x8x1024xf32, #tpu.memory_space<vmem>>, vector<1x1x16xf32>,
    %get3A_4506 = vector.shape_cast %get3A_4505 : vector<1x1x16xf32> to vector<16xf32>
    %add3A_4507 = arith.constant 96 : i32
    %add3A_4508 = arith.addi %add3A_4507, %sub3A_4398 : i32
    %eq3A_4509 = vector.broadcast %add3A_4508 : i32 to vector<16xi32>
    %eq3A_4510 = arith.cmpi eq, %add3A_4409, %eq3A_4509 : vector<16xi32>
    %jit3A_4511 = arith.constant 0.000000e+00 : f32
    %broadcast_in_dim3A_4512 = vector.broadcast %jit3A_4511 : f32 to vector<16xf32>
    %select_n3A_4513 = arith.select %eq3A_4510, %get3A_4506, %broadcast_in_dim3A_4512 : vector<16xi1>, vector<16xf32>
    %add3A_4514 = arith.addf %add3A_4499, %select_n3A_4513 : vector<16xf32>
    %get3A_4515 = arith.constant 3 : i32
    %get3A_4516 = arith.constant 7 : i32
    %get3A_4517 = arith.index_cast %get3A_4515 : i32 to index
    %get3A_4518 = arith.index_cast %get3A_4516 : i32 to index
    %get3A_4519 = arith.index_cast %mul3A_4397 : i32 to index
    %get3A_4520 = tpu.vector_load %arg7[%get3A_4517, %get3A_4518, %get3A_4519] {strides = array<i32>} : memref<8x8x1024xf32, #tpu.memory_space<vmem>>, vector<1x1x16xf32>,
    %get3A_4521 = vector.shape_cast %get3A_4520 : vector<1x1x16xf32> to vector<16xf32>
    %add3A_4522 = arith.constant 112 : i32
    %add3A_4523 = arith.addi %add3A_4522, %sub3A_4398 : i32
    %eq3A_4524 = vector.broadcast %add3A_4523 : i32 to vector<16xi32>
    %eq3A_4525 = arith.cmpi eq, %add3A_4409, %eq3A_4524 : vector<16xi32>
    %jit3A_4526 = arith.constant 0.000000e+00 : f32
    %broadcast_in_dim3A_4527 = vector.broadcast %jit3A_4526 : f32 to vector<16xf32>
    %select_n3A_4528 = arith.select %eq3A_4525, %get3A_4521, %broadcast_in_dim3A_4527 : vector<16xi1>, vector<16xf32>
    %add3A_4529 = arith.addf %add3A_4514, %select_n3A_4528 : vector<16xf32>
    %add3A_4530 = arith.constant 28 : i32
    %add3A_4531 = arith.addi %mul3A_2, %add3A_4530 : i32
    %jit3A_4532 = arith.constant 16 : i32
    %div3A_4533 = arith.divsi %add3A_4531, %jit3A_4532 : i32
    %sign3A_4534 = arith.constant 0 : i32
    %sign3A_4535 = arith.cmpi sgt, %add3A_4531, %sign3A_4534 : i32
    %sign3A_4536 = arith.extui %sign3A_4535 : i1 to i32
    %sign3A_4537 = arith.constant 0 : i32
    %sign3A_4538 = arith.cmpi slt, %add3A_4531, %sign3A_4537 : i32
    %sign3A_4539 = arith.extui %sign3A_4538 : i1 to i32
    %sign3A_4540 = arith.subi %sign3A_4536, %sign3A_4539 : i32
    %sign3A_4541 = arith.constant 0 : i32
    %sign3A_4542 = arith.cmpi sgt, %jit3A_4532, %sign3A_4541 : i32
    %sign3A_4543 = arith.extui %sign3A_4542 : i1 to i32
    %sign3A_4544 = arith.constant 0 : i32
    %sign3A_4545 = arith.cmpi slt, %jit3A_4532, %sign3A_4544 : i32
    %sign3A_4546 = arith.extui %sign3A_4545 : i1 to i32
    %sign3A_4547 = arith.subi %sign3A_4543, %sign3A_4546 : i32
    %ne3A_4548 = arith.cmpi ne, %sign3A_4540, %sign3A_4547 : i32
    %rem3A_4549 = arith.remsi %add3A_4531, %jit3A_4532 : i32
    %ne3A_4550 = arith.constant 0 : i32
    %ne3A_4551 = arith.cmpi ne, %rem3A_4549, %ne3A_4550 : i32
    %and3A_4552 = arith.andi %ne3A_4548, %ne3A_4551 : i1
    %sub3A_4553 = arith.constant 1 : i32
    %sub3A_4554 = arith.subi %div3A_4533, %sub3A_4553 : i32
    %select_n3A_4555 = arith.select %and3A_4552, %sub3A_4554, %div3A_4533 : i32
    %mul3A_4556 = arith.constant 16 : i32
    %mul3A_4557 = arith.muli %select_n3A_4555, %mul3A_4556 : i32
    %sub3A_4558 = arith.subi %add3A_4531, %mul3A_4557 : i32
    %broadcast_in_dim3A_4559 = arith.constant 12 : i32
    %broadcast_in_dim3A_4560 = vector.broadcast %broadcast_in_dim3A_4559 : i32 to vector<16x1xi32>
    %gather3A_4561 = vector.shape_cast %broadcast_in_dim3A_4560 : vector<16x1xi32> to vector<16xi32>
    %gather3A_4562 = tpu.dynamic_gather %get3A_12[%gather3A_4561] in [0] : vector<16xi32>, vector<16xi32> -> vector<16xi32>
    %and3A_4563 = arith.constant 7 : i32
    %and3A_4564 = vector.broadcast %and3A_4563 : i32 to vector<16xi32>
    %and3A_4565 = arith.andi %gather3A_4562, %and3A_4564 : vector<16xi32>
    %mul3A_4566 = arith.constant 16 : i32
    %mul3A_4567 = vector.broadcast %mul3A_4566 : i32 to vector<16xi32>
    %mul3A_4568 = arith.muli %and3A_4565, %mul3A_4567 : vector<16xi32>
    %add3A_4569 = arith.addi %mul3A_4568, %iota3A : vector<16xi32>
    %get3A_4570 = arith.constant 4 : i32
    %get3A_4571 = arith.constant 0 : i32
    %get3A_4572 = arith.index_cast %get3A_4570 : i32 to index
    %get3A_4573 = arith.index_cast %get3A_4571 : i32 to index
    %get3A_4574 = arith.index_cast %mul3A_4557 : i32 to index
    %get3A_4575 = tpu.vector_load %arg7[%get3A_4572, %get3A_4573, %get3A_4574] {strides = array<i32>} : memref<8x8x1024xf32, #tpu.memory_space<vmem>>, vector<1x1x16xf32>,
    %get3A_4576 = vector.shape_cast %get3A_4575 : vector<1x1x16xf32> to vector<16xf32>
    %add3A_4577 = arith.constant 0 : i32
    %add3A_4578 = arith.addi %add3A_4577, %sub3A_4558 : i32
    %eq3A_4579 = vector.broadcast %add3A_4578 : i32 to vector<16xi32>
    %eq3A_4580 = arith.cmpi eq, %add3A_4569, %eq3A_4579 : vector<16xi32>
    %jit3A_4581 = arith.constant 0.000000e+00 : f32
    %broadcast_in_dim3A_4582 = vector.broadcast %jit3A_4581 : f32 to vector<16xf32>
    %select_n3A_4583 = arith.select %eq3A_4580, %get3A_4576, %broadcast_in_dim3A_4582 : vector<16xi1>, vector<16xf32>
    %add3A_4584 = arith.addf %add3A_4529, %select_n3A_4583 : vector<16xf32>
    %get3A_4585 = arith.constant 4 : i32
    %get3A_4586 = arith.constant 1 : i32
    %get3A_4587 = arith.index_cast %get3A_4585 : i32 to index
    %get3A_4588 = arith.index_cast %get3A_4586 : i32 to index
    %get3A_4589 = arith.index_cast %mul3A_4557 : i32 to index
    %get3A_4590 = tpu.vector_load %arg7[%get3A_4587, %get3A_4588, %get3A_4589] {strides = array<i32>} : memref<8x8x1024xf32, #tpu.memory_space<vmem>>, vector<1x1x16xf32>,
    %get3A_4591 = vector.shape_cast %get3A_4590 : vector<1x1x16xf32> to vector<16xf32>
    %add3A_4592 = arith.constant 16 : i32
    %add3A_4593 = arith.addi %add3A_4592, %sub3A_4558 : i32
    %eq3A_4594 = vector.broadcast %add3A_4593 : i32 to vector<16xi32>
    %eq3A_4595 = arith.cmpi eq, %add3A_4569, %eq3A_4594 : vector<16xi32>
    %jit3A_4596 = arith.constant 0.000000e+00 : f32
    %broadcast_in_dim3A_4597 = vector.broadcast %jit3A_4596 : f32 to vector<16xf32>
    %select_n3A_4598 = arith.select %eq3A_4595, %get3A_4591, %broadcast_in_dim3A_4597 : vector<16xi1>, vector<16xf32>
    %add3A_4599 = arith.addf %add3A_4584, %select_n3A_4598 : vector<16xf32>
    %get3A_4600 = arith.constant 4 : i32
    %get3A_4601 = arith.constant 2 : i32
    %get3A_4602 = arith.index_cast %get3A_4600 : i32 to index
    %get3A_4603 = arith.index_cast %get3A_4601 : i32 to index
    %get3A_4604 = arith.index_cast %mul3A_4557 : i32 to index
    %get3A_4605 = tpu.vector_load %arg7[%get3A_4602, %get3A_4603, %get3A_4604] {strides = array<i32>} : memref<8x8x1024xf32, #tpu.memory_space<vmem>>, vector<1x1x16xf32>,
    %get3A_4606 = vector.shape_cast %get3A_4605 : vector<1x1x16xf32> to vector<16xf32>
    %add3A_4607 = arith.constant 32 : i32
    %add3A_4608 = arith.addi %add3A_4607, %sub3A_4558 : i32
    %eq3A_4609 = vector.broadcast %add3A_4608 : i32 to vector<16xi32>
    %eq3A_4610 = arith.cmpi eq, %add3A_4569, %eq3A_4609 : vector<16xi32>
    %jit3A_4611 = arith.constant 0.000000e+00 : f32
    %broadcast_in_dim3A_4612 = vector.broadcast %jit3A_4611 : f32 to vector<16xf32>
    %select_n3A_4613 = arith.select %eq3A_4610, %get3A_4606, %broadcast_in_dim3A_4612 : vector<16xi1>, vector<16xf32>
    %add3A_4614 = arith.addf %add3A_4599, %select_n3A_4613 : vector<16xf32>
    %get3A_4615 = arith.constant 4 : i32
    %get3A_4616 = arith.constant 3 : i32
    %get3A_4617 = arith.index_cast %get3A_4615 : i32 to index
    %get3A_4618 = arith.index_cast %get3A_4616 : i32 to index
    %get3A_4619 = arith.index_cast %mul3A_4557 : i32 to index
    %get3A_4620 = tpu.vector_load %arg7[%get3A_4617, %get3A_4618, %get3A_4619] {strides = array<i32>} : memref<8x8x1024xf32, #tpu.memory_space<vmem>>, vector<1x1x16xf32>,
    %get3A_4621 = vector.shape_cast %get3A_4620 : vector<1x1x16xf32> to vector<16xf32>
    %add3A_4622 = arith.constant 48 : i32
    %add3A_4623 = arith.addi %add3A_4622, %sub3A_4558 : i32
    %eq3A_4624 = vector.broadcast %add3A_4623 : i32 to vector<16xi32>
    %eq3A_4625 = arith.cmpi eq, %add3A_4569, %eq3A_4624 : vector<16xi32>
    %jit3A_4626 = arith.constant 0.000000e+00 : f32
    %broadcast_in_dim3A_4627 = vector.broadcast %jit3A_4626 : f32 to vector<16xf32>
    %select_n3A_4628 = arith.select %eq3A_4625, %get3A_4621, %broadcast_in_dim3A_4627 : vector<16xi1>, vector<16xf32>
    %add3A_4629 = arith.addf %add3A_4614, %select_n3A_4628 : vector<16xf32>
    %get3A_4630 = arith.constant 4 : i32
    %get3A_4631 = arith.constant 4 : i32
    %get3A_4632 = arith.index_cast %get3A_4630 : i32 to index
    %get3A_4633 = arith.index_cast %get3A_4631 : i32 to index
    %get3A_4634 = arith.index_cast %mul3A_4557 : i32 to index
    %get3A_4635 = tpu.vector_load %arg7[%get3A_4632, %get3A_4633, %get3A_4634] {strides = array<i32>} : memref<8x8x1024xf32, #tpu.memory_space<vmem>>, vector<1x1x16xf32>,
    %get3A_4636 = vector.shape_cast %get3A_4635 : vector<1x1x16xf32> to vector<16xf32>
    %add3A_4637 = arith.constant 64 : i32
    %add3A_4638 = arith.addi %add3A_4637, %sub3A_4558 : i32
    %eq3A_4639 = vector.broadcast %add3A_4638 : i32 to vector<16xi32>
    %eq3A_4640 = arith.cmpi eq, %add3A_4569, %eq3A_4639 : vector<16xi32>
    %jit3A_4641 = arith.constant 0.000000e+00 : f32
    %broadcast_in_dim3A_4642 = vector.broadcast %jit3A_4641 : f32 to vector<16xf32>
    %select_n3A_4643 = arith.select %eq3A_4640, %get3A_4636, %broadcast_in_dim3A_4642 : vector<16xi1>, vector<16xf32>
    %add3A_4644 = arith.addf %add3A_4629, %select_n3A_4643 : vector<16xf32>
    %get3A_4645 = arith.constant 4 : i32
    %get3A_4646 = arith.constant 5 : i32
    %get3A_4647 = arith.index_cast %get3A_4645 : i32 to index
    %get3A_4648 = arith.index_cast %get3A_4646 : i32 to index
    %get3A_4649 = arith.index_cast %mul3A_4557 : i32 to index
    %get3A_4650 = tpu.vector_load %arg7[%get3A_4647, %get3A_4648, %get3A_4649] {strides = array<i32>} : memref<8x8x1024xf32, #tpu.memory_space<vmem>>, vector<1x1x16xf32>,
    %get3A_4651 = vector.shape_cast %get3A_4650 : vector<1x1x16xf32> to vector<16xf32>
    %add3A_4652 = arith.constant 80 : i32
    %add3A_4653 = arith.addi %add3A_4652, %sub3A_4558 : i32
    %eq3A_4654 = vector.broadcast %add3A_4653 : i32 to vector<16xi32>
    %eq3A_4655 = arith.cmpi eq, %add3A_4569, %eq3A_4654 : vector<16xi32>
    %jit3A_4656 = arith.constant 0.000000e+00 : f32
    %broadcast_in_dim3A_4657 = vector.broadcast %jit3A_4656 : f32 to vector<16xf32>
    %select_n3A_4658 = arith.select %eq3A_4655, %get3A_4651, %broadcast_in_dim3A_4657 : vector<16xi1>, vector<16xf32>
    %add3A_4659 = arith.addf %add3A_4644, %select_n3A_4658 : vector<16xf32>
    %get3A_4660 = arith.constant 4 : i32
    %get3A_4661 = arith.constant 6 : i32
    %get3A_4662 = arith.index_cast %get3A_4660 : i32 to index
    %get3A_4663 = arith.index_cast %get3A_4661 : i32 to index
    %get3A_4664 = arith.index_cast %mul3A_4557 : i32 to index
    %get3A_4665 = tpu.vector_load %arg7[%get3A_4662, %get3A_4663, %get3A_4664] {strides = array<i32>} : memref<8x8x1024xf32, #tpu.memory_space<vmem>>, vector<1x1x16xf32>,
    %get3A_4666 = vector.shape_cast %get3A_4665 : vector<1x1x16xf32> to vector<16xf32>
    %add3A_4667 = arith.constant 96 : i32
    %add3A_4668 = arith.addi %add3A_4667, %sub3A_4558 : i32
    %eq3A_4669 = vector.broadcast %add3A_4668 : i32 to vector<16xi32>
    %eq3A_4670 = arith.cmpi eq, %add3A_4569, %eq3A_4669 : vector<16xi32>
    %jit3A_4671 = arith.constant 0.000000e+00 : f32
    %broadcast_in_dim3A_4672 = vector.broadcast %jit3A_4671 : f32 to vector<16xf32>
    %select_n3A_4673 = arith.select %eq3A_4670, %get3A_4666, %broadcast_in_dim3A_4672 : vector<16xi1>, vector<16xf32>
    %add3A_4674 = arith.addf %add3A_4659, %select_n3A_4673 : vector<16xf32>
    %get3A_4675 = arith.constant 4 : i32
    %get3A_4676 = arith.constant 7 : i32
    %get3A_4677 = arith.index_cast %get3A_4675 : i32 to index
    %get3A_4678 = arith.index_cast %get3A_4676 : i32 to index
    %get3A_4679 = arith.index_cast %mul3A_4557 : i32 to index
    %get3A_4680 = tpu.vector_load %arg7[%get3A_4677, %get3A_4678, %get3A_4679] {strides = array<i32>} : memref<8x8x1024xf32, #tpu.memory_space<vmem>>, vector<1x1x16xf32>,
    %get3A_4681 = vector.shape_cast %get3A_4680 : vector<1x1x16xf32> to vector<16xf32>
    %add3A_4682 = arith.constant 112 : i32
    %add3A_4683 = arith.addi %add3A_4682, %sub3A_4558 : i32
    %eq3A_4684 = vector.broadcast %add3A_4683 : i32 to vector<16xi32>
    %eq3A_4685 = arith.cmpi eq, %add3A_4569, %eq3A_4684 : vector<16xi32>
    %jit3A_4686 = arith.constant 0.000000e+00 : f32
    %broadcast_in_dim3A_4687 = vector.broadcast %jit3A_4686 : f32 to vector<16xf32>
    %select_n3A_4688 = arith.select %eq3A_4685, %get3A_4681, %broadcast_in_dim3A_4687 : vector<16xi1>, vector<16xf32>
    %add3A_4689 = arith.addf %add3A_4674, %select_n3A_4688 : vector<16xf32>
    %add3A_4690 = arith.constant 29 : i32
    %add3A_4691 = arith.addi %mul3A_2, %add3A_4690 : i32
    %jit3A_4692 = arith.constant 16 : i32
    %div3A_4693 = arith.divsi %add3A_4691, %jit3A_4692 : i32
    %sign3A_4694 = arith.constant 0 : i32
    %sign3A_4695 = arith.cmpi sgt, %add3A_4691, %sign3A_4694 : i32
    %sign3A_4696 = arith.extui %sign3A_4695 : i1 to i32
    %sign3A_4697 = arith.constant 0 : i32
    %sign3A_4698 = arith.cmpi slt, %add3A_4691, %sign3A_4697 : i32
    %sign3A_4699 = arith.extui %sign3A_4698 : i1 to i32
    %sign3A_4700 = arith.subi %sign3A_4696, %sign3A_4699 : i32
    %sign3A_4701 = arith.constant 0 : i32
    %sign3A_4702 = arith.cmpi sgt, %jit3A_4692, %sign3A_4701 : i32
    %sign3A_4703 = arith.extui %sign3A_4702 : i1 to i32
    %sign3A_4704 = arith.constant 0 : i32
    %sign3A_4705 = arith.cmpi slt, %jit3A_4692, %sign3A_4704 : i32
    %sign3A_4706 = arith.extui %sign3A_4705 : i1 to i32
    %sign3A_4707 = arith.subi %sign3A_4703, %sign3A_4706 : i32
    %ne3A_4708 = arith.cmpi ne, %sign3A_4700, %sign3A_4707 : i32
    %rem3A_4709 = arith.remsi %add3A_4691, %jit3A_4692 : i32
    %ne3A_4710 = arith.constant 0 : i32
    %ne3A_4711 = arith.cmpi ne, %rem3A_4709, %ne3A_4710 : i32
    %and3A_4712 = arith.andi %ne3A_4708, %ne3A_4711 : i1
    %sub3A_4713 = arith.constant 1 : i32
    %sub3A_4714 = arith.subi %div3A_4693, %sub3A_4713 : i32
    %select_n3A_4715 = arith.select %and3A_4712, %sub3A_4714, %div3A_4693 : i32
    %mul3A_4716 = arith.constant 16 : i32
    %mul3A_4717 = arith.muli %select_n3A_4715, %mul3A_4716 : i32
    %sub3A_4718 = arith.subi %add3A_4691, %mul3A_4717 : i32
    %broadcast_in_dim3A_4719 = arith.constant 13 : i32
    %broadcast_in_dim3A_4720 = vector.broadcast %broadcast_in_dim3A_4719 : i32 to vector<16x1xi32>
    %gather3A_4721 = vector.shape_cast %broadcast_in_dim3A_4720 : vector<16x1xi32> to vector<16xi32>
    %gather3A_4722 = tpu.dynamic_gather %get3A_12[%gather3A_4721] in [0] : vector<16xi32>, vector<16xi32> -> vector<16xi32>
    %and3A_4723 = arith.constant 7 : i32
    %and3A_4724 = vector.broadcast %and3A_4723 : i32 to vector<16xi32>
    %and3A_4725 = arith.andi %gather3A_4722, %and3A_4724 : vector<16xi32>
    %mul3A_4726 = arith.constant 16 : i32
    %mul3A_4727 = vector.broadcast %mul3A_4726 : i32 to vector<16xi32>
    %mul3A_4728 = arith.muli %and3A_4725, %mul3A_4727 : vector<16xi32>
    %add3A_4729 = arith.addi %mul3A_4728, %iota3A : vector<16xi32>
    %get3A_4730 = arith.constant 5 : i32
    %get3A_4731 = arith.constant 0 : i32
    %get3A_4732 = arith.index_cast %get3A_4730 : i32 to index
    %get3A_4733 = arith.index_cast %get3A_4731 : i32 to index
    %get3A_4734 = arith.index_cast %mul3A_4717 : i32 to index
    %get3A_4735 = tpu.vector_load %arg7[%get3A_4732, %get3A_4733, %get3A_4734] {strides = array<i32>} : memref<8x8x1024xf32, #tpu.memory_space<vmem>>, vector<1x1x16xf32>,
    %get3A_4736 = vector.shape_cast %get3A_4735 : vector<1x1x16xf32> to vector<16xf32>
    %add3A_4737 = arith.constant 0 : i32
    %add3A_4738 = arith.addi %add3A_4737, %sub3A_4718 : i32
    %eq3A_4739 = vector.broadcast %add3A_4738 : i32 to vector<16xi32>
    %eq3A_4740 = arith.cmpi eq, %add3A_4729, %eq3A_4739 : vector<16xi32>
    %jit3A_4741 = arith.constant 0.000000e+00 : f32
    %broadcast_in_dim3A_4742 = vector.broadcast %jit3A_4741 : f32 to vector<16xf32>
    %select_n3A_4743 = arith.select %eq3A_4740, %get3A_4736, %broadcast_in_dim3A_4742 : vector<16xi1>, vector<16xf32>
    %add3A_4744 = arith.addf %add3A_4689, %select_n3A_4743 : vector<16xf32>
    %get3A_4745 = arith.constant 5 : i32
    %get3A_4746 = arith.constant 1 : i32
    %get3A_4747 = arith.index_cast %get3A_4745 : i32 to index
    %get3A_4748 = arith.index_cast %get3A_4746 : i32 to index
    %get3A_4749 = arith.index_cast %mul3A_4717 : i32 to index
    %get3A_4750 = tpu.vector_load %arg7[%get3A_4747, %get3A_4748, %get3A_4749] {strides = array<i32>} : memref<8x8x1024xf32, #tpu.memory_space<vmem>>, vector<1x1x16xf32>,
    %get3A_4751 = vector.shape_cast %get3A_4750 : vector<1x1x16xf32> to vector<16xf32>
    %add3A_4752 = arith.constant 16 : i32
    %add3A_4753 = arith.addi %add3A_4752, %sub3A_4718 : i32
    %eq3A_4754 = vector.broadcast %add3A_4753 : i32 to vector<16xi32>
    %eq3A_4755 = arith.cmpi eq, %add3A_4729, %eq3A_4754 : vector<16xi32>
    %jit3A_4756 = arith.constant 0.000000e+00 : f32
    %broadcast_in_dim3A_4757 = vector.broadcast %jit3A_4756 : f32 to vector<16xf32>
    %select_n3A_4758 = arith.select %eq3A_4755, %get3A_4751, %broadcast_in_dim3A_4757 : vector<16xi1>, vector<16xf32>
    %add3A_4759 = arith.addf %add3A_4744, %select_n3A_4758 : vector<16xf32>
    %get3A_4760 = arith.constant 5 : i32
    %get3A_4761 = arith.constant 2 : i32
    %get3A_4762 = arith.index_cast %get3A_4760 : i32 to index
    %get3A_4763 = arith.index_cast %get3A_4761 : i32 to index
    %get3A_4764 = arith.index_cast %mul3A_4717 : i32 to index
    %get3A_4765 = tpu.vector_load %arg7[%get3A_4762, %get3A_4763, %get3A_4764] {strides = array<i32>} : memref<8x8x1024xf32, #tpu.memory_space<vmem>>, vector<1x1x16xf32>,
    %get3A_4766 = vector.shape_cast %get3A_4765 : vector<1x1x16xf32> to vector<16xf32>
    %add3A_4767 = arith.constant 32 : i32
    %add3A_4768 = arith.addi %add3A_4767, %sub3A_4718 : i32
    %eq3A_4769 = vector.broadcast %add3A_4768 : i32 to vector<16xi32>
    %eq3A_4770 = arith.cmpi eq, %add3A_4729, %eq3A_4769 : vector<16xi32>
    %jit3A_4771 = arith.constant 0.000000e+00 : f32
    %broadcast_in_dim3A_4772 = vector.broadcast %jit3A_4771 : f32 to vector<16xf32>
    %select_n3A_4773 = arith.select %eq3A_4770, %get3A_4766, %broadcast_in_dim3A_4772 : vector<16xi1>, vector<16xf32>
    %add3A_4774 = arith.addf %add3A_4759, %select_n3A_4773 : vector<16xf32>
    %get3A_4775 = arith.constant 5 : i32
    %get3A_4776 = arith.constant 3 : i32
    %get3A_4777 = arith.index_cast %get3A_4775 : i32 to index
    %get3A_4778 = arith.index_cast %get3A_4776 : i32 to index
    %get3A_4779 = arith.index_cast %mul3A_4717 : i32 to index
    %get3A_4780 = tpu.vector_load %arg7[%get3A_4777, %get3A_4778, %get3A_4779] {strides = array<i32>} : memref<8x8x1024xf32, #tpu.memory_space<vmem>>, vector<1x1x16xf32>,
    %get3A_4781 = vector.shape_cast %get3A_4780 : vector<1x1x16xf32> to vector<16xf32>
    %add3A_4782 = arith.constant 48 : i32
    %add3A_4783 = arith.addi %add3A_4782, %sub3A_4718 : i32
    %eq3A_4784 = vector.broadcast %add3A_4783 : i32 to vector<16xi32>
    %eq3A_4785 = arith.cmpi eq, %add3A_4729, %eq3A_4784 : vector<16xi32>
    %jit3A_4786 = arith.constant 0.000000e+00 : f32
    %broadcast_in_dim3A_4787 = vector.broadcast %jit3A_4786 : f32 to vector<16xf32>
    %select_n3A_4788 = arith.select %eq3A_4785, %get3A_4781, %broadcast_in_dim3A_4787 : vector<16xi1>, vector<16xf32>
    %add3A_4789 = arith.addf %add3A_4774, %select_n3A_4788 : vector<16xf32>
    %get3A_4790 = arith.constant 5 : i32
    %get3A_4791 = arith.constant 4 : i32
    %get3A_4792 = arith.index_cast %get3A_4790 : i32 to index
    %get3A_4793 = arith.index_cast %get3A_4791 : i32 to index
    %get3A_4794 = arith.index_cast %mul3A_4717 : i32 to index
    %get3A_4795 = tpu.vector_load %arg7[%get3A_4792, %get3A_4793, %get3A_4794] {strides = array<i32>} : memref<8x8x1024xf32, #tpu.memory_space<vmem>>, vector<1x1x16xf32>,
    %get3A_4796 = vector.shape_cast %get3A_4795 : vector<1x1x16xf32> to vector<16xf32>
    %add3A_4797 = arith.constant 64 : i32
    %add3A_4798 = arith.addi %add3A_4797, %sub3A_4718 : i32
    %eq3A_4799 = vector.broadcast %add3A_4798 : i32 to vector<16xi32>
    %eq3A_4800 = arith.cmpi eq, %add3A_4729, %eq3A_4799 : vector<16xi32>
    %jit3A_4801 = arith.constant 0.000000e+00 : f32
    %broadcast_in_dim3A_4802 = vector.broadcast %jit3A_4801 : f32 to vector<16xf32>
    %select_n3A_4803 = arith.select %eq3A_4800, %get3A_4796, %broadcast_in_dim3A_4802 : vector<16xi1>, vector<16xf32>
    %add3A_4804 = arith.addf %add3A_4789, %select_n3A_4803 : vector<16xf32>
    %get3A_4805 = arith.constant 5 : i32
    %get3A_4806 = arith.constant 5 : i32
    %get3A_4807 = arith.index_cast %get3A_4805 : i32 to index
    %get3A_4808 = arith.index_cast %get3A_4806 : i32 to index
    %get3A_4809 = arith.index_cast %mul3A_4717 : i32 to index
    %get3A_4810 = tpu.vector_load %arg7[%get3A_4807, %get3A_4808, %get3A_4809] {strides = array<i32>} : memref<8x8x1024xf32, #tpu.memory_space<vmem>>, vector<1x1x16xf32>,
    %get3A_4811 = vector.shape_cast %get3A_4810 : vector<1x1x16xf32> to vector<16xf32>
    %add3A_4812 = arith.constant 80 : i32
    %add3A_4813 = arith.addi %add3A_4812, %sub3A_4718 : i32
    %eq3A_4814 = vector.broadcast %add3A_4813 : i32 to vector<16xi32>
    %eq3A_4815 = arith.cmpi eq, %add3A_4729, %eq3A_4814 : vector<16xi32>
    %jit3A_4816 = arith.constant 0.000000e+00 : f32
    %broadcast_in_dim3A_4817 = vector.broadcast %jit3A_4816 : f32 to vector<16xf32>
    %select_n3A_4818 = arith.select %eq3A_4815, %get3A_4811, %broadcast_in_dim3A_4817 : vector<16xi1>, vector<16xf32>
    %add3A_4819 = arith.addf %add3A_4804, %select_n3A_4818 : vector<16xf32>
    %get3A_4820 = arith.constant 5 : i32
    %get3A_4821 = arith.constant 6 : i32
    %get3A_4822 = arith.index_cast %get3A_4820 : i32 to index
    %get3A_4823 = arith.index_cast %get3A_4821 : i32 to index
    %get3A_4824 = arith.index_cast %mul3A_4717 : i32 to index
    %get3A_4825 = tpu.vector_load %arg7[%get3A_4822, %get3A_4823, %get3A_4824] {strides = array<i32>} : memref<8x8x1024xf32, #tpu.memory_space<vmem>>, vector<1x1x16xf32>,
    %get3A_4826 = vector.shape_cast %get3A_4825 : vector<1x1x16xf32> to vector<16xf32>
    %add3A_4827 = arith.constant 96 : i32
    %add3A_4828 = arith.addi %add3A_4827, %sub3A_4718 : i32
    %eq3A_4829 = vector.broadcast %add3A_4828 : i32 to vector<16xi32>
    %eq3A_4830 = arith.cmpi eq, %add3A_4729, %eq3A_4829 : vector<16xi32>
    %jit3A_4831 = arith.constant 0.000000e+00 : f32
    %broadcast_in_dim3A_4832 = vector.broadcast %jit3A_4831 : f32 to vector<16xf32>
    %select_n3A_4833 = arith.select %eq3A_4830, %get3A_4826, %broadcast_in_dim3A_4832 : vector<16xi1>, vector<16xf32>
    %add3A_4834 = arith.addf %add3A_4819, %select_n3A_4833 : vector<16xf32>
    %get3A_4835 = arith.constant 5 : i32
    %get3A_4836 = arith.constant 7 : i32
    %get3A_4837 = arith.index_cast %get3A_4835 : i32 to index
    %get3A_4838 = arith.index_cast %get3A_4836 : i32 to index
    %get3A_4839 = arith.index_cast %mul3A_4717 : i32 to index
    %get3A_4840 = tpu.vector_load %arg7[%get3A_4837, %get3A_4838, %get3A_4839] {strides = array<i32>} : memref<8x8x1024xf32, #tpu.memory_space<vmem>>, vector<1x1x16xf32>,
    %get3A_4841 = vector.shape_cast %get3A_4840 : vector<1x1x16xf32> to vector<16xf32>
    %add3A_4842 = arith.constant 112 : i32
    %add3A_4843 = arith.addi %add3A_4842, %sub3A_4718 : i32
    %eq3A_4844 = vector.broadcast %add3A_4843 : i32 to vector<16xi32>
    %eq3A_4845 = arith.cmpi eq, %add3A_4729, %eq3A_4844 : vector<16xi32>
    %jit3A_4846 = arith.constant 0.000000e+00 : f32
    %broadcast_in_dim3A_4847 = vector.broadcast %jit3A_4846 : f32 to vector<16xf32>
    %select_n3A_4848 = arith.select %eq3A_4845, %get3A_4841, %broadcast_in_dim3A_4847 : vector<16xi1>, vector<16xf32>
    %add3A_4849 = arith.addf %add3A_4834, %select_n3A_4848 : vector<16xf32>
    %add3A_4850 = arith.constant 30 : i32
    %add3A_4851 = arith.addi %mul3A_2, %add3A_4850 : i32
    %jit3A_4852 = arith.constant 16 : i32
    %div3A_4853 = arith.divsi %add3A_4851, %jit3A_4852 : i32
    %sign3A_4854 = arith.constant 0 : i32
    %sign3A_4855 = arith.cmpi sgt, %add3A_4851, %sign3A_4854 : i32
    %sign3A_4856 = arith.extui %sign3A_4855 : i1 to i32
    %sign3A_4857 = arith.constant 0 : i32
    %sign3A_4858 = arith.cmpi slt, %add3A_4851, %sign3A_4857 : i32
    %sign3A_4859 = arith.extui %sign3A_4858 : i1 to i32
    %sign3A_4860 = arith.subi %sign3A_4856, %sign3A_4859 : i32
    %sign3A_4861 = arith.constant 0 : i32
    %sign3A_4862 = arith.cmpi sgt, %jit3A_4852, %sign3A_4861 : i32
    %sign3A_4863 = arith.extui %sign3A_4862 : i1 to i32
    %sign3A_4864 = arith.constant 0 : i32
    %sign3A_4865 = arith.cmpi slt, %jit3A_4852, %sign3A_4864 : i32
    %sign3A_4866 = arith.extui %sign3A_4865 : i1 to i32
    %sign3A_4867 = arith.subi %sign3A_4863, %sign3A_4866 : i32
    %ne3A_4868 = arith.cmpi ne, %sign3A_4860, %sign3A_4867 : i32
    %rem3A_4869 = arith.remsi %add3A_4851, %jit3A_4852 : i32
    %ne3A_4870 = arith.constant 0 : i32
    %ne3A_4871 = arith.cmpi ne, %rem3A_4869, %ne3A_4870 : i32
    %and3A_4872 = arith.andi %ne3A_4868, %ne3A_4871 : i1
    %sub3A_4873 = arith.constant 1 : i32
    %sub3A_4874 = arith.subi %div3A_4853, %sub3A_4873 : i32
    %select_n3A_4875 = arith.select %and3A_4872, %sub3A_4874, %div3A_4853 : i32
    %mul3A_4876 = arith.constant 16 : i32
    %mul3A_4877 = arith.muli %select_n3A_4875, %mul3A_4876 : i32
    %sub3A_4878 = arith.subi %add3A_4851, %mul3A_4877 : i32
    %broadcast_in_dim3A_4879 = arith.constant 14 : i32
    %broadcast_in_dim3A_4880 = vector.broadcast %broadcast_in_dim3A_4879 : i32 to vector<16x1xi32>
    %gather3A_4881 = vector.shape_cast %broadcast_in_dim3A_4880 : vector<16x1xi32> to vector<16xi32>
    %gather3A_4882 = tpu.dynamic_gather %get3A_12[%gather3A_4881] in [0] : vector<16xi32>, vector<16xi32> -> vector<16xi32>
    %and3A_4883 = arith.constant 7 : i32
    %and3A_4884 = vector.broadcast %and3A_4883 : i32 to vector<16xi32>
    %and3A_4885 = arith.andi %gather3A_4882, %and3A_4884 : vector<16xi32>
    %mul3A_4886 = arith.constant 16 : i32
    %mul3A_4887 = vector.broadcast %mul3A_4886 : i32 to vector<16xi32>
    %mul3A_4888 = arith.muli %and3A_4885, %mul3A_4887 : vector<16xi32>
    %add3A_4889 = arith.addi %mul3A_4888, %iota3A : vector<16xi32>
    %get3A_4890 = arith.constant 6 : i32
    %get3A_4891 = arith.constant 0 : i32
    %get3A_4892 = arith.index_cast %get3A_4890 : i32 to index
    %get3A_4893 = arith.index_cast %get3A_4891 : i32 to index
    %get3A_4894 = arith.index_cast %mul3A_4877 : i32 to index
    %get3A_4895 = tpu.vector_load %arg7[%get3A_4892, %get3A_4893, %get3A_4894] {strides = array<i32>} : memref<8x8x1024xf32, #tpu.memory_space<vmem>>, vector<1x1x16xf32>,
    %get3A_4896 = vector.shape_cast %get3A_4895 : vector<1x1x16xf32> to vector<16xf32>
    %add3A_4897 = arith.constant 0 : i32
    %add3A_4898 = arith.addi %add3A_4897, %sub3A_4878 : i32
    %eq3A_4899 = vector.broadcast %add3A_4898 : i32 to vector<16xi32>
    %eq3A_4900 = arith.cmpi eq, %add3A_4889, %eq3A_4899 : vector<16xi32>
    %jit3A_4901 = arith.constant 0.000000e+00 : f32
    %broadcast_in_dim3A_4902 = vector.broadcast %jit3A_4901 : f32 to vector<16xf32>
    %select_n3A_4903 = arith.select %eq3A_4900, %get3A_4896, %broadcast_in_dim3A_4902 : vector<16xi1>, vector<16xf32>
    %add3A_4904 = arith.addf %add3A_4849, %select_n3A_4903 : vector<16xf32>
    %get3A_4905 = arith.constant 6 : i32
    %get3A_4906 = arith.constant 1 : i32
    %get3A_4907 = arith.index_cast %get3A_4905 : i32 to index
    %get3A_4908 = arith.index_cast %get3A_4906 : i32 to index
    %get3A_4909 = arith.index_cast %mul3A_4877 : i32 to index
    %get3A_4910 = tpu.vector_load %arg7[%get3A_4907, %get3A_4908, %get3A_4909] {strides = array<i32>} : memref<8x8x1024xf32, #tpu.memory_space<vmem>>, vector<1x1x16xf32>,
    %get3A_4911 = vector.shape_cast %get3A_4910 : vector<1x1x16xf32> to vector<16xf32>
    %add3A_4912 = arith.constant 16 : i32
    %add3A_4913 = arith.addi %add3A_4912, %sub3A_4878 : i32
    %eq3A_4914 = vector.broadcast %add3A_4913 : i32 to vector<16xi32>
    %eq3A_4915 = arith.cmpi eq, %add3A_4889, %eq3A_4914 : vector<16xi32>
    %jit3A_4916 = arith.constant 0.000000e+00 : f32
    %broadcast_in_dim3A_4917 = vector.broadcast %jit3A_4916 : f32 to vector<16xf32>
    %select_n3A_4918 = arith.select %eq3A_4915, %get3A_4911, %broadcast_in_dim3A_4917 : vector<16xi1>, vector<16xf32>
    %add3A_4919 = arith.addf %add3A_4904, %select_n3A_4918 : vector<16xf32>
    %get3A_4920 = arith.constant 6 : i32
    %get3A_4921 = arith.constant 2 : i32
    %get3A_4922 = arith.index_cast %get3A_4920 : i32 to index
    %get3A_4923 = arith.index_cast %get3A_4921 : i32 to index
    %get3A_4924 = arith.index_cast %mul3A_4877 : i32 to index
    %get3A_4925 = tpu.vector_load %arg7[%get3A_4922, %get3A_4923, %get3A_4924] {strides = array<i32>} : memref<8x8x1024xf32, #tpu.memory_space<vmem>>, vector<1x1x16xf32>,
    %get3A_4926 = vector.shape_cast %get3A_4925 : vector<1x1x16xf32> to vector<16xf32>
    %add3A_4927 = arith.constant 32 : i32
    %add3A_4928 = arith.addi %add3A_4927, %sub3A_4878 : i32
    %eq3A_4929 = vector.broadcast %add3A_4928 : i32 to vector<16xi32>
    %eq3A_4930 = arith.cmpi eq, %add3A_4889, %eq3A_4929 : vector<16xi32>
    %jit3A_4931 = arith.constant 0.000000e+00 : f32
    %broadcast_in_dim3A_4932 = vector.broadcast %jit3A_4931 : f32 to vector<16xf32>
    %select_n3A_4933 = arith.select %eq3A_4930, %get3A_4926, %broadcast_in_dim3A_4932 : vector<16xi1>, vector<16xf32>
    %add3A_4934 = arith.addf %add3A_4919, %select_n3A_4933 : vector<16xf32>
    %get3A_4935 = arith.constant 6 : i32
    %get3A_4936 = arith.constant 3 : i32
    %get3A_4937 = arith.index_cast %get3A_4935 : i32 to index
    %get3A_4938 = arith.index_cast %get3A_4936 : i32 to index
    %get3A_4939 = arith.index_cast %mul3A_4877 : i32 to index
    %get3A_4940 = tpu.vector_load %arg7[%get3A_4937, %get3A_4938, %get3A_4939] {strides = array<i32>} : memref<8x8x1024xf32, #tpu.memory_space<vmem>>, vector<1x1x16xf32>,
    %get3A_4941 = vector.shape_cast %get3A_4940 : vector<1x1x16xf32> to vector<16xf32>
    %add3A_4942 = arith.constant 48 : i32
    %add3A_4943 = arith.addi %add3A_4942, %sub3A_4878 : i32
    %eq3A_4944 = vector.broadcast %add3A_4943 : i32 to vector<16xi32>
    %eq3A_4945 = arith.cmpi eq, %add3A_4889, %eq3A_4944 : vector<16xi32>
    %jit3A_4946 = arith.constant 0.000000e+00 : f32
    %broadcast_in_dim3A_4947 = vector.broadcast %jit3A_4946 : f32 to vector<16xf32>
    %select_n3A_4948 = arith.select %eq3A_4945, %get3A_4941, %broadcast_in_dim3A_4947 : vector<16xi1>, vector<16xf32>
    %add3A_4949 = arith.addf %add3A_4934, %select_n3A_4948 : vector<16xf32>
    %get3A_4950 = arith.constant 6 : i32
    %get3A_4951 = arith.constant 4 : i32
    %get3A_4952 = arith.index_cast %get3A_4950 : i32 to index
    %get3A_4953 = arith.index_cast %get3A_4951 : i32 to index
    %get3A_4954 = arith.index_cast %mul3A_4877 : i32 to index
    %get3A_4955 = tpu.vector_load %arg7[%get3A_4952, %get3A_4953, %get3A_4954] {strides = array<i32>} : memref<8x8x1024xf32, #tpu.memory_space<vmem>>, vector<1x1x16xf32>,
    %get3A_4956 = vector.shape_cast %get3A_4955 : vector<1x1x16xf32> to vector<16xf32>
    %add3A_4957 = arith.constant 64 : i32
    %add3A_4958 = arith.addi %add3A_4957, %sub3A_4878 : i32
    %eq3A_4959 = vector.broadcast %add3A_4958 : i32 to vector<16xi32>
    %eq3A_4960 = arith.cmpi eq, %add3A_4889, %eq3A_4959 : vector<16xi32>
    %jit3A_4961 = arith.constant 0.000000e+00 : f32
    %broadcast_in_dim3A_4962 = vector.broadcast %jit3A_4961 : f32 to vector<16xf32>
    %select_n3A_4963 = arith.select %eq3A_4960, %get3A_4956, %broadcast_in_dim3A_4962 : vector<16xi1>, vector<16xf32>
    %add3A_4964 = arith.addf %add3A_4949, %select_n3A_4963 : vector<16xf32>
    %get3A_4965 = arith.constant 6 : i32
    %get3A_4966 = arith.constant 5 : i32
    %get3A_4967 = arith.index_cast %get3A_4965 : i32 to index
    %get3A_4968 = arith.index_cast %get3A_4966 : i32 to index
    %get3A_4969 = arith.index_cast %mul3A_4877 : i32 to index
    %get3A_4970 = tpu.vector_load %arg7[%get3A_4967, %get3A_4968, %get3A_4969] {strides = array<i32>} : memref<8x8x1024xf32, #tpu.memory_space<vmem>>, vector<1x1x16xf32>,
    %get3A_4971 = vector.shape_cast %get3A_4970 : vector<1x1x16xf32> to vector<16xf32>
    %add3A_4972 = arith.constant 80 : i32
    %add3A_4973 = arith.addi %add3A_4972, %sub3A_4878 : i32
    %eq3A_4974 = vector.broadcast %add3A_4973 : i32 to vector<16xi32>
    %eq3A_4975 = arith.cmpi eq, %add3A_4889, %eq3A_4974 : vector<16xi32>
    %jit3A_4976 = arith.constant 0.000000e+00 : f32
    %broadcast_in_dim3A_4977 = vector.broadcast %jit3A_4976 : f32 to vector<16xf32>
    %select_n3A_4978 = arith.select %eq3A_4975, %get3A_4971, %broadcast_in_dim3A_4977 : vector<16xi1>, vector<16xf32>
    %add3A_4979 = arith.addf %add3A_4964, %select_n3A_4978 : vector<16xf32>
    %get3A_4980 = arith.constant 6 : i32
    %get3A_4981 = arith.constant 6 : i32
    %get3A_4982 = arith.index_cast %get3A_4980 : i32 to index
    %get3A_4983 = arith.index_cast %get3A_4981 : i32 to index
    %get3A_4984 = arith.index_cast %mul3A_4877 : i32 to index
    %get3A_4985 = tpu.vector_load %arg7[%get3A_4982, %get3A_4983, %get3A_4984] {strides = array<i32>} : memref<8x8x1024xf32, #tpu.memory_space<vmem>>, vector<1x1x16xf32>,
    %get3A_4986 = vector.shape_cast %get3A_4985 : vector<1x1x16xf32> to vector<16xf32>
    %add3A_4987 = arith.constant 96 : i32
    %add3A_4988 = arith.addi %add3A_4987, %sub3A_4878 : i32
    %eq3A_4989 = vector.broadcast %add3A_4988 : i32 to vector<16xi32>
    %eq3A_4990 = arith.cmpi eq, %add3A_4889, %eq3A_4989 : vector<16xi32>
    %jit3A_4991 = arith.constant 0.000000e+00 : f32
    %broadcast_in_dim3A_4992 = vector.broadcast %jit3A_4991 : f32 to vector<16xf32>
    %select_n3A_4993 = arith.select %eq3A_4990, %get3A_4986, %broadcast_in_dim3A_4992 : vector<16xi1>, vector<16xf32>
    %add3A_4994 = arith.addf %add3A_4979, %select_n3A_4993 : vector<16xf32>
    %get3A_4995 = arith.constant 6 : i32
    %get3A_4996 = arith.constant 7 : i32
    %get3A_4997 = arith.index_cast %get3A_4995 : i32 to index
    %get3A_4998 = arith.index_cast %get3A_4996 : i32 to index
    %get3A_4999 = arith.index_cast %mul3A_4877 : i32 to index
    %get3A_5000 = tpu.vector_load %arg7[%get3A_4997, %get3A_4998, %get3A_4999] {strides = array<i32>} : memref<8x8x1024xf32, #tpu.memory_space<vmem>>, vector<1x1x16xf32>,
    %get3A_5001 = vector.shape_cast %get3A_5000 : vector<1x1x16xf32> to vector<16xf32>
    %add3A_5002 = arith.constant 112 : i32
    %add3A_5003 = arith.addi %add3A_5002, %sub3A_4878 : i32
    %eq3A_5004 = vector.broadcast %add3A_5003 : i32 to vector<16xi32>
    %eq3A_5005 = arith.cmpi eq, %add3A_4889, %eq3A_5004 : vector<16xi32>
    %jit3A_5006 = arith.constant 0.000000e+00 : f32
    %broadcast_in_dim3A_5007 = vector.broadcast %jit3A_5006 : f32 to vector<16xf32>
    %select_n3A_5008 = arith.select %eq3A_5005, %get3A_5001, %broadcast_in_dim3A_5007 : vector<16xi1>, vector<16xf32>
    %add3A_5009 = arith.addf %add3A_4994, %select_n3A_5008 : vector<16xf32>
    %add3A_5010 = arith.constant 31 : i32
    %add3A_5011 = arith.addi %mul3A_2, %add3A_5010 : i32
    %jit3A_5012 = arith.constant 16 : i32
    %div3A_5013 = arith.divsi %add3A_5011, %jit3A_5012 : i32
    %sign3A_5014 = arith.constant 0 : i32
    %sign3A_5015 = arith.cmpi sgt, %add3A_5011, %sign3A_5014 : i32
    %sign3A_5016 = arith.extui %sign3A_5015 : i1 to i32
    %sign3A_5017 = arith.constant 0 : i32
    %sign3A_5018 = arith.cmpi slt, %add3A_5011, %sign3A_5017 : i32
    %sign3A_5019 = arith.extui %sign3A_5018 : i1 to i32
    %sign3A_5020 = arith.subi %sign3A_5016, %sign3A_5019 : i32
    %sign3A_5021 = arith.constant 0 : i32
    %sign3A_5022 = arith.cmpi sgt, %jit3A_5012, %sign3A_5021 : i32
    %sign3A_5023 = arith.extui %sign3A_5022 : i1 to i32
    %sign3A_5024 = arith.constant 0 : i32
    %sign3A_5025 = arith.cmpi slt, %jit3A_5012, %sign3A_5024 : i32
    %sign3A_5026 = arith.extui %sign3A_5025 : i1 to i32
    %sign3A_5027 = arith.subi %sign3A_5023, %sign3A_5026 : i32
    %ne3A_5028 = arith.cmpi ne, %sign3A_5020, %sign3A_5027 : i32
    %rem3A_5029 = arith.remsi %add3A_5011, %jit3A_5012 : i32
    %ne3A_5030 = arith.constant 0 : i32
    %ne3A_5031 = arith.cmpi ne, %rem3A_5029, %ne3A_5030 : i32
    %and3A_5032 = arith.andi %ne3A_5028, %ne3A_5031 : i1
    %sub3A_5033 = arith.constant 1 : i32
    %sub3A_5034 = arith.subi %div3A_5013, %sub3A_5033 : i32
    %select_n3A_5035 = arith.select %and3A_5032, %sub3A_5034, %div3A_5013 : i32
    %mul3A_5036 = arith.constant 16 : i32
    %mul3A_5037 = arith.muli %select_n3A_5035, %mul3A_5036 : i32
    %sub3A_5038 = arith.subi %add3A_5011, %mul3A_5037 : i32
    %broadcast_in_dim3A_5039 = arith.constant 15 : i32
    %broadcast_in_dim3A_5040 = vector.broadcast %broadcast_in_dim3A_5039 : i32 to vector<16x1xi32>
    %gather3A_5041 = vector.shape_cast %broadcast_in_dim3A_5040 : vector<16x1xi32> to vector<16xi32>
    %gather3A_5042 = tpu.dynamic_gather %get3A_12[%gather3A_5041] in [0] : vector<16xi32>, vector<16xi32> -> vector<16xi32>
    %and3A_5043 = arith.constant 7 : i32
    %and3A_5044 = vector.broadcast %and3A_5043 : i32 to vector<16xi32>
    %and3A_5045 = arith.andi %gather3A_5042, %and3A_5044 : vector<16xi32>
    %mul3A_5046 = arith.constant 16 : i32
    %mul3A_5047 = vector.broadcast %mul3A_5046 : i32 to vector<16xi32>
    %mul3A_5048 = arith.muli %and3A_5045, %mul3A_5047 : vector<16xi32>
    %add3A_5049 = arith.addi %mul3A_5048, %iota3A : vector<16xi32>
    %get3A_5050 = arith.constant 7 : i32
    %get3A_5051 = arith.constant 0 : i32
    %get3A_5052 = arith.index_cast %get3A_5050 : i32 to index
    %get3A_5053 = arith.index_cast %get3A_5051 : i32 to index
    %get3A_5054 = arith.index_cast %mul3A_5037 : i32 to index
    %get3A_5055 = tpu.vector_load %arg7[%get3A_5052, %get3A_5053, %get3A_5054] {strides = array<i32>} : memref<8x8x1024xf32, #tpu.memory_space<vmem>>, vector<1x1x16xf32>,
    %get3A_5056 = vector.shape_cast %get3A_5055 : vector<1x1x16xf32> to vector<16xf32>
    %add3A_5057 = arith.constant 0 : i32
    %add3A_5058 = arith.addi %add3A_5057, %sub3A_5038 : i32
    %eq3A_5059 = vector.broadcast %add3A_5058 : i32 to vector<16xi32>
    %eq3A_5060 = arith.cmpi eq, %add3A_5049, %eq3A_5059 : vector<16xi32>
    %jit3A_5061 = arith.constant 0.000000e+00 : f32
    %broadcast_in_dim3A_5062 = vector.broadcast %jit3A_5061 : f32 to vector<16xf32>
    %select_n3A_5063 = arith.select %eq3A_5060, %get3A_5056, %broadcast_in_dim3A_5062 : vector<16xi1>, vector<16xf32>
    %add3A_5064 = arith.addf %add3A_5009, %select_n3A_5063 : vector<16xf32>
    %get3A_5065 = arith.constant 7 : i32
    %get3A_5066 = arith.constant 1 : i32
    %get3A_5067 = arith.index_cast %get3A_5065 : i32 to index
    %get3A_5068 = arith.index_cast %get3A_5066 : i32 to index
    %get3A_5069 = arith.index_cast %mul3A_5037 : i32 to index
    %get3A_5070 = tpu.vector_load %arg7[%get3A_5067, %get3A_5068, %get3A_5069] {strides = array<i32>} : memref<8x8x1024xf32, #tpu.memory_space<vmem>>, vector<1x1x16xf32>,
    %get3A_5071 = vector.shape_cast %get3A_5070 : vector<1x1x16xf32> to vector<16xf32>
    %add3A_5072 = arith.constant 16 : i32
    %add3A_5073 = arith.addi %add3A_5072, %sub3A_5038 : i32
    %eq3A_5074 = vector.broadcast %add3A_5073 : i32 to vector<16xi32>
    %eq3A_5075 = arith.cmpi eq, %add3A_5049, %eq3A_5074 : vector<16xi32>
    %jit3A_5076 = arith.constant 0.000000e+00 : f32
    %broadcast_in_dim3A_5077 = vector.broadcast %jit3A_5076 : f32 to vector<16xf32>
    %select_n3A_5078 = arith.select %eq3A_5075, %get3A_5071, %broadcast_in_dim3A_5077 : vector<16xi1>, vector<16xf32>
    %add3A_5079 = arith.addf %add3A_5064, %select_n3A_5078 : vector<16xf32>
    %get3A_5080 = arith.constant 7 : i32
    %get3A_5081 = arith.constant 2 : i32
    %get3A_5082 = arith.index_cast %get3A_5080 : i32 to index
    %get3A_5083 = arith.index_cast %get3A_5081 : i32 to index
    %get3A_5084 = arith.index_cast %mul3A_5037 : i32 to index
    %get3A_5085 = tpu.vector_load %arg7[%get3A_5082, %get3A_5083, %get3A_5084] {strides = array<i32>} : memref<8x8x1024xf32, #tpu.memory_space<vmem>>, vector<1x1x16xf32>,
    %get3A_5086 = vector.shape_cast %get3A_5085 : vector<1x1x16xf32> to vector<16xf32>
    %add3A_5087 = arith.constant 32 : i32
    %add3A_5088 = arith.addi %add3A_5087, %sub3A_5038 : i32
    %eq3A_5089 = vector.broadcast %add3A_5088 : i32 to vector<16xi32>
    %eq3A_5090 = arith.cmpi eq, %add3A_5049, %eq3A_5089 : vector<16xi32>
    %jit3A_5091 = arith.constant 0.000000e+00 : f32
    %broadcast_in_dim3A_5092 = vector.broadcast %jit3A_5091 : f32 to vector<16xf32>
    %select_n3A_5093 = arith.select %eq3A_5090, %get3A_5086, %broadcast_in_dim3A_5092 : vector<16xi1>, vector<16xf32>
    %add3A_5094 = arith.addf %add3A_5079, %select_n3A_5093 : vector<16xf32>
    %get3A_5095 = arith.constant 7 : i32
    %get3A_5096 = arith.constant 3 : i32
    %get3A_5097 = arith.index_cast %get3A_5095 : i32 to index
    %get3A_5098 = arith.index_cast %get3A_5096 : i32 to index
    %get3A_5099 = arith.index_cast %mul3A_5037 : i32 to index
    %get3A_5100 = tpu.vector_load %arg7[%get3A_5097, %get3A_5098, %get3A_5099] {strides = array<i32>} : memref<8x8x1024xf32, #tpu.memory_space<vmem>>, vector<1x1x16xf32>,
    %get3A_5101 = vector.shape_cast %get3A_5100 : vector<1x1x16xf32> to vector<16xf32>
    %add3A_5102 = arith.constant 48 : i32
    %add3A_5103 = arith.addi %add3A_5102, %sub3A_5038 : i32
    %eq3A_5104 = vector.broadcast %add3A_5103 : i32 to vector<16xi32>
    %eq3A_5105 = arith.cmpi eq, %add3A_5049, %eq3A_5104 : vector<16xi32>
    %jit3A_5106 = arith.constant 0.000000e+00 : f32
    %broadcast_in_dim3A_5107 = vector.broadcast %jit3A_5106 : f32 to vector<16xf32>
    %select_n3A_5108 = arith.select %eq3A_5105, %get3A_5101, %broadcast_in_dim3A_5107 : vector<16xi1>, vector<16xf32>
    %add3A_5109 = arith.addf %add3A_5094, %select_n3A_5108 : vector<16xf32>
    %get3A_5110 = arith.constant 7 : i32
    %get3A_5111 = arith.constant 4 : i32
    %get3A_5112 = arith.index_cast %get3A_5110 : i32 to index
    %get3A_5113 = arith.index_cast %get3A_5111 : i32 to index
    %get3A_5114 = arith.index_cast %mul3A_5037 : i32 to index
    %get3A_5115 = tpu.vector_load %arg7[%get3A_5112, %get3A_5113, %get3A_5114] {strides = array<i32>} : memref<8x8x1024xf32, #tpu.memory_space<vmem>>, vector<1x1x16xf32>,
    %get3A_5116 = vector.shape_cast %get3A_5115 : vector<1x1x16xf32> to vector<16xf32>
    %add3A_5117 = arith.constant 64 : i32
    %add3A_5118 = arith.addi %add3A_5117, %sub3A_5038 : i32
    %eq3A_5119 = vector.broadcast %add3A_5118 : i32 to vector<16xi32>
    %eq3A_5120 = arith.cmpi eq, %add3A_5049, %eq3A_5119 : vector<16xi32>
    %jit3A_5121 = arith.constant 0.000000e+00 : f32
    %broadcast_in_dim3A_5122 = vector.broadcast %jit3A_5121 : f32 to vector<16xf32>
    %select_n3A_5123 = arith.select %eq3A_5120, %get3A_5116, %broadcast_in_dim3A_5122 : vector<16xi1>, vector<16xf32>
    %add3A_5124 = arith.addf %add3A_5109, %select_n3A_5123 : vector<16xf32>
    %get3A_5125 = arith.constant 7 : i32
    %get3A_5126 = arith.constant 5 : i32
    %get3A_5127 = arith.index_cast %get3A_5125 : i32 to index
    %get3A_5128 = arith.index_cast %get3A_5126 : i32 to index
    %get3A_5129 = arith.index_cast %mul3A_5037 : i32 to index
    %get3A_5130 = tpu.vector_load %arg7[%get3A_5127, %get3A_5128, %get3A_5129] {strides = array<i32>} : memref<8x8x1024xf32, #tpu.memory_space<vmem>>, vector<1x1x16xf32>,
    %get3A_5131 = vector.shape_cast %get3A_5130 : vector<1x1x16xf32> to vector<16xf32>
    %add3A_5132 = arith.constant 80 : i32
    %add3A_5133 = arith.addi %add3A_5132, %sub3A_5038 : i32
    %eq3A_5134 = vector.broadcast %add3A_5133 : i32 to vector<16xi32>
    %eq3A_5135 = arith.cmpi eq, %add3A_5049, %eq3A_5134 : vector<16xi32>
    %jit3A_5136 = arith.constant 0.000000e+00 : f32
    %broadcast_in_dim3A_5137 = vector.broadcast %jit3A_5136 : f32 to vector<16xf32>
    %select_n3A_5138 = arith.select %eq3A_5135, %get3A_5131, %broadcast_in_dim3A_5137 : vector<16xi1>, vector<16xf32>
    %add3A_5139 = arith.addf %add3A_5124, %select_n3A_5138 : vector<16xf32>
    %get3A_5140 = arith.constant 7 : i32
    %get3A_5141 = arith.constant 6 : i32
    %get3A_5142 = arith.index_cast %get3A_5140 : i32 to index
    %get3A_5143 = arith.index_cast %get3A_5141 : i32 to index
    %get3A_5144 = arith.index_cast %mul3A_5037 : i32 to index
    %get3A_5145 = tpu.vector_load %arg7[%get3A_5142, %get3A_5143, %get3A_5144] {strides = array<i32>} : memref<8x8x1024xf32, #tpu.memory_space<vmem>>, vector<1x1x16xf32>,
    %get3A_5146 = vector.shape_cast %get3A_5145 : vector<1x1x16xf32> to vector<16xf32>
    %add3A_5147 = arith.constant 96 : i32
    %add3A_5148 = arith.addi %add3A_5147, %sub3A_5038 : i32
    %eq3A_5149 = vector.broadcast %add3A_5148 : i32 to vector<16xi32>
    %eq3A_5150 = arith.cmpi eq, %add3A_5049, %eq3A_5149 : vector<16xi32>
    %jit3A_5151 = arith.constant 0.000000e+00 : f32
    %broadcast_in_dim3A_5152 = vector.broadcast %jit3A_5151 : f32 to vector<16xf32>
    %select_n3A_5153 = arith.select %eq3A_5150, %get3A_5146, %broadcast_in_dim3A_5152 : vector<16xi1>, vector<16xf32>
    %add3A_5154 = arith.addf %add3A_5139, %select_n3A_5153 : vector<16xf32>
    %get3A_5155 = arith.constant 7 : i32
    %get3A_5156 = arith.constant 7 : i32
    %get3A_5157 = arith.index_cast %get3A_5155 : i32 to index
    %get3A_5158 = arith.index_cast %get3A_5156 : i32 to index
    %get3A_5159 = arith.index_cast %mul3A_5037 : i32 to index
    %get3A_5160 = tpu.vector_load %arg7[%get3A_5157, %get3A_5158, %get3A_5159] {strides = array<i32>} : memref<8x8x1024xf32, #tpu.memory_space<vmem>>, vector<1x1x16xf32>,
    %get3A_5161 = vector.shape_cast %get3A_5160 : vector<1x1x16xf32> to vector<16xf32>
    %add3A_5162 = arith.constant 112 : i32
    %add3A_5163 = arith.addi %add3A_5162, %sub3A_5038 : i32
    %eq3A_5164 = vector.broadcast %add3A_5163 : i32 to vector<16xi32>
    %eq3A_5165 = arith.cmpi eq, %add3A_5049, %eq3A_5164 : vector<16xi32>
    %jit3A_5166 = arith.constant 0.000000e+00 : f32
    %broadcast_in_dim3A_5167 = vector.broadcast %jit3A_5166 : f32 to vector<16xf32>
    %select_n3A_5168 = arith.select %eq3A_5165, %get3A_5161, %broadcast_in_dim3A_5167 : vector<16xi1>, vector<16xf32>
    %add3A_5169 = arith.addf %add3A_5154, %select_n3A_5168 : vector<16xf32>
    %swap3A = arith.constant 0 : index
    %swap3A_5170 = tpu.vector_load %arg8[%swap3A] {strides = array<i32>} : memref<16xf32, #tpu.memory_space<vmem>>, vector<16xf32>,
    %swap3A_5171 = vector.shape_cast %swap3A_5170 : vector<16xf32> to vector<16xf32>
    %swap3A_5172 = vector.shape_cast %add3A_5169 : vector<16xf32> to vector<16xf32>
    tpu.vector_store %arg8[%swap3A], %swap3A_5172 {strides = array<i32>} : memref<16xf32, #tpu.memory_space<vmem>>, vector<16xf32>,
    "tpu.region"() ({
      %run_scoped3A = tpu.sem_alloc : memref<!tpu.dma_semaphore, #tpu.memory_space<semaphore_mem>>
      %dma_start3A_5173 = arith.constant 0 : i32
      %dma_start3A_5174 = tpu.memref_slice %arg4[%add3A, %dma_start3A_5173] : memref<32x16xf32, #tpu.memory_space<hbm>> -> memref<1x16xf32, #tpu.memory_space<hbm>>
      %dma_start3A_5175 = tpu.memref_squeeze %dma_start3A_5174 : memref<1x16xf32, #tpu.memory_space<hbm>> -> memref<16xf32, #tpu.memory_space<hbm>>
      %dma_start3A_5176 = arith.constant 0 : i32
      %dma_start3A_5177 = tpu.memref_slice %arg4[%add3A, %dma_start3A_5176] : memref<32x16xf32, #tpu.memory_space<hbm>> -> memref<1x16xf32, #tpu.memory_space<hbm>>
      %dma_start3A_5178 = tpu.memref_squeeze %dma_start3A_5177 : memref<1x16xf32, #tpu.memory_space<hbm>> -> memref<16xf32, #tpu.memory_space<hbm>>
      tpu.enqueue_dma source(%arg8 : memref<16xf32, #tpu.memory_space<vmem>>) target(%dma_start3A_5178 : memref<16xf32, #tpu.memory_space<hbm>>) target_semaphore(%run_scoped3A : memref<!tpu.dma_semaphore, #tpu.memory_space<semaphore_mem>>)
      %dma_wait3A_5179 = arith.constant 0 : i32
      %dma_wait3A_5180 = tpu.memref_slice %arg4[%add3A, %dma_wait3A_5179] : memref<32x16xf32, #tpu.memory_space<hbm>> -> memref<1x16xf32, #tpu.memory_space<hbm>>
      %dma_wait3A_5181 = tpu.memref_squeeze %dma_wait3A_5180 : memref<1x16xf32, #tpu.memory_space<hbm>> -> memref<16xf32, #tpu.memory_space<hbm>>
      %dma_wait3A_5182 = arith.constant 0 : i32
      %dma_wait3A_5183 = tpu.memref_slice %arg4[%add3A, %dma_wait3A_5182] : memref<32x16xf32, #tpu.memory_space<hbm>> -> memref<1x16xf32, #tpu.memory_space<hbm>>
      %dma_wait3A_5184 = tpu.memref_squeeze %dma_wait3A_5183 : memref<1x16xf32, #tpu.memory_space<hbm>> -> memref<16xf32, #tpu.memory_space<hbm>>
      tpu.wait_dma2 semaphore(%run_scoped3A : memref<!tpu.dma_semaphore, #tpu.memory_space<semaphore_mem>>) src(%arg8 : memref<16xf32, #tpu.memory_space<vmem>>) dst(%dma_wait3A_5184 : memref<16xf32, #tpu.memory_space<hbm>>)
      tpu.yield
    }) : () -> ()
    return
  }
}

module attributes {stable_mosaic.version = 14 : i64} {
  func.func @_final_body(%arg0: memref<8x1024xf32, #tpu.memory_space<vmem>>, %arg1: memref<4x128xf32, #tpu.memory_space<vmem>>, %arg2: memref<1x1xf32, #tpu.memory_space<vmem>>) attributes {dimension_semantics = [], scalar_prefetch = 0 : i64, scratch_operands = 0 : i64, tpu.core_type = #tpu.core_type<tc>} {
    %get3A = arith.constant 0 : index
    %get3A_0 = arith.constant 0 : index
    %get3A_1 = vector.load %arg0[%get3A, %get3A_0] : memref<8x1024xf32, #tpu.memory_space<vmem>>, vector<8x1024xf32>
    %reduce_sum3A = arith.constant dense<0.000000e+00> : vector<1024xf32>
    %reduce_sum3A_2 = vector.multi_reduction <add>, %get3A_1, %reduce_sum3A [0] : vector<8x1024xf32> to vector<1024xf32>
    %broadcast_in_dim3A = vector.shape_cast %reduce_sum3A_2 : vector<1024xf32> to vector<1x1024xf32>
    %log3A = math.log %broadcast_in_dim3A : vector<1x1024xf32>
    %reduce_sum3A_3 = arith.constant dense<0.000000e+00> : vector<1xf32>
    %reduce_sum3A_4 = vector.multi_reduction <add>, %log3A, %reduce_sum3A_3 [1] : vector<1x1024xf32> to vector<1xf32>
    %broadcast_in_dim3A_5 = vector.shape_cast %reduce_sum3A_4 : vector<1xf32> to vector<1x1xf32>
    %get3A_6 = arith.constant 0 : index
    %get3A_7 = arith.constant 0 : index
    %get3A_8 = vector.load %arg1[%get3A_6, %get3A_7] : memref<4x128xf32, #tpu.memory_space<vmem>>, vector<4x128xf32>
    %reduce_sum3A_9 = vector.shape_cast %get3A_8 : vector<4x128xf32> to vector<1x4x128xf32>
    %reduce_sum3A_10 = arith.constant dense<0.000000e+00> : vector<1xf32>
    %reduce_sum3A_11 = vector.multi_reduction <add>, %reduce_sum3A_9, %reduce_sum3A_10 [1, 2] : vector<1x4x128xf32> to vector<1xf32>
    %reduce_sum3A_12 = vector.shape_cast %reduce_sum3A_11 : vector<1xf32> to vector<1x1x1xf32>
    %reduce_sum3A_13 = vector.extract %reduce_sum3A_12[0, 0, 0] : f32 from vector<1x1x1xf32>
    %sub3A = vector.broadcast %reduce_sum3A_13 : f32 to vector<1x1xf32>
    %sub3A_14 = arith.subf %broadcast_in_dim3A_5, %sub3A : vector<1x1xf32>
    %mul3A = arith.constant 9.765625E-4 : f32
    %mul3A_15 = vector.broadcast %mul3A : f32 to vector<1x1xf32>
    %mul3A_16 = arith.mulf %sub3A_14, %mul3A_15 : vector<1x1xf32>
    %swap3A = arith.constant 0 : index
    %swap3A_17 = arith.constant 0 : index
    %swap3A_18 = vector.load %arg2[%swap3A, %swap3A_17] : memref<1x1xf32, #tpu.memory_space<vmem>>, vector<1x1xf32>
    tpu.vector_store %arg2[%swap3A, %swap3A_17], %mul3A_16 {strides = array<i32>} : memref<1x1xf32, #tpu.memory_space<vmem>>, vector<1x1xf32>,
    return
  }
}

module attributes {stable_mosaic.version = 14 : i64} {
  func.func @_stream_body(%arg0: i32, %arg1: memref<2048x1024xf32, #tpu.memory_space<vmem>>, %arg2: memref<8x1024xf32, #tpu.memory_space<vmem>>) attributes {dimension_semantics = [#tpu.dimension_semantics<arbitrary>], iteration_bounds = array<i64: 49>, scalar_prefetch = 0 : i64, scratch_operands = 0 : i64, tpu.core_type = #tpu.core_type<tc>, window_params = [{transform_indices = @transform_0, window_bounds = array<i64: 2048, 1024>}, {pipeline_mode = #tpu.pipeline_mode<synchronous>, transform_indices = @transform_1, window_bounds = array<i64: 8, 1024>}]} {
    %get3A = arith.constant 0 : index
    %get3A_0 = arith.constant 0 : index
    %get3A_1 = vector.load %arg1[%get3A, %get3A_0] : memref<2048x1024xf32, #tpu.memory_space<vmem>>, vector<2048x1024xf32>
    %eq3A = arith.constant 0 : i32
    %eq3A_2 = arith.cmpi eq, %arg0, %eq3A : i32
    %convert_element_type3A = arith.extui %eq3A_2 : i1 to i32
    %cond3A = arith.constant 0 : i32
    %cond3A_3 = arith.cmpi ne, %convert_element_type3A, %cond3A : i32
    scf.if %cond3A_3 {
      %broadcast_in_dim3A = arith.constant 0.000000e+00 : f32
      %broadcast_in_dim3A_13 = vector.broadcast %broadcast_in_dim3A : f32 to vector<8x1024xf32>
      %swap3A = arith.constant 0 : index
      %swap3A_14 = arith.constant 0 : index
      %swap3A_15 = vector.load %arg2[%swap3A, %swap3A_14] : memref<8x1024xf32, #tpu.memory_space<vmem>>, vector<8x1024xf32>
      tpu.vector_store %arg2[%swap3A, %swap3A_14], %broadcast_in_dim3A_13 {strides = array<i32>} : memref<8x1024xf32, #tpu.memory_space<vmem>>, vector<8x1024xf32>,
    } else {
    }
    %lt3A = arith.constant 48 : i32
    %lt3A_4 = arith.cmpi slt, %arg0, %lt3A : i32
    %convert_element_type3A_5 = arith.extui %lt3A_4 : i1 to i32
    %cond3A_6 = arith.constant 0 : i32
    %cond3A_7 = arith.cmpi ne, %convert_element_type3A_5, %cond3A_6 : i32
    scf.if %cond3A_7 {
      %get3A_13 = arith.constant 0 : index
      %get3A_14 = arith.constant 0 : index
      %get3A_15 = vector.load %arg2[%get3A_13, %get3A_14] : memref<8x1024xf32, #tpu.memory_space<vmem>>, vector<8x1024xf32>
      %exp3A = math.exp %get3A_1 : vector<2048x1024xf32>
      %reshape3A = vector.shape_cast %exp3A : vector<2048x1024xf32> to vector<256x8x1024xf32>
      %reduce_sum3A = arith.constant dense<0.000000e+00> : vector<8x1024xf32>
      %reduce_sum3A_16 = vector.multi_reduction <add>, %reshape3A, %reduce_sum3A [0] : vector<256x8x1024xf32> to vector<8x1024xf32>
      %add3A = arith.addf %get3A_15, %reduce_sum3A_16 : vector<8x1024xf32>
      %swap3A = arith.constant 0 : index
      %swap3A_17 = arith.constant 0 : index
      %swap3A_18 = vector.load %arg2[%swap3A, %swap3A_17] : memref<8x1024xf32, #tpu.memory_space<vmem>>, vector<8x1024xf32>
      tpu.vector_store %arg2[%swap3A, %swap3A_17], %add3A {strides = array<i32>} : memref<8x1024xf32, #tpu.memory_space<vmem>>, vector<8x1024xf32>,
    } else {
    }
    %eq3A_8 = arith.constant 48 : i32
    %eq3A_9 = arith.cmpi eq, %arg0, %eq3A_8 : i32
    %convert_element_type3A_10 = arith.extui %eq3A_9 : i1 to i32
    %cond3A_11 = arith.constant 0 : i32
    %cond3A_12 = arith.cmpi ne, %convert_element_type3A_10, %cond3A_11 : i32
    scf.if %cond3A_12 {
      %iota3A = tpu.iota {dimensions = array<i32: 0>} : vector<2048x1024xi32>
      %mul3A = arith.constant 2048 : i32
      %mul3A_13 = arith.muli %arg0, %mul3A : i32
      %sub3A = arith.constant 100000 : i32
      %sub3A_14 = arith.subi %sub3A, %mul3A_13 : i32
      %lt3A_15 = vector.broadcast %sub3A_14 : i32 to vector<2048x1024xi32>
      %lt3A_16 = arith.cmpi slt, %iota3A, %lt3A_15 : vector<2048x1024xi32>
      %exp3A = math.exp %get3A_1 : vector<2048x1024xf32>
      %jit3A = arith.constant 0.000000e+00 : f32
      %broadcast_in_dim3A = vector.broadcast %jit3A : f32 to vector<2048x1024xf32>
      %select_n3A = arith.select %lt3A_16, %exp3A, %broadcast_in_dim3A : vector<2048x1024xi1>, vector<2048x1024xf32>
      %get3A_17 = arith.constant 0 : index
      %get3A_18 = arith.constant 0 : index
      %get3A_19 = vector.load %arg2[%get3A_17, %get3A_18] : memref<8x1024xf32, #tpu.memory_space<vmem>>, vector<8x1024xf32>
      %reshape3A = vector.shape_cast %select_n3A : vector<2048x1024xf32> to vector<256x8x1024xf32>
      %reduce_sum3A = arith.constant dense<0.000000e+00> : vector<8x1024xf32>
      %reduce_sum3A_20 = vector.multi_reduction <add>, %reshape3A, %reduce_sum3A [0] : vector<256x8x1024xf32> to vector<8x1024xf32>
      %add3A = arith.addf %get3A_19, %reduce_sum3A_20 : vector<8x1024xf32>
      %swap3A = arith.constant 0 : index
      %swap3A_21 = arith.constant 0 : index
      %swap3A_22 = vector.load %arg2[%swap3A, %swap3A_21] : memref<8x1024xf32, #tpu.memory_space<vmem>>, vector<8x1024xf32>
      tpu.vector_store %arg2[%swap3A, %swap3A_21], %add3A {strides = array<i32>} : memref<8x1024xf32, #tpu.memory_space<vmem>>, vector<8x1024xf32>,
    } else {
    }
    return
  }
  func.func @transform_0(%arg0: i32) -> (i32, i32) {
    %c0_i32 = arith.constant 0 : i32
    %c0_i32_0 = arith.constant 0 : i32
    return %arg0, %c0_i32 : i32, i32
  }
  func.func @transform_1(%arg0: i32) -> (i32, i32) {
    %c0_i32 = arith.constant 0 : i32
    %c0_i32_0 = arith.constant 0 : i32
    %c0_i32_1 = arith.constant 0 : i32
    return %c0_i32, %c0_i32_0 : i32, i32
  }
}

</mosaic_0001>

<sc_bundles>
// kernel: kernel.5.cloned.1.call-start
scs
__scs_entry_jumppad:
0x0: {  	(pc) =	sbr.rel $0x88, $3  }
0x1: {  	(tag) =	ssettag $0x0;
	lr =	simm.s32 $0x1  }
0x2: {  	[smem:$0x3F9F] =	sst lr;
	_ =	strace $0xD0000000  }
0x3: {  	_ = 	snop  }
0x4: {  	_ = 	snop  }
0x5: {  	_ = 	snop  }
0x6: {  	_ = 	snop  }
0x7: {  	_ = 	snop  }
__scs_overlays_trampoline_lowered:
0x8: {  	[smem:$0x3FAE] =	sst s0  }
0x9: {  	[smem:$0x3FAF] =	sst s1  }
0xa: {  	[smem:$0x3FB0] =	sst s2  }
0xb: {  	[smem:$0x3FB1] =	sst s3  }
0xc: {  	[smem:$0x3FB2] =	sst s4  }
0xd: {  	[smem:$0x3FB3] =	sst s5  }
0xe: {  	[smem:$0x3FB4] =	sst s6  }
0xf: {  	[smem:$0x3FB5] =	sst s7  }
0x10: {  	[smem:$0x3FB6] =	sst s8  }
0x11: {  	[smem:$0x3FB7] =	sst s9;
	s0 =	simm.s32 @!p0 $0x0  }
0x12: {  	s1 =	sld [smem:$0x3F9D];
	s0 =	simm.s32 @p0 $0x1  }
0x13: {  	[smem:$0x3FB8] =	sst s0;
	s0 =	simm.s32 @!p1 $0x0  }
0x14: {  	s2 =	sld [smem:$0x3F9C];
	s0 =	simm.s32 @p1 $0x1  }
0x15: {  	[smem:$0x3FB9] =	sst s0;
	s0 =	simm.s32 @!p2 $0x0  }
0x16: {  	s3 =	sld [smem:$0x3FDB];
	s0 =	simm.s32 @p2 $0x1  }
0x17: {  	s4 =	simm.s32 $0x1BF5;
	[smem:$0x3FBB] =	sst s0  }
0x18: {  	s0 =	sld [smem:$0x3F9E];
	_ =	swait.ge [sflag:s4], $0x0  }
0x19: {  	s7 =	sld [smem:$0x3F9F]  }
0x1a: {  	s8 =	sadd.s32 $0xFFFFE003, lr  }
0x1b: {  	s9 =	sadd.s32 $0xFFFFFEF7, lr;
	s5 =	simm.s32 $0xFFFFFFFF;
	p2 =	slt.u32 s8, $0xFFFFF086  }
0x1c: {  	p1 =	slt.u32 s9, $0xF7A;
	s5 =	simm.s32 @!p2 $0x0  }
0x1d: {  	s5 =	simm.s32 @p1 $0x1;
	p0 =	seq.s32 s7, s2  }
0x1e: {  	s7 =	smul.u32 @!p0 $0xF7A, s2;
	p2 =	seq.s32 @!p0 s5, $0x0  }
0x1f: {  	s9 =	smul.u32 $0xF7A, s1;
	s8 =	simm.s32 @!p0 $0x1BF5;
	p2 =	por !p2, p0  }
0x20: {  	[sflag:s8] =	ssyncset.s32 @!p0 $0xFFFFF086;
	s6 =	sadd.s32 @!p0 s3, s7;
	s7 =	simm.s32 @!p0 $0x108  }
0x21: {  	s3 =	sadd.s32 s3, s9;
	s6 =	sadd.s32 @!p0 $0x88, s6;
	s7 =	simm.s32 @p2 $0x1082  }
0x22: {  	[simem:s7], [sflag:s8] =	dma.local @!p0 [hbm:s6], $0xF7A  }
0x23: {  	s9 =	sor.u32 $0xD0000000, s2;
	s6 =	simm.s32 $0x108;
	_ =	swait.ge @!p0 [sflag:s8], $0x0  }
0x24: {  	s3 =	sadd.s32 $0x88, s3;
	s6 =	simm.s32 @!p1 $0x1082;
	[sflag:s4] =	ssyncset.s32 $0xFFFFF086  }
0x25: {  	[simem:s6], [sflag:s4] =	dma.local [hbm:s3], $0xF7A  }
0x26: {  	[smem:$0x3F9F] =	sst s1;
	(tag) =	ssettag s2;
	_ =	strace s9  }
0x27: {  	s1 =	sld [smem:$0x3FAF]  }
0x28: {  	s2 =	sld [smem:$0x3FB0]  }
0x29: {  	s4 =	sld [smem:$0x3FB2]  }
0x2a: {  	p0 =	seq.s32 s5, $0x0;
	s5 =	sld [smem:$0x3FB3]  }
0x2b: {  	s6 =	sld [smem:$0x3FB4]  }
0x2c: {  	s7 =	sld [smem:$0x3FB5]  }
0x2d: {  	s3 =	simm.s32 $0x108;
	s8 =	sld [smem:$0x3FB6]  }
0x2e: {  	s3 =	simm.s32 @!p0 $0x1082;
	s9 =	sld [smem:$0x3FB7]  }
0x2f: {  	lr =	sadd.s32 s0, s3;
	s0 =	sld [smem:$0x3FAE]  }
0x30: {  	s3 =	sld [smem:$0x3FB1]  }
0x31: {  	[smem:$0x3FBA] =	sst s10  }
0x32: {  	s10 =	sld [smem:$0x3FB8];
	_ =	sdelay $0x3  }
0x33: {  	p0 =	seq.s32 s10, $0x1;
	s10 =	sld [smem:$0x3FBA];
	_ =	sdelay $0x3  }
0x34: {  	[smem:$0x3FBA] =	sst s10  }
0x35: {  	s10 =	sld [smem:$0x3FB9];
	_ =	sdelay $0x3  }
0x36: {  	p1 =	seq.s32 s10, $0x1;
	s10 =	sld [smem:$0x3FBA];
	_ =	sdelay $0x3  }
0x37: {  	[smem:$0x3FBA] =	sst s10  }
0x38: {  	s10 =	sld [smem:$0x3FBB]  }
0x39: {  	_ = 	snop;
	(pc) =	sbr.ind lr, $3  }
0x3a: {  	_ = 	snop  }
0x3b: {  	_ = 	snop  }
0x3c: {  	p2 =	seq.s32 s10, $0x1;
	s10 =	sld [smem:$0x3FBA]  }
0x3d: {  	_ =	shalt  }
0x3e: {  	_ =	shalt  }
0x3f: {  	_ =	shalt  }
0x40: {  	_ =	shalt  }
0x41: {  	_ =	shalt  }
0x42: {  	_ =	shalt  }
0x43: {  	_ =	shalt  }
0x44: {  	_ =	shalt  }
0x45: {  	_ =	shalt  }
0x46: {  	_ =	shalt  }
0x47: {  	_ =	shalt  }
0x48: {  	_ =	shalt  }
0x49: {  	_ =	shalt  }
0x4a: {  	_ =	shalt  }
0x4b: {  	_ =	shalt  }
0x4c: {  	_ =	shalt  }
0x4d: {  	_ =	shalt  }
0x4e: {  	_ =	shalt  }
0x4f: {  	_ =	shalt  }
0x50: {  	_ =	shalt  }
0x51: {  	_ =	shalt  }
0x52: {  	_ =	shalt  }
0x53: {  	_ =	shalt  }
0x54: {  	_ =	shalt  }
0x55: {  	_ =	shalt  }
0x56: {  	_ =	shalt  }
0x57: {  	_ =	shalt  }
0x58: {  	_ =	shalt  }
0x59: {  	_ =	shalt  }
0x5a: {  	_ =	shalt  }
0x5b: {  	_ =	shalt  }
0x5c: {  	_ =	shalt  }
0x5d: {  	_ =	shalt  }
0x5e: {  	_ =	shalt  }
0x5f: {  	_ =	shalt  }
0x60: {  	_ =	shalt  }
0x61: {  	_ =	shalt  }
0x62: {  	_ =	shalt  }
0x63: {  	_ =	shalt  }
0x64: {  	_ =	shalt  }
0x65: {  	_ =	shalt  }
0x66: {  	_ =	shalt  }
0x67: {  	_ =	shalt  }
0x68: {  	_ =	shalt  }
0x69: {  	_ =	shalt  }
0x6a: {  	_ =	shalt  }
0x6b: {  	_ =	shalt  }
0x6c: {  	_ =	shalt  }
0x6d: {  	_ =	shalt  }
0x6e: {  	_ =	shalt  }
0x6f: {  	_ =	shalt  }
0x70: {  	_ =	shalt  }
0x71: {  	_ =	shalt  }
0x72: {  	_ =	shalt  }
0x73: {  	_ =	shalt  }
0x74: {  	_ =	shalt  }
0x75: {  	_ =	shalt  }
0x76: {  	_ =	shalt  }
0x77: {  	_ =	shalt  }
0x78: {  	_ =	shalt  }
0x79: {  	_ =	shalt  }
0x7a: {  	_ =	shalt  }
0x7b: {  	_ =	shalt  }
0x7c: {  	_ =	shalt  }
0x7d: {  	_ =	shalt  }
0x7e: {  	_ =	shalt  }
0x7f: {  	_ =	shalt  }
0x80: {  	_ =	shalt  }
0x81: {  	_ =	shalt  }
0x82: {  	_ =	shalt  }
0x83: {  	_ =	shalt  }
0x84: {  	_ =	shalt  }
0x85: {  	_ =	shalt  }
0x86: {  	_ =	shalt  }
0x87: {  	_ =	shalt  }
.Lfunc_end0:
.L_simem_size_0:
called_computation_lowered:
.L_overlay_start_0:
0x88: {  	s2 =	sld [smem:$0x3FD9]  }
0x89: {  	s3 =	sld [smem:$0x3FFE];
	_ =	sdelay $0x1  }
0x8a: {  	s1 =	srdreg.scid  }
0x8b: {  	s0 =	sand.u32 $0x1, s1  }
0x8c: {  	s17 =	sshll.u32 s0, $0xA;
	s2 =	sadd.s32 s3, s2  }
0x8d: {  	s2 =	sadd.s32 s2, s17  }
0x8e: {  	[smem:$0x3FC6] =	sst s2  }
0x8f: {  	_ = 	snop  }
0x90: {  	s2 =	sld [smem:$0x3FC9]  }
0x91: {  	s18 =	sld [smem:$0x3FC8];
	(tm) =	ssettm $0x1  }
0x92: {  	s4 =	sld [smem:$0x3FFB];
	_ =	sdelay $0x3  }
0x93: {  	_ =	strace s4  }
0x94: {  	s4 =	sld [smem:$0x3FFC];
	_ =	sdelay $0x3  }
0x95: {  	_ =	strace s4  }
0x96: {  	s4 =	sld [smem:$0x3FFD];
	_ =	sdelay $0x3  }
0x97: {  	_ =	strace s4  }
0x98: {  	_ =	strace $0x8FFFFFFF  }
0x99: {  	s19 =	sld [smem:$0x3FDB];
	_ =	sdelay $0x1  }
0x9a: {  	s5 =	simm.s32 $_scs_section_size  }
0x9b: {  	s6 =	simm.s32 $_size__tile_overlayer_lowered;
	s7 =	simm.s32 $_tile_overlayer_lowered  }
0x9c: {  	s22 =	simm.s32 $0x1BFF;
	s21 =	sshll.u32 s7, $0x1;
	s4 =	sadd.s32 s5, s19  }
0x9d: {  	s8 =	simm.s32 $0x0;
	s20 =	sshll.u32 s6, $0x1;
	s6 =	sadd.s32 s21, s4  }
0x9e: {  	[timem:s8], [sflag:s22] =	dma.local [hbm:s6], s20  }
0x9f: {  	_ =	swait.ge [sflag:s22], s20  }
0xa0: {  	s5 =	ssub.s32 $0x0, s20;
	[sflag:s22] =	ssyncset.done $0x0  }
0xa1: {  	[sflag:s22] =	ssyncadd.s32 s5;
	_ =	sdelay $0x1  }
0xa2: {  	s23 =	simm.s32 $0x1B8B  }
0xa3: {  	_ =	swait.ge [sflag:s23], $0x1  }
0xa4: {  	[sflag:s23] =	ssyncset.done $0x0  }
0xa5: {  	s25 =	simm.s32 $0x1B8E;
	s24 =	sld [smem:$0x3FFE];
	[sflag:s23] =	ssyncadd.s32 $0xFFFFFFFF  }
0xa6: {  	s26 =	simm.s32 $execute0_lowered;
	[smem:$0x3FD2] =	sst s25  }
0xa7: {  	s6 =	sshll.u32 s26, $0x1;
	_ =	strace $0x80000046;
	[dreg:$0x1] =	wrdreg $0xFFFFFFFF  }
0xa8: {  	s28 =	simm.s32 $_size_execute0_lowered;
	s4 =	sadd.s32 s4, s6;
	[dreg:$0x0] =	wrdreg $0x0  }
0xa9: {  	s6 =	sshll.u32 s28, $0x1;
	[dreg:$0x2] =	wrdreg s4  }
0xaa: {  	[dreg:$0x3] =	wrdreg s6  }
0xab: {  	[dreg:$0x4] =	wrdreg $0xC0  }
0xac: {  	_ =	task [dreg:s8], $0x5FFFF  }
0xad: {  	[dreg:$0x1] =	wrdreg $0xFFFFFFFF  }
0xae: {  	[dreg:$0x0] =	wrdreg $0x60  }
0xaf: {  	[dreg:$0x2] =	wrdreg s2  }
0xb0: {  	[dreg:$0x3] =	wrdreg s18  }
0xb1: {  	[dreg:$0x4] =	wrdreg s24  }
0xb2: {  	[dreg:$0x5] =	wrdreg $0x9  }
0xb3: {  	_ =	task.clear_ibuf [dreg:s8], $0x6FFFF;
	_ =	strace $0x90000046  }
0xb4: {  	s29 =	simm.s32 $0x9;
	_ =	strace $0x80000048  }
0xb5: {  	_ =	swait.ge [sflag:s29], $0x1  }
0xb6: {  	[sflag:s29] =	ssyncadd.s32 $0xFFFFFFFF  }
0xb7: {  	_ =	strace $0x90000048  }
0xb8: {  	_ =	sfence  }
0xb9: {  	s30 =	sld [smem:$0x0];
	_ =	sdelay $0x2  }
0xba: {  	s31 =	sshll.u32 s1, $0xD;
	s1 =	sshrl.u32 s1, $0x2  }
0xbb: {  	s3 =	sand.u32 $0x4000, s31;
	s1 =	sadd.s32 s1, s30  }
0xbc: {  	s0 =	sor.u32 s3, s0;
	s1 =	sshll.u32 s1, $0x11  }
0xbd: {  	s0 =	sor.u32 s1, s0  }
0xbe: {  	s0 =	sadd.s32 $0x8F2B, s0  }
0xbf: {  	[sflag:s0] =	ssyncadd.remote.s32 $0x1  }
0xc0: {  	_ =	sfence.sel $0xFFFF  }
0xc1: {  	[dreg:$0x0] =	wrdreg $0xFFFFFFFF;
	(pc) =	sbr.abs _section_cstart, $3  }
0xc2: {  	[dreg:$0x1] =	wrdreg $0xFFFFFFFF  }
0xc3: {  	_ =	task.clear_ibuf [dreg:s8], $0x2FFFF;
	_ =	strace $0x9FFFFFFF  }
0xc4: {  	(tm) =	ssettm $0x7FFFFFFF  }
0xc5: {  	_ =	shalt  }
tec
execute0_lowered:
.L_overlay_start_1:
0x0: {  	(tag) =	ssettag $0x1  }
0x1: {  	v0 =	vimm.s32 $0xEFCDAB89;
	v1 =	vimm.s32 $0x67452301  }
0x2: {  	v20 =	vimm.s32 $0x1A1B1819;
	v21 =	vimm.s32 $0x1E1F1C1D;
	v22 =	vimm.s32 $0x12131011  }
0x3: {  	v23 =	vimm.s32 $0x16171415;
	v24 =	vimm.s32 $0x2A2B2829;
	v25 =	vimm.s32 $0x2E2F2C2D  }
0x4: {  	v26 =	vimm.s32 $0x22232021;
	v27 =	vimm.s32 $0x26272425;
	v28 =	vimm.s32 $0x3A3B3839  }
0x5: {  	v29 =	vimm.s32 $0x3E3F3C3D;
	v30 =	vimm.s32 $0x32333031;
	v31 =	vimm.s32 $0x36373435  }
0x6: {  	v32 =	vimm.s32 $0x4A4B4849;
	v33 =	vimm.s32 $0x4E4F4C4D;
	v34 =	vimm.s32 $0x42434041  }
0x7: {  	v35 =	vimm.s32 $0x46474445;
	v36 =	vimm.s32 $0x5A5B5859;
	v39 =	vimm.s32 $0x56575455  }
0x8: {  	v40 =	vimm.s32 $0x6A6B6869;
	v43 =	vimm.s32 $0x66676465;
	v44 =	vimm.s32 $0x7A7B7879  }
0x9: {  	v46 =	vimm.s32 $0xDCFE98BA;
	v48 =	vimm.s32 $0x54761032;
	v51 =	vimm.s32 $0x1D1C1F1E  }
0xa: {  	v55 =	vimm.s32 $0x29282B2A;
	v59 =	vimm.s32 $0x25242726;
	v63 =	vimm.s32 $0x31303332  }
0xb: {  	v7 =	vimm.s32 $0x4D4C4F4E;
	v0 =	vunpack.c.l.s4.s8 v0;
	v52 =	vunpack.c.0.s8.s32 v51  }
0xc: {  	v1 =	vunpack.c.l.s4.s8 v1;
	v10 =	vunpack.c.0.s8.s32 v20;
	v56 =	vunpack.c.0.s8.s32 v55  }
0xd: {  	v13 =	vunpack.c.0.s8.s32 v23;
	v14 =	vunpack.c.0.s8.s32 v24;
	v60 =	vunpack.c.0.s8.s32 v59;
	[tilespmem:$0x1F6C0] =	vst v52  }
0xe: {  	v19 =	vunpack.c.0.s8.s32 v29;
	v20 =	vunpack.c.0.s8.s32 v30;
	v4 =	vunpack.c.0.s8.s32 v63;
	[tilespmem:$0x1F6F0] =	vst v56  }
0xf: {  	v29 =	vunpack.c.0.s8.s32 v39;
	v8 =	vunpack.c.0.s8.s32 v7;
	v39 =	vimm.s32 $0x59585B5A;
	[tilespmem:$0x1F720] =	vst v60  }
0x10: {  	v23 =	vunpack.c.0.s8.s32 v33;
	v30 =	vunpack.c.0.s8.s32 v40;
	v40 =	vunpack.c.0.s8.s32 v39;
	[tilespmem:$0x1F750] =	vst v4  }
0x11: {  	v33 =	vunpack.c.0.s8.s32 v43;
	v59 =	vimm.s32 $0xCDEF89AB;
	v0 =	vunpack.c.0.s8.s32 v0;
	[tilespmem:$0x1F780] =	vst v8  }
0x12: {  	v43 =	vimm.s32 $0x55545756;
	v63 =	vunpack.c.l.s4.s8 v59;
	v1 =	vunpack.c.0.s8.s32 v1;
	[tilespmem:$0x1F7B0] =	vst v40  }
0x13: {  	v24 =	vunpack.c.0.s8.s32 v34;
	v34 =	vunpack.c.0.s8.s32 v44;
	v44 =	vunpack.c.0.s8.s32 v43;
	[tilespmem:$0x1F660] =	vst v0  }
0x14: {  	v7 =	vunpack.c.0.s8.s32 v63;
	[tilespmem:$0x1F670] =	vst v1;
	v0 =	vcombine.low v1, v0;
	v1 =	vunpack.c.l.s4.s8 v48  }
0x15: {  	v37 =	vimm.s32 $0x5E5F5C5D;
	v38 =	vimm.s32 $0x52535051;
	v47 =	vunpack.c.l.s4.s8 v46;
	[tilespmem:$0x1F7E0] =	vst v44  }
0x16: {  	v2 =	vimm.s32 $0x72737071;
	[tilespmem:$0x1F880] =	vst v7;
	v0 =	vand.u32 $0xF, v0;
	v49 =	vunpack.c.0.s8.s32 v1  }
0x17: {  	v60 =	vimm.s32 $0x45670123;
	[tilespmem:$0x1F680] =	vst v0;
	v0 =	vunpack.c.0.s8.s32 v47;
	v47 =	vimm.s32 $0x61606362  }
0x18: {  	v50 =	vimm.s32 $0x19181B1A;
	v1 =	vunpack.c.l.s4.s8 v60;
	[tilespmem:$0x1F6A0] =	vst v49;
	v48 =	vunpack.c.0.s8.s32 v47  }
0x19: {  	v3 =	vimm.s32 $0x76777475;
	v53 =	vimm.s32 $0x11101312;
	[tilespmem:$0x1F690] =	vst v0;
	v0 =	vunpack.c.0.s8.s32 v50  }
0x1a: {  	v54 =	vimm.s32 $0x15141716;
	v57 =	vimm.s32 $0x2D2C2F2E;
	v1 =	vunpack.c.0.s8.s32 v1;
	[tilespmem:$0x1F810] =	vst v48  }
0x1b: {  	v58 =	vimm.s32 $0x21202322;
	v8 =	vimm.s32 $0x18191A1B;
	[tilespmem:$0x1F6B0] =	vst v0;
	v0 =	vunpack.c.0.s8.s32 v53  }
0x1c: {  	v61 =	vimm.s32 $0x39383B3A;
	v62 =	vimm.s32 $0x3D3C3F3E;
	[tilespmem:$0x1F890] =	vst v1;
	v1 =	vunpack.c.0.s8.s32 v8  }
0x1d: {  	v5 =	vimm.s32 $0x35343736;
	v50 =	vimm.s32 $0x79787B7A;
	[tilespmem:$0x1F6D0] =	vst v0;
	v0 =	vunpack.c.0.s8.s32 v54  }
0x1e: {  	v16 =	vunpack.c.0.s8.s32 v26;
	v17 =	vunpack.c.0.s8.s32 v27;
	v53 =	vunpack.c.0.s8.s32 v50;
	[tilespmem:$0x1F8A0] =	vst v1  }
0x1f: {  	v4 =	vimm.s32 $0x1234567;
	v48 =	vimm.s32 $0x38393A3B;
	[tilespmem:$0x1F6E0] =	vst v0;
	v0 =	vunpack.c.0.s8.s32 v57  }
0x20: {  	v26 =	vunpack.c.0.s8.s32 v36;
	v4 =	vunpack.c.l.s4.s8 v4;
	v50 =	vunpack.c.0.s8.s32 v48;
	[tilespmem:$0x1F830] =	vst v53  }
0x21: {  	v27 =	vunpack.c.0.s8.s32 v37;
	[tilespmem:$0x1F700] =	vst v0;
	v0 =	vunpack.c.0.s8.s32 v58;
	v58 =	vimm.s32 $0x7D7C7F7E  }
0x22: {  	v36 =	vunpack.c.0.s8.s32 v2;
	v56 =	vunpack.c.0.s8.s32 v4;
	[tilespmem:$0x1F920] =	vst v50;
	v4 =	vunpack.c.0.s8.s32 v58  }
0x23: {  	v51 =	vimm.s32 $0x89ABCDEF;
	v58 =	vimm.s32 $0x40414243;
	[tilespmem:$0x1F710] =	vst v0;
	v0 =	vunpack.c.0.s8.s32 v61  }
0x24: {  	v37 =	vunpack.c.0.s8.s32 v3;
	v2 =	vunpack.c.l.s4.s8 v51;
	v60 =	vunpack.c.0.s8.s32 v58;
	[tilespmem:$0x1F850] =	vst v4  }
0x25: {  	v52 =	vimm.s32 $0xFEDCBA98;
	[tilespmem:$0x1F730] =	vst v0;
	v0 =	vunpack.c.0.s8.s32 v62;
	v62 =	vimm.s32 $0x71707372  }
0x26: {  	v3 =	vunpack.c.l.s4.s8 v52;
	v55 =	vunpack.c.0.s8.s32 v2;
	[tilespmem:$0x1F980] =	vst v60;
	v2 =	vunpack.c.0.s8.s32 v62  }
0x27: {  	v6 =	vimm.s32 $0x49484B4A;
	v62 =	vimm.s32 $0x58595A5B;
	[tilespmem:$0x1F740] =	vst v0;
	v0 =	vunpack.c.0.s8.s32 v5  }
0x28: {  	v54 =	vunpack.c.0.s8.s32 v3;
	v5 =	vimm.s32 $0x76543210;
	v4 =	vunpack.c.0.s8.s32 v62;
	[tilespmem:$0x1F860] =	vst v2  }
0x29: {  	v52 =	vimm.s32 $0x30313233;
	v5 =	vunpack.c.l.s4.s8 v5;
	[tilespmem:$0x1F760] =	vst v0;
	v0 =	vunpack.c.0.s8.s32 v6  }
0x2a: {  	v63 =	vimm.s32 $0x5C5D5E5F;
	v6 =	vand.u32 $0xF, v54;
	v54 =	vunpack.c.0.s8.s32 v52;
	[tilespmem:$0x1F9A0] =	vst v4  }
0x2b: {  	v9 =	vimm.s32 $0x41404342;
	v57 =	vunpack.c.0.s8.s32 v5;
	v5 =	vunpack.c.0.s8.s32 v63;
	[tilespmem:$0x1F770] =	vst v0  }
0x2c: {  	v41 =	vimm.s32 $0x6E6F6C6D;
	v42 =	vimm.s32 $0x62636061;
	v0 =	vunpack.c.0.s8.s32 v9;
	[tilespmem:$0x1F940] =	vst v54  }
0x2d: {  	v45 =	vimm.s32 $0x7E7F7C7D;
	v9 =	vimm.s32 $0x1C1D1E1F;
	v61 =	vcombine.low v6, v57;
	[tilespmem:$0x1F9B0] =	vst v5  }
0x2e: {  	v18 =	vunpack.c.0.s8.s32 v28;
	v7 =	vimm.s32 $0x54555657;
	v39 =	vunpack.c.0.s8.s32 v9;
	[tilespmem:$0x1F790] =	vst v0  }
0x2f: {  	v28 =	vunpack.c.0.s8.s32 v38;
	v38 =	vimm.s32 $0x45444746;
	v9 =	vunpack.c.0.s8.s32 v7;
	[tilespmem:$0x1F840] =	vst v61  }
0x30: {  	v11 =	vunpack.c.0.s8.s32 v21;
	v6 =	vimm.s32 $0x75747776;
	v0 =	vunpack.c.0.s8.s32 v38;
	[tilespmem:$0x1F8B0] =	vst v39  }
0x31: {  	v12 =	vunpack.c.0.s8.s32 v22;
	v57 =	vimm.s32 $0x4C4D4E4F;
	v2 =	vunpack.c.0.s8.s32 v6;
	[tilespmem:$0x1F9D0] =	vst v9  }
0x32: {  	v15 =	vunpack.c.0.s8.s32 v25;
	v38 =	vimm.s32 $0x10111213;
	v59 =	vunpack.c.0.s8.s32 v57;
	[tilespmem:$0x1F7A0] =	vst v0  }
0x33: {  	v21 =	vunpack.c.0.s8.s32 v31;
	v8 =	vimm.s32 $0x68696A6B;
	v40 =	vunpack.c.0.s8.s32 v38;
	[tilespmem:$0x1F870] =	vst v2  }
0x34: {  	v31 =	vunpack.c.0.s8.s32 v41;
	v41 =	vimm.s32 $0x5D5C5F5E;
	v38 =	vunpack.c.0.s8.s32 v8;
	[tilespmem:$0x1F970] =	vst v59  }
0x35: {  	v22 =	vunpack.c.0.s8.s32 v32;
	v0 =	vunpack.c.0.s8.s32 v41;
	v41 =	vimm.s32 $0x14151617;
	[tilespmem:$0x1F8C0] =	vst v40  }
0x36: {  	v32 =	vunpack.c.0.s8.s32 v42;
	v42 =	vimm.s32 $0x51505352;
	v1 =	vunpack.c.0.s8.s32 v41;
	[tilespmem:$0x1F9E0] =	vst v38  }
0x37: {  	v25 =	vunpack.c.0.s8.s32 v35;
	[tilespmem:$0x1F7C0] =	vst v0;
	v0 =	vunpack.c.0.s8.s32 v42;
	v42 =	vimm.s32 $0x28292A2B  }
0x38: {  	v35 =	vunpack.c.0.s8.s32 v45;
	v45 =	vimm.s32 $0x69686B6A;
	[tilespmem:$0x1F8D0] =	vst v1;
	v44 =	vunpack.c.0.s8.s32 v42  }
0x39: {  	v40 =	vimm.s32 $0x60616263;
	[tilespmem:$0x1F7D0] =	vst v0;
	v0 =	vunpack.c.0.s8.s32 v45  }
0x3a: {  	v46 =	vimm.s32 $0x6D6C6F6E;
	v42 =	vunpack.c.0.s8.s32 v40;
	[tilespmem:$0x1F8E0] =	vst v44  }
0x3b: {  	[tilespmem:$0x1F7F0] =	vst v0;
	v0 =	vunpack.c.0.s8.s32 v46;
	v46 =	vimm.s32 $0x20212223  }
0x3c: {  	v49 =	vimm.s32 $0x65646766;
	[tilespmem:$0x1FA00] =	vst v42;
	v1 =	vunpack.c.0.s8.s32 v46  }
0x3d: {  	v51 =	vimm.s32 $0x3C3D3E3F;
	[tilespmem:$0x1F800] =	vst v0;
	v0 =	vunpack.c.0.s8.s32 v49  }
0x3e: {  	v43 =	vimm.s32 $0x2C2D2E2F;
	[tilespmem:$0x1F900] =	vst v1;
	v1 =	vunpack.c.0.s8.s32 v51  }
0x3f: {  	v45 =	vunpack.c.0.s8.s32 v43;
	[tilespmem:$0x1F820] =	vst v0;
	v0 =	vcombine.low v56, v55;
	v56 =	vimm.s32 $0x48494A4B  }
0x40: {  	v41 =	vimm.s32 $0x64656667;
	[tilespmem:$0x1F930] =	vst v1;
	v1 =	vunpack.c.0.s8.s32 v56  }
0x41: {  	v61 =	vimm.s32 $0x44454647;
	v43 =	vunpack.c.0.s8.s32 v41;
	[tilespmem:$0x1F8F0] =	vst v45  }
0x42: {  	s0 =	simm.s32 $0x0;
	s1 =	srdreg.scid;
	s10 =	stileid.u32;
	v47 =	vimm.s32 $0x24252627;
	[tilespmem:$0x1F960] =	vst v1;
	v1 =	vunpack.c.0.s8.s32 v61  }
0x43: {  	[smem:$0x7FF] =	sst s0;
	s0 =	sand.u32 $0x1, s1;
	s3 =	sshll.u32 s10, $0x1;
	v6 =	vimm.s32 $0x50515253;
	[tilespmem:$0x1FA10] =	vst v43;
	v49 =	vunpack.c.0.s8.s32 v47  }
0x44: {  	s5 =	sor.u32 s0, s3;
	v53 =	vimm.s32 $0x34353637;
	[tilespmem:$0x1F990] =	vst v1;
	v1 =	vunpack.c.0.s8.s32 v6  }
0x45: {  	s4 =	rddreg [dreg:$0x1];
	s10 =	sshll.u32 s10, $0x9;
	s7 =	sshll.u32 s5, $0x5;
	v39 =	vimm.s32 $0x6C6D6E6F;
	[tilespmem:$0x1F910] =	vst v49;
	v55 =	vunpack.c.0.s8.s32 v53  }
0x46: {  	s3 =	sshll.u32 s5, $0x4;
	s1 =	sand.u32 $0x60, s7;
	s7 =	sor.u32 s7, s10;
	[tilespmem:$0x1F9C0] =	vst v1;
	v1 =	vunpack.c.0.s8.s32 v39  }
0x47: {  	s8 =	sshll.u32 s5, $0x2;
	s9 =	sshll.u32 s5, $0x8;
	s5 =	sand.u32 $0x1C60, s7;
	v49 =	vimm.s32 $0x7C7D7E7F;
	[tilespmem:$0x1F950] =	vst v55  }
0x48: {  	s2 =	rddreg [dreg:$0x2];
	s12 =	sadd.s32 s4, s8;
	s13 =	sor.u32 s9, s1;
	v50 =	vimm.s32 $0x70717273;
	v46 =	vimm.s32 $0x32107654;
	v3 =	vunpack.c.0.s8.s32 v49;
	[tilespmem:$0x1F9F0] =	vst v1  }
0x49: {  	s14 =	sor.u32 $0x380, s13;
	v52 =	vunpack.c.0.s8.s32 v50;
	v48 =	vunpack.c.l.s4.s8 v46;
	v51 =	vimm.s32 $0x74757677;
	_ =	strace $0x80000047;
	[dreg:$0x4] =	wrdreg s12  }
0x4a: {  	s15 =	sor.u32 $0x2180, s5;
	v53 =	vunpack.c.0.s8.s32 v51;
	[tilespmem:$0x1FA30] =	vst v3;
	[dreg:$0xa] =	wrdreg s14  }
0x4b: {  	s16 =	sor.u32 $0x2200, s5;
	v57 =	vimm.s32 $0x17161514;
	v54 =	vunpack.c.0.s8.s32 v48;
	[tilespmem:$0x1FA40] =	vst v52;
	[dreg:$0xc] =	wrdreg s15  }
0x4c: {  	s11 =	sor.u32 $0x300, s13;
	v58 =	vunpack.c.0.s8.s32 v57;
	v61 =	vimm.s32 $0x2B2A2928;
	[tilespmem:$0x1FA50] =	vst v53;
	[dreg:$0xd] =	wrdreg s16  }
0x4d: {  	s17 =	sor.u32 $0x2280, s5;
	v5 =	vimm.s32 $0x3F3E3D3C;
	v62 =	vunpack.c.0.s8.s32 v61;
	[tilespmem:$0x1FA70] =	vst v54;
	[dreg:$0x5] =	wrdreg s11  }
0x4e: {  	s18 =	sor.u32 $0x2300, s5;
	s19 =	sor.u32 $0x2380, s5;
	v9 =	vimm.s32 $0x33323130;
	v6 =	vunpack.c.0.s8.s32 v5;
	[tilespmem:$0x1FAA0] =	vst v58;
	[dreg:$0xe] =	wrdreg s17  }
0x4f: {  	v38 =	vunpack.c.0.s8.s32 v9;
	v41 =	vimm.s32 $0x47464544;
	v45 =	vimm.s32 $0xBA98FEDC;
	[tilespmem:$0x1FAD0] =	vst v62;
	[dreg:$0xf] =	wrdreg s18  }
0x50: {  	s20 =	sor.u32 $0x4100, s5;
	v42 =	vunpack.c.0.s8.s32 v41;
	v47 =	vunpack.c.l.s4.s8 v45;
	v45 =	vimm.s32 $0x5B5A5958;
	[dreg:$0x10] =	wrdreg s19;
	[tilespmem:$0x1FB00] =	vst v6  }
0x51: {  	s22 =	sor.u32 $0x4180, s5;
	v46 =	vimm.s32 $0x57565554;
	v2 =	vunpack.c.0.s8.s32 v45;
	[dreg:$0x11] =	wrdreg s20;
	[tilespmem:$0x1FB30] =	vst v38  }
0x52: {  	s23 =	sor.u32 $0x4200, s5;
	v9 =	vimm.s32 $0x7B7A7978;
	v51 =	vunpack.c.0.s8.s32 v46;
	[dreg:$0x12] =	wrdreg s22;
	[tilespmem:$0x1FB60] =	vst v42  }
0x53: {  	s25 =	sor.u32 $0x4280, s5;
	v61 =	vunpack.c.0.s8.s32 v9;
	[dreg:$0x13] =	wrdreg s23;
	[tilespmem:$0x1FB90] =	vst v2  }
0x54: {  	s21 =	sor.u32 $0x10, s1;
	s26 =	sor.u32 $0x4300, s5;
	[dreg:$0x14] =	wrdreg s25;
	[tilespmem:$0x1FBA0] =	vst v51  }
0x55: {  	s24 =	sor.u32 s9, s21;
	s29 =	sor.u32 $0x4380, s5;
	v0 =	vand.u32 $0xF, v0;
	[dreg:$0x15] =	wrdreg s26;
	[tilespmem:$0x1FC10] =	vst v61  }
0x56: {  	s28 =	sor.u32 $0x300, s24;
	[dreg:$0x16] =	wrdreg s29;
	[tilespmem:$0x1FC80] =	vst v0  }
0x57: {  	s30 =	sor.u32 $0x6100, s5;
	[dreg:$0x6] =	wrdreg s28;
	[tilespmem:$0x1FD00] =	vst v10  }
0x58: {  	s6 =	sadd.s32 s3, s2;
	s8 =	sor.u32 $0x380, s24;
	[dreg:$0x17] =	wrdreg s30;
	[tilespmem:$0x1FD10] =	vst v11  }
0x59: {  	s4 =	sand.u32 $0x1C00, s9;
	s10 =	sor.u32 $0x6180, s5;
	[dreg:$0x7] =	wrdreg s8;
	[tilespmem:$0x1FD20] =	vst v12  }
0x5a: {  	s6 =	sadd.s32 $0x400, s6;
	s31 =	sor.u32 $0x100, s4;
	[dreg:$0x18] =	wrdreg s10;
	[tilespmem:$0x1FD30] =	vst v13  }
0x5b: {  	s1 =	sor.u32 s1, s31;
	[dreg:$0x8] =	wrdreg s6;
	[tilespmem:$0x1FD40] =	vst v14  }
0x5c: {  	s0 =	ssub.s32 $0x2, s0;
	s13 =	sor.u32 $0x6280, s5;
	[smem:$0x7BC] =	sst s1;
	[tilespmem:$0x1FD50] =	vst v15  }
0x5d: {  	s3 =	sshrl.u32 s0, $0x1;
	s2 =	sor.u32 $0xC200, s5;
	[dreg:$0x1a] =	wrdreg s13;
	[tilespmem:$0x1FD60] =	vst v16  }
0x5e: {  	s0 =	ssub.s32 s0, s3;
	s3 =	sor.u32 $0xC280, s5;
	[smem:$0x7C9] =	sst s2;
	[tilespmem:$0x1FD70] =	vst v17  }
0x5f: {  	s24 =	sor.u32 s21, s4;
	s4 =	sor.u32 $0xC300, s5;
	[smem:$0x7CA] =	sst s3;
	[tilespmem:$0x1FDE0] =	vst v18  }
0x60: {  	s9 =	sor.u32 $0xE180, s5;
	[smem:$0x7CB] =	sst s4;
	[tilespmem:$0x1FDF0] =	vst v19  }
0x61: {  	s11 =	sor.u32 $0x6200, s5;
	[smem:$0x7CE] =	sst s9;
	[tilespmem:$0x1FE00] =	vst v20  }
0x62: {  	s12 =	sor.u32 s21, s31;
	[tilespmem:$0x1FE10] =	vst v21;
	[dreg:$0x19] =	wrdreg s11  }
0x63: {  	s14 =	simm.s32 $0x10100;
	[tilespmem:$0x1FE20] =	vst v22;
	[smem:$0x7BD] =	sst s12  }
0x64: {  	s15 =	sor.u32 $0x6300, s5;
	[tilespmem:$0x1FE30] =	vst v23;
	[dreg:$0x9] =	wrdreg s14  }
0x65: {  	s16 =	sor.u32 $0x6380, s5;
	[tilespmem:$0x1FE40] =	vst v24;
	[dreg:$0x1b] =	wrdreg s15  }
0x66: {  	s17 =	sor.u32 $0x8100, s5;
	[tilespmem:$0x1FE50] =	vst v25;
	[dreg:$0x1c] =	wrdreg s16  }
0x67: {  	s18 =	sor.u32 $0x8180, s5;
	[tilespmem:$0x1FEC0] =	vst v26;
	[dreg:$0x1d] =	wrdreg s17  }
0x68: {  	s19 =	sor.u32 $0x8200, s5;
	[tilespmem:$0x1FED0] =	vst v27;
	[dreg:$0x1e] =	wrdreg s18  }
0x69: {  	s20 =	sor.u32 $0x8280, s5;
	[tilespmem:$0x1FEE0] =	vst v28;
	[dreg:$0x1f] =	wrdreg s19  }
0x6a: {  	s21 =	sor.u32 $0x8300, s5;
	[tilespmem:$0x1FEF0] =	vst v29;
	[smem:$0x7BE] =	sst s20  }
0x6b: {  	s22 =	sor.u32 $0x8380, s5;
	[tilespmem:$0x1FF00] =	vst v30;
	[smem:$0x7BF] =	sst s21  }
0x6c: {  	s23 =	sor.u32 $0xA100, s5;
	[tilespmem:$0x1FF10] =	vst v31;
	[smem:$0x7C0] =	sst s22  }
0x6d: {  	s25 =	sor.u32 $0xA180, s5;
	[tilespmem:$0x1FF20] =	vst v32;
	[smem:$0x7C1] =	sst s23  }
0x6e: {  	s26 =	sor.u32 $0xA200, s5;
	[tilespmem:$0x1FF30] =	vst v33;
	[smem:$0x7C2] =	sst s25  }
0x6f: {  	s28 =	sor.u32 $0xA280, s5;
	[tilespmem:$0x1FFA0] =	vst v34;
	[smem:$0x7C3] =	sst s26  }
0x70: {  	v44 =	vimm.s32 $0x78797A7B;
	s29 =	sor.u32 $0xA300, s5;
	[tilespmem:$0x1FFB0] =	vst v35;
	[smem:$0x7C4] =	sst s28  }
0x71: {  	v1 =	vunpack.c.0.s8.s32 v44;
	s30 =	sor.u32 $0xA380, s5;
	[tilespmem:$0x1FFD0] =	vst v36;
	[smem:$0x7C5] =	sst s29  }
0x72: {  	vm1 =	vcmask $0x1F10;
	v48 =	vimm.s32 $0x6F6E6D6C;
	s31 =	sor.u32 $0xC100, s5;
	[tilespmem:$0x1FFE0] =	vst v37;
	[smem:$0x7C6] =	sst s30  }
0x73: {  	v54 =	vunpack.c.0.s8.s32 v48;
	s1 =	sor.u32 $0xC180, s5;
	v48 =	vsel vm1, v13, v12;
	[tilespmem:$0x1FA20] =	vst v1;
	[smem:$0x7C7] =	sst s31  }
0x74: {  	v52 =	vimm.s32 $0x77767574;
	s6 =	sor.u32 $0xC380, s5;
	[smem:$0x7C8] =	sst s1;
	[tilespmem:$0x1FD90] =	vst v48  }
0x75: {  	v62 =	vimm.s32 $0x98BADCFE;
	s8 =	sor.u32 $0xE100, s5;
	v2 =	vunpack.c.0.s8.s32 v52;
	[smem:$0x7CC] =	sst s6;
	v52 =	vsel vm1, v19, v18;
	[tilespmem:$0x1FBC0] =	vst v54  }
0x76: {  	s10 =	sor.u32 $0xE200, s5;
	v1 =	vunpack.c.0.s8.s32 v47;
	v5 =	vunpack.c.l.s4.s8 v62;
	[smem:$0x7CD] =	sst s8;
	v62 =	vsel vm1, v35, v34;
	[tilespmem:$0x1FE60] =	vst v52  }
0x77: {  	s13 =	sor.u32 $0xE380, s5;
	[smem:$0x7CF] =	sst s10;
	[tilespmem:$0x1FFC0] =	vst v62  }
0x78: {  	s2 =	sor.u32 $0x6380, s24;
	v47 =	vimm.s32 $0x53525150;
	[smem:$0x7D2] =	sst s13;
	[tilespmem:$0x1FA60] =	vst v1  }
0x79: {  	v55 =	vimm.s32 $0x1F1E1D1C;
	s3 =	sor.u32 $0x8100, s24;
	[smem:$0x7E4] =	sst s2;
	v53 =	vunpack.c.0.s8.s32 v47;
	v47 =	vsel vm1, v11, v10;
	[tilespmem:$0x1FC20] =	vst v2  }
0x7a: {  	s4 =	sor.u32 $0x8180, s24;
	[smem:$0x7E5] =	sst s3;
	v54 =	vsel vm1, v23, v22;
	v1 =	vunpack.c.0.s8.s32 v55;
	[tilespmem:$0x1FD80] =	vst v47  }
0x7b: {  	v56 =	vimm.s32 $0x1B1A1918;
	s9 =	sor.u32 $0x8300, s24;
	[smem:$0x7E6] =	sst s4;
	[tilespmem:$0x1FE90] =	vst v54  }
0x7c: {  	s11 =	sor.u32 $0xE280, s5;
	[smem:$0x7E9] =	sst s9;
	[tilespmem:$0x1FA80] =	vst v1;
	v1 =	vunpack.c.0.s8.s32 v56  }
0x7d: {  	v59 =	vimm.s32 $0x13121110;
	s12 =	sor.u32 $0xE300, s5;
	[smem:$0x7D0] =	sst s11;
	v38 =	vunpack.c.0.s8.s32 v5;
	[tilespmem:$0x1FBB0] =	vst v53  }
0x7e: {  	s14 =	sor.u32 $0x2100, s24;
	[smem:$0x7D1] =	sst s12;
	[tilespmem:$0x1FA90] =	vst v1;
	v1 =	vunpack.c.0.s8.s32 v59  }
0x7f: {  	v60 =	vimm.s32 $0x2F2E2D2C;
	s15 =	sor.u32 $0x2180, s24;
	[smem:$0x7D3] =	sst s14;
	[tilespmem:$0x1FC60] =	vst v38  }
0x80: {  	v50 =	vimm.s32 $0x67666564;
	s16 =	sor.u32 $0x2200, s24;
	[smem:$0x7D4] =	sst s15;
	v53 =	vsel vm1, v21, v20;
	[tilespmem:$0x1FAB0] =	vst v1;
	v1 =	vunpack.c.0.s8.s32 v60  }
0x81: {  	v63 =	vimm.s32 $0x27262524;
	s17 =	sor.u32 $0x2280, s24;
	[smem:$0x7D5] =	sst s16;
	[tilespmem:$0x1FE70] =	vst v53  }
0x82: {  	s18 =	sor.u32 $0x2300, s24;
	[smem:$0x7D6] =	sst s17;
	v56 =	vunpack.c.0.s8.s32 v50;
	v50 =	vsel vm1, v17, v16;
	[tilespmem:$0x1FAC0] =	vst v1;
	v1 =	vunpack.c.0.s8.s32 v63  }
0x83: {  	v4 =	vimm.s32 $0x23222120;
	s19 =	sor.u32 $0x2380, s24;
	[smem:$0x7D7] =	sst s18;
	[tilespmem:$0x1FDC0] =	vst v50  }
0x84: {  	s20 =	sor.u32 $0x4100, s24;
	[smem:$0x7D8] =	sst s19;
	v60 =	vimm.s32 $0x23016745;
	[tilespmem:$0x1FAE0] =	vst v1;
	v1 =	vunpack.c.0.s8.s32 v4  }
0x85: {  	v7 =	vimm.s32 $0x3B3A3938;
	s21 =	sor.u32 $0x4180, s24;
	[smem:$0x7D9] =	sst s20;
	[tilespmem:$0x1FBE0] =	vst v56;
	v4 =	vunpack.c.l.s4.s8 v60  }
0x86: {  	s22 =	sor.u32 $0x4200, s24;
	[smem:$0x7DA] =	sst s21;
	v60 =	vsel vm1, v33, v32;
	[tilespmem:$0x1FAF0] =	vst v1;
	v1 =	vunpack.c.0.s8.s32 v7  }
0x87: {  	s23 =	sor.u32 $0x4280, s24;
	[smem:$0x7DB] =	sst s22;
	[tilespmem:$0x1FF80] =	vst v60;
	v9 =	vunpack.c.0.s8.s32 v4  }
0x88: {  	v55 =	vimm.s32 $0x73727170;
	v7 =	vimm.s32 $0x63626160;
	[tilespmem:$0x1FB10] =	vst v1  }
0x89: {  	s25 =	sor.u32 $0x4300, s24;
	[smem:$0x7DC] =	sst s23;
	v58 =	vunpack.c.0.s8.s32 v7;
	v7 =	vunpack.c.0.s8.s32 v55;
	v55 =	vsel vm1, v25, v24;
	[tilespmem:$0x1FC50] =	vst v9  }
0x8a: {  	v8 =	vimm.s32 $0x37363534;
	s26 =	sor.u32 $0x4380, s24;
	[smem:$0x7DD] =	sst s25;
	[tilespmem:$0x1FEA0] =	vst v55  }
0x8b: {  	s28 =	sor.u32 $0x6100, s24;
	[smem:$0x7DE] =	sst s26;
	v1 =	vunpack.c.0.s8.s32 v8;
	[tilespmem:$0x1FBF0] =	vst v58  }
0x8c: {  	s7 =	sor.u32 $0x2100, s5;
	s29 =	sor.u32 $0x6180, s24;
	[smem:$0x7DF] =	sst s28;
	v56 =	vcombine.low v55, v54;
	[tilespmem:$0x1FC30] =	vst v7  }
0x8d: {  	v39 =	vimm.s32 $0x4F4E4D4C;
	s30 =	sor.u32 $0x6200, s24;
	[smem:$0x7E0] =	sst s29;
	[tilespmem:$0x1FB20] =	vst v1  }
0x8e: {  	[dreg:$0xb] =	wrdreg s7;
	v63 =	vimm.s32 $0x10325476;
	v8 =	vimm.s32 $0x7F7E7D7C;
	v58 =	vsel vm1, v29, v28;
	[tilespmem:$0x1FEB0] =	vst v56  }
0x8f: {  	s31 =	sor.u32 $0x6280, s24;
	[smem:$0x7E1] =	sst s30;
	v59 =	vunpack.c.0.s8.s32 v8;
	v8 =	vunpack.c.l.s4.s8 v63;
	v63 =	vsel vm1, v37, v36;
	[tilespmem:$0x1FF50] =	vst v58  }
0x90: {  	s1 =	sor.u32 $0x6300, s24;
	[smem:$0x7E2] =	sst s31;
	v1 =	vunpack.c.0.s8.s32 v39;
	[tilespmem:$0x1FFF0] =	vst v63  }
0x91: {  	s6 =	sor.u32 $0x8200, s24;
	[smem:$0x7E3] =	sst s1;
	[tilespmem:$0x1FC00] =	vst v59  }
0x92: {  	v40 =	vimm.s32 $0x4B4A4948;
	s8 =	sor.u32 $0x8280, s24;
	[smem:$0x7E7] =	sst s6;
	v39 =	vunpack.c.0.s8.s32 v8;
	v59 =	vsel vm1, v31, v30;
	[tilespmem:$0x1FB40] =	vst v1  }
0x93: {  	s10 =	sor.u32 $0x8380, s24;
	[smem:$0x7E8] =	sst s8;
	v1 =	vunpack.c.0.s8.s32 v40;
	[tilespmem:$0x1FF70] =	vst v59  }
0x94: {  	s13 =	sor.u32 $0xA200, s24;
	[smem:$0x7EA] =	sst s10;
	v40 =	vlaneseq.u32;
	[tilespmem:$0x1FC70] =	vst v39  }
0x95: {  	s11 =	sor.u32 $0xA100, s24;
	[smem:$0x7ED] =	sst s13;
	v41 =	vor.u32 $0x10, v40;
	[tilespmem:$0x1FB50] =	vst v1  }
0x96: {  	s12 =	sor.u32 $0xA180, s24;
	[smem:$0x7EB] =	sst s11;
	v42 =	vor.u32 $0x20, v40;
	[tilespmem:$0x1FC90] =	vst v41  }
0x97: {  	s14 =	sor.u32 $0xA280, s24;
	[smem:$0x7EC] =	sst s12;
	v45 =	vor.u32 $0x50, v40;
	[tilespmem:$0x1FCA0] =	vst v42  }
0x98: {  	s15 =	sor.u32 $0xA300, s24;
	[smem:$0x7EE] =	sst s14;
	v46 =	vor.u32 $0x60, v40;
	[tilespmem:$0x1FCD0] =	vst v45  }
0x99: {  	s16 =	sor.u32 $0xA380, s24;
	[smem:$0x7EF] =	sst s15;
	v61 =	vcombine.low v60, v59;
	v0 =	vor.u32 $0x70, v40;
	[tilespmem:$0x1FCE0] =	vst v46  }
0x9a: {  	v43 =	vimm.s32 $0x43424140;
	s17 =	sor.u32 $0xC100, s24;
	[smem:$0x7F0] =	sst s16;
	[tilespmem:$0x1FCF0] =	vst v0  }
0x9b: {  	s18 =	sor.u32 $0xC180, s24;
	[smem:$0x7F1] =	sst s17;
	v1 =	vunpack.c.0.s8.s32 v43;
	v43 =	vor.u32 $0x30, v40;
	[tilespmem:$0x1FF90] =	vst v61  }
0x9c: {  	s19 =	sor.u32 $0xC200, s24;
	[smem:$0x7F2] =	sst s18;
	v0 =	vcombine.low v48, v47;
	[tilespmem:$0x1FCB0] =	vst v43  }
0x9d: {  	v44 =	vimm.s32 $0x5F5E5D5C;
	s20 =	sor.u32 $0xC280, s24;
	[smem:$0x7F3] =	sst s19;
	[tilespmem:$0x1FB70] =	vst v1  }
0x9e: {  	s21 =	sor.u32 $0xC300, s24;
	[smem:$0x7F4] =	sst s20;
	v1 =	vunpack.c.0.s8.s32 v44;
	v44 =	vor.u32 $0x40, v40;
	[tilespmem:$0x1FDA0] =	vst v0  }
0x9f: {  	s22 =	sor.u32 $0xC380, s24;
	[smem:$0x7F5] =	sst s21;
	v0 =	vcombine.low v53, v52;
	[tilespmem:$0x1FCC0] =	vst v44  }
0xa0: {  	v49 =	vimm.s32 $0x6B6A6968;
	s23 =	sor.u32 $0xE100, s24;
	[smem:$0x7F6] =	sst s22;
	[tilespmem:$0x1FB80] =	vst v1  }
0xa1: {  	s25 =	sor.u32 $0xE180, s24;
	[smem:$0x7F7] =	sst s23;
	v1 =	vunpack.c.0.s8.s32 v49;
	v49 =	vsel vm1, v15, v14;
	[tilespmem:$0x1FE80] =	vst v0  }
0xa2: {  	v57 =	vimm.s32 $0xAB89EFCD;
	s26 =	sor.u32 $0xE200, s24;
	[smem:$0x7F8] =	sst s25;
	[tilespmem:$0x1FDB0] =	vst v49;
	v51 =	vcombine.low v50, v49  }
0xa3: {  	s28 =	sor.u32 $0xE280, s24;
	[smem:$0x7F9] =	sst s26;
	[tilespmem:$0x1FBD0] =	vst v1;
	v1 =	vunpack.c.l.s4.s8 v57;
	v57 =	vsel vm1, v27, v26  }
0xa4: {  	s29 =	sor.u32 $0xE300, s24;
	[smem:$0x7FA] =	sst s28;
	[tilespmem:$0x1FDD0] =	vst v51;
	v0 =	vcombine.low v58, v57  }
0xa5: {  	s30 =	sor.u32 $0xE380, s24;
	[smem:$0x7FB] =	sst s29;
	[tilespmem:$0x1FF40] =	vst v57;
	v1 =	vunpack.c.0.s8.s32 v1  }
0xa6: {  	s31 =	sor.u32 $0x100, s5;
	[smem:$0x7FC] =	sst s30;
	[tilespmem:$0x1FF60] =	vst v0  }
0xa7: {  	vm0 =	vmmov $0xff;
	s7 =	smax.u32 s0, $0x1;
	[smem:$0x7FD] =	sst s31;
	[tilespmem:$0x1FC40] =	vst v1  }
.LBB2_1:
0xa8: {  	[smem:$0x7BB] =	sst s7  }
0xa9: {  	s19 =	rddreg [dreg:$0x4];
	s0 =	simm.s32 $0x0;
	s6 =	simm.s32 $0x2  }
0xaa: {  	[tilespmem:s0], [sflag:$0x2] =	stream.linear.gather [hbm4b:s19+s0], $0x20, $0x38;
	[tilespmem:$0x10180] =	vst v63  }
0xab: {  	_ =	swait.ge [sflag:s6], $0x20  }
0xac: {  	[sflag:s6] =	ssyncset.done $0x0  }
0xad: {  	[sflag:s6] =	ssyncadd.s32 $0xFFFFFFE0  }
0xae: {  	v0 =	vld [tilespmem:$0x0];
	_ =	sdelay $0x4  }
0xaf: {  	v0 =	vshrl.u32 v0, $0x3  }
0xb0: {  	[tilespmem:$0x80] =	vst v0  }
0xb1: {  	v0 =	vld.msk [tilespmem:$0x80], $0xff;
	_ =	sdelay $0x4  }
0xb2: {  	v2 =	vlaneseq.u32;
	v1 =	vld [tilespmem:$0x10];
	v0 =	vshll.u32 v0, $0xD  }
0xb3: {  	v0 =	vperm.xlane v0, v2;
	_ =	sdelay $0x3  }
0xb4: {  	s1 =	simm.s32 $0x0;
	v1 =	vshrl.u32 v1, $0x3  }
0xb5: {  	s7 =	simm.s32 $0x100;
	s8 =	simm.s32 $0x1;
	v35 =	vld [tilespmem:$0x0];
	s30 =	rddreg [dreg:$0x0];
	[tilespmem:$0x90] =	vst v1  }
0xb6: {  	v16 =	vld [tilespmem:$0x10];
	[tilespmem:s7], [sflag:$0x1] =	stream.indirect_vreg.gather [hbm4b:s30+s1], $0x2000, v0, vm0, $0x38  }
0xb7: {  	_ =	swait.ge [sflag:s8], $0x10000  }
0xb8: {  	v34 =	vld [tilespmem:$0x1FC90]  }
0xb9: {  	v37 =	vld [tilespmem:$0x1FCA0]  }
0xba: {  	v39 =	vld [tilespmem:$0x1FCB0]  }
0xbb: {  	v41 =	vld [tilespmem:$0x1FCC0]  }
0xbc: {  	v43 =	vld [tilespmem:$0x1FCD0]  }
0xbd: {  	v45 =	vld [tilespmem:$0x1FCE0]  }
0xbe: {  	v47 =	vld [tilespmem:$0x1FCF0]  }
0xbf: {  	v50 =	vld [tilespmem:$0x1F680]  }
0xc0: {  	v53 =	vld [tilespmem:$0x1FDA0]  }
0xc1: {  	v55 =	vld [tilespmem:$0x1FDD0]  }
0xc2: {  	v58 =	vld [tilespmem:$0x1FE80]  }
0xc3: {  	v60 =	vld [tilespmem:$0x1FEB0]  }
0xc4: {  	v61 =	vld [tilespmem:$0x1FF60]  }
0xc5: {  	v9 =	vld [tilespmem:$0x1FF90]  }
0xc6: {  	v10 =	vld [tilespmem:$0x1FFC0]  }
0xc7: {  	v6 =	vld [tilespmem:$0x1FFF0]  }
0xc8: {  	v15 =	vld [tilespmem:$0x1F690]  }
0xc9: {  	v17 =	vld [tilespmem:$0x1F6A0]  }
0xca: {  	v28 =	vld [tilespmem:$0x1F6B0]  }
0xcb: {  	v32 =	vimm.s32 $0x0;
	v23 =	vld [tilespmem:$0x1F6C0]  }
0xcc: {  	v1 =	vperm.xlane v35, v32;
	v32 =	vld [tilespmem:$0x1F6D0]  }
0xcd: {  	v25 =	vld [tilespmem:$0x1F6E0]  }
0xce: {  	s21 =	sld [smem:$0x7BC];
	v26 =	vld [tilespmem:$0x1F730]  }
0xcf: {  	[sflag:s8] =	ssyncset.done $0x0;
	v22 =	vld [tilespmem:$0x1F760]  }
0xd0: {  	v24 =	vld [tilespmem:$0x1F780];
	[sflag:s8] =	ssyncadd.s32 $0xFFFF0000  }
0xd1: {  	v31 =	vld [tilespmem:s21+$0x0]  }
0xd2: {  	v27 =	vld [tilespmem:$0x1F7F0]  }
0xd3: {  	v33 =	vld [tilespmem:s21+$0x80]  }
0xd4: {  	v20 =	vld [tilespmem:$0x1F850]  }
0xd5: {  	v1 =	vshll.u32 v1, $0x4;
	v3 =	vld [tilespmem:s21+$0x100]  }
0xd6: {  	v4 =	vlaneseq.u32;
	v1 =	vand.u32 $0x70, v1;
	v21 =	vld [tilespmem:$0x1F870];
	v0 =	vadd.f32 $0.0e+00, v31  }
0xd7: {  	vm2 =	veq.s32 v1, v4;
	s9 =	rddreg [dreg:$0x5];
	v36 =	vld [tilespmem:s21+$0x180];
	vm3 =	veq.s32 v1, v34  }
0xd8: {  	v42 =	vld [tilespmem:s9+$0x100];
	v2 =	vnsel vm3, $0x0, v33;
	v0 =	vnsel vm2, $0x0, v0  }
0xd9: {  	s10 =	rddreg [dreg:$0xa];
	v38 =	vld [tilespmem:s21+$0x200];
	vm2 =	veq.s32 v1, v37;
	v0 =	vadd.f32 v2, v0  }
0xda: {  	v44 =	vld [tilespmem:s10+$0x100];
	v3 =	vnsel vm2, $0x0, v3  }
0xdb: {  	s11 =	rddreg [dreg:$0xb];
	v40 =	vld [tilespmem:s21+$0x280];
	vm2 =	veq.s32 v1, v39;
	v0 =	vadd.f32 v0, v3  }
0xdc: {  	s12 =	rddreg [dreg:$0xc];
	v5 =	vld [tilespmem:s11+$0x0];
	v4 =	vnsel vm2, $0x0, v36  }
0xdd: {  	s13 =	rddreg [dreg:$0xd];
	v49 =	vld [tilespmem:s12+$0x0];
	vm2 =	veq.s32 v1, v41;
	v0 =	vadd.f32 v0, v4  }
0xde: {  	s14 =	rddreg [dreg:$0xe];
	v51 =	vld [tilespmem:s13+$0x0];
	v2 =	vnsel vm2, $0x0, v38  }
0xdf: {  	s15 =	rddreg [dreg:$0xf];
	v54 =	vld [tilespmem:s14+$0x0];
	vm2 =	veq.s32 v1, v43;
	v0 =	vadd.f32 v0, v2  }
0xe0: {  	v46 =	vimm.s32 $0x1;
	s16 =	rddreg [dreg:$0x10];
	v56 =	vld [tilespmem:s15+$0x0];
	v3 =	vnsel vm2, $0x0, v40  }
0xe1: {  	v57 =	vld [tilespmem:s16+$0x0];
	vm2 =	veq.s32 v1, v45;
	v0 =	vadd.f32 v0, v3;
	v3 =	vperm.xlane v35, v46  }
0xe2: {  	v59 =	vld [tilespmem:s5+$0x2400];
	v4 =	vnsel vm2, $0x0, v42  }
0xe3: {  	s17 =	rddreg [dreg:$0x11];
	v62 =	vld [tilespmem:s5+$0x2480];
	vm2 =	veq.s32 v1, v47;
	v0 =	vadd.f32 v0, v4;
	v48 =	vshll.u32 v3, $0x4  }
0xe4: {  	s18 =	rddreg [dreg:$0x12];
	v13 =	vld [tilespmem:s17+$0x0];
	v29 =	vsel vm1, v23, v28;
	v2 =	vnsel vm2, $0x0, v44;
	v1 =	vand.u32 $0x70, v48  }
0xe5: {  	v19 =	vld [tilespmem:s18+$0x0];
	v7 =	vsel vm1, v25, v32;
	v0 =	vadd.f32 v0, v2;
	vm2 =	veq.s32 v1, v50  }
0xe6: {  	s19 =	rddreg [dreg:$0x13];
	[tilespmem:$0x1EF00] =	vst v29;
	v30 =	vcombine.low v7, v29;
	v29 =	vld [tilespmem:$0x1F810];
	v52 =	vnsel vm2, $0x0, v5  }
0xe7: {  	s20 =	rddreg [dreg:$0x14];
	v31 =	vld [tilespmem:s19+$0x0];
	vm2 =	veq.s32 v1, v53;
	v0 =	vadd.f32 v52, v0  }
0xe8: {  	v39 =	vld [tilespmem:s20+$0x0];
	v3 =	vnsel vm2, $0x0, v49  }
0xe9: {  	v36 =	vld [tilespmem:$0x1F6F0];
	vm2 =	veq.s32 v1, v55;
	v0 =	vadd.f32 v0, v3  }
0xea: {  	s22 =	rddreg [dreg:$0x15];
	v38 =	vld [tilespmem:$0x1F710];
	v2 =	vnsel vm2, $0x0, v51  }
0xeb: {  	v11 =	vimm.s32 $0x2;
	s23 =	rddreg [dreg:$0x16];
	v43 =	vld [tilespmem:s22+$0x0];
	vm2 =	veq.s32 v1, v58;
	v0 =	vadd.f32 v0, v2  }
0xec: {  	v47 =	vld [tilespmem:s23+$0x0];
	v5 =	vperm.xlane v35, v11;
	v2 =	vnsel vm2, $0x0, v54  }
0xed: {  	v11 =	vld [tilespmem:$0x1F7A0];
	vm2 =	veq.s32 v1, v60;
	v0 =	vadd.f32 v0, v2  }
0xee: {  	v55 =	vld [tilespmem:s5+$0x4480];
	v14 =	vshll.u32 v5, $0x4;
	v2 =	vnsel vm2, $0x0, v56  }
0xef: {  	v5 =	vcombine.low v17, v15;
	v17 =	vld [tilespmem:$0x1F740];
	vm2 =	veq.s32 v1, v61;
	v0 =	vadd.f32 v0, v2  }
0xf0: {  	v6 =	vcombine.low v6, v10;
	v15 =	vld [tilespmem:$0x1F7E0];
	v63 =	vnsel vm2, $0x0, v57  }
0xf1: {  	v51 =	vld [tilespmem:s5+$0x4400];
	vm2 =	veq.s32 v1, v9;
	v0 =	vadd.f32 v0, v63  }
0xf2: {  	v12 =	vnsel vm2, $0x0, v59;
	vm2 =	veq.s32 v1, v6;
	v1 =	vand.u32 $0x70, v14;
	v14 =	vld [tilespmem:$0x1F720]  }
0xf3: {  	v0 =	vadd.f32 v0, v12;
	v12 =	vld [tilespmem:$0x1F700]  }
0xf4: {  	v63 =	vld [tilespmem:$0x1F750]  }
0xf5: {  	v5 =	vand.u32 $0xF, v5;
	v9 =	vld [tilespmem:$0x1F890]  }
0xf6: {  	v18 =	vnsel vm2, $0x0, v62;
	vm2 =	veq.s32 v1, v5;
	v62 =	vld [tilespmem:$0x1F880]  }
0xf7: {  	[tilespmem:$0x1F2A0] =	vst v30;
	v4 =	vnsel vm2, $0x0, v13;
	vm2 =	veq.s32 v1, v30;
	v30 =	vld [tilespmem:$0x1F770]  }
0xf8: {  	v40 =	vsel vm1, v17, v26;
	v13 =	vld [tilespmem:$0x1F7C0];
	v34 =	vsel vm1, v14, v38;
	v33 =	vsel vm1, v12, v36  }
0xf9: {  	v3 =	vnsel vm2, $0x0, v19;
	v19 =	vld [tilespmem:$0x1F820];
	v41 =	vsel vm1, v22, v63;
	v37 =	vcombine.low v34, v33  }
0xfa: {  	[tilespmem:$0x1F290] =	vst v5;
	v0 =	vadd.f32 v0, v18;
	v18 =	vld [tilespmem:$0x1F800];
	v42 =	vcombine.low v41, v40  }
0xfb: {  	v58 =	vimm.s32 $0x3;
	[tilespmem:$0x1EF30] =	vst v34;
	v34 =	vld [tilespmem:$0x1F790];
	vm2 =	veq.s32 v1, v37  }
0xfc: {  	v5 =	vperm.xlane v35, v58;
	[tilespmem:$0x1F2B0] =	vst v37;
	v37 =	vld [tilespmem:$0x1F7B0];
	v2 =	vnsel vm2, $0x0, v31;
	vm2 =	veq.s32 v1, v42  }
0xfd: {  	v0 =	vadd.f32 v4, v0;
	v4 =	vnsel vm2, $0x0, v39;
	v39 =	vld [tilespmem:$0x1F7D0]  }
0xfe: {  	v61 =	vshll.u32 v5, $0x4;
	v5 =	vcombine.low v9, v62;
	[tilespmem:$0x1EF20] =	vst v33;
	v33 =	vld [tilespmem:$0x1F860]  }
0xff: {  	s25 =	rddreg [dreg:$0x17];
	v31 =	vld [tilespmem:$0x1F830]  }
0x100: {  	v60 =	vld [tilespmem:s25+$0x0];
	v44 =	vsel vm1, v24, v30;
	v53 =	vsel vm1, v19, v29;
	v5 =	vand.u32 $0xF, v5  }
0x101: {  	s26 =	rddreg [dreg:$0x18];
	[tilespmem:$0x1F280] =	vst v6;
	v58 =	vld [tilespmem:$0x1F8C0];
	v0 =	vadd.f32 v0, v3;
	v52 =	vsel vm1, v18, v27;
	v45 =	vsel vm1, v11, v34  }
0x102: {  	[tilespmem:$0x1EF40] =	vst v40;
	v40 =	vld [tilespmem:s26+$0x0];
	v46 =	vcombine.low v45, v44;
	v48 =	vsel vm1, v13, v37;
	v49 =	vsel vm1, v15, v39  }
0x103: {  	v54 =	vcombine.low v53, v52;
	v0 =	vadd.f32 v0, v2;
	[tilespmem:$0x1EF80] =	vst v48;
	v50 =	vcombine.low v49, v48;
	v48 =	vld [tilespmem:$0x1F8D0]  }
0x104: {  	v57 =	vsel vm1, v21, v33;
	vm2 =	veq.s32 v1, v46;
	v56 =	vsel vm1, v20, v31;
	[tilespmem:$0x1EF90] =	vst v49;
	v49 =	vld [tilespmem:$0x1F8F0]  }
0x105: {  	v3 =	vnsel vm2, $0x0, v43;
	v6 =	vcombine.low v57, v56;
	[tilespmem:$0x1F2E0] =	vst v50;
	vm2 =	veq.s32 v1, v50;
	v50 =	vld [tilespmem:$0x1F910]  }
0x106: {  	v0 =	vadd.f32 v0, v4;
	v2 =	vnsel vm2, $0x0, v47;
	vm2 =	veq.s32 v1, v54;
	v47 =	vld [tilespmem:$0x1F8B0]  }
0x107: {  	[tilespmem:$0x1EF50] =	vst v41;
	v59 =	vnsel vm2, $0x0, v51;
	vm2 =	veq.s32 v1, v6;
	v1 =	vand.u32 $0x70, v61;
	v51 =	vld [tilespmem:$0x1F8A0]  }
0x108: {  	[tilespmem:$0x1EF60] =	vst v44;
	v10 =	vnsel vm2, $0x0, v55;
	vm2 =	veq.s32 v1, v5;
	v55 =	vld [tilespmem:$0x1F8E0]  }
0x109: {  	[tilespmem:$0x1EFB0] =	vst v53;
	v0 =	vadd.f32 v0, v3;
	v4 =	vnsel vm2, $0x0, v60;
	v60 =	vld [tilespmem:$0x1F900]  }
0x10a: {  	s28 =	rddreg [dreg:$0x19];
	[tilespmem:$0x1F2C0] =	vst v42;
	v53 =	vld [tilespmem:$0x1F920]  }
0x10b: {  	[tilespmem:$0x1EFA0] =	vst v52;
	v44 =	vld [tilespmem:s28+$0x0];
	v0 =	vadd.f32 v0, v2  }
0x10c: {  	[tilespmem:$0x1EFD0] =	vst v57;
	v57 =	vld [tilespmem:$0x1F940]  }
0x10d: {  	[tilespmem:$0x1F2F0] =	vst v54;
	v61 =	vld [tilespmem:$0x1F980];
	v42 =	vsel vm1, v48, v58;
	v0 =	vadd.f32 v0, v59;
	v41 =	vsel vm1, v47, v51  }
0x10e: {  	[tilespmem:$0x1EFF0] =	vst v42;
	v43 =	vcombine.low v42, v41;
	v59 =	vsel vm1, v49, v55;
	v42 =	vld [tilespmem:$0x1F970];
	v62 =	vsel vm1, v50, v60  }
0x10f: {  	[tilespmem:$0x1F000] =	vst v59;
	v9 =	vcombine.low v62, v59;
	v59 =	vld [tilespmem:$0x1F960]  }
0x110: {  	[tilespmem:$0x1F320] =	vst v43;
	vm2 =	veq.s32 v1, v43;
	v43 =	vld [tilespmem:$0x1F990]  }
0x111: {  	[tilespmem:$0x1EFE0] =	vst v41;
	v41 =	vld [tilespmem:$0x1F950]  }
0x112: {  	[tilespmem:$0x1EF70] =	vst v45;
	v3 =	vnsel vm2, $0x0, v40;
	v40 =	vld [tilespmem:$0x1F930]  }
0x113: {  	s29 =	rddreg [dreg:$0x1a];
	v8 =	vld [tilespmem:$0x1FA10];
	[tilespmem:$0x1F2D0] =	vst v46  }
0x114: {  	[tilespmem:$0x1EFC0] =	vst v56;
	v0 =	vadd.f32 v0, v10;
	v10 =	vld [tilespmem:s29+$0x0];
	vm2 =	veq.s32 v1, v9  }
0x115: {  	[tilespmem:$0x1F010] =	vst v62;
	v2 =	vnsel vm2, $0x0, v44;
	v44 =	vld [tilespmem:$0x1F9B0];
	v54 =	vsel vm1, v42, v59;
	v56 =	vsel vm1, v43, v61  }
0x116: {  	[tilespmem:$0x1F040] =	vst v54;
	v62 =	vcombine.low v56, v54;
	v54 =	vld [tilespmem:$0x1F9C0]  }
0x117: {  	v46 =	vsel vm1, v41, v57;
	v45 =	vsel vm1, v40, v53;
	[tilespmem:$0x1F050] =	vst v56;
	v56 =	vld [tilespmem:$0x1F9F0]  }
0x118: {  	[tilespmem:$0x1F020] =	vst v45;
	v52 =	vcombine.low v46, v45;
	v45 =	vld [tilespmem:$0x1F9D0]  }
0x119: {  	v0 =	vadd.f32 v4, v0;
	[tilespmem:$0x1F030] =	vst v46;
	v46 =	vld [tilespmem:$0x1F9E0]  }
0x11a: {  	s31 =	rddreg [dreg:$0x1b];
	[tilespmem:$0x1F340] =	vst v52;
	vm2 =	veq.s32 v1, v52;
	v52 =	vld [tilespmem:$0x1F9A0]  }
0x11b: {  	v0 =	vadd.f32 v0, v3;
	v3 =	vld [tilespmem:s31+$0x0]  }
0x11c: {  	s29 =	rddreg [dreg:$0x1c];
	[tilespmem:$0x1F350] =	vst v62;
	v4 =	vnsel vm2, $0x0, v10;
	vm2 =	veq.s32 v1, v62;
	v62 =	vld [tilespmem:$0x1FA00]  }
0x11d: {  	[tilespmem:$0x1F310] =	vst v5;
	v0 =	vadd.f32 v0, v2;
	v2 =	vld [tilespmem:s29+$0x0]  }
0x11e: {  	[tilespmem:$0x1F300] =	vst v6;
	v6 =	vsel vm1, v56, v46;
	v46 =	vld [tilespmem:$0x1FA30]  }
0x11f: {  	[tilespmem:$0x1F330] =	vst v9;
	v10 =	vsel vm1, v45, v54;
	v56 =	vld [tilespmem:$0x1FA40];
	v9 =	vsel vm1, v44, v52  }
0x120: {  	[tilespmem:$0x1F070] =	vst v10;
	v5 =	vcombine.low v10, v9;
	v10 =	vld [tilespmem:$0x1FA20]  }
0x121: {  	[tilespmem:$0x1EF10] =	vst v7;
	v7 =	vsel vm1, v8, v62;
	v62 =	vld [tilespmem:$0x1FA50]  }
0x122: {  	v0 =	vadd.f32 v0, v4  }
0x123: {  	v4 =	vld [tilespmem:s5+$0x6400];
	v3 =	vnsel vm2, $0x0, v3;
	[tilespmem:$0x1F080] =	vst v6  }
0x124: {  	v0 =	vadd.f32 v0, v3;
	[tilespmem:$0x1F060] =	vst v9  }
0x125: {  	[tilespmem:$0x1F360] =	vst v5;
	vm2 =	veq.s32 v1, v5;
	v5 =	vcombine.low v7, v6;
	v6 =	vsel vm1, v46, v10;
	v46 =	vld [tilespmem:$0x1FA60]  }
0x126: {  	v8 =	vimm.s32 $0x4;
	[tilespmem:$0x1F090] =	vst v7;
	v2 =	vnsel vm2, $0x0, v2;
	v7 =	vsel vm1, v62, v56;
	v56 =	vld [tilespmem:$0x1FA70]  }
0x127: {  	[tilespmem:$0x1F370] =	vst v5;
	vm2 =	veq.s32 v1, v5;
	v5 =	vperm.xlane v35, v8;
	v0 =	vadd.f32 v0, v2  }
0x128: {  	v9 =	vnsel vm2, $0x0, v4;
	[tilespmem:$0x1F0A0] =	vst v6;
	v6 =	vcombine.low v7, v6  }
0x129: {  	v10 =	vshll.u32 v5, $0x4;
	v0 =	vadd.f32 v0, v9;
	v9 =	vld [tilespmem:$0x1FA80]  }
0x12a: {  	vm2 =	veq.s32 v1, v6;
	v1 =	vand.u32 $0x70, v10;
	v10 =	vld [tilespmem:$0x1FA90]  }
0x12b: {  	v5 =	vcombine.low v56, v46;
	v46 =	vld [tilespmem:$0x1FAA0]  }
0x12c: {  	v56 =	vld [tilespmem:$0x1FAB0];
	_ =	sdelay $0x1  }
0x12d: {  	v3 =	vld [tilespmem:s5+$0x6480]  }
0x12e: {  	[tilespmem:$0x1F380] =	vst v6;
	v6 =	vsel vm1, v10, v9;
	v9 =	vld [tilespmem:$0x1FAC0]  }
0x12f: {  	v10 =	vld [tilespmem:$0x1FAD0]  }
0x130: {  	[tilespmem:$0x1F0B0] =	vst v7;
	v7 =	vsel vm1, v56, v46;
	v46 =	vld [tilespmem:$0x1FAE0]  }
0x131: {  	v56 =	vld [tilespmem:$0x1FAF0]  }
0x132: {  	s28 =	rddreg [dreg:$0x1d]  }
0x133: {  	v4 =	vld [tilespmem:s28+$0x0];
	v62 =	vnsel vm2, $0x0, v3  }
0x134: {  	v0 =	vadd.f32 v0, v62;
	[tilespmem:$0x1F0C0] =	vst v6;
	v62 =	vcombine.low v7, v6;
	v6 =	vsel vm1, v10, v9;
	v9 =	vld [tilespmem:$0x1FB00]  }
0x135: {  	v10 =	vld [tilespmem:$0x1FB10]  }
0x136: {  	[tilespmem:$0x1F0D0] =	vst v7;
	v7 =	vsel vm1, v56, v46;
	v46 =	vld [tilespmem:$0x1FB20]  }
0x137: {  	v5 =	vand.u32 $0xF, v5;
	v56 =	vld [tilespmem:$0x1FB30]  }
0x138: {  	s26 =	rddreg [dreg:$0x1e];
	vm2 =	veq.s32 v1, v5  }
0x139: {  	v3 =	vld [tilespmem:s26+$0x0];
	v4 =	vnsel vm2, $0x0, v4;
	[tilespmem:$0x1F3A0] =	vst v62  }
0x13a: {  	vm2 =	veq.s32 v1, v62;
	[tilespmem:$0x1F0E0] =	vst v6;
	v62 =	vcombine.low v7, v6;
	v6 =	vsel vm1, v10, v9;
	v9 =	vld [tilespmem:$0x1FB40]  }
0x13b: {  	v10 =	vld [tilespmem:$0x1FB50]  }
0x13c: {  	s22 =	sld [smem:$0x7BE];
	[tilespmem:$0x1F0F0] =	vst v7;
	v7 =	vsel vm1, v56, v46;
	v46 =	vld [tilespmem:$0x1FB60]  }
0x13d: {  	s23 =	rddreg [dreg:$0x1f];
	v56 =	vld [tilespmem:$0x1FB70]  }
0x13e: {  	v2 =	vld [tilespmem:s23+$0x0]  }
0x13f: {  	v0 =	vadd.f32 v4, v0;
	v4 =	vld [tilespmem:s22+$0x0];
	v3 =	vnsel vm2, $0x0, v3;
	[tilespmem:$0x1F3B0] =	vst v62  }
0x140: {  	vm2 =	veq.s32 v1, v62;
	[tilespmem:$0x1F100] =	vst v6;
	v62 =	vcombine.low v7, v6;
	v6 =	vsel vm1, v10, v9;
	v9 =	vld [tilespmem:$0x1FBC0]  }
0x141: {  	v10 =	vld [tilespmem:$0x1FBD0]  }
0x142: {  	[tilespmem:$0x1F110] =	vst v7;
	v7 =	vsel vm1, v56, v46;
	v56 =	vld [tilespmem:$0x1FBA0]  }
0x143: {  	v2 =	vnsel vm2, $0x0, v2;
	[tilespmem:$0x1F3C0] =	vst v62;
	vm2 =	veq.s32 v1, v62;
	v46 =	vld [tilespmem:$0x1FBB0];
	v62 =	vcombine.low v7, v6  }
0x144: {  	[tilespmem:$0x1F120] =	vst v6;
	v6 =	vld [tilespmem:$0x1FB80]  }
0x145: {  	v4 =	vnsel vm2, $0x0, v4;
	[tilespmem:$0x1F3D0] =	vst v62;
	vm2 =	veq.s32 v1, v62;
	v62 =	vld [tilespmem:$0x1FB90]  }
0x146: {  	s20 =	sld [smem:$0x7BF];
	_ =	sdelay $0x1  }
0x147: {  	v0 =	vadd.f32 v0, v3  }
0x148: {  	v3 =	vld [tilespmem:s20+$0x0];
	v8 =	vsel vm1, v46, v56  }
0x149: {  	v0 =	vadd.f32 v0, v2;
	[tilespmem:$0x1F150] =	vst v8;
	v2 =	vsel vm1, v62, v6;
	v6 =	vsel vm1, v10, v9;
	v9 =	vld [tilespmem:$0x1FBF0]  }
0x14a: {  	[tilespmem:$0x1F140] =	vst v2;
	v2 =	vcombine.low v8, v2;
	v8 =	vld [tilespmem:$0x1FBE0];
	_ =	sdelay $0x2  }
0x14b: {  	v0 =	vadd.f32 v0, v4  }
0x14c: {  	[tilespmem:$0x1F390] =	vst v5;
	v5 =	vld [tilespmem:$0x1FC00];
	v3 =	vnsel vm2, $0x0, v3  }
0x14d: {  	v3 =	vadd.f32 v0, v3;
	v0 =	vsel vm1, v9, v8;
	v8 =	vld [tilespmem:$0x1FC10];
	_ =	sdelay $0x2  }
0x14e: {  	s19 =	sld [smem:$0x7C0]  }
0x14f: {  	v10 =	vld [tilespmem:$0x1FC30]  }
0x150: {  	v5 =	vsel vm1, v8, v5;
	v8 =	vld [tilespmem:$0x1FC20]  }
0x151: {  	[tilespmem:$0x1F130] =	vst v7;
	v7 =	vld [tilespmem:s19+$0x0];
	_ =	sdelay $0x2  }
0x152: {  	[tilespmem:$0x1F160] =	vst v6  }
0x153: {  	v4 =	vld [tilespmem:s5+$0x8400];
	[tilespmem:$0x1F3E0] =	vst v2;
	vm2 =	veq.s32 v1, v2;
	v2 =	vcombine.low v0, v6;
	v8 =	vsel vm1, v10, v8  }
0x154: {  	v10 =	vnsel vm2, $0x0, v7;
	v7 =	vld [tilespmem:$0x1FC50];
	[tilespmem:$0x1F190] =	vst v8;
	v6 =	vcombine.low v8, v5;
	v8 =	vimm.s32 $0x5  }
0x155: {  	[tilespmem:$0x1F180] =	vst v5;
	v5 =	vperm.xlane v35, v8;
	v8 =	vadd.f32 v3, v10;
	v10 =	vld [tilespmem:$0x1FC40]  }
0x156: {  	v9 =	vld [tilespmem:s5+$0x8480];
	_ =	sdelay $0x2  }
0x157: {  	vm2 =	veq.s32 v1, v2  }
0x158: {  	[tilespmem:$0x1F3F0] =	vst v2;
	v2 =	vnsel vm2, $0x0, v4;
	vm3 =	veq.s32 v1, v6;
	v10 =	vcombine.low v7, v10  }
0x159: {  	[tilespmem:$0x1F170] =	vst v0;
	v0 =	vadd.f32 v8, v2;
	v2 =	vnsel vm3, $0x0, v9;
	v9 =	vld [tilespmem:$0x1FD00]  }
0x15a: {  	v7 =	vand.u32 $0xF, v10;
	v10 =	vld [tilespmem:$0x1FD10];
	_ =	sdelay $0x4  }
0x15b: {  	v8 =	vsel vm1, v9, v10;
	v9 =	vld [tilespmem:$0x1FD20]  }
0x15c: {  	v10 =	vld [tilespmem:$0x1FD30];
	_ =	sdelay $0x4  }
0x15d: {  	v3 =	vshll.u32 v5, $0x4;
	v5 =	vsel vm1, v9, v10;
	v9 =	vld [tilespmem:$0x1FD40]  }
0x15e: {  	v10 =	vld [tilespmem:$0x1FD50];
	_ =	sdelay $0x3  }
0x15f: {  	v3 =	vand.u32 $0x70, v3;
	[tilespmem:$0x1F410] =	vst v7  }
0x160: {  	vm2 =	veq.s32 v3, v7;
	[tilespmem:$0x1F1A0] =	vst v8;
	v7 =	vcombine.low v5, v8;
	v8 =	vsel vm1, v9, v10;
	v9 =	vld [tilespmem:$0x1FD60]  }
0x161: {  	v10 =	vld [tilespmem:$0x1FD70]  }
0x162: {  	s25 =	sld [smem:$0x7C1];
	_ =	sdelay $0x2  }
0x163: {  	v1 =	vld [tilespmem:s25+$0x0]  }
0x164: {  	[tilespmem:$0x1F1B0] =	vst v5;
	v5 =	vsel vm1, v9, v10;
	v9 =	vld [tilespmem:$0x1FDE0]  }
0x165: {  	v10 =	vld [tilespmem:$0x1FDF0];
	_ =	sdelay $0x3  }
0x166: {  	v1 =	vnsel vm2, $0x0, v1;
	[tilespmem:$0x1F420] =	vst v7  }
0x167: {  	vm2 =	veq.s32 v3, v7;
	[tilespmem:$0x1F1C0] =	vst v8;
	v7 =	vcombine.low v5, v8;
	v8 =	vsel vm1, v9, v10;
	v9 =	vld [tilespmem:$0x1FE00]  }
0x168: {  	v10 =	vld [tilespmem:$0x1FE10]  }
0x169: {  	s18 =	sld [smem:$0x7C2];
	_ =	sdelay $0x2  }
0x16a: {  	v4 =	vld [tilespmem:s18+$0x0]  }
0x16b: {  	[tilespmem:$0x1F1D0] =	vst v5;
	v5 =	vsel vm1, v9, v10;
	v9 =	vld [tilespmem:$0x1FE20]  }
0x16c: {  	v10 =	vld [tilespmem:$0x1FE30];
	_ =	sdelay $0x3  }
0x16d: {  	v4 =	vnsel vm2, $0x0, v4;
	[tilespmem:$0x1F430] =	vst v7  }
0x16e: {  	vm2 =	veq.s32 v3, v7;
	[tilespmem:$0x1F1E0] =	vst v8;
	v7 =	vcombine.low v5, v8;
	v8 =	vsel vm1, v9, v10;
	v9 =	vld [tilespmem:$0x1FE40]  }
0x16f: {  	s17 =	sld [smem:$0x7C3];
	v10 =	vld [tilespmem:$0x1FE50]  }
0x170: {  	s16 =	sld [smem:$0x7C4]  }
0x171: {  	v0 =	vadd.f32 v0, v2  }
0x172: {  	v2 =	vld [tilespmem:s17+$0x0]  }
0x173: {  	v0 =	vadd.f32 v1, v0;
	v1 =	vld [tilespmem:s16+$0x0]  }
0x174: {  	[tilespmem:$0x1F1F0] =	vst v5;
	v5 =	vsel vm1, v9, v10;
	v10 =	vld [tilespmem:$0x1FEC0]  }
0x175: {  	s15 =	sld [smem:$0x7C5];
	[tilespmem:$0x1F200] =	vst v8;
	v9 =	vcombine.low v5, v8;
	v8 =	vld [tilespmem:$0x1FED0];
	_ =	sdelay $0x2  }
0x176: {  	v0 =	vadd.f32 v0, v4;
	v4 =	vld [tilespmem:s15+$0x0];
	v2 =	vnsel vm2, $0x0, v2;
	vm2 =	veq.s32 v3, v7  }
0x177: {  	v1 =	vnsel vm2, $0x0, v1;
	[tilespmem:$0x1F450] =	vst v9;
	vm2 =	veq.s32 v3, v9;
	v9 =	vld [tilespmem:$0x1FEE0]  }
0x178: {  	[tilespmem:$0x1F400] =	vst v6;
	v6 =	vsel vm1, v10, v8;
	v10 =	vld [tilespmem:$0x1FEF0];
	_ =	sdelay $0x3  }
0x179: {  	v0 =	vadd.f32 v0, v2;
	v8 =	vld [tilespmem:$0x1FF00]  }
0x17a: {  	v2 =	vnsel vm2, $0x0, v4;
	v4 =	vsel vm1, v9, v10;
	v9 =	vld [tilespmem:$0x1FF10]  }
0x17b: {  	v0 =	vadd.f32 v0, v1  }
0x17c: {  	[tilespmem:$0x1F210] =	vst v5;
	v5 =	vld [tilespmem:$0x1FFA0]  }
0x17d: {  	[tilespmem:$0x1F440] =	vst v7;
	v2 =	vadd.f32 v0, v2;
	v0 =	vld [tilespmem:$0x1FF20]  }
0x17e: {  	[tilespmem:$0x1F220] =	vst v6;
	v7 =	vcombine.low v4, v6;
	v6 =	vld [tilespmem:$0x1FFB0]  }
0x17f: {  	s14 =	sld [smem:$0x7C6];
	v9 =	vsel vm1, v8, v9;
	v8 =	vld [tilespmem:$0x1FF30];
	_ =	sdelay $0x2  }
0x180: {  	v1 =	vld [tilespmem:s14+$0x0]  }
0x181: {  	v10 =	vld [tilespmem:s5+$0xA400]  }
0x182: {  	v0 =	vsel vm1, v0, v8;
	v8 =	vsel vm1, v5, v6;
	v5 =	vld [tilespmem:$0x1FFD0]  }
0x183: {  	v6 =	vld [tilespmem:$0x1FFE0];
	_ =	sdelay $0x1  }
0x184: {  	[tilespmem:$0x1F460] =	vst v7;
	vm2 =	veq.s32 v3, v7;
	v7 =	vcombine.low v0, v9;
	_ =	sdelay $0x1  }
0x185: {  	v1 =	vnsel vm2, $0x0, v1;
	[tilespmem:$0x1F240] =	vst v9;
	v9 =	vimm.s32 $0x6;
	vm2 =	veq.s32 v3, v7  }
0x186: {  	[tilespmem:$0x1F250] =	vst v0;
	v0 =	vadd.f32 v2, v1;
	v2 =	vnsel vm2, $0x0, v10;
	v10 =	vld [tilespmem:$0x1FC60];
	v5 =	vsel vm1, v5, v6  }
0x187: {  	[tilespmem:$0x1F270] =	vst v5;
	v6 =	vcombine.low v5, v8;
	v5 =	vperm.xlane v35, v9;
	v9 =	vld [tilespmem:$0x1FC70]  }
0x188: {  	s13 =	sld [smem:$0x7C7]  }
0x189: {  	[tilespmem:$0x1F230] =	vst v4;
	v4 =	vld [tilespmem:s5+$0xA480]  }
0x18a: {  	s12 =	sld [smem:$0x7C8];
	v23 =	vsel vm1, v28, v23;
	v25 =	vsel vm1, v32, v25  }
0x18b: {  	v26 =	vsel vm1, v26, v17;
	v28 =	vsel vm1, v38, v14;
	v17 =	vsel vm1, v63, v22;
	v1 =	vld [tilespmem:s13+$0x0]  }
0x18c: {  	s11 =	sld [smem:$0x7C9];
	vm3 =	veq.s32 v3, v6;
	v3 =	vshll.u32 v5, $0x4;
	v5 =	vcombine.low v9, v10  }
0x18d: {  	v24 =	vsel vm1, v30, v24;
	v10 =	vadd.f32 v0, v2;
	v0 =	vand.u32 $0x70, v3;
	v3 =	vld [tilespmem:s12+$0x0]  }
0x18e: {  	s10 =	sld [smem:$0x7CA];
	v32 =	vsel vm1, v36, v12;
	[tilespmem:$0x1F260] =	vst v8;
	v8 =	vnsel vm3, $0x0, v4;
	v9 =	vand.u32 $0xF, v5  }
0x18f: {  	s9 =	sld [smem:$0x7CB];
	v2 =	vadd.f32 v10, v8;
	v10 =	vcombine.low v25, v23;
	v8 =	vld [tilespmem:s11+$0x0];
	vm2 =	veq.s32 v0, v9  }
0x190: {  	v36 =	vcombine.low v28, v32;
	v14 =	vsel vm1, v34, v11;
	v1 =	vnsel vm2, $0x0, v1  }
0x191: {  	v38 =	vld [tilespmem:s10+$0x0];
	v11 =	vcombine.low v14, v24;
	[tilespmem:$0x1F490] =	vst v9;
	vm2 =	veq.s32 v0, v10;
	v1 =	vadd.f32 v1, v2  }
0x192: {  	s8 =	sld [smem:$0x7CC];
	v13 =	vsel vm1, v37, v13;
	v9 =	vcombine.low v17, v26;
	[tilespmem:$0x1F4A0] =	vst v10;
	v10 =	vld [tilespmem:s9+$0x0];
	v3 =	vnsel vm2, $0x0, v3  }
0x193: {  	v12 =	vsel vm1, v39, v15;
	vm2 =	veq.s32 v0, v36;
	v1 =	vadd.f32 v1, v3  }
0x194: {  	v30 =	vcombine.low v12, v13;
	v4 =	vnsel vm2, $0x0, v8;
	vm2 =	veq.s32 v0, v9  }
0x195: {  	v22 =	vld [tilespmem:s8+$0x0];
	[tilespmem:$0x1F4C0] =	vst v9;
	v9 =	vsel vm1, v31, v20;
	v8 =	vsel vm1, v33, v21;
	v1 =	vadd.f32 v1, v4  }
0x196: {  	v34 =	vld [tilespmem:s5+$0xC400];
	v31 =	vsel vm1, v58, v48;
	v2 =	vnsel vm2, $0x0, v38;
	vm2 =	veq.s32 v0, v11  }
0x197: {  	s6 =	sld [smem:$0x7CE];
	[tilespmem:$0x1F4B0] =	vst v36;
	v36 =	vnsel vm2, $0x0, v10;
	v10 =	vsel vm1, v29, v19;
	v29 =	vld.msk [tilespmem:$0x88], $0xff;
	v2 =	vadd.f32 v1, v2  }
0x198: {  	s2 =	sld [smem:$0x7CD];
	[tilespmem:$0x1F4D0] =	vst v11;
	v21 =	vld [tilespmem:$0x1FC80];
	v11 =	vsel vm1, v27, v18;
	v63 =	vcombine.low v8, v9;
	v18 =	vimm.s32 $0x7  }
0x199: {  	s31 =	sld [smem:$0x7D1];
	v38 =	vld [tilespmem:s5+$0xC480];
	vm2 =	veq.s32 v0, v30;
	v37 =	vcombine.low v10, v11;
	v2 =	vadd.f32 v2, v36  }
0x19a: {  	[tilespmem:$0x1F4E0] =	vst v30;
	v27 =	vld [tilespmem:s6+$0x0];
	v4 =	vperm.xlane v35, v18;
	v30 =	vsel vm1, v51, v47;
	v39 =	vnsel vm2, $0x0, v22  }
0x19b: {  	s3 =	sld [smem:$0x7CF];
	v19 =	vld [tilespmem:s2+$0x0];
	v51 =	vcombine.low v31, v30;
	vm2 =	veq.s32 v0, v37;
	v1 =	vadd.f32 v2, v39  }
0x19c: {  	s4 =	sld [smem:$0x7D0];
	v18 =	vld [tilespmem:s31+$0x0];
	v15 =	vnsel vm2, $0x0, v34;
	v2 =	vshll.u32 v29, $0xD;
	v39 =	vlaneseq.u32  }
0x19d: {  	v31 =	vld [tilespmem:s5+$0xE400];
	vm2 =	veq.s32 v0, v63;
	v47 =	vperm.xlane v2, v39;
	v1 =	vadd.f32 v1, v15  }
0x19e: {  	v22 =	vshll.u32 v4, $0x4;
	[tilespmem:$0x1F4F0] =	vst v37;
	v37 =	vsel vm1, v60, v50;
	v34 =	vld [tilespmem:s3+$0x0];
	v0 =	vnsel vm2, $0x0, v38  }
0x19f: {  	s1 =	sld [smem:$0x7D2];
	v36 =	vsel vm1, v55, v49;
	v38 =	vld [tilespmem:s4+$0x0];
	v0 =	vadd.f32 v1, v0;
	v1 =	vand.u32 $0x70, v22  }
0x1a0: {  	v58 =	vsel vm1, v53, v40;
	v49 =	vcombine.low v37, v36;
	v36 =	vld [tilespmem:$0x1F9F0];
	vm2 =	veq.s32 v1, v21  }
0x1a1: {  	v37 =	vld [tilespmem:$0x1FA00];
	v15 =	vsel vm1, v57, v41;
	v33 =	vnsel vm2, $0x0, v19;
	vm2 =	veq.s32 v1, v51  }
0x1a2: {  	s0 =	smov.u32 s30;
	s7 =	simm.s32 $0x100;
	s30 =	simm.s32 $0x0;
	[tilespmem:$0x1F470] =	vst v7;
	v53 =	vcombine.low v15, v58;
	v3 =	vnsel vm2, $0x0, v27;
	v27 =	vld [tilespmem:s1+$0x0]  }
0x1a3: {  	[tilespmem:$0x1F480] =	vst v6;
	v4 =	vadd.f32 v33, v0;
	vm2 =	veq.s32 v1, v49;
	v33 =	vld [tilespmem:s5+$0xE480];
	[tilespmem:s7], [sflag:$0x1] =	stream.indirect_vreg.gather [hbm4b:s0+s30], $0x2000, v47, vm0, $0x38  }
0x1a4: {  	[tilespmem:$0x1F500] =	vst v63;
	s30 =	smov.u32 s0;
	s0 =	simm.s32 $0x1;
	v19 =	vnsel vm2, $0x0, v34;
	vm2 =	veq.s32 v1, v53;
	v34 =	vld [tilespmem:$0x1F9E0]  }
0x1a5: {  	v5 =	vnsel vm2, $0x0, v38;
	v38 =	vld [tilespmem:$0x1FA10];
	_ =	swait.ge [sflag:s0], $0x10000  }
0x1a6: {  	[sflag:s0] =	ssyncset.done $0x0  }
0x1a7: {  	v40 =	vld [tilespmem:$0x1FA20]  }
0x1a8: {  	v41 =	vld [tilespmem:$0x1FA30]  }
0x1a9: {  	v20 =	vsel vm1, v59, v42;
	v42 =	vld [tilespmem:$0x1FA40]  }
0x1aa: {  	v22 =	vsel vm1, v61, v43;
	v43 =	vld [tilespmem:$0x1FA50]  }
0x1ab: {  	v58 =	vld [tilespmem:$0x1F840]  }
0x1ac: {  	v59 =	vld [tilespmem:$0x1FAA0]  }
0x1ad: {  	v50 =	vcombine.low v22, v20;
	v60 =	vld [tilespmem:$0x1FAB0]  }
0x1ae: {  	v61 =	vld [tilespmem:$0x1FA80]  }
0x1af: {  	v3 =	vadd.f32 v4, v3;
	vm2 =	veq.s32 v1, v50;
	v63 =	vld [tilespmem:$0x1FA90]  }
0x1b0: {  	v0 =	vnsel vm2, $0x0, v18;
	v18 =	vld [tilespmem:$0x1FAE0]  }
0x1b1: {  	v3 =	vadd.f32 v3, v19;
	v19 =	vld [tilespmem:$0x1FAF0]  }
0x1b2: {  	v20 =	vld [tilespmem:$0x1FAC0]  }
0x1b3: {  	v30 =	vsel vm1, v54, v45;
	v29 =	vsel vm1, v52, v44;
	v22 =	vld [tilespmem:$0x1FAD0]  }
0x1b4: {  	v52 =	vcombine.low v30, v29;
	s0 =	simm.s32 $0x1;
	v29 =	vld [tilespmem:$0x1FB20]  }
0x1b5: {  	[sflag:s0] =	ssyncadd.s32 $0xFFFF0000;
	v30 =	vld [tilespmem:$0x1FB30]  }
0x1b6: {  	v45 =	vld [tilespmem:s21+$0x0]  }
0x1b7: {  	v48 =	vld [tilespmem:s21+$0x80]  }
0x1b8: {  	vm2 =	veq.s32 v1, v52;
	v15 =	vld [tilespmem:s21+$0x100]  }
0x1b9: {  	v39 =	vnsel vm2, $0x0, v27;
	v27 =	vld [tilespmem:s21+$0x180]  }
0x1ba: {  	v6 =	vsel vm1, v34, v36;
	v34 =	vld [tilespmem:s21+$0x200]  }
0x1bb: {  	v36 =	vld [tilespmem:$0x1FB60]  }
0x1bc: {  	v3 =	vadd.f32 v3, v5;
	v7 =	vsel vm1, v37, v38;
	v37 =	vld [tilespmem:$0x1FB70]  }
0x1bd: {  	v44 =	vimm.s32 $0x8;
	v38 =	vld [tilespmem:$0x1FB40]  }
0x1be: {  	v0 =	vadd.f32 v3, v0;
	v3 =	vperm.xlane v35, v44;
	v44 =	vld [tilespmem:$0x1FBE0]  }
0x1bf: {  	v4 =	vsel vm1, v40, v41;
	v40 =	vld [tilespmem:s21+$0x280]  }
0x1c0: {  	v54 =	vcombine.low v7, v6;
	v6 =	vsel vm1, v42, v43;
	v42 =	vld [tilespmem:$0x1FB80]  }
0x1c1: {  	v43 =	vld [tilespmem:s21+$0x300]  }
0x1c2: {  	v41 =	vsel vm1, v56, v46;
	v46 =	vld [tilespmem:$0x1FBC0]  }
0x1c3: {  	v56 =	vld [tilespmem:$0x1FC20]  }
0x1c4: {  	v5 =	vsel vm1, v61, v63;
	v63 =	vld [tilespmem:$0x1FC30]  }
0x1c5: {  	v0 =	vadd.f32 v0, v39;
	v39 =	vld [tilespmem:$0x1FB50]  }
0x1c6: {  	v55 =	vcombine.low v6, v4;
	vm2 =	veq.s32 v1, v54;
	v4 =	vsel vm1, v18, v19;
	v18 =	vld [tilespmem:$0x1FC10]  }
0x1c7: {  	s21 =	rddreg [dreg:$0xb];
	v47 =	vshll.u32 v3, $0x4;
	v3 =	vsel vm1, v59, v60;
	v2 =	vnsel vm2, $0x0, v31;
	v31 =	vld [tilespmem:$0x1FB00]  }
0x1c8: {  	v57 =	vcombine.low v5, v3;
	v5 =	vsel vm1, v20, v22;
	v20 =	vld [tilespmem:s21+$0x0]  }
0x1c9: {  	v22 =	vld [tilespmem:$0x1F660];
	v0 =	vadd.f32 v0, v2;
	vm2 =	veq.s32 v1, v55  }
0x1ca: {  	v59 =	vcombine.low v5, v4;
	v4 =	vsel vm1, v29, v30;
	v29 =	vld [tilespmem:$0x1F670];
	v1 =	vnsel vm2, $0x0, v33  }
0x1cb: {  	v33 =	vld [tilespmem:$0x1FB10];
	v0 =	vadd.f32 v0, v1;
	v1 =	vand.u32 $0x70, v47  }
0x1cc: {  	v47 =	vld [tilespmem:$0x1FBD0];
	vm2 =	veq.s32 v1, v58  }
0x1cd: {  	s0 =	rddreg [dreg:$0xa];
	v7 =	vnsel vm2, $0x0, v45;
	vm2 =	veq.s32 v1, v57;
	v45 =	vld [tilespmem:$0x1FBF0]  }
0x1ce: {  	v2 =	vnsel vm2, $0x0, v48;
	vm2 =	veq.s32 v1, v59;
	v48 =	vld [tilespmem:s0+$0x100]  }
0x1cf: {  	s0 =	rddreg [dreg:$0xc];
	v3 =	vnsel vm2, $0x0, v15;
	v15 =	vld [tilespmem:$0x1FC00]  }
0x1d0: {  	v30 =	vld [tilespmem:s0+$0x0]  }
0x1d1: {  	v5 =	vsel vm1, v31, v33;
	v31 =	vld [tilespmem:$0x1FD80]  }
0x1d2: {  	s21 =	rddreg [dreg:$0xd];
	v33 =	vld [tilespmem:$0x1FD90]  }
0x1d3: {  	v60 =	vcombine.low v5, v4;
	v4 =	vsel vm1, v36, v37;
	v36 =	vld [tilespmem:s21+$0x0]  }
0x1d4: {  	v5 =	vsel vm1, v38, v39;
	v38 =	vld [tilespmem:$0x1FDB0]  }
0x1d5: {  	v39 =	vld [tilespmem:$0x1FDC0]  }
0x1d6: {  	v0 =	vadd.f32 v7, v0;
	v4 =	vcombine.low v5, v4;
	v5 =	vsel vm1, v42, v62;
	v42 =	vld [tilespmem:$0x1FE70]  }
0x1d7: {  	v62 =	vcombine.low v5, v41;
	v41 =	vld [tilespmem:$0x1FE60]  }
0x1d8: {  	v0 =	vadd.f32 v0, v2;
	vm2 =	veq.s32 v1, v60;
	v5 =	vsel vm1, v46, v47;
	v47 =	vld [tilespmem:$0x1FF40]  }
0x1d9: {  	[tilespmem:$0x1F510] =	vst v4;
	v2 =	vnsel vm2, $0x0, v27;
	vm2 =	veq.s32 v1, v4;
	v4 =	vsel vm1, v44, v45;
	v44 =	vld [tilespmem:$0x1FE90]  }
0x1da: {  	v0 =	vadd.f32 v0, v3;
	v45 =	vld [tilespmem:$0x1FEA0]  }
0x1db: {  	v61 =	vcombine.low v5, v4;
	v4 =	vsel vm1, v56, v63;
	v56 =	vld [tilespmem:s5+$0x2400]  }
0x1dc: {  	v0 =	vadd.f32 v0, v2;
	v63 =	vld [tilespmem:$0x1FF70]  }
0x1dd: {  	v3 =	vnsel vm2, $0x0, v34;
	v5 =	vsel vm1, v15, v18;
	v15 =	vld [tilespmem:$0x1FF80]  }
0x1de: {  	vm2 =	veq.s32 v1, v62;
	v18 =	vld [tilespmem:s5+$0x2480];
	v0 =	vadd.f32 v0, v3  }
0x1df: {  	v19 =	vimm.s32 $0x9;
	s0 =	rddreg [dreg:$0xe];
	v34 =	vcombine.low v31, v33;
	v31 =	vld [tilespmem:$0x1F690];
	v2 =	vnsel vm2, $0x0, v40  }
0x1e0: {  	v6 =	vcombine.low v5, v4;
	v40 =	vld [tilespmem:s0+$0x0];
	vm2 =	veq.s32 v1, v61;
	v0 =	vadd.f32 v0, v2  }
0x1e1: {  	v4 =	vperm.xlane v35, v19;
	v5 =	vcombine.low v38, v39;
	s0 =	rddreg [dreg:$0x10];
	v38 =	vld [tilespmem:$0x1EF10];
	v3 =	vnsel vm2, $0x0, v43  }
0x1e2: {  	s21 =	rddreg [dreg:$0xf];
	v46 =	vld [tilespmem:s0+$0x0];
	v0 =	vadd.f32 v0, v3;
	v3 =	vand.u32 $0xF, v22  }
0x1e3: {  	vm2 =	veq.s32 v1, v6;
	v27 =	vshll.u32 v4, $0x4;
	v43 =	vld [tilespmem:s21+$0x0];
	v4 =	vcombine.low v3, v29  }
0x1e4: {  	v2 =	vnsel vm2, $0x0, v48;
	v1 =	vand.u32 $0x70, v27;
	v48 =	vld [tilespmem:$0x1FF50]  }
0x1e5: {  	v22 =	vld [tilespmem:$0x1FFC0];
	vm2 =	veq.s32 v1, v4  }
0x1e6: {  	v37 =	vnsel vm2, $0x0, v20;
	v20 =	vld [tilespmem:$0x1FFF0]  }
0x1e7: {  	[tilespmem:$0x1F540] =	vst v34;
	s21 =	rddreg [dreg:$0x11];
	v0 =	vadd.f32 v0, v2;
	vm2 =	veq.s32 v1, v34;
	v34 =	vld [tilespmem:$0x1F6A0]  }
0x1e8: {  	v3 =	vnsel vm2, $0x0, v30;
	v30 =	vld [tilespmem:s21+$0x0]  }
0x1e9: {  	v0 =	vadd.f32 v37, v0;
	v37 =	vld [tilespmem:$0x1EF00]  }
0x1ea: {  	s0 =	rddreg [dreg:$0x12];
	[tilespmem:$0x1F550] =	vst v5;
	vm2 =	veq.s32 v1, v5;
	v5 =	vcombine.low v41, v42;
	v41 =	vld [tilespmem:$0x1EF30]  }
0x1eb: {  	s21 =	rddreg [dreg:$0x13];
	v2 =	vnsel vm2, $0x0, v36;
	v36 =	vld [tilespmem:s0+$0x0]  }
0x1ec: {  	v39 =	vld [tilespmem:s21+$0x0]  }
0x1ed: {  	[tilespmem:$0x1F560] =	vst v5;
	vm2 =	veq.s32 v1, v5;
	v5 =	vcombine.low v44, v45;
	v44 =	vld [tilespmem:$0x1EF40]  }
0x1ee: {  	v45 =	vld [tilespmem:$0x1EF50]  }
0x1ef: {  	[tilespmem:$0x1F530] =	vst v4;
	v4 =	vnsel vm2, $0x0, v40;
	v40 =	vld [tilespmem:$0x1EF20]  }
0x1f0: {  	[tilespmem:$0x1F570] =	vst v5;
	vm2 =	veq.s32 v1, v5;
	v5 =	vcombine.low v47, v48;
	v47 =	vld [tilespmem:$0x1EF60]  }
0x1f1: {  	v48 =	vld [tilespmem:$0x1EF70]  }
0x1f2: {  	s0 =	rddreg [dreg:$0x14];
	v27 =	vcombine.low v22, v20;
	v20 =	vld [tilespmem:$0x1EFB0]  }
0x1f3: {  	v0 =	vadd.f32 v0, v3;
	v3 =	vnsel vm2, $0x0, v43;
	v43 =	vld [tilespmem:s0+$0x0]  }
0x1f4: {  	[tilespmem:$0x1F520] =	vst v6;
	v6 =	vcombine.low v37, v38;
	v37 =	vld [tilespmem:$0x1F880]  }
0x1f5: {  	v0 =	vadd.f32 v0, v2;
	[tilespmem:$0x1F580] =	vst v5;
	vm2 =	veq.s32 v1, v5;
	v5 =	vcombine.low v63, v15;
	v63 =	vld [tilespmem:$0x1EF80]  }
0x1f6: {  	v29 =	vimm.s32 $0xA;
	v15 =	vld [tilespmem:$0x1EF90]  }
0x1f7: {  	s21 =	rddreg [dreg:$0x15];
	v0 =	vadd.f32 v0, v4;
	v4 =	vperm.xlane v35, v29;
	v29 =	vld [tilespmem:$0x1EFC0]  }
0x1f8: {  	v2 =	vnsel vm2, $0x0, v46;
	v46 =	vld [tilespmem:s21+$0x0]  }
0x1f9: {  	v42 =	vcombine.low v40, v41;
	v41 =	vld [tilespmem:$0x1EFE0]  }
0x1fa: {  	[tilespmem:$0x1F590] =	vst v5;
	vm2 =	veq.s32 v1, v5;
	v5 =	vcombine.low v44, v45;
	v44 =	vld [tilespmem:$0x1F000]  }
0x1fb: {  	s0 =	rddreg [dreg:$0x16];
	v0 =	vadd.f32 v0, v3;
	v45 =	vld [tilespmem:$0x1F010]  }
0x1fc: {  	v19 =	vnsel vm2, $0x0, v56;
	v56 =	vld [tilespmem:s0+$0x0]  }
0x1fd: {  	[tilespmem:$0x1F5A0] =	vst v27;
	vm2 =	veq.s32 v1, v27;
	v27 =	vld [tilespmem:s5+$0x4480];
	v0 =	vadd.f32 v0, v2;
	v2 =	vand.u32 $0xF, v31  }
0x1fe: {  	v33 =	vshll.u32 v4, $0x4;
	s0 =	rddreg [dreg:$0x18];
	v3 =	vnsel vm2, $0x0, v18;
	v18 =	vld [tilespmem:s5+$0x4400];
	v4 =	vcombine.low v2, v34  }
0x1ff: {  	v1 =	vand.u32 $0x70, v33;
	v40 =	vld [tilespmem:s0+$0x0]  }
0x200: {  	v0 =	vadd.f32 v0, v19;
	v19 =	vld [tilespmem:$0x1EFA0];
	vm2 =	veq.s32 v1, v4  }
0x201: {  	s0 =	rddreg [dreg:$0x1a];
	[tilespmem:$0x1F5B0] =	vst v4;
	v4 =	vnsel vm2, $0x0, v30;
	v30 =	vld [tilespmem:$0x1EFD0]  }
0x202: {  	[tilespmem:$0x1F5C0] =	vst v6;
	v0 =	vadd.f32 v0, v3;
	vm2 =	veq.s32 v1, v6;
	v6 =	vcombine.low v47, v48;
	v47 =	vld [tilespmem:s0+$0x0]  }
0x203: {  	s21 =	rddreg [dreg:$0x17];
	v48 =	vld [tilespmem:$0x1F020]  }
0x204: {  	v2 =	vnsel vm2, $0x0, v36;
	v36 =	vld [tilespmem:s21+$0x0];
	v0 =	vadd.f32 v4, v0  }
0x205: {  	[tilespmem:$0x1F5D0] =	vst v42;
	vm2 =	veq.s32 v1, v42;
	v42 =	vld [tilespmem:$0x1EFF0]  }
0x206: {  	s7 =	rddreg [dreg:$0x1b];
	v3 =	vnsel vm2, $0x0, v39;
	v39 =	vld [tilespmem:$0x1F890];
	v0 =	vadd.f32 v0, v2  }
0x207: {  	[tilespmem:$0x1F5E0] =	vst v5;
	vm2 =	veq.s32 v1, v5;
	v5 =	vcombine.low v63, v15;
	v63 =	vld [tilespmem:s7+$0x0]  }
0x208: {  	s21 =	rddreg [dreg:$0x19];
	v15 =	vld [tilespmem:$0x1F040];
	v0 =	vadd.f32 v0, v3  }
0x209: {  	[tilespmem:$0x1F5F0] =	vst v6;
	v4 =	vnsel vm2, $0x0, v43;
	vm2 =	veq.s32 v1, v6;
	v6 =	vcombine.low v19, v20;
	v43 =	vld [tilespmem:s21+$0x0]  }
0x20a: {  	v19 =	vld [tilespmem:s29+$0x0];
	v2 =	vnsel vm2, $0x0, v46;
	vm2 =	veq.s32 v1, v5;
	v0 =	vadd.f32 v0, v4  }
0x20b: {  	v20 =	vld [tilespmem:$0x1F060];
	v22 =	vnsel vm2, $0x0, v56  }
0x20c: {  	vm2 =	veq.s32 v1, v6;
	v31 =	vcombine.low v29, v30;
	v56 =	vld [tilespmem:$0x1F030];
	v0 =	vadd.f32 v0, v2  }
0x20d: {  	v34 =	vimm.s32 $0xB;
	v29 =	vld [tilespmem:$0x1F080];
	v33 =	vnsel vm2, $0x0, v18  }
0x20e: {  	v30 =	vld [tilespmem:$0x1F090];
	vm2 =	veq.s32 v1, v31;
	v4 =	vperm.xlane v35, v34;
	v0 =	vadd.f32 v0, v22  }
0x20f: {  	v18 =	vld [tilespmem:$0x1F050];
	v3 =	vnsel vm2, $0x0, v27;
	v2 =	vand.u32 $0xF, v37  }
0x210: {  	v27 =	vld [tilespmem:s5+$0x6400];
	v38 =	vshll.u32 v4, $0x4;
	v4 =	vcombine.low v2, v39;
	v0 =	vadd.f32 v0, v33  }
0x211: {  	v34 =	vld [tilespmem:$0x1F0A0];
	v1 =	vand.u32 $0x70, v38  }
0x212: {  	[tilespmem:$0x1F610] =	vst v6;
	v6 =	vcombine.low v41, v42;
	v22 =	vld [tilespmem:$0x1F070];
	vm2 =	veq.s32 v1, v4;
	v0 =	vadd.f32 v0, v3  }
0x213: {  	v46 =	vcombine.low v44, v45;
	v56 =	vcombine.low v48, v56;
	v39 =	vld [tilespmem:s28+$0x0];
	[tilespmem:$0x1F630] =	vst v4;
	v4 =	vnsel vm2, $0x0, v36  }
0x214: {  	v48 =	vcombine.low v15, v18;
	v18 =	vld [tilespmem:$0x1F0C0];
	vm2 =	veq.s32 v1, v6;
	v0 =	vadd.f32 v4, v0  }
0x215: {  	v33 =	vld [tilespmem:s5+$0x6480];
	v2 =	vnsel vm2, $0x0, v40;
	vm2 =	veq.s32 v1, v46  }
0x216: {  	v36 =	vld [tilespmem:$0x1F0B0];
	v3 =	vnsel vm2, $0x0, v43;
	vm2 =	veq.s32 v1, v56;
	v0 =	vadd.f32 v0, v2  }
0x217: {  	v40 =	vld [tilespmem:$0x1FA60];
	v4 =	vnsel vm2, $0x0, v47;
	v47 =	vcombine.low v20, v22  }
0x218: {  	[tilespmem:$0x1F650] =	vst v46;
	v46 =	vcombine.low v29, v30;
	v29 =	vld [tilespmem:$0x1F0F0];
	vm2 =	veq.s32 v1, v48;
	v0 =	vadd.f32 v0, v3  }
0x219: {  	v2 =	vnsel vm2, $0x0, v63;
	vm2 =	veq.s32 v1, v47;
	v63 =	vld [tilespmem:$0x1FA70]  }
0x21a: {  	[tilespmem:$0x1F620] =	vst v31;
	v31 =	vnsel vm2, $0x0, v19;
	vm2 =	veq.s32 v1, v46;
	v19 =	vld [tilespmem:$0x1F0D0];
	v0 =	vadd.f32 v0, v4  }
0x21b: {  	v38 =	vimm.s32 $0xC;
	v45 =	vcombine.low v34, v36;
	v37 =	vnsel vm2, $0x0, v27;
	v27 =	vld [tilespmem:$0x1F0E0]  }
0x21c: {  	v15 =	vld [tilespmem:s26+$0x0];
	v4 =	vperm.xlane v35, v38;
	v0 =	vadd.f32 v0, v2  }
0x21d: {  	v30 =	vld [tilespmem:s22+$0x0];
	vm2 =	veq.s32 v1, v45;
	v2 =	vand.u32 $0xF, v40  }
0x21e: {  	v20 =	vld [tilespmem:s23+$0x0];
	v41 =	vshll.u32 v4, $0x4;
	v44 =	vcombine.low v2, v63;
	v0 =	vadd.f32 v0, v31  }
0x21f: {  	v3 =	vnsel vm2, $0x0, v33;
	v33 =	vld [tilespmem:$0x1F110];
	v43 =	vcombine.low v18, v19;
	v1 =	vand.u32 $0x70, v41  }
0x220: {  	v18 =	vld [tilespmem:$0x1F130];
	v42 =	vcombine.low v27, v29;
	vm2 =	veq.s32 v1, v44;
	v0 =	vadd.f32 v0, v37  }
0x221: {  	v31 =	vld [tilespmem:$0x1F100];
	v22 =	vnsel vm2, $0x0, v39;
	vm2 =	veq.s32 v1, v43  }
0x222: {  	v2 =	vnsel vm2, $0x0, v15;
	vm2 =	veq.s32 v1, v42;
	v15 =	vld [tilespmem:$0x1F120];
	v0 =	vadd.f32 v0, v3  }
0x223: {  	v3 =	vnsel vm2, $0x0, v20;
	v20 =	vld [tilespmem:$0x1F140]  }
0x224: {  	v0 =	vadd.f32 v22, v0;
	v22 =	vld [tilespmem:$0x1F150]  }
0x225: {  	v34 =	vld [tilespmem:s20+$0x0]  }
0x226: {  	v36 =	vld [tilespmem:$0x1F190];
	v63 =	vcombine.low v31, v33  }
0x227: {  	v19 =	vld [tilespmem:s19+$0x0]  }
0x228: {  	v29 =	vld [tilespmem:$0x1F160];
	vm2 =	veq.s32 v1, v63;
	v0 =	vadd.f32 v0, v2;
	v41 =	vcombine.low v15, v18  }
0x229: {  	v4 =	vnsel vm2, $0x0, v30;
	v30 =	vld [tilespmem:$0x1F170];
	v38 =	vcombine.low v20, v22  }
0x22a: {  	v27 =	vld [tilespmem:s5+$0x8400];
	v0 =	vadd.f32 v0, v3;
	vm2 =	veq.s32 v1, v41  }
0x22b: {  	v2 =	vnsel vm2, $0x0, v34;
	v34 =	vld [tilespmem:$0x1F180];
	vm2 =	veq.s32 v1, v38  }
0x22c: {  	v0 =	vadd.f32 v0, v4;
	v31 =	vnsel vm2, $0x0, v19;
	v19 =	vld [tilespmem:$0x1FC40]  }
0x22d: {  	v22 =	vld [tilespmem:$0x1FC50]  }
0x22e: {  	v37 =	vcombine.low v29, v30;
	v0 =	vadd.f32 v0, v2  }
0x22f: {  	v33 =	vld [tilespmem:s5+$0x8480];
	v15 =	vimm.s32 $0xD  }
0x230: {  	v18 =	vld [tilespmem:s25+$0x0];
	v4 =	vperm.xlane v35, v15;
	vm2 =	veq.s32 v1, v37;
	v0 =	vadd.f32 v0, v31  }
0x231: {  	v29 =	vld [tilespmem:$0x1F1A0];
	v40 =	vcombine.low v34, v36;
	v39 =	vnsel vm2, $0x0, v27;
	v2 =	vand.u32 $0xF, v19  }
0x232: {  	v30 =	vld [tilespmem:$0x1F1B0];
	v20 =	vshll.u32 v4, $0x4;
	v0 =	vadd.f32 v0, v39;
	v39 =	vcombine.low v2, v22  }
0x233: {  	v27 =	vld [tilespmem:s18+$0x0];
	vm2 =	veq.s32 v1, v40;
	v1 =	vand.u32 $0x70, v20  }
0x234: {  	v3 =	vnsel vm2, $0x0, v33;
	v19 =	vld [tilespmem:$0x1F1D0];
	vm2 =	veq.s32 v1, v39  }
0x235: {  	v15 =	vnsel vm2, $0x0, v18;
	v18 =	vld [tilespmem:$0x1F1C0]  }
0x236: {  	v31 =	vld [tilespmem:s17+$0x0]  }
0x237: {  	v20 =	vld [tilespmem:$0x1F1E0];
	v0 =	vadd.f32 v0, v3  }
0x238: {  	v22 =	vld [tilespmem:$0x1F1F0]  }
0x239: {  	v0 =	vadd.f32 v15, v0;
	v15 =	vld [tilespmem:$0x1F200]  }
0x23a: {  	v34 =	vcombine.low v18, v19;
	v18 =	vld [tilespmem:$0x1F210]  }
0x23b: {  	v4 =	vld [tilespmem:s16+$0x0];
	v36 =	vcombine.low v29, v30  }
0x23c: {  	v29 =	vld [tilespmem:$0x1F220]  }
0x23d: {  	v30 =	vld [tilespmem:$0x1F230];
	vm2 =	veq.s32 v1, v36  }
0x23e: {  	v2 =	vnsel vm2, $0x0, v27;
	v27 =	vld [tilespmem:s15+$0x0];
	v33 =	vcombine.low v20, v22;
	vm2 =	veq.s32 v1, v34  }
0x23f: {  	v0 =	vadd.f32 v0, v2;
	v3 =	vnsel vm2, $0x0, v31;
	v31 =	vcombine.low v15, v18;
	v15 =	vld [tilespmem:$0x1F240]  }
0x240: {  	v18 =	vld [tilespmem:$0x1F250]  }
0x241: {  	v19 =	vld [tilespmem:s14+$0x0];
	vm2 =	veq.s32 v1, v33;
	v0 =	vadd.f32 v0, v3  }
0x242: {  	v4 =	vnsel vm2, $0x0, v4  }
0x243: {  	v22 =	vcombine.low v29, v30;
	v0 =	vadd.f32 v0, v4;
	v4 =	vld [tilespmem:s5+$0xA400];
	vm2 =	veq.s32 v1, v31  }
0x244: {  	v2 =	vnsel vm2, $0x0, v27  }
0x245: {  	vm2 =	veq.s32 v1, v22;
	v0 =	vadd.f32 v0, v2;
	v27 =	vcombine.low v15, v18  }
0x246: {  	v20 =	vld [tilespmem:$0x1F260];
	v19 =	vnsel vm2, $0x0, v19  }
0x247: {  	v29 =	vld [tilespmem:$0x1F270];
	v0 =	vadd.f32 v0, v19;
	vm2 =	veq.s32 v1, v27  }
0x248: {  	v19 =	vld [tilespmem:$0x1FC60];
	v30 =	vnsel vm2, $0x0, v4  }
0x249: {  	v0 =	vadd.f32 v0, v30;
	v30 =	vld [tilespmem:$0x1FC70]  }
0x24a: {  	v3 =	vld [tilespmem:s5+$0xA480]  }
0x24b: {  	v15 =	vimm.s32 $0xE  }
0x24c: {  	v29 =	vcombine.low v20, v29;
	v18 =	vld [tilespmem:s13+$0x0];
	v4 =	vperm.xlane v35, v15  }
0x24d: {  	v2 =	vand.u32 $0xF, v19  }
0x24e: {  	vm2 =	veq.s32 v1, v29;
	v15 =	vld [tilespmem:s12+$0x0];
	v20 =	vshll.u32 v4, $0x4;
	v30 =	vcombine.low v2, v30  }
0x24f: {  	v3 =	vnsel vm2, $0x0, v3;
	v1 =	vand.u32 $0x70, v20  }
0x250: {  	v23 =	vcombine.low v23, v25;
	v0 =	vadd.f32 v0, v3;
	v3 =	vld [tilespmem:s11+$0x0];
	vm2 =	veq.s32 v1, v30  }
0x251: {  	v20 =	vnsel vm2, $0x0, v18  }
0x252: {  	v25 =	vld [tilespmem:s10+$0x0];
	v19 =	vcombine.low v32, v28;
	vm2 =	veq.s32 v1, v23;
	v0 =	vadd.f32 v20, v0  }
0x253: {  	v2 =	vnsel vm2, $0x0, v15  }
0x254: {  	v17 =	vcombine.low v26, v17;
	v28 =	vld [tilespmem:s9+$0x0];
	vm2 =	veq.s32 v1, v19;
	v0 =	vadd.f32 v0, v2  }
0x255: {  	v3 =	vnsel vm2, $0x0, v3  }
0x256: {  	v14 =	vcombine.low v24, v14;
	v32 =	vld [tilespmem:s8+$0x0];
	vm2 =	veq.s32 v1, v17;
	v0 =	vadd.f32 v0, v3  }
0x257: {  	v4 =	vnsel vm2, $0x0, v25  }
0x258: {  	v12 =	vcombine.low v13, v12;
	v13 =	vld [tilespmem:s5+$0xC400];
	vm2 =	veq.s32 v1, v14;
	v0 =	vadd.f32 v0, v4  }
0x259: {  	v26 =	vimm.s32 $0xF;
	v2 =	vnsel vm2, $0x0, v28  }
0x25a: {  	v11 =	vcombine.low v11, v10;
	v18 =	vld [tilespmem:s5+$0xC480];
	vm2 =	veq.s32 v1, v12;
	v0 =	vadd.f32 v0, v2  }
0x25b: {  	v24 =	vperm.xlane v35, v26;
	v7 =	vcombine.low v9, v8;
	v15 =	vnsel vm2, $0x0, v32  }
0x25c: {  	v20 =	vld [tilespmem:s2+$0x0];
	v28 =	vlaneseq.u32;
	vm2 =	veq.s32 v1, v11;
	v0 =	vadd.f32 v0, v15  }
0x25d: {  	v25 =	vld.msk [tilespmem:$0x90], $0xff;
	v8 =	vmul.u32 $0xFFFFFFFF, v28;
	v4 =	vnsel vm2, $0x0, v13  }
0x25e: {  	v9 =	vshll.u32 v24, $0x4;
	vm2 =	veq.s32 v1, v7;
	v13 =	vld [tilespmem:s6+$0x0];
	v0 =	vadd.f32 v0, v4  }
0x25f: {  	v9 =	vand.u32 $0x70, v9;
	v35 =	vadd.s32 $0xF, v8;
	v3 =	vnsel vm2, $0x0, v18  }
0x260: {  	vm2 =	veq.s32 v9, v35;
	v15 =	vld [tilespmem:s3+$0x0];
	v0 =	vadd.f32 v0, v3  }
0x261: {  	[tilespmem:$0x1F640] =	vst v6;
	v6 =	vadd.s32 $0x1F, v8;
	v2 =	vnsel vm2, $0x0, v20  }
0x262: {  	v18 =	vshll.u32 v25, $0xD;
	vm2 =	veq.s32 v9, v6;
	v20 =	vld [tilespmem:s4+$0x0];
	v0 =	vadd.f32 v2, v0  }
0x263: {  	[tilespmem:$0x1F600] =	vst v5;
	v5 =	vadd.s32 $0x2F, v8;
	v4 =	vnsel vm2, $0x0, v13;
	v2 =	vperm.xlane v18, v28  }
0x264: {  	v25 =	vld [tilespmem:s31+$0x0];
	vm2 =	veq.s32 v9, v5;
	v0 =	vadd.f32 v0, v4  }
0x265: {  	v1 =	vnsel vm2, $0x0, v15;
	v4 =	vadd.s32 $0x3F, v8  }
0x266: {  	v28 =	vld [tilespmem:s1+$0x0];
	vm2 =	veq.s32 v9, v4;
	v0 =	vadd.f32 v0, v1  }
0x267: {  	v3 =	vadd.s32 $0x4F, v8;
	v32 =	vnsel vm2, $0x0, v20  }
0x268: {  	s21 =	simm.s32 $0x100;
	s20 =	simm.s32 $0x0;
	v15 =	vld [tilespmem:s5+$0xE400];
	vm2 =	veq.s32 v9, v3;
	v0 =	vadd.f32 v0, v32  }
0x269: {  	v18 =	vld [tilespmem:s5+$0xE480];
	v20 =	vnsel vm2, $0x0, v25;
	[tilespmem:s21], [sflag:$0x1] =	stream.indirect_vreg.gather [hbm4b:s30+s20], $0x2000, v2, vm0, $0x38;
	v2 =	vadd.s32 $0x5F, v8  }
0x26a: {  	s22 =	simm.s32 $0x1;
	vm2 =	veq.s32 v9, v2;
	v0 =	vadd.f32 v0, v20  }
0x26b: {  	s7 =	sld [smem:$0x7BB];
	v1 =	vadd.s32 $0x6F, v8;
	_ =	swait.ge [sflag:s22], $0x10000;
	v25 =	vnsel vm2, $0x0, v28  }
0x26c: {  	vm2 =	veq.s32 v9, v1;
	s23 =	sld [smem:$0x7BD];
	v10 =	vadd.f32 v0, v25  }
0x26d: {  	[sflag:s22] =	ssyncset.done $0x0;
	v15 =	vnsel vm2, $0x0, v15;
	v0 =	vadd.s32 $0x7F, v8  }
0x26e: {  	v28 =	vimm.s32 $0x0;
	[sflag:s22] =	ssyncadd.s32 $0xFFFF0000;
	vm2 =	veq.s32 v9, v0;
	v25 =	vadd.f32 v10, v15  }
0x26f: {  	v32 =	vperm.xlane v16, v28;
	v20 =	vld [tilespmem:s23+$0x0];
	v18 =	vnsel vm2, $0x0, v18  }
0x270: {  	v8 =	vadd.f32 v25, v18;
	v25 =	vld [tilespmem:$0x1FC90]  }
0x271: {  	v28 =	vshll.u32 v32, $0x4;
	v32 =	vld [tilespmem:s23+$0x80];
	_ =	sdelay $0x1  }
0x272: {  	v24 =	vlaneseq.u32;
	v9 =	vand.u32 $0x70, v28  }
0x273: {  	vm2 =	veq.s32 v9, v24  }
0x274: {  	v13 =	vld [tilespmem:s23+$0x100];
	v20 =	vnsel vm2, $0x0, v20;
	vm2 =	veq.s32 v9, v25  }
0x275: {  	v10 =	vnsel vm2, $0x0, v32;
	v32 =	vld [tilespmem:$0x1FCA0]  }
0x276: {  	v8 =	vadd.f32 v20, v8;
	v20 =	vld [tilespmem:$0x1FCB0]  }
0x277: {  	v28 =	vld [tilespmem:s23+$0x180];
	_ =	sdelay $0x2  }
0x278: {  	vm2 =	veq.s32 v9, v32  }
0x279: {  	v18 =	vld [tilespmem:s23+$0x200];
	v13 =	vnsel vm2, $0x0, v13;
	vm2 =	veq.s32 v9, v20  }
0x27a: {  	v15 =	vnsel vm2, $0x0, v28;
	v28 =	vld [tilespmem:$0x1FCC0]  }
0x27b: {  	v20 =	vld [tilespmem:$0x1FCD0]  }
0x27c: {  	v25 =	vld [tilespmem:s23+$0x280];
	_ =	sdelay $0x2  }
0x27d: {  	v8 =	vadd.f32 v8, v10;
	vm2 =	veq.s32 v9, v28  }
0x27e: {  	v10 =	vnsel vm2, $0x0, v18;
	vm2 =	veq.s32 v9, v20  }
0x27f: {  	s25 =	rddreg [dreg:$0x6];
	v8 =	vadd.f32 v8, v13;
	v13 =	vnsel vm2, $0x0, v25;
	v25 =	vld [tilespmem:$0x1FCE0]  }
0x280: {  	v32 =	vld [tilespmem:s25+$0x100];
	_ =	sdelay $0x1  }
0x281: {  	v8 =	vadd.f32 v8, v15  }
0x282: {  	s26 =	rddreg [dreg:$0x7]  }
0x283: {  	s28 =	sld [smem:$0x7D3];
	v8 =	vadd.f32 v8, v10;
	v10 =	vld [tilespmem:s26+$0x100];
	vm2 =	veq.s32 v9, v25  }
0x284: {  	v28 =	vimm.s32 $0x1;
	v15 =	vnsel vm2, $0x0, v32;
	v32 =	vld [tilespmem:$0x1FCF0]  }
0x285: {  	v8 =	vadd.f32 v8, v13;
	v13 =	vperm.xlane v16, v28;
	v28 =	vld [tilespmem:$0x1F680]  }
0x286: {  	v18 =	vld [tilespmem:s28+$0x0];
	_ =	sdelay $0x1  }
0x287: {  	v20 =	vshll.u32 v13, $0x4  }
0x288: {  	s29 =	sld [smem:$0x7D4];
	vm2 =	veq.s32 v9, v32;
	v9 =	vand.u32 $0x70, v20  }
0x289: {  	v10 =	vnsel vm2, $0x0, v10;
	vm2 =	veq.s32 v9, v28  }
0x28a: {  	v32 =	vnsel vm2, $0x0, v18;
	v18 =	vld [tilespmem:$0x1FDA0]  }
0x28b: {  	v25 =	vld [tilespmem:s29+$0x0]  }
0x28c: {  	s30 =	sld [smem:$0x7D5]  }
0x28d: {  	v8 =	vadd.f32 v8, v15;
	_ =	sdelay $0x1  }
0x28e: {  	s31 =	sld [smem:$0x7D6];
	v8 =	vadd.f32 v8, v10;
	v10 =	vld [tilespmem:s30+$0x0];
	vm2 =	veq.s32 v9, v18  }
0x28f: {  	v13 =	vnsel vm2, $0x0, v25;
	v25 =	vld [tilespmem:$0x1FDD0]  }
0x290: {  	v8 =	vadd.f32 v32, v8;
	v32 =	vld [tilespmem:$0x1FE80]  }
0x291: {  	v20 =	vld [tilespmem:s31+$0x0];
	_ =	sdelay $0x2  }
0x292: {  	s1 =	sld [smem:$0x7D7];
	vm2 =	veq.s32 v9, v25  }
0x293: {  	v10 =	vnsel vm2, $0x0, v10;
	vm2 =	veq.s32 v9, v32  }
0x294: {  	v15 =	vnsel vm2, $0x0, v20;
	v20 =	vld [tilespmem:$0x1FEB0]  }
0x295: {  	v28 =	vld [tilespmem:s1+$0x0];
	_ =	sdelay $0x2  }
0x296: {  	s2 =	sld [smem:$0x7D8]  }
0x297: {  	vm2 =	veq.s32 v9, v20  }
0x298: {  	v8 =	vadd.f32 v8, v13;
	v13 =	vnsel vm2, $0x0, v28;
	v28 =	vld [tilespmem:$0x1FF60]  }
0x299: {  	v18 =	vld [tilespmem:s2+$0x0];
	_ =	sdelay $0x3  }
0x29a: {  	vm2 =	veq.s32 v9, v28  }
0x29b: {  	v8 =	vadd.f32 v8, v10;
	v10 =	vnsel vm2, $0x0, v18;
	v18 =	vld [tilespmem:$0x1FF90]  }
0x29c: {  	v25 =	vld [tilespmem:s24+$0x2400];
	_ =	sdelay $0x3  }
0x29d: {  	vm2 =	veq.s32 v9, v18  }
0x29e: {  	v8 =	vadd.f32 v8, v15;
	v15 =	vnsel vm2, $0x0, v25;
	v25 =	vld [tilespmem:$0x1F280]  }
0x29f: {  	v32 =	vld [tilespmem:s24+$0x2480];
	_ =	sdelay $0x2  }
0x2a0: {  	s3 =	sld [smem:$0x7D9]  }
0x2a1: {  	v8 =	vadd.f32 v8, v13;
	vm2 =	veq.s32 v9, v25  }
0x2a2: {  	s4 =	sld [smem:$0x7DA];
	v20 =	vimm.s32 $0x2;
	v13 =	vnsel vm2, $0x0, v32;
	v32 =	vld [tilespmem:$0x1F290]  }
0x2a3: {  	v8 =	vadd.f32 v8, v10;
	v10 =	vperm.xlane v16, v20;
	v18 =	vld [tilespmem:s3+$0x0]  }
0x2a4: {  	s10 =	sld [smem:$0x7DB]  }
0x2a5: {  	v28 =	vshll.u32 v10, $0x4;
	v10 =	vld [tilespmem:s4+$0x0];
	v8 =	vadd.f32 v8, v15  }
0x2a6: {  	v9 =	vand.u32 $0x70, v28;
	v25 =	vld [tilespmem:$0x1F2A0]  }
0x2a7: {  	s11 =	sld [smem:$0x7DC];
	v8 =	vadd.f32 v8, v13;
	v13 =	vld [tilespmem:s10+$0x0];
	vm2 =	veq.s32 v9, v32  }
0x2a8: {  	v32 =	vld [tilespmem:$0x1F2B0];
	v20 =	vnsel vm2, $0x0, v18  }
0x2a9: {  	v8 =	vadd.f32 v20, v8;
	v20 =	vld [tilespmem:$0x1F2C0]  }
0x2aa: {  	v28 =	vld [tilespmem:s11+$0x0]  }
0x2ab: {  	s12 =	sld [smem:$0x7DD]  }
0x2ac: {  	vm2 =	veq.s32 v9, v25  }
0x2ad: {  	v10 =	vnsel vm2, $0x0, v10;
	vm2 =	veq.s32 v9, v32  }
0x2ae: {  	s13 =	sld [smem:$0x7DE];
	v18 =	vld [tilespmem:s12+$0x0];
	v13 =	vnsel vm2, $0x0, v13;
	vm2 =	veq.s32 v9, v20  }
0x2af: {  	v15 =	vnsel vm2, $0x0, v28;
	v28 =	vld [tilespmem:$0x1F2D0]  }
0x2b0: {  	v20 =	vld [tilespmem:$0x1F2E0]  }
0x2b1: {  	v25 =	vld [tilespmem:s13+$0x0];
	_ =	sdelay $0x2  }
0x2b2: {  	v8 =	vadd.f32 v8, v10;
	vm2 =	veq.s32 v9, v28  }
0x2b3: {  	v10 =	vnsel vm2, $0x0, v18;
	vm2 =	veq.s32 v9, v20  }
0x2b4: {  	v8 =	vadd.f32 v8, v13;
	v13 =	vnsel vm2, $0x0, v25;
	v25 =	vld [tilespmem:$0x1F2F0]  }
0x2b5: {  	v32 =	vld [tilespmem:s24+$0x4400];
	_ =	sdelay $0x1  }
0x2b6: {  	v8 =	vadd.f32 v8, v15;
	_ =	sdelay $0x1  }
0x2b7: {  	s14 =	sld [smem:$0x7DF];
	v8 =	vadd.f32 v8, v10;
	v10 =	vld [tilespmem:s24+$0x4480];
	vm2 =	veq.s32 v9, v25  }
0x2b8: {  	v28 =	vimm.s32 $0x3;
	v15 =	vnsel vm2, $0x0, v32;
	v32 =	vld [tilespmem:$0x1F300]  }
0x2b9: {  	v8 =	vadd.f32 v8, v13;
	v13 =	vperm.xlane v16, v28;
	v28 =	vld [tilespmem:$0x1F310]  }
0x2ba: {  	v18 =	vld [tilespmem:s14+$0x0];
	_ =	sdelay $0x1  }
0x2bb: {  	v20 =	vshll.u32 v13, $0x4  }
0x2bc: {  	s15 =	sld [smem:$0x7E0];
	vm2 =	veq.s32 v9, v32;
	v9 =	vand.u32 $0x70, v20  }
0x2bd: {  	v10 =	vnsel vm2, $0x0, v10;
	vm2 =	veq.s32 v9, v28  }
0x2be: {  	v32 =	vnsel vm2, $0x0, v18;
	v18 =	vld [tilespmem:$0x1F320]  }
0x2bf: {  	v25 =	vld [tilespmem:s15+$0x0]  }
0x2c0: {  	s16 =	sld [smem:$0x7E1]  }
0x2c1: {  	v8 =	vadd.f32 v8, v15;
	_ =	sdelay $0x1  }
0x2c2: {  	s17 =	sld [smem:$0x7E2];
	v8 =	vadd.f32 v8, v10;
	v10 =	vld [tilespmem:s16+$0x0];
	vm2 =	veq.s32 v9, v18  }
0x2c3: {  	v13 =	vnsel vm2, $0x0, v25;
	v25 =	vld [tilespmem:$0x1F330]  }
0x2c4: {  	v8 =	vadd.f32 v32, v8;
	v32 =	vld [tilespmem:$0x1F340]  }
0x2c5: {  	v20 =	vld [tilespmem:s17+$0x0];
	_ =	sdelay $0x2  }
0x2c6: {  	s18 =	sld [smem:$0x7E3];
	vm2 =	veq.s32 v9, v25  }
0x2c7: {  	v10 =	vnsel vm2, $0x0, v10;
	vm2 =	veq.s32 v9, v32  }
0x2c8: {  	v15 =	vnsel vm2, $0x0, v20;
	v20 =	vld [tilespmem:$0x1F350]  }
0x2c9: {  	v28 =	vld [tilespmem:s18+$0x0];
	_ =	sdelay $0x2  }
0x2ca: {  	s19 =	sld [smem:$0x7E4]  }
0x2cb: {  	vm2 =	veq.s32 v9, v20  }
0x2cc: {  	v8 =	vadd.f32 v8, v13;
	v13 =	vnsel vm2, $0x0, v28;
	v28 =	vld [tilespmem:$0x1F360]  }
0x2cd: {  	v18 =	vld [tilespmem:s19+$0x0];
	_ =	sdelay $0x3  }
0x2ce: {  	vm2 =	veq.s32 v9, v28  }
0x2cf: {  	v8 =	vadd.f32 v8, v10;
	v10 =	vnsel vm2, $0x0, v18;
	v18 =	vld [tilespmem:$0x1F370]  }
0x2d0: {  	v25 =	vld [tilespmem:s24+$0x6400];
	_ =	sdelay $0x3  }
0x2d1: {  	vm2 =	veq.s32 v9, v18  }
0x2d2: {  	v8 =	vadd.f32 v8, v15;
	v15 =	vnsel vm2, $0x0, v25;
	v25 =	vld [tilespmem:$0x1F380]  }
0x2d3: {  	v32 =	vld [tilespmem:s24+$0x6480];
	_ =	sdelay $0x2  }
0x2d4: {  	s20 =	sld [smem:$0x7E5]  }
0x2d5: {  	v8 =	vadd.f32 v8, v13;
	vm2 =	veq.s32 v9, v25  }
0x2d6: {  	s22 =	sld [smem:$0x7E6];
	v20 =	vimm.s32 $0x4;
	v13 =	vnsel vm2, $0x0, v32;
	v32 =	vld [tilespmem:$0x1F390]  }
0x2d7: {  	v8 =	vadd.f32 v8, v10;
	v10 =	vperm.xlane v16, v20;
	v18 =	vld [tilespmem:s20+$0x0]  }
0x2d8: {  	s23 =	sld [smem:$0x7E7]  }
0x2d9: {  	v28 =	vshll.u32 v10, $0x4;
	v10 =	vld [tilespmem:s22+$0x0];
	v8 =	vadd.f32 v8, v15  }
0x2da: {  	v9 =	vand.u32 $0x70, v28;
	v25 =	vld [tilespmem:$0x1F3A0]  }
0x2db: {  	s25 =	sld [smem:$0x7E8];
	v8 =	vadd.f32 v8, v13;
	v13 =	vld [tilespmem:s23+$0x0];
	vm2 =	veq.s32 v9, v32  }
0x2dc: {  	v32 =	vld [tilespmem:$0x1F3B0];
	v20 =	vnsel vm2, $0x0, v18  }
0x2dd: {  	v8 =	vadd.f32 v20, v8;
	v20 =	vld [tilespmem:$0x1F3C0]  }
0x2de: {  	v28 =	vld [tilespmem:s25+$0x0]  }
0x2df: {  	s26 =	sld [smem:$0x7E9]  }
0x2e0: {  	vm2 =	veq.s32 v9, v25  }
0x2e1: {  	v10 =	vnsel vm2, $0x0, v10;
	vm2 =	veq.s32 v9, v32  }
0x2e2: {  	s28 =	sld [smem:$0x7EA];
	v18 =	vld [tilespmem:s26+$0x0];
	v13 =	vnsel vm2, $0x0, v13;
	vm2 =	veq.s32 v9, v20  }
0x2e3: {  	v15 =	vnsel vm2, $0x0, v28;
	v28 =	vld [tilespmem:$0x1F3D0]  }
0x2e4: {  	v20 =	vld [tilespmem:$0x1F3E0]  }
0x2e5: {  	v25 =	vld [tilespmem:s28+$0x0];
	_ =	sdelay $0x2  }
0x2e6: {  	v8 =	vadd.f32 v8, v10;
	vm2 =	veq.s32 v9, v28  }
0x2e7: {  	v10 =	vnsel vm2, $0x0, v18;
	vm2 =	veq.s32 v9, v20  }
0x2e8: {  	v8 =	vadd.f32 v8, v13;
	v13 =	vnsel vm2, $0x0, v25;
	v25 =	vld [tilespmem:$0x1F3F0]  }
0x2e9: {  	v32 =	vld [tilespmem:s24+$0x8400];
	_ =	sdelay $0x1  }
0x2ea: {  	v8 =	vadd.f32 v8, v15;
	_ =	sdelay $0x1  }
0x2eb: {  	s29 =	sld [smem:$0x7EB];
	v8 =	vadd.f32 v8, v10;
	v10 =	vld [tilespmem:s24+$0x8480];
	vm2 =	veq.s32 v9, v25  }
0x2ec: {  	v28 =	vimm.s32 $0x5;
	v15 =	vnsel vm2, $0x0, v32;
	v32 =	vld [tilespmem:$0x1F400]  }
0x2ed: {  	v8 =	vadd.f32 v8, v13;
	v13 =	vperm.xlane v16, v28;
	v28 =	vld [tilespmem:$0x1F410]  }
0x2ee: {  	v18 =	vld [tilespmem:s29+$0x0];
	_ =	sdelay $0x1  }
0x2ef: {  	v20 =	vshll.u32 v13, $0x4  }
0x2f0: {  	s30 =	sld [smem:$0x7EC];
	vm2 =	veq.s32 v9, v32;
	v9 =	vand.u32 $0x70, v20  }
0x2f1: {  	v10 =	vnsel vm2, $0x0, v10;
	vm2 =	veq.s32 v9, v28  }
0x2f2: {  	v32 =	vnsel vm2, $0x0, v18;
	v18 =	vld [tilespmem:$0x1F420]  }
0x2f3: {  	v25 =	vld [tilespmem:s30+$0x0]  }
0x2f4: {  	s31 =	sld [smem:$0x7ED]  }
0x2f5: {  	v8 =	vadd.f32 v8, v15;
	_ =	sdelay $0x1  }
0x2f6: {  	s21 =	sld [smem:$0x7EE];
	v8 =	vadd.f32 v8, v10;
	v10 =	vld [tilespmem:s31+$0x0];
	vm2 =	veq.s32 v9, v18  }
0x2f7: {  	v13 =	vnsel vm2, $0x0, v25;
	v25 =	vld [tilespmem:$0x1F430]  }
0x2f8: {  	v8 =	vadd.f32 v32, v8;
	v32 =	vld [tilespmem:$0x1F440]  }
0x2f9: {  	v20 =	vld [tilespmem:s21+$0x0];
	_ =	sdelay $0x2  }
0x2fa: {  	s6 =	sld [smem:$0x7EF];
	vm2 =	veq.s32 v9, v25  }
0x2fb: {  	v10 =	vnsel vm2, $0x0, v10;
	vm2 =	veq.s32 v9, v32  }
0x2fc: {  	v15 =	vnsel vm2, $0x0, v20;
	v20 =	vld [tilespmem:$0x1F450]  }
0x2fd: {  	v28 =	vld [tilespmem:s6+$0x0];
	_ =	sdelay $0x2  }
0x2fe: {  	s8 =	sld [smem:$0x7F0]  }
0x2ff: {  	vm2 =	veq.s32 v9, v20  }
0x300: {  	v8 =	vadd.f32 v8, v13;
	v13 =	vnsel vm2, $0x0, v28;
	v28 =	vld [tilespmem:$0x1F460]  }
0x301: {  	v18 =	vld [tilespmem:s8+$0x0];
	_ =	sdelay $0x3  }
0x302: {  	vm2 =	veq.s32 v9, v28  }
0x303: {  	v8 =	vadd.f32 v8, v10;
	v10 =	vnsel vm2, $0x0, v18;
	v18 =	vld [tilespmem:$0x1F470]  }
0x304: {  	v25 =	vld [tilespmem:s24+$0xA400];
	_ =	sdelay $0x3  }
0x305: {  	vm2 =	veq.s32 v9, v18  }
0x306: {  	v8 =	vadd.f32 v8, v15;
	v15 =	vnsel vm2, $0x0, v25;
	v25 =	vld [tilespmem:$0x1F480]  }
0x307: {  	v32 =	vld [tilespmem:s24+$0xA480];
	_ =	sdelay $0x2  }
0x308: {  	s9 =	sld [smem:$0x7F1]  }
0x309: {  	v8 =	vadd.f32 v8, v13;
	vm2 =	veq.s32 v9, v25  }
0x30a: {  	s1 =	sld [smem:$0x7F2];
	v20 =	vimm.s32 $0x6;
	v13 =	vnsel vm2, $0x0, v32;
	v32 =	vld [tilespmem:$0x1F490]  }
0x30b: {  	v8 =	vadd.f32 v8, v10;
	v10 =	vperm.xlane v16, v20;
	v18 =	vld [tilespmem:s9+$0x0]  }
0x30c: {  	s2 =	sld [smem:$0x7F3]  }
0x30d: {  	v28 =	vshll.u32 v10, $0x4;
	v10 =	vld [tilespmem:s1+$0x0];
	v8 =	vadd.f32 v8, v15  }
0x30e: {  	v9 =	vand.u32 $0x70, v28;
	v25 =	vld [tilespmem:$0x1F4A0]  }
0x30f: {  	s3 =	sld [smem:$0x7F4];
	v8 =	vadd.f32 v8, v13;
	v13 =	vld [tilespmem:s2+$0x0];
	vm2 =	veq.s32 v9, v32  }
0x310: {  	v32 =	vld [tilespmem:$0x1F4B0];
	v20 =	vnsel vm2, $0x0, v18  }
0x311: {  	v8 =	vadd.f32 v20, v8;
	v20 =	vld [tilespmem:$0x1F4C0]  }
0x312: {  	v28 =	vld [tilespmem:s3+$0x0]  }
0x313: {  	s4 =	sld [smem:$0x7F5]  }
0x314: {  	vm2 =	veq.s32 v9, v25  }
0x315: {  	v10 =	vnsel vm2, $0x0, v10;
	vm2 =	veq.s32 v9, v32  }
0x316: {  	s6 =	sld [smem:$0x7F6];
	v18 =	vld [tilespmem:s4+$0x0];
	v13 =	vnsel vm2, $0x0, v13;
	vm2 =	veq.s32 v9, v20  }
0x317: {  	v15 =	vnsel vm2, $0x0, v28;
	v28 =	vld [tilespmem:$0x1F4D0]  }
0x318: {  	v20 =	vld [tilespmem:$0x1F4E0]  }
0x319: {  	v25 =	vld [tilespmem:s6+$0x0];
	_ =	sdelay $0x2  }
0x31a: {  	v8 =	vadd.f32 v8, v10;
	vm2 =	veq.s32 v9, v28  }
0x31b: {  	v10 =	vnsel vm2, $0x0, v18;
	vm2 =	veq.s32 v9, v20  }
0x31c: {  	v8 =	vadd.f32 v8, v13;
	v13 =	vnsel vm2, $0x0, v25;
	v25 =	vld [tilespmem:$0x1F4F0]  }
0x31d: {  	v32 =	vld [tilespmem:s24+$0xC400];
	_ =	sdelay $0x2  }
0x31e: {  	v8 =	vadd.f32 v8, v15  }
0x31f: {  	v20 =	vld.msk [tilespmem:$0x98], $0xff;
	vm2 =	veq.s32 v9, v25  }
0x320: {  	s8 =	sld [smem:$0x7F7];
	v8 =	vadd.f32 v8, v10;
	v15 =	vnsel vm2, $0x0, v32;
	v32 =	vld [tilespmem:$0x1F500]  }
0x321: {  	v28 =	vimm.s32 $0x7;
	v10 =	vld [tilespmem:s24+$0xC480]  }
0x322: {  	s0 =	sld [smem:$0x7F8];
	v8 =	vadd.f32 v8, v13;
	v13 =	vperm.xlane v16, v28  }
0x323: {  	v18 =	vld [tilespmem:s8+$0x0]  }
0x324: {  	s1 =	sld [smem:$0x7F9];
	v25 =	vshll.u32 v13, $0x4  }
0x325: {  	v28 =	vld [tilespmem:s0+$0x0];
	v8 =	vadd.f32 v8, v15;
	vm2 =	veq.s32 v9, v32;
	v9 =	vand.u32 $0x70, v25  }
0x326: {  	s2 =	sld [smem:$0x7FA];
	v10 =	vnsel vm2, $0x0, v10;
	vm2 =	veq.s32 v9, v21;
	v21 =	vshll.u32 v20, $0xD  }
0x327: {  	v8 =	vadd.f32 v8, v10;
	v10 =	vld [tilespmem:s1+$0x0];
	v24 =	vperm.xlane v21, v24  }
0x328: {  	s3 =	sld [smem:$0x7FB];
	v32 =	vnsel vm2, $0x0, v18  }
0x329: {  	v25 =	vld [tilespmem:s2+$0x0];
	vm2 =	veq.s32 v9, v51;
	v8 =	vadd.f32 v32, v8  }
0x32a: {  	s4 =	sld [smem:$0x7FC];
	v51 =	vld [tilespmem:s24+$0xE480];
	v13 =	vnsel vm2, $0x0, v28  }
0x32b: {  	vm2 =	veq.s32 v9, v49;
	v28 =	vld [tilespmem:s3+$0x0];
	v8 =	vadd.f32 v8, v13  }
0x32c: {  	s9 =	rddreg [dreg:$0x0];
	s6 =	simm.s32 $0x100;
	s8 =	simm.s32 $0x0;
	v49 =	vld [tilespmem:s24+$0xE400];
	v10 =	vnsel vm2, $0x0, v10  }
0x32d: {  	v32 =	vld [tilespmem:s4+$0x0];
	vm2 =	veq.s32 v9, v53;
	v8 =	vadd.f32 v8, v10;
	[tilespmem:s6], [sflag:$0x1] =	stream.indirect_vreg.gather [hbm4b:s9+s8], $0x2000, v24, vm0, $0x38  }
0x32e: {  	v18 =	vnsel vm2, $0x0, v25;
	s9 =	simm.s32 $0x1  }
0x32f: {  	vm2 =	veq.s32 v9, v50;
	_ =	swait.ge [sflag:s9], $0x10000;
	v8 =	vadd.f32 v8, v18  }
0x330: {  	v13 =	vnsel vm2, $0x0, v28;
	[sflag:s9] =	ssyncset.done $0x0;
	s9 =	sld [smem:$0x7FD]  }
0x331: {  	s8 =	simm.s32 $0x1;
	vm2 =	veq.s32 v9, v52;
	v8 =	vadd.f32 v8, v13  }
0x332: {  	v53 =	vnsel vm2, $0x0, v32;
	v18 =	vimm.s32 $0x8;
	[sflag:s8] =	ssyncadd.s32 $0xFFFF0000  }
0x333: {  	vm2 =	veq.s32 v9, v54;
	v13 =	vperm.xlane v16, v18;
	v20 =	vld [tilespmem:s9+$0x10];
	v8 =	vadd.f32 v8, v53  }
0x334: {  	v10 =	vnsel vm2, $0x0, v49  }
0x335: {  	vm2 =	veq.s32 v9, v55;
	v25 =	vld [tilespmem:s9+$0x90];
	v24 =	vshll.u32 v13, $0x4;
	v8 =	vadd.f32 v8, v10  }
0x336: {  	v28 =	vnsel vm2, $0x0, v51;
	v9 =	vand.u32 $0x70, v24  }
0x337: {  	v32 =	vld [tilespmem:s9+$0x110];
	vm2 =	veq.s32 v9, v58;
	v8 =	vadd.f32 v8, v28  }
0x338: {  	v15 =	vnsel vm2, $0x0, v20  }
0x339: {  	v49 =	vld [tilespmem:s9+$0x190];
	vm2 =	veq.s32 v9, v57;
	v8 =	vadd.f32 v15, v8  }
0x33a: {  	v52 =	vld [tilespmem:$0x1F510];
	v10 =	vnsel vm2, $0x0, v25  }
0x33b: {  	v50 =	vld [tilespmem:s9+$0x210];
	vm2 =	veq.s32 v9, v59;
	v8 =	vadd.f32 v8, v10  }
0x33c: {  	v13 =	vnsel vm2, $0x0, v32  }
0x33d: {  	v51 =	vld [tilespmem:s9+$0x290];
	vm2 =	veq.s32 v9, v60;
	v8 =	vadd.f32 v8, v13  }
0x33e: {  	v15 =	vnsel vm2, $0x0, v49  }
0x33f: {  	v53 =	vld [tilespmem:s9+$0x310];
	vm2 =	veq.s32 v9, v52;
	v8 =	vadd.f32 v8, v15  }
0x340: {  	s8 =	sld [smem:$0x7D3];
	v58 =	vld [tilespmem:$0x1F520];
	v10 =	vnsel vm2, $0x0, v50  }
0x341: {  	v54 =	vld [tilespmem:s9+$0x390];
	vm2 =	veq.s32 v9, v62;
	v8 =	vadd.f32 v8, v10  }
0x342: {  	v55 =	vimm.s32 $0x9;
	s9 =	sld [smem:$0x7D4];
	v13 =	vnsel vm2, $0x0, v51;
	vm2 =	veq.s32 v9, v61;
	v61 =	vld [tilespmem:$0x1F530]  }
0x343: {  	v57 =	vld [tilespmem:s8+$0x0];
	v8 =	vadd.f32 v8, v13;
	v13 =	vperm.xlane v16, v55  }
0x344: {  	v21 =	vld [tilespmem:$0x1F540];
	s8 =	sld [smem:$0x7D5];
	v15 =	vnsel vm2, $0x0, v53  }
0x345: {  	v60 =	vld [tilespmem:s9+$0x0];
	vm2 =	veq.s32 v9, v58;
	v8 =	vadd.f32 v8, v15;
	v59 =	vshll.u32 v13, $0x4  }
0x346: {  	v25 =	vld [tilespmem:$0x1F550];
	s9 =	sld [smem:$0x7D6];
	v10 =	vnsel vm2, $0x0, v54;
	v9 =	vand.u32 $0x70, v59  }
0x347: {  	v62 =	vld [tilespmem:s8+$0x0];
	v8 =	vadd.f32 v8, v10;
	vm2 =	veq.s32 v9, v61  }
0x348: {  	v32 =	vld [tilespmem:$0x1F560];
	s8 =	sld [smem:$0x7D7];
	v20 =	vnsel vm2, $0x0, v57  }
0x349: {  	v24 =	vld [tilespmem:s9+$0x0];
	vm2 =	veq.s32 v9, v21;
	v8 =	vadd.f32 v20, v8  }
0x34a: {  	v50 =	vld [tilespmem:$0x1F570];
	s9 =	sld [smem:$0x7D8];
	v13 =	vnsel vm2, $0x0, v60  }
0x34b: {  	v28 =	vld [tilespmem:s8+$0x0];
	vm2 =	veq.s32 v9, v25;
	v8 =	vadd.f32 v8, v13  }
0x34c: {  	v52 =	vld [tilespmem:$0x1F580];
	v10 =	vnsel vm2, $0x0, v62  }
0x34d: {  	v49 =	vld [tilespmem:s9+$0x0];
	vm2 =	veq.s32 v9, v32;
	v8 =	vadd.f32 v8, v10  }
0x34e: {  	v54 =	vld [tilespmem:$0x1F590];
	v15 =	vnsel vm2, $0x0, v24  }
0x34f: {  	v51 =	vld [tilespmem:s24+$0x2400];
	vm2 =	veq.s32 v9, v50;
	v8 =	vadd.f32 v8, v15  }
0x350: {  	s8 =	sld [smem:$0x7D9];
	v58 =	vld [tilespmem:$0x1F5A0];
	v13 =	vnsel vm2, $0x0, v28  }
0x351: {  	v53 =	vld [tilespmem:s24+$0x2480];
	vm2 =	veq.s32 v9, v52;
	v8 =	vadd.f32 v8, v13  }
0x352: {  	s9 =	sld [smem:$0x7DA];
	v55 =	vimm.s32 $0xA;
	v61 =	vld [tilespmem:$0x1F5B0];
	v10 =	vnsel vm2, $0x0, v49  }
0x353: {  	v57 =	vld [tilespmem:s8+$0x0];
	vm2 =	veq.s32 v9, v54;
	v8 =	vadd.f32 v8, v10;
	v10 =	vperm.xlane v16, v55  }
0x354: {  	v21 =	vld [tilespmem:$0x1F5C0];
	v15 =	vnsel vm2, $0x0, v51  }
0x355: {  	v60 =	vld [tilespmem:s9+$0x0];
	vm2 =	veq.s32 v9, v58;
	v8 =	vadd.f32 v8, v15;
	v59 =	vshll.u32 v10, $0x4  }
0x356: {  	v25 =	vld [tilespmem:$0x1F5D0];
	v13 =	vnsel vm2, $0x0, v53;
	v9 =	vand.u32 $0x70, v59  }
0x357: {  	v62 =	vld [tilespmem:s10+$0x0];
	v8 =	vadd.f32 v8, v13;
	vm2 =	veq.s32 v9, v61  }
0x358: {  	v32 =	vld [tilespmem:$0x1F5E0];
	v20 =	vnsel vm2, $0x0, v57  }
0x359: {  	v24 =	vld [tilespmem:s11+$0x0];
	vm2 =	veq.s32 v9, v21;
	v8 =	vadd.f32 v20, v8  }
0x35a: {  	v50 =	vld [tilespmem:$0x1F5F0];
	v10 =	vnsel vm2, $0x0, v60  }
0x35b: {  	v28 =	vld [tilespmem:s12+$0x0];
	vm2 =	veq.s32 v9, v25;
	v8 =	vadd.f32 v8, v10  }
0x35c: {  	v52 =	vld [tilespmem:$0x1F600];
	v13 =	vnsel vm2, $0x0, v62  }
0x35d: {  	v49 =	vld [tilespmem:s13+$0x0];
	vm2 =	veq.s32 v9, v32;
	v8 =	vadd.f32 v8, v13  }
0x35e: {  	v54 =	vld [tilespmem:$0x1F610];
	v15 =	vnsel vm2, $0x0, v24  }
0x35f: {  	v51 =	vld [tilespmem:s24+$0x4400];
	vm2 =	veq.s32 v9, v50;
	v8 =	vadd.f32 v8, v15  }
0x360: {  	v58 =	vld [tilespmem:$0x1F620];
	v10 =	vnsel vm2, $0x0, v28  }
0x361: {  	v53 =	vld [tilespmem:s24+$0x4480];
	vm2 =	veq.s32 v9, v52;
	v8 =	vadd.f32 v8, v10  }
0x362: {  	v55 =	vimm.s32 $0xB;
	v61 =	vld [tilespmem:$0x1F630];
	v13 =	vnsel vm2, $0x0, v49  }
0x363: {  	v57 =	vld [tilespmem:s14+$0x0];
	vm2 =	veq.s32 v9, v54;
	v8 =	vadd.f32 v8, v13;
	v13 =	vperm.xlane v16, v55  }
0x364: {  	v21 =	vld [tilespmem:$0x1F640];
	v15 =	vnsel vm2, $0x0, v51  }
0x365: {  	v60 =	vld [tilespmem:s15+$0x0];
	vm2 =	veq.s32 v9, v58;
	v8 =	vadd.f32 v8, v15;
	v59 =	vshll.u32 v13, $0x4  }
0x366: {  	v25 =	vld [tilespmem:$0x1F650];
	v10 =	vnsel vm2, $0x0, v53;
	v9 =	vand.u32 $0x70, v59  }
0x367: {  	v62 =	vld [tilespmem:s16+$0x0];
	v8 =	vadd.f32 v8, v10;
	vm2 =	veq.s32 v9, v61  }
0x368: {  	v20 =	vnsel vm2, $0x0, v57  }
0x369: {  	v24 =	vld [tilespmem:s17+$0x0];
	vm2 =	veq.s32 v9, v21;
	v8 =	vadd.f32 v20, v8  }
0x36a: {  	v13 =	vnsel vm2, $0x0, v60  }
0x36b: {  	v28 =	vld [tilespmem:s18+$0x0];
	vm2 =	veq.s32 v9, v25;
	v8 =	vadd.f32 v8, v13  }
0x36c: {  	v10 =	vnsel vm2, $0x0, v62  }
0x36d: {  	v32 =	vld [tilespmem:s19+$0x0];
	vm2 =	veq.s32 v9, v56;
	v8 =	vadd.f32 v8, v10  }
0x36e: {  	v15 =	vnsel vm2, $0x0, v24  }
0x36f: {  	v49 =	vld [tilespmem:s24+$0x6400];
	vm2 =	veq.s32 v9, v48;
	v8 =	vadd.f32 v8, v15  }
0x370: {  	v13 =	vnsel vm2, $0x0, v28  }
0x371: {  	v50 =	vld [tilespmem:s24+$0x6480];
	vm2 =	veq.s32 v9, v47;
	v8 =	vadd.f32 v8, v13  }
0x372: {  	v51 =	vimm.s32 $0xC;
	v10 =	vnsel vm2, $0x0, v32  }
0x373: {  	v52 =	vld [tilespmem:s20+$0x0];
	vm2 =	veq.s32 v9, v46;
	v8 =	vadd.f32 v8, v10;
	v10 =	vperm.xlane v16, v51  }
0x374: {  	v15 =	vnsel vm2, $0x0, v49  }
0x375: {  	v54 =	vld [tilespmem:s22+$0x0];
	vm2 =	veq.s32 v9, v45;
	v8 =	vadd.f32 v8, v15;
	v53 =	vshll.u32 v10, $0x4  }
0x376: {  	v13 =	vnsel vm2, $0x0, v50;
	v9 =	vand.u32 $0x70, v53  }
0x377: {  	v55 =	vld [tilespmem:s23+$0x0];
	v8 =	vadd.f32 v8, v13;
	vm2 =	veq.s32 v9, v44  }
0x378: {  	v56 =	vnsel vm2, $0x0, v52  }
0x379: {  	v57 =	vld [tilespmem:s25+$0x0];
	vm2 =	veq.s32 v9, v43;
	v8 =	vadd.f32 v56, v8  }
0x37a: {  	v10 =	vnsel vm2, $0x0, v54  }
0x37b: {  	v58 =	vld [tilespmem:s26+$0x0];
	vm2 =	veq.s32 v9, v42;
	v8 =	vadd.f32 v8, v10  }
0x37c: {  	v13 =	vnsel vm2, $0x0, v55  }
0x37d: {  	v59 =	vld [tilespmem:s28+$0x0];
	vm2 =	veq.s32 v9, v63;
	v8 =	vadd.f32 v8, v13  }
0x37e: {  	v15 =	vnsel vm2, $0x0, v57  }
0x37f: {  	v60 =	vld [tilespmem:s24+$0x8400];
	vm2 =	veq.s32 v9, v41;
	v8 =	vadd.f32 v8, v15  }
0x380: {  	v10 =	vnsel vm2, $0x0, v58  }
0x381: {  	v61 =	vld [tilespmem:s24+$0x8480];
	vm2 =	veq.s32 v9, v38;
	v8 =	vadd.f32 v8, v10  }
0x382: {  	v62 =	vimm.s32 $0xD;
	v13 =	vnsel vm2, $0x0, v59  }
0x383: {  	v63 =	vld [tilespmem:s29+$0x0];
	vm2 =	veq.s32 v9, v37;
	v8 =	vadd.f32 v8, v13;
	v13 =	vperm.xlane v16, v62  }
0x384: {  	v15 =	vnsel vm2, $0x0, v60  }
0x385: {  	v21 =	vld [tilespmem:s30+$0x0];
	vm2 =	veq.s32 v9, v40;
	v8 =	vadd.f32 v8, v15;
	v20 =	vshll.u32 v13, $0x4  }
0x386: {  	v10 =	vnsel vm2, $0x0, v61;
	v9 =	vand.u32 $0x70, v20  }
0x387: {  	v24 =	vld [tilespmem:s31+$0x0];
	v8 =	vadd.f32 v8, v10;
	vm2 =	veq.s32 v9, v39  }
0x388: {  	s16 =	sld [smem:$0x7EF];
	v25 =	vnsel vm2, $0x0, v63  }
0x389: {  	v28 =	vld [tilespmem:s21+$0x0];
	vm2 =	veq.s32 v9, v36;
	v8 =	vadd.f32 v25, v8  }
0x38a: {  	s17 =	sld [smem:$0x7F0];
	v13 =	vnsel vm2, $0x0, v21  }
0x38b: {  	v32 =	vld [tilespmem:s16+$0x0];
	vm2 =	veq.s32 v9, v34;
	v8 =	vadd.f32 v8, v13  }
0x38c: {  	v10 =	vnsel vm2, $0x0, v24  }
0x38d: {  	vm2 =	veq.s32 v9, v33;
	v33 =	vld [tilespmem:s17+$0x0];
	v8 =	vadd.f32 v8, v10  }
0x38e: {  	v15 =	vnsel vm2, $0x0, v28  }
0x38f: {  	v34 =	vld [tilespmem:s24+$0xA400];
	vm2 =	veq.s32 v9, v31;
	v8 =	vadd.f32 v8, v15  }
0x390: {  	s18 =	sld [smem:$0x7F1];
	v13 =	vnsel vm2, $0x0, v32  }
0x391: {  	v36 =	vld [tilespmem:s24+$0xA480];
	vm2 =	veq.s32 v9, v22;
	v8 =	vadd.f32 v8, v13  }
0x392: {  	s19 =	sld [smem:$0x7F2];
	v37 =	vimm.s32 $0xE;
	v10 =	vnsel vm2, $0x0, v33  }
0x393: {  	v38 =	vld [tilespmem:s18+$0x0];
	vm2 =	veq.s32 v9, v27;
	v8 =	vadd.f32 v8, v10;
	v10 =	vperm.xlane v16, v37  }
0x394: {  	s20 =	sld [smem:$0x7F3];
	v15 =	vnsel vm2, $0x0, v34  }
0x395: {  	v40 =	vld [tilespmem:s19+$0x0];
	vm2 =	veq.s32 v9, v29;
	v8 =	vadd.f32 v8, v15;
	v39 =	vshll.u32 v10, $0x4  }
0x396: {  	s21 =	sld [smem:$0x7F4];
	v13 =	vnsel vm2, $0x0, v36;
	v9 =	vand.u32 $0x70, v39  }
0x397: {  	v41 =	vld [tilespmem:s20+$0x0];
	v8 =	vadd.f32 v8, v13;
	vm2 =	veq.s32 v9, v30  }
0x398: {  	s22 =	sld [smem:$0x7F5];
	v42 =	vnsel vm2, $0x0, v38  }
0x399: {  	v43 =	vld [tilespmem:s21+$0x0];
	vm2 =	veq.s32 v9, v23;
	v8 =	vadd.f32 v42, v8  }
0x39a: {  	s23 =	sld [smem:$0x7F6];
	v10 =	vnsel vm2, $0x0, v40  }
0x39b: {  	v44 =	vld [tilespmem:s22+$0x0];
	vm2 =	veq.s32 v9, v19;
	v8 =	vadd.f32 v8, v10  }
0x39c: {  	v13 =	vnsel vm2, $0x0, v41  }
0x39d: {  	v45 =	vld [tilespmem:s23+$0x0];
	vm2 =	veq.s32 v9, v17;
	v8 =	vadd.f32 v8, v13  }
0x39e: {  	v15 =	vnsel vm2, $0x0, v43  }
0x39f: {  	v46 =	vld [tilespmem:s24+$0xC400];
	vm2 =	veq.s32 v9, v14;
	v8 =	vadd.f32 v8, v15  }
0x3a0: {  	s25 =	sld [smem:$0x7F7];
	v10 =	vnsel vm2, $0x0, v44  }
0x3a1: {  	v47 =	vld [tilespmem:s24+$0xC480];
	vm2 =	veq.s32 v9, v12;
	v8 =	vadd.f32 v8, v10  }
0x3a2: {  	v12 =	vnsel vm2, $0x0, v45  }
0x3a3: {  	v48 =	vperm.xlane v16, v26;
	v49 =	vld [tilespmem:s25+$0x0];
	vm2 =	veq.s32 v9, v11;
	v8 =	vadd.f32 v8, v12  }
0x3a4: {  	v50 =	vnsel vm2, $0x0, v46  }
0x3a5: {  	v53 =	vld [tilespmem:s0+$0x0];
	v52 =	vshll.u32 v48, $0x4;
	vm2 =	veq.s32 v9, v7;
	v51 =	vadd.f32 v8, v50  }
0x3a6: {  	v10 =	vnsel vm2, $0x0, v47;
	v8 =	vand.u32 $0x70, v52  }
0x3a7: {  	v54 =	vld [tilespmem:s1+$0x0];
	vm2 =	veq.s32 v8, v35;
	v7 =	vadd.f32 v51, v10  }
0x3a8: {  	v55 =	vnsel vm2, $0x0, v49  }
0x3a9: {  	v56 =	vld [tilespmem:s2+$0x0];
	vm2 =	veq.s32 v8, v6;
	v7 =	vadd.f32 v55, v7  }
0x3aa: {  	v9 =	vnsel vm2, $0x0, v53  }
0x3ab: {  	v57 =	vld [tilespmem:s3+$0x0];
	vm2 =	veq.s32 v8, v5;
	v7 =	vadd.f32 v7, v9  }
0x3ac: {  	v58 =	vnsel vm2, $0x0, v54  }
0x3ad: {  	v59 =	vld [tilespmem:s4+$0x0];
	vm2 =	veq.s32 v8, v4;
	v7 =	vadd.f32 v7, v58  }
0x3ae: {  	v6 =	vnsel vm2, $0x0, v56  }
0x3af: {  	v60 =	vld [tilespmem:s24+$0xE400];
	vm2 =	veq.s32 v8, v3;
	v6 =	vadd.f32 v7, v6  }
0x3b0: {  	v5 =	vnsel vm2, $0x0, v57  }
0x3b1: {  	v61 =	vld [tilespmem:s24+$0xE480];
	vm2 =	veq.s32 v8, v2;
	v5 =	vadd.f32 v6, v5  }
0x3b2: {  	v4 =	vnsel vm2, $0x0, v59  }
0x3b3: {  	vm2 =	veq.s32 v8, v1;
	v4 =	vadd.f32 v5, v4  }
0x3b4: {  	v1 =	vnsel vm2, $0x0, v60  }
0x3b5: {  	vm2 =	veq.s32 v8, v0;
	v62 =	vadd.f32 v4, v1  }
0x3b6: {  	v63 =	vnsel vm2, $0x0, v61  }
0x3b7: {  	s26 =	rddreg [dreg:$0x8];
	v0 =	vadd.f32 v62, v63  }
0x3b8: {  	p0 =	sne.s32 s7, $0x1;
	s28 =	rddreg [dreg:$0x9]  }
.Ltmp0:
0x3b9: {  	s30 =	simm.s32 $0x2;
	s29 =	simm.s32 $0x0;
	[tilespmem:$0x10100] =	vst v0;
	(pc) =	sbr.rel @p0 .LBB2_1-.Ltmp0, $4  }
0x3ba: {  	[hbm4b:s26+s29] =	stream.linear.scatter [tilespmem:s28], [sflag:$0x2], $0x80, $0x38;
	[tilespmem:$0x10180] =	vst v63  }
0x3bb: {  	_ =	swait.ge [sflag:s30], $0x80  }
0x3bc: {  	s31 =	simm.s32 $0x2;
	[sflag:s30] =	ssyncset.done $0x0  }
0x3bd: {  	s7 =	sadd.s32 $0xFFFFFFFF, s7;
	[sflag:s31] =	ssyncadd.s32 $0xFFFFFF80  }
0x3be: {  	_ =	sfence.sel $0x180000  }
0x3bf: {  	[bflag:$0x0] =	sbarrier.arrive $0xFFFF  }
0x3c0: {  	_ =	strace $0x90000047  }
0x3c1: {  	s0 =	stileid.u32;
	[bflag:$0x2] =	sbarrier.arrive $0xFFFF  }
0x3c2: {  	p0 =	sne.s32 s0, $0x0;
	s0 =	rddreg [dreg:$0x3]  }
0x3c3: {  	s0 =	sadd.s32 @!p0 $0x100000, s0  }
0x3c4: {  	[sflag:s0] =	ssyncadd.tile.s32 @!p0 $0x1;
	_ =	shalt  }
.Lfunc_end2:
_tile_overlayer_lowered:
.L_overlay_start_2:
0x3c5: {  	(tag) =	ssettag $0x2  }
0x3c6: {  	s0 =	rddreg [dreg:$0x0];
	s2 =	stileid.u32  }
0x3c7: {  	s1 =	rddreg [dreg:$0x1];
	p0 =	sne.s32 s2, $0x0  }
0x3c8: {  	s3 =	rddreg [dreg:$0x2];
	[bflag:$0x3] =	sbarrier.arrive $0xFFFF;
	s2 =	simm.s32 @!p0 $0x1C02  }
0x3c9: {  	[timem:s3], [sflag:s2] =	dma.local @!p0 [hbm:s0], s1  }
0x3ca: {  	s0 =	simm.s32 @!p0 $0x2  }
0x3cb: {  	_ =	swait.ge @!p0 [sflag:s0], s1  }
0x3cc: {  	s1 =	ssub.s32 @!p0 $0x0, s1;
	[sflag:s0] =	ssyncset.done @!p0 $0x0  }
0x3cd: {  	[sflag:s0] =	ssyncadd.s32 @!p0 s1  }
0x3ce: {  	[bflag:$0x3] =	sbarrier.arrive $0xFFFF  }
0x3cf: {  	_ =	shalt  }

</sc_bundles>
